<compile_context>
chip_gen: v7x
topology: tpu7x:2x2x1
jax: 0.10.2.dev20260603
libtpu: 0.0.44.dev20260713+nightly
codegen_flags: <defaults>
</compile_context>

<pallas_src>
import functools

import jax
import jax.numpy as jnp
import numpy as np
from jax import lax
from jax.experimental import pallas as pl
from jax.experimental.pallas import tpu as pltpu
from jax.experimental.pallas import tpu_sc as plsc

_P1 = np.array([0, 12, 13, 14, 15, 16, 17, 18, 19])
_P2 = np.array([1, 2, 3, 4, 5, 6, 7, 8, 9, 10, 11, 20, 21, 22, 23, 24])
_B = 16
_T = 100
_V = 25
_H = 128
_NC = 60
_EPS = 1e-5
_SENT = 1 << 20


def _dinv_kernel(cols_ref, o_ref, *, nn_real):
    i = pl.program_id(0)
    cols = cols_ref[...]
    nid = i * 128 + lax.broadcasted_iota(jnp.int32, (1, 128), 1)
    cnt = jnp.sum((cols == nid).astype(jnp.float32), axis=0, keepdims=True)
    deg = cnt + 1.0
    dinv = lax.rsqrt(deg)
    o_ref[...] = jnp.where(nid < nn_real, dinv, 0.0).reshape(1, 1, 128)


def _compute_dinv(cols, nn_real, pad):
    epad = ((cols.shape[0] + 127) // 128) * 128
    cp = jnp.pad(cols, (0, epad - cols.shape[0]), constant_values=_SENT)
    cp = cp.reshape(epad, 1)
    nb = pad // 128
    out = pl.pallas_call(
        functools.partial(_dinv_kernel, nn_real=nn_real),
        grid=(nb,),
        in_specs=[pl.BlockSpec((epad, 1), lambda i: (0, 0))],
        out_specs=pl.BlockSpec((1, 1, 128), lambda i: (i, 0, 0)),
        out_shape=jax.ShapeDtypeStruct((nb, 1, 128), jnp.float32),
    )(cp)
    return out.reshape(pad)


def _build_adj(edge_index, dinv, *, e, nn_real, pad, nsub, rps):
    mesh = plsc.VectorSubcoreMesh(core_axis_name="c", subcore_axis_name="s")
    nfull = e // 16
    rem = e - nfull * 16

    @functools.partial(
        pl.kernel,
        mesh=mesh,
        compiler_params=pltpu.CompilerParams(needs_layout_passes=False),
        out_type=jax.ShapeDtypeStruct((pad * pad,), jnp.float32),
        scratch_types=[
            pltpu.VMEM((e,), jnp.int32),
            pltpu.VMEM((e,), jnp.int32),
            pltpu.VMEM((pad,), jnp.float32),
        ] + [pltpu.VMEM((e,), jnp.int32),
             pltpu.VMEM((rps * pad,), jnp.float32)],
    )
    def k(erow_hbm, ecol_hbm, dinv_hbm, a_hbm, erow, ecol, dv, lst, ablk):
        wid = lax.axis_index("s") * 2 + lax.axis_index("c")
        tile_lo = wid * (nsub * rps)
        tile_hi = tile_lo + nsub * rps
        pltpu.sync_copy(erow_hbm, erow)
        pltpu.sync_copy(ecol_hbm, ecol)
        pltpu.sync_copy(dinv_hbm, dv)
        iot = lax.iota(jnp.int32, 16)

        def compact_chunk(base, off, lanemask):
            cvec = ecol[pl.ds(base, 16)]
            m = lanemask & (cvec >= tile_lo) & (cvec < tile_hi)
            pos = jnp.cumsum(m.astype(jnp.int32))
            plsc.store_scatter(lst, [off + pos - 1], base + iot, mask=m)
            return off + pos[15]

        def body(c, off):
            return compact_chunk(c * 16, off, iot < 16)

        off = lax.fori_loop(0, nfull, body, jnp.int32(0))
        if rem:
            off = compact_chunk(e - 16, off, iot >= 16 - rem)
        ne = off

        for s in range(nsub):
            lo = tile_lo + s * rps

            def zbody(z, _):
                ablk[pl.ds(z * 16, 16)] = jnp.zeros((16,), jnp.float32)
                return 0
            lax.fori_loop(0, rps * pad // 16, zbody, 0)

            def ebody(t, _):
                mlane = t * 16 + iot < ne
                ev = jnp.where(mlane, lst[pl.ds(t * 16, 16)], 0)
                cvec = plsc.load_gather(ecol, [ev])
                m = mlane & (cvec >= lo) & (cvec < lo + rps)
                rvec = plsc.load_gather(erow, [ev], mask=m)
                dr = plsc.load_gather(dv, [jnp.where(m, rvec, 0)])
                dc = plsc.load_gather(dv, [cvec])
                val = dr * dc
                flat = jnp.where(m, (cvec - lo) * pad + rvec, 0)
                for j in range(16):
                    plsc.addupdate_scatter(
                        ablk, [flat], val, mask=m & (iot == j))
                return 0
            lax.fori_loop(0, (ne + 15) // 16, ebody, 0)

            for nb in range((rps + 15) // 16):
                nl = nb * 16 + iot
                nvec = lo + nl
                mn = (nl < rps) & (nvec < nn_real)
                nvc = jnp.where(mn, nvec, 0)
                dn = plsc.load_gather(dv, [nvc])
                flat = jnp.where(mn, nl * pad + nvc, 0)
                plsc.addupdate_scatter(ablk, [flat], dn * dn, mask=mn)

            pltpu.sync_copy(ablk, a_hbm.at[pl.ds(lo * pad, rps * pad)])

    return k(edge_index[0], edge_index[1], dinv).reshape(pad, pad)


def _enc_kernel(x_ref, w_ref, b_ref, o_ref):
    o_ref[...] = (
        jnp.dot(x_ref[...], w_ref[...], preferred_element_type=jnp.float32)
        + b_ref[...])


def _encode(xp, we, be):
    rows = xp.shape[0]
    blk = 8192
    return pl.pallas_call(
        _enc_kernel,
        grid=(rows // blk,),
        in_specs=[
            pl.BlockSpec((blk, 8), lambda i: (i, 0)),
            pl.BlockSpec((8, 128), lambda i: (0, 0)),
            pl.BlockSpec((1, 128), lambda i: (0, 0)),
        ],
        out_specs=pl.BlockSpec((blk, 128), lambda i: (i, 0)),
        out_shape=jax.ShapeDtypeStruct((rows, 128), jnp.float32),
    )(xp, we, be)


def _k1_kernel(x_ref, st_ref, g_ref, bt_ref, w_ref, o_ref, *, cnt):
    mean = st_ref[0:1, :] / cnt
    var = st_ref[1:2, :] / cnt - mean * mean
    s = g_ref[...] * lax.rsqrt(var + _EPS)
    t = bt_ref[...] - mean * s
    xn = x_ref[...] * s + t
    o_ref[...] = jnp.dot(xn, w_ref[...], preferred_element_type=jnp.float32,
                         precision=lax.Precision.HIGHEST)


def _bn_matmul(x, st, g, bt, w, cnt):
    rows = x.shape[0]
    blk = next(b for b in (8192, 4096, 2048) if rows % b == 0)
    vec = pl.BlockSpec((1, 128), lambda i: (0, 0))
    return pl.pallas_call(
        functools.partial(_k1_kernel, cnt=cnt),
        grid=(rows // blk,),
        in_specs=[
            pl.BlockSpec((blk, 128), lambda i: (i, 0)),
            pl.BlockSpec((2, 128), lambda i: (0, 0)),
            vec, vec,
            pl.BlockSpec((128, 128), lambda i: (0, 0)),
        ],
        out_specs=pl.BlockSpec((blk, 128), lambda i: (i, 0)),
        out_shape=jax.ShapeDtypeStruct((rows, 128), jnp.float32),
    )(x, st, g, bt, w)


def _k2_kernel(a_ref, z_ref, b_ref, m_ref, st_ref, *, nn_real, rblk):
    i = pl.program_id(0)
    acc = jnp.dot(a_ref[...], z_ref[...], preferred_element_type=jnp.float32,
                  precision=lax.Precision.HIGHEST)
    acc = acc.reshape(rblk, _B, 128) + b_ref[...].reshape(1, 1, 128)
    acc = jnp.maximum(acc, 0.0)
    rid = i * rblk + lax.broadcasted_iota(jnp.int32, (rblk, 1, 1), 0)
    acc = jnp.where(rid < nn_real, acc, 0.0)
    m_ref[...] = acc.reshape(rblk, _B * 128)
    ps = jnp.sum(acc, axis=(0, 1))
    pq = jnp.sum(acc * acc, axis=(0, 1))
    st = jnp.stack([ps, pq])

    @pl.when(i == 0)
    def _():
        st_ref[...] = st

    @pl.when(i > 0)
    def _():
        st_ref[...] += st


def _prop(a, z, b, nn_real):
    pad = a.shape[0]
    rblk = 512 if pad % 512 == 0 else (256 if pad % 256 == 0 else 128)
    return pl.pallas_call(
        functools.partial(_k2_kernel, nn_real=nn_real, rblk=rblk),
        compiler_params=pltpu.CompilerParams(
            vmem_limit_bytes=100 * 1024 * 1024),
        grid=(pad // rblk,),
        in_specs=[
            pl.BlockSpec((rblk, pad), lambda i: (i, 0)),
            pl.BlockSpec((pad, _B * 128), lambda i: (0, 0)),
            pl.BlockSpec((1, 128), lambda i: (0, 0)),
        ],
        out_specs=[
            pl.BlockSpec((rblk, _B * 128), lambda i: (i, 0)),
            pl.BlockSpec((2, 128), lambda i: (0, 0)),
        ],
        out_shape=[
            jax.ShapeDtypeStruct((pad, _B * 128), jnp.float32),
            jax.ShapeDtypeStruct((2, 128), jnp.float32),
        ],
    )(a, z, b)


def _k3_kernel(m_ref, st_ref, g_ref, bt_ref, wf_ref, bf_ref, o_ref, acc_ref,
               *, nn_real, nsteps, rblk):
    i = pl.program_id(0)
    psum = jnp.sum(m_ref[...].reshape(rblk, _B, 128), axis=0)

    @pl.when(i == 0)
    def _():
        acc_ref[...] = psum

    @pl.when(i > 0)
    def _():
        acc_ref[...] += psum

    @pl.when(i == nsteps - 1)
    def _():
        cnt = float(_B * nn_real)
        mean = st_ref[0:1, :] / cnt
        var = st_ref[1:2, :] / cnt - mean * mean
        s = g_ref[...] * lax.rsqrt(var + _EPS)
        t = bt_ref[...] - mean * s
        pooled = acc_ref[...] / float(nn_real)
        pn = pooled * s + t
        o_ref[...] = (
            jnp.dot(pn, wf_ref[...], preferred_element_type=jnp.float32)
            + bf_ref[...])


def _pool_head(mm, st, g, bt, wf, bf, nn_real):
    pad = mm.shape[0]
    rblk = 512 if pad % 512 == 0 else (256 if pad % 256 == 0 else 128)
    nsteps = pad // rblk
    vec = pl.BlockSpec((1, 128), lambda i: (0, 0))
    return pl.pallas_call(
        functools.partial(_k3_kernel, nn_real=nn_real, nsteps=nsteps,
                          rblk=rblk),
        grid=(nsteps,),
        in_specs=[
            pl.BlockSpec((rblk, _B * 128), lambda i: (i, 0)),
            pl.BlockSpec((2, 128), lambda i: (0, 0)),
            vec, vec,
            pl.BlockSpec((128, 64), lambda i: (0, 0)),
            pl.BlockSpec((1, 64), lambda i: (0, 0)),
        ],
        out_specs=pl.BlockSpec((_B, 64), lambda i: (0, 0)),
        out_shape=jax.ShapeDtypeStruct((_B, 64), jnp.float32),
        scratch_shapes=[pltpu.VMEM((_B, 128), jnp.float32)],
    )(mm, st, g, bt, wf, bf)


def _loss_kernel(os_ref, o1_ref, o2_ref, y_ref, lab_ref,
                 yp_ref, y1_ref, y2_ref, ls_ref, l1_ref, l2_ref):
    col = lax.broadcasted_iota(jnp.int32, (_B, 64), 1)
    valid = col < _NC

    def logsm(o):
        o = jnp.where(valid, o, -1e30)
        mx = jnp.max(o, axis=1, keepdims=True)
        se = jnp.sum(jnp.where(valid, jnp.exp(o - mx), 0.0), axis=1,
                     keepdims=True)
        return o - mx - jnp.log(se)

    def am(ol):
        mx = jnp.max(jnp.where(valid, ol, -jnp.inf), axis=1, keepdims=True)
        ismax = (ol == mx) & valid
        return jnp.min(jnp.where(ismax, col, 9999), axis=1, keepdims=True)

    def take(ol, tgt):
        return jnp.sum(jnp.where(col == tgt, ol, 0.0), axis=1, keepdims=True)

    osl = logsm(os_ref[...])
    o1l = logsm(o1_ref[...])
    o2l = logsm(o2_ref[...])
    yp_ref[...] = am(osl)
    y1 = am(o1l)
    y2 = am(o2l)
    y1_ref[...] = y1
    y2_ref[...] = y2
    lab = lab_ref[...]
    per = take(osl, y_ref[...])
    ls_ref[...] = (-jnp.sum(jnp.where(lab > 0, per, 0.0), keepdims=True)
                   / jnp.sum(lab, keepdims=True)).reshape(1, 1)
    l1_ref[...] = -jnp.mean(take(o1l, y2), keepdims=True).reshape(1, 1)
    l2_ref[...] = -jnp.mean(take(o2l, y1), keepdims=True).reshape(1, 1)


def _losses(o_sup, o1, o2, y, labeled):
    y2d = y.reshape(_B, 1).astype(jnp.int32)
    lab2d = labeled.reshape(_B, 1).astype(jnp.float32)
    full = pl.BlockSpec((_B, 64), lambda: (0, 0))
    one = pl.BlockSpec((_B, 1), lambda: (0, 0))
    sc = pl.BlockSpec((1, 1), lambda: (0, 0))
    return pl.pallas_call(
        _loss_kernel,
        in_specs=[full, full, full, one, one],
        out_specs=[one, one, one, sc, sc, sc],
        out_shape=[
            jax.ShapeDtypeStruct((_B, 1), jnp.int32),
            jax.ShapeDtypeStruct((_B, 1), jnp.int32),
            jax.ShapeDtypeStruct((_B, 1), jnp.int32),
            jax.ShapeDtypeStruct((1, 1), jnp.float32),
            jax.ShapeDtypeStruct((1, 1), jnp.float32),
            jax.ShapeDtypeStruct((1, 1), jnp.float32),
        ],
    )(o_sup, o1, o2, y2d, lab2d)


def _branch(xb, a, p, nn_real):
    pad = xb.shape[0]
    rows = pad * _B
    x = xb.reshape(rows, 128)
    h = _H
    cnt = float(_B * nn_real)
    zero = jnp.zeros((1, h), jnp.float32)
    one = jnp.ones((1, h), jnp.float32)
    st = jnp.concatenate([zero, (1.0 - _EPS) * cnt * one], axis=0)
    g, bt = one, zero
    for i in range(3):
        w = p['W%d' % i].reshape(h, h)
        b = p['b%d' % i].reshape(1, h)
        z = _bn_matmul(x, st, g, bt, w, cnt)
        mm, st = _prop(a, z.reshape(pad, _B * h), b, nn_real)
        x = mm.reshape(rows, h)
        g = p['g%d' % i].reshape(1, h)
        bt = p['beta%d' % i].reshape(1, h)
    wf = jnp.pad(p['Wf'], ((0, 0), (0, 64 - _NC)))
    bf = jnp.pad(p['bf'], (0, 64 - _NC)).reshape(1, 64)
    return _pool_head(x.reshape(pad, _B * h), st, g, bt, wf, bf, nn_real)


def kernel(x, edge_index, edge_index_p1, edge_index_p2, y, node_invalid,
           labeled, params):
    del node_invalid
    xt = x.reshape(_B, _T * _V, 3).transpose(1, 0, 2)
    xt = jnp.pad(xt, ((0, 2560 - _T * _V), (0, 0), (0, 5)))
    we = jnp.pad(params['enc_W'], ((0, 5), (0, 0)))
    be = params['enc_b'].reshape(1, _H)
    hf = _encode(xt.reshape(2560 * _B, 8), we, be).reshape(2560, _B, _H)

    idx1 = (np.arange(_T)[:, None] * _V + _P1[None, :]).reshape(-1)
    idx2 = (np.arange(_T)[:, None] * _V + _P2[None, :]).reshape(-1)
    x1 = jnp.take(hf, jnp.asarray(np.pad(idx1, (0, 1024 - 900))), axis=0)
    x2 = jnp.take(hf, jnp.asarray(np.pad(idx2, (0, 1664 - 1600))), axis=0)

    cfg = [
        (edge_index, 2500, 2560, 7500, 4, 20, hf, 'sup'),
        (edge_index_p1, 900, 1024, 2700, 1, 32, x1, 'low'),
        (edge_index_p2, 1600, 1664, 4800, 1, 52, x2, 'up'),
    ]
    adj = {}
    for ei, nn_real, pad, e, nsub, rps, xb, name in cfg:
        dinv = _compute_dinv(ei[1], nn_real, pad)
        adj[name] = _build_adj(ei, dinv, e=e, nn_real=nn_real, pad=pad,
                               nsub=nsub, rps=rps)
    logits = {}
    for ei, nn_real, pad, e, nsub, rps, xb, name in cfg:
        logits[name] = _branch(xb, adj[name], params[name], nn_real)

    yp, y1, y2, ls, l1, l2 = _losses(
        logits['sup'], logits['low'], logits['up'], y, labeled)
    return (yp.reshape(_B), y1.reshape(_B), y2.reshape(_B),
            ls.reshape(()), l1.reshape(()), l2.reshape(()))

# --- scband reference (transcript-rebuilt; emitter-appended) ---
"""Pipeline reference for scband-gcnsemi-supervised-22204980920537 (READ-ONLY COPY).

The authoritative reference and input builder live on the scoring server;
editing this copy changes nothing except your own understanding.
"""

import jax, jax.numpy as jnp
import numpy as np

P1 = np.array([0, 12, 13, 14, 15, 16, 17, 18, 19])
P2 = np.array([1, 2, 3, 4, 5, 6, 7, 8, 9, 10, 11, 20, 21, 22, 23, 24])
DIM_NODE = 3
H = 128
NC = 60
N, T, V = 16, 100, 25
E_FULL, E_P1, E_P2 = 7500, 2700, 4800


def _glorot(key, shape):
    lim = float(np.sqrt(6.0 / (shape[0] + shape[1])))
    return jax.random.uniform(key, shape, jnp.float32, -lim, lim)


def _gcn_params(key):
    ks = jax.random.split(key, 4)
    p = {}
    for i in range(3):
        p['W%d' % i] = _glorot(ks[i], (H, H))
        p['b%d' % i] = jnp.zeros((H,), jnp.float32)
        p['g%d' % i] = jnp.ones((H,), jnp.float32)
        p['beta%d' % i] = jnp.zeros((H,), jnp.float32)
    p['Wf'] = _glorot(ks[3], (H, NC))
    p['bf'] = jnp.zeros((NC,), jnp.float32)
    return p


def setup_inputs(seed: int = 0):
    key = jax.random.key(seed)
    ks = jax.random.split(key, 10)
    x = jax.random.normal(ks[0], (N, T, V, DIM_NODE), jnp.float32)
    edge_index = jax.random.randint(ks[1], (2, E_FULL), 0, T * V)
    edge_index_p1 = jax.random.randint(ks[2], (2, E_P1), 0, T * len(P1))
    edge_index_p2 = jax.random.randint(ks[3], (2, E_P2), 0, T * len(P2))
    y = jax.random.randint(ks[4], (N,), 0, NC)
    node_invalid = jnp.zeros((N, T, V), dtype=bool)
    labeled = jnp.ones((N,), dtype=bool)
    params = {
        'enc_W': _glorot(ks[5], (DIM_NODE, H)),
        'enc_b': jnp.zeros((H,), jnp.float32),
        'sup': _gcn_params(ks[6]),
        'low': _gcn_params(ks[7]),
        'up': _gcn_params(ks[8]),
    }
    return {'x': x, 'edge_index': edge_index, 'edge_index_p1': edge_index_p1,
            'edge_index_p2': edge_index_p2, 'y': y, 'node_invalid': node_invalid,
            'labeled': labeled, 'params': params}


def _gcn_conv(x, edge_index, edge_weight, W, b):
    n = x.shape[0]
    h = x @ W
    row, col = edge_index[0], edge_index[1]
    loop = jnp.arange(n)
    row = jnp.concatenate([row, loop])
    col = jnp.concatenate([col, loop])
    ew = jnp.concatenate([edge_weight, jnp.ones((n,), jnp.float32)])
    deg = jnp.zeros((n,), jnp.float32).at[col].add(ew)
    dinv = jnp.where(deg > 0, 1.0 / jnp.sqrt(deg), 0.0)
    norm = dinv[row] * ew * dinv[col]
    out = jnp.zeros_like(h).at[col].add(h[row] * norm[:, None])
    return out + b


def _bn(x, g, b):
    m = jnp.mean(x, axis=0)
    v = jnp.var(x, axis=0)
    return (x - m) / jnp.sqrt(v + 1e-5) * g + b


def _gcn3l(x, edge_index, batch, edge_weight, p, n_graphs):
    h = x
    for i in range(3):
        h = _gcn_conv(h, edge_index, edge_weight, p['W%d' % i], p['b%d' % i])
        h = jax.nn.relu(h)
        h = _bn(h, p['g%d' % i], p['beta%d' % i])
    s = jax.ops.segment_sum(h, batch, num_segments=n_graphs)
    cnt = jax.ops.segment_sum(jnp.ones((h.shape[0],), jnp.float32), batch, num_segments=n_graphs)
    pooled = s / cnt[:, None]
    return pooled @ p['Wf'] + p['bf']


def _batch_graphs(xs, edge_index, valids):
    B, Nn, Hd = xs.shape
    E = edge_index.shape[1]
    xflat = xs.reshape(B * Nn, Hd)
    offs = jnp.arange(B) * Nn
    ei = (edge_index[:, None, :] + offs[None, :, None]).reshape(2, B * E)
    ew = (valids[:, edge_index[0]] & valids[:, edge_index[1]]).astype(jnp.float32).reshape(B * E)
    batch = jnp.repeat(jnp.arange(B), Nn)
    return xflat, ei, ew, batch


def reference(x, edge_index, edge_index_p1, edge_index_p2, y, node_invalid, labeled, params):
    n = x.shape[0]
    h = x @ params['enc_W'] + params['enc_b']
    x1 = h[:, :, P1]
    x2 = h[:, :, P2]
    niv = node_invalid.reshape(n, -1)
    niv1 = node_invalid[:, :, P1].reshape(n, -1)
    niv2 = node_invalid[:, :, P2].reshape(n, -1)
    B = labeled.shape[0]
    xl = h.reshape(B, T * V, H)
    vl = (~niv) & labeled[:, None]
    xf, ei, ew, batch = _batch_graphs(xl, edge_index, vl)
    o_sup = _gcn3l(xf, ei, batch, ew, params['sup'], B)
    olog_sup = jax.nn.log_softmax(o_sup, axis=1)
    idx = jnp.arange(B)
    per_graph = olog_sup[idx, y]
    sup_loss = -jnp.sum(jnp.where(labeled, per_graph, 0.0)) / jnp.sum(labeled)
    y_pred = jnp.argmax(olog_sup, axis=1)
    xf1, ei1, ew1, b1 = _batch_graphs(x1.reshape(n, T * len(P1), H), edge_index_p1, ~niv1)
    o1_unsup = _gcn3l(xf1, ei1, b1, ew1, params['low'], n)
    xf2, ei2, ew2, b2 = _batch_graphs(x2.reshape(n, T * len(P2), H), edge_index_p2, ~niv2)
    o2_unsup = _gcn3l(xf2, ei2, b2, ew2, params['up'], n)
    o1log = jax.nn.log_softmax(o1_unsup, axis=1)
    o2log = jax.nn.log_softmax(o2_unsup, axis=1)
    y1 = jnp.argmax(o1log, axis=1)
    y2 = jnp.argmax(o2log, axis=1)
    idx = jnp.arange(y1.shape[0])
    u1_loss = -jnp.mean(o1log[idx, jax.lax.stop_gradient(y2)])
    u2_loss = -jnp.mean(o2log[idx, jax.lax.stop_gradient(y1)])
    return (y_pred, y1, y2, sup_loss, u1_loss, u2_loss)

if __name__ == "__main__":
    import jax
    _d = setup_inputs()
    print(jax.jit(kernel)(*tuple(_d.values())))

</pallas_src>

<mosaic_0001>
#map = affine_map<(d0, d1) -> (0)>
module attributes {stable_mosaic.version = 14 : i64} {
  func.func @k(%arg0: i32, %arg1: i32, %arg2: memref<7500xi32, #tpu.memory_space<hbm>>, %arg3: memref<7500xi32, #tpu.memory_space<hbm>>, %arg4: memref<2560xf32, #tpu.memory_space<hbm>>, %arg5: memref<6553600xf32, #tpu.memory_space<hbm>>, %arg6: memref<7500xi32, #tpu.memory_space<vmem>>, %arg7: memref<7500xi32, #tpu.memory_space<vmem>>, %arg8: memref<2560xf32, #tpu.memory_space<vmem>>, %arg9: memref<7500xi32, #tpu.memory_space<vmem>>, %arg10: memref<51200xf32, #tpu.memory_space<vmem>>) attributes {dimension_semantics = [#tpu.dimension_semantics<core_parallel>, #tpu.dimension_semantics<subcore_parallel>], iteration_bounds = array<i64: 2, 16>, scalar_prefetch = 0 : i64, scratch_operands = 5 : i64, tpu.core_type = #tpu.core_type<sc_vector_subcore>, window_params = [{transform_indices = #map}, {transform_indices = #map}, {transform_indices = #map}, {transform_indices = #map}]} {
    %mul3A = arith.constant 2 : i32
    %mul3A_0 = arith.muli %arg1, %mul3A : i32
    %add3A = arith.addi %mul3A_0, %arg0 : i32
    %mul3A_1 = arith.constant 80 : i32
    %mul3A_2 = arith.muli %add3A, %mul3A_1 : i32
    %add3A_3 = arith.constant 80 : i32
    %add3A_4 = arith.addi %mul3A_2, %add3A_3 : i32
    "tpu.region"() ({
      %run_scoped3A = tpu.sem_alloc : memref<!tpu.dma_semaphore, #tpu.memory_space<semaphore_mem>>
      tpu.enqueue_dma source(%arg2 : memref<7500xi32, #tpu.memory_space<hbm>>) target(%arg6 : memref<7500xi32, #tpu.memory_space<vmem>>) target_semaphore(%run_scoped3A : memref<!tpu.dma_semaphore, #tpu.memory_space<semaphore_mem>>)
      tpu.wait_dma2 semaphore(%run_scoped3A : memref<!tpu.dma_semaphore, #tpu.memory_space<semaphore_mem>>) src(%arg2 : memref<7500xi32, #tpu.memory_space<hbm>>) dst(%arg6 : memref<7500xi32, #tpu.memory_space<vmem>>)
      tpu.yield
    }) : () -> ()
    "tpu.region"() ({
      %run_scoped3A = tpu.sem_alloc : memref<!tpu.dma_semaphore, #tpu.memory_space<semaphore_mem>>
      tpu.enqueue_dma source(%arg3 : memref<7500xi32, #tpu.memory_space<hbm>>) target(%arg7 : memref<7500xi32, #tpu.memory_space<vmem>>) target_semaphore(%run_scoped3A : memref<!tpu.dma_semaphore, #tpu.memory_space<semaphore_mem>>)
      tpu.wait_dma2 semaphore(%run_scoped3A : memref<!tpu.dma_semaphore, #tpu.memory_space<semaphore_mem>>) src(%arg3 : memref<7500xi32, #tpu.memory_space<hbm>>) dst(%arg7 : memref<7500xi32, #tpu.memory_space<vmem>>)
      tpu.yield
    }) : () -> ()
    "tpu.region"() ({
      %run_scoped3A = tpu.sem_alloc : memref<!tpu.dma_semaphore, #tpu.memory_space<semaphore_mem>>
      tpu.enqueue_dma source(%arg4 : memref<2560xf32, #tpu.memory_space<hbm>>) target(%arg8 : memref<2560xf32, #tpu.memory_space<vmem>>) target_semaphore(%run_scoped3A : memref<!tpu.dma_semaphore, #tpu.memory_space<semaphore_mem>>)
      tpu.wait_dma2 semaphore(%run_scoped3A : memref<!tpu.dma_semaphore, #tpu.memory_space<semaphore_mem>>) src(%arg4 : memref<2560xf32, #tpu.memory_space<hbm>>) dst(%arg8 : memref<2560xf32, #tpu.memory_space<vmem>>)
      tpu.yield
    }) : () -> ()
    %iota3A = tpu.iota {dimensions = array<i32: 0>} : vector<16xi32>
    %scan3A = arith.constant 0 : i32
    %scan3A_5 = arith.constant 0 : i32
    %scan3A_6 = arith.constant 468 : i32
    %scan3A_7 = arith.addi %scan3A_5, %scan3A_6 : i32
    %scan3A_8 = arith.constant 1 : i32
    %scan3A_9 = scf.for %scan3A_407 = %scan3A_5 to %scan3A_7 step %scan3A_8 iter_args(%scan3A_408 = %scan3A) -> (i32)  : i32 {
      %mul3A_409 = arith.constant 16 : i32
      %mul3A_410 = arith.muli %scan3A_407, %mul3A_409 : i32
      %lt3A_411 = arith.constant 16 : i32
      %lt3A_412 = vector.broadcast %lt3A_411 : i32 to vector<16xi32>
      %lt3A_413 = arith.cmpi slt, %iota3A, %lt3A_412 : vector<16xi32>
      %get3A_414 = arith.index_cast %mul3A_410 : i32 to index
      %get3A_415 = tpu.vector_load %arg7[%get3A_414] {strides = array<i32>} : memref<7500xi32, #tpu.memory_space<vmem>>, vector<16xi32>,
      %ge3A_416 = vector.broadcast %mul3A_2 : i32 to vector<16xi32>
      %ge3A_417 = arith.cmpi sge, %get3A_415, %ge3A_416 : vector<16xi32>
      %and3A_418 = arith.andi %lt3A_413, %ge3A_417 : vector<16xi1>
      %lt3A_419 = vector.broadcast %add3A_4 : i32 to vector<16xi32>
      %lt3A_420 = arith.cmpi slt, %get3A_415, %lt3A_419 : vector<16xi32>
      %and3A_421 = arith.andi %and3A_418, %lt3A_420 : vector<16xi1>
      %convert_element_type3A_422 = arith.extui %and3A_421 : vector<16xi1> to vector<16xi32>
      %cumsum3A_423 = arith.constant true
      %cumsum3A_424 = vector.broadcast %cumsum3A_423 : i1 to vector<16xi1>
      %cumsum3A_425 = tpu.scan <sum>, %convert_element_type3A_422 masked %cumsum3A_424 : vector<16xi32>, vector<16xi1> -> vector<16xi32>
      %add3A_426 = vector.broadcast %scan3A_408 : i32 to vector<16xi32>
      %add3A_427 = arith.addi %add3A_426, %cumsum3A_425 : vector<16xi32>
      %sub3A_428 = arith.constant 1 : i32
      %sub3A_429 = vector.broadcast %sub3A_428 : i32 to vector<16xi32>
      %sub3A_430 = arith.subi %add3A_427, %sub3A_429 : vector<16xi32>
      %add3A_431 = vector.broadcast %mul3A_410 : i32 to vector<16xi32>
      %add3A_432 = arith.addi %add3A_431, %iota3A : vector<16xi32>
      tpu.vector_store_idx %arg9[%sub3A_430], %add3A_432 masked %and3A_421 : memref<7500xi32, #tpu.memory_space<vmem>>[vector<16xi32>], vector<16xi32>, vector<16xi1>
      %slice3A_433 = vector.extract_strided_slice %cumsum3A_425 {offsets = [15], sizes = [1], strides = [1]} : vector<16xi32> to vector<1xi32>
      %squeeze3A_434 = vector.extract %slice3A_433[0] : i32 from vector<1xi32>
      %add3A_435 = arith.addi %scan3A_408, %squeeze3A_434 : i32
      scf.yield %add3A_435 : i32
    }
    %scan3A_10 = arith.constant 468 : i32
    %ge3A = arith.constant 4 : i32
    %ge3A_11 = vector.broadcast %ge3A : i32 to vector<16xi32>
    %ge3A_12 = arith.cmpi sge, %iota3A, %ge3A_11 : vector<16xi32>
    %get3A = arith.constant 7484 : index
    %get3A_13 = tpu.vector_load %arg7[%get3A] {strides = array<i32>} : memref<7500xi32, #tpu.memory_space<vmem>>, vector<16xi32>,
    %ge3A_14 = vector.broadcast %mul3A_2 : i32 to vector<16xi32>
    %ge3A_15 = arith.cmpi sge, %get3A_13, %ge3A_14 : vector<16xi32>
    %and3A = arith.andi %ge3A_12, %ge3A_15 : vector<16xi1>
    %lt3A = vector.broadcast %add3A_4 : i32 to vector<16xi32>
    %lt3A_16 = arith.cmpi slt, %get3A_13, %lt3A : vector<16xi32>
    %and3A_17 = arith.andi %and3A, %lt3A_16 : vector<16xi1>
    %convert_element_type3A = arith.extui %and3A_17 : vector<16xi1> to vector<16xi32>
    %cumsum3A = arith.constant true
    %cumsum3A_18 = vector.broadcast %cumsum3A : i1 to vector<16xi1>
    %cumsum3A_19 = tpu.scan <sum>, %convert_element_type3A masked %cumsum3A_18 : vector<16xi32>, vector<16xi1> -> vector<16xi32>
    %add3A_20 = vector.broadcast %scan3A_9 : i32 to vector<16xi32>
    %add3A_21 = arith.addi %add3A_20, %cumsum3A_19 : vector<16xi32>
    %sub3A = arith.constant 1 : i32
    %sub3A_22 = vector.broadcast %sub3A : i32 to vector<16xi32>
    %sub3A_23 = arith.subi %add3A_21, %sub3A_22 : vector<16xi32>
    %add3A_24 = arith.constant 7484 : i32
    %add3A_25 = vector.broadcast %add3A_24 : i32 to vector<16xi32>
    %add3A_26 = arith.addi %add3A_25, %iota3A : vector<16xi32>
    tpu.vector_store_idx %arg9[%sub3A_23], %add3A_26 masked %and3A_17 : memref<7500xi32, #tpu.memory_space<vmem>>[vector<16xi32>], vector<16xi32>, vector<16xi1>
    %slice3A = vector.extract_strided_slice %cumsum3A_19 {offsets = [15], sizes = [1], strides = [1]} : vector<16xi32> to vector<1xi32>
    %squeeze3A = vector.extract %slice3A[0] : i32 from vector<1xi32>
    %add3A_27 = arith.addi %scan3A_9, %squeeze3A : i32
    %add3A_28 = arith.constant 0 : i32
    %add3A_29 = arith.addi %mul3A_2, %add3A_28 : i32
    %scan3A_30 = arith.constant 0 : i32
    %scan3A_31 = arith.constant 0 : i32
    %scan3A_32 = arith.constant 3200 : i32
    %scan3A_33 = arith.addi %scan3A_31, %scan3A_32 : i32
    %scan3A_34 = arith.constant 1 : i32
    %scan3A_35 = scf.for %scan3A_407 = %scan3A_31 to %scan3A_33 step %scan3A_34 iter_args(%scan3A_408 = %scan3A_30) -> (i32)  : i32 {
      %broadcast_in_dim3A_409 = arith.constant 0.000000e+00 : f32
      %broadcast_in_dim3A_410 = vector.broadcast %broadcast_in_dim3A_409 : f32 to vector<16xf32>
      %mul3A_411 = arith.constant 16 : i32
      %mul3A_412 = arith.muli %scan3A_407, %mul3A_411 : i32
      %swap3A = arith.index_cast %mul3A_412 : i32 to index
      %swap3A_413 = tpu.vector_load %arg10[%swap3A] {strides = array<i32>} : memref<51200xf32, #tpu.memory_space<vmem>>, vector<16xf32>,
      tpu.vector_store %arg10[%swap3A], %broadcast_in_dim3A_410 {strides = array<i32>} : memref<51200xf32, #tpu.memory_space<vmem>>, vector<16xf32>,
      %scan3A_414 = arith.constant 0 : i32
      scf.yield %scan3A_414 : i32
    }
    %scan3A_36 = arith.constant 3200 : i32
    %add3A_37 = arith.constant 15 : i32
    %add3A_38 = arith.addi %add3A_27, %add3A_37 : i32
    %jit3A = arith.constant 16 : i32
    %div3A = arith.divsi %add3A_38, %jit3A : i32
    %sign3A = arith.constant 0 : i32
    %sign3A_39 = arith.cmpi sgt, %add3A_38, %sign3A : i32
    %sign3A_40 = arith.extui %sign3A_39 : i1 to i32
    %sign3A_41 = arith.constant 0 : i32
    %sign3A_42 = arith.cmpi slt, %add3A_38, %sign3A_41 : i32
    %sign3A_43 = arith.extui %sign3A_42 : i1 to i32
    %sign3A_44 = arith.subi %sign3A_40, %sign3A_43 : i32
    %sign3A_45 = arith.constant 0 : i32
    %sign3A_46 = arith.cmpi sgt, %jit3A, %sign3A_45 : i32
    %sign3A_47 = arith.extui %sign3A_46 : i1 to i32
    %sign3A_48 = arith.constant 0 : i32
    %sign3A_49 = arith.cmpi slt, %jit3A, %sign3A_48 : i32
    %sign3A_50 = arith.extui %sign3A_49 : i1 to i32
    %sign3A_51 = arith.subi %sign3A_47, %sign3A_50 : i32
    %ne3A = arith.cmpi ne, %sign3A_44, %sign3A_51 : i32
    %rem3A = arith.remsi %add3A_38, %jit3A : i32
    %ne3A_52 = arith.constant 0 : i32
    %ne3A_53 = arith.cmpi ne, %rem3A, %ne3A_52 : i32
    %and3A_54 = arith.andi %ne3A, %ne3A_53 : i1
    %sub3A_55 = arith.constant 1 : i32
    %sub3A_56 = arith.subi %div3A, %sub3A_55 : i32
    %select_n3A = arith.select %and3A_54, %sub3A_56, %div3A : i32
    %while3A = arith.constant 0 : i32
    %while3A_57 = arith.constant 0 : i32
    %while3A_58 = arith.subi %select_n3A, %while3A : i32
    %while3A_59 = arith.addi %while3A, %while3A_58 : i32
    %while3A_60 = arith.constant 1 : i32
    %while3A_61 = arith.divsi %while3A_58, %while3A_60 : i32
    %while3A_62 = arith.muli %while3A_61, %while3A_60 : i32
    %while3A_63 = arith.addi %while3A, %while3A_62 : i32
    %while3A_64 = arith.constant 1 : i32
    %while3A_65 = scf.for %while3A_407 = %while3A to %while3A_63 step %while3A_64 iter_args(%while3A_408 = %while3A_57) -> (i32)  : i32 {
      %mul3A_409 = arith.constant 16 : i32
      %mul3A_410 = arith.muli %while3A_407, %mul3A_409 : i32
      %add3A_411 = vector.broadcast %mul3A_410 : i32 to vector<16xi32>
      %add3A_412 = arith.addi %add3A_411, %iota3A : vector<16xi32>
      %lt3A_413 = vector.broadcast %add3A_27 : i32 to vector<16xi32>
      %lt3A_414 = arith.cmpi slt, %add3A_412, %lt3A_413 : vector<16xi32>
      %mul3A_415 = arith.constant 16 : i32
      %mul3A_416 = arith.muli %while3A_407, %mul3A_415 : i32
      %get3A_417 = arith.index_cast %mul3A_416 : i32 to index
      %get3A_418 = tpu.vector_load %arg9[%get3A_417] {strides = array<i32>} : memref<7500xi32, #tpu.memory_space<vmem>>, vector<16xi32>,
      %jit3A_419 = arith.constant 0 : i32
      %broadcast_in_dim3A_420 = vector.broadcast %jit3A_419 : i32 to vector<16xi32>
      %select_n3A_421 = arith.select %lt3A_414, %get3A_418, %broadcast_in_dim3A_420 : vector<16xi1>, vector<16xi32>
      %gather3A_422 = tpu.vector_load_idx %arg7[%select_n3A_421] : memref<7500xi32, #tpu.memory_space<vmem>>[vector<16xi32>], vector<16xi32>,
      %ge3A_423 = vector.broadcast %add3A_29 : i32 to vector<16xi32>
      %ge3A_424 = arith.cmpi sge, %gather3A_422, %ge3A_423 : vector<16xi32>
      %and3A_425 = arith.andi %lt3A_414, %ge3A_424 : vector<16xi1>
      %add3A_426 = arith.constant 20 : i32
      %add3A_427 = arith.addi %add3A_29, %add3A_426 : i32
      %lt3A_428 = vector.broadcast %add3A_427 : i32 to vector<16xi32>
      %lt3A_429 = arith.cmpi slt, %gather3A_422, %lt3A_428 : vector<16xi32>
      %and3A_430 = arith.andi %and3A_425, %lt3A_429 : vector<16xi1>
      %gather3A_431 = tpu.vector_load_idx %arg6[%select_n3A_421] masked %and3A_430 : memref<7500xi32, #tpu.memory_space<vmem>>[vector<16xi32>], vector<16xi32>, vector<16xi1>
      %jit3A_432 = arith.constant 0 : i32
      %broadcast_in_dim3A_433 = vector.broadcast %jit3A_432 : i32 to vector<16xi32>
      %select_n3A_434 = arith.select %and3A_430, %gather3A_431, %broadcast_in_dim3A_433 : vector<16xi1>, vector<16xi32>
      %gather3A_435 = tpu.vector_load_idx %arg8[%select_n3A_434] : memref<2560xf32, #tpu.memory_space<vmem>>[vector<16xi32>], vector<16xf32>,
      %gather3A_436 = tpu.vector_load_idx %arg8[%gather3A_422] : memref<2560xf32, #tpu.memory_space<vmem>>[vector<16xi32>], vector<16xf32>,
      %mul3A_437 = arith.mulf %gather3A_435, %gather3A_436 : vector<16xf32>
      %sub3A_438 = vector.broadcast %add3A_29 : i32 to vector<16xi32>
      %sub3A_439 = arith.subi %gather3A_422, %sub3A_438 : vector<16xi32>
      %mul3A_440 = arith.constant 2560 : i32
      %mul3A_441 = vector.broadcast %mul3A_440 : i32 to vector<16xi32>
      %mul3A_442 = arith.muli %sub3A_439, %mul3A_441 : vector<16xi32>
      %add3A_443 = arith.addi %mul3A_442, %gather3A_431 : vector<16xi32>
      %jit3A_444 = arith.constant 0 : i32
      %broadcast_in_dim3A_445 = vector.broadcast %jit3A_444 : i32 to vector<16xi32>
      %select_n3A_446 = arith.select %and3A_430, %add3A_443, %broadcast_in_dim3A_445 : vector<16xi1>, vector<16xi32>
      %eq3A = arith.constant 0 : i32
      %eq3A_447 = vector.broadcast %eq3A : i32 to vector<16xi32>
      %eq3A_448 = arith.cmpi eq, %iota3A, %eq3A_447 : vector<16xi32>
      %and3A_449 = arith.andi %and3A_430, %eq3A_448 : vector<16xi1>
      tpu.vector_store_idx %arg10[%select_n3A_446], %mul3A_437 masked %and3A_449 {add = true} : memref<51200xf32, #tpu.memory_space<vmem>>[vector<16xi32>], vector<16xf32>, vector<16xi1>
      %eq3A_450 = arith.constant 1 : i32
      %eq3A_451 = vector.broadcast %eq3A_450 : i32 to vector<16xi32>
      %eq3A_452 = arith.cmpi eq, %iota3A, %eq3A_451 : vector<16xi32>
      %and3A_453 = arith.andi %and3A_430, %eq3A_452 : vector<16xi1>
      tpu.vector_store_idx %arg10[%select_n3A_446], %mul3A_437 masked %and3A_453 {add = true} : memref<51200xf32, #tpu.memory_space<vmem>>[vector<16xi32>], vector<16xf32>, vector<16xi1>
      %eq3A_454 = arith.constant 2 : i32
      %eq3A_455 = vector.broadcast %eq3A_454 : i32 to vector<16xi32>
      %eq3A_456 = arith.cmpi eq, %iota3A, %eq3A_455 : vector<16xi32>
      %and3A_457 = arith.andi %and3A_430, %eq3A_456 : vector<16xi1>
      tpu.vector_store_idx %arg10[%select_n3A_446], %mul3A_437 masked %and3A_457 {add = true} : memref<51200xf32, #tpu.memory_space<vmem>>[vector<16xi32>], vector<16xf32>, vector<16xi1>
      %eq3A_458 = arith.constant 3 : i32
      %eq3A_459 = vector.broadcast %eq3A_458 : i32 to vector<16xi32>
      %eq3A_460 = arith.cmpi eq, %iota3A, %eq3A_459 : vector<16xi32>
      %and3A_461 = arith.andi %and3A_430, %eq3A_460 : vector<16xi1>
      tpu.vector_store_idx %arg10[%select_n3A_446], %mul3A_437 masked %and3A_461 {add = true} : memref<51200xf32, #tpu.memory_space<vmem>>[vector<16xi32>], vector<16xf32>, vector<16xi1>
      %eq3A_462 = arith.constant 4 : i32
      %eq3A_463 = vector.broadcast %eq3A_462 : i32 to vector<16xi32>
      %eq3A_464 = arith.cmpi eq, %iota3A, %eq3A_463 : vector<16xi32>
      %and3A_465 = arith.andi %and3A_430, %eq3A_464 : vector<16xi1>
      tpu.vector_store_idx %arg10[%select_n3A_446], %mul3A_437 masked %and3A_465 {add = true} : memref<51200xf32, #tpu.memory_space<vmem>>[vector<16xi32>], vector<16xf32>, vector<16xi1>
      %eq3A_466 = arith.constant 5 : i32
      %eq3A_467 = vector.broadcast %eq3A_466 : i32 to vector<16xi32>
      %eq3A_468 = arith.cmpi eq, %iota3A, %eq3A_467 : vector<16xi32>
      %and3A_469 = arith.andi %and3A_430, %eq3A_468 : vector<16xi1>
      tpu.vector_store_idx %arg10[%select_n3A_446], %mul3A_437 masked %and3A_469 {add = true} : memref<51200xf32, #tpu.memory_space<vmem>>[vector<16xi32>], vector<16xf32>, vector<16xi1>
      %eq3A_470 = arith.constant 6 : i32
      %eq3A_471 = vector.broadcast %eq3A_470 : i32 to vector<16xi32>
      %eq3A_472 = arith.cmpi eq, %iota3A, %eq3A_471 : vector<16xi32>
      %and3A_473 = arith.andi %and3A_430, %eq3A_472 : vector<16xi1>
      tpu.vector_store_idx %arg10[%select_n3A_446], %mul3A_437 masked %and3A_473 {add = true} : memref<51200xf32, #tpu.memory_space<vmem>>[vector<16xi32>], vector<16xf32>, vector<16xi1>
      %eq3A_474 = arith.constant 7 : i32
      %eq3A_475 = vector.broadcast %eq3A_474 : i32 to vector<16xi32>
      %eq3A_476 = arith.cmpi eq, %iota3A, %eq3A_475 : vector<16xi32>
      %and3A_477 = arith.andi %and3A_430, %eq3A_476 : vector<16xi1>
      tpu.vector_store_idx %arg10[%select_n3A_446], %mul3A_437 masked %and3A_477 {add = true} : memref<51200xf32, #tpu.memory_space<vmem>>[vector<16xi32>], vector<16xf32>, vector<16xi1>
      %eq3A_478 = arith.constant 8 : i32
      %eq3A_479 = vector.broadcast %eq3A_478 : i32 to vector<16xi32>
      %eq3A_480 = arith.cmpi eq, %iota3A, %eq3A_479 : vector<16xi32>
      %and3A_481 = arith.andi %and3A_430, %eq3A_480 : vector<16xi1>
      tpu.vector_store_idx %arg10[%select_n3A_446], %mul3A_437 masked %and3A_481 {add = true} : memref<51200xf32, #tpu.memory_space<vmem>>[vector<16xi32>], vector<16xf32>, vector<16xi1>
      %eq3A_482 = arith.constant 9 : i32
      %eq3A_483 = vector.broadcast %eq3A_482 : i32 to vector<16xi32>
      %eq3A_484 = arith.cmpi eq, %iota3A, %eq3A_483 : vector<16xi32>
      %and3A_485 = arith.andi %and3A_430, %eq3A_484 : vector<16xi1>
      tpu.vector_store_idx %arg10[%select_n3A_446], %mul3A_437 masked %and3A_485 {add = true} : memref<51200xf32, #tpu.memory_space<vmem>>[vector<16xi32>], vector<16xf32>, vector<16xi1>
      %eq3A_486 = arith.constant 10 : i32
      %eq3A_487 = vector.broadcast %eq3A_486 : i32 to vector<16xi32>
      %eq3A_488 = arith.cmpi eq, %iota3A, %eq3A_487 : vector<16xi32>
      %and3A_489 = arith.andi %and3A_430, %eq3A_488 : vector<16xi1>
      tpu.vector_store_idx %arg10[%select_n3A_446], %mul3A_437 masked %and3A_489 {add = true} : memref<51200xf32, #tpu.memory_space<vmem>>[vector<16xi32>], vector<16xf32>, vector<16xi1>
      %eq3A_490 = arith.constant 11 : i32
      %eq3A_491 = vector.broadcast %eq3A_490 : i32 to vector<16xi32>
      %eq3A_492 = arith.cmpi eq, %iota3A, %eq3A_491 : vector<16xi32>
      %and3A_493 = arith.andi %and3A_430, %eq3A_492 : vector<16xi1>
      tpu.vector_store_idx %arg10[%select_n3A_446], %mul3A_437 masked %and3A_493 {add = true} : memref<51200xf32, #tpu.memory_space<vmem>>[vector<16xi32>], vector<16xf32>, vector<16xi1>
      %eq3A_494 = arith.constant 12 : i32
      %eq3A_495 = vector.broadcast %eq3A_494 : i32 to vector<16xi32>
      %eq3A_496 = arith.cmpi eq, %iota3A, %eq3A_495 : vector<16xi32>
      %and3A_497 = arith.andi %and3A_430, %eq3A_496 : vector<16xi1>
      tpu.vector_store_idx %arg10[%select_n3A_446], %mul3A_437 masked %and3A_497 {add = true} : memref<51200xf32, #tpu.memory_space<vmem>>[vector<16xi32>], vector<16xf32>, vector<16xi1>
      %eq3A_498 = arith.constant 13 : i32
      %eq3A_499 = vector.broadcast %eq3A_498 : i32 to vector<16xi32>
      %eq3A_500 = arith.cmpi eq, %iota3A, %eq3A_499 : vector<16xi32>
      %and3A_501 = arith.andi %and3A_430, %eq3A_500 : vector<16xi1>
      tpu.vector_store_idx %arg10[%select_n3A_446], %mul3A_437 masked %and3A_501 {add = true} : memref<51200xf32, #tpu.memory_space<vmem>>[vector<16xi32>], vector<16xf32>, vector<16xi1>
      %eq3A_502 = arith.constant 14 : i32
      %eq3A_503 = vector.broadcast %eq3A_502 : i32 to vector<16xi32>
      %eq3A_504 = arith.cmpi eq, %iota3A, %eq3A_503 : vector<16xi32>
      %and3A_505 = arith.andi %and3A_430, %eq3A_504 : vector<16xi1>
      tpu.vector_store_idx %arg10[%select_n3A_446], %mul3A_437 masked %and3A_505 {add = true} : memref<51200xf32, #tpu.memory_space<vmem>>[vector<16xi32>], vector<16xf32>, vector<16xi1>
      %eq3A_506 = arith.constant 15 : i32
      %eq3A_507 = vector.broadcast %eq3A_506 : i32 to vector<16xi32>
      %eq3A_508 = arith.cmpi eq, %iota3A, %eq3A_507 : vector<16xi32>
      %and3A_509 = arith.andi %and3A_430, %eq3A_508 : vector<16xi1>
      tpu.vector_store_idx %arg10[%select_n3A_446], %mul3A_437 masked %and3A_509 {add = true} : memref<51200xf32, #tpu.memory_space<vmem>>[vector<16xi32>], vector<16xf32>, vector<16xi1>
      %while3A_510 = arith.constant 0 : i32
      scf.yield %while3A_510 : i32
    }
    %while3A_66 = arith.constant 1 : i32
    %while3A_67 = scf.for %while3A_407 = %while3A_63 to %while3A_59 step %while3A_66 iter_args(%while3A_408 = %while3A_65) -> (i32)  : i32 {
      %mul3A_409 = arith.constant 16 : i32
      %mul3A_410 = arith.muli %while3A_407, %mul3A_409 : i32
      %add3A_411 = vector.broadcast %mul3A_410 : i32 to vector<16xi32>
      %add3A_412 = arith.addi %add3A_411, %iota3A : vector<16xi32>
      %lt3A_413 = vector.broadcast %add3A_27 : i32 to vector<16xi32>
      %lt3A_414 = arith.cmpi slt, %add3A_412, %lt3A_413 : vector<16xi32>
      %mul3A_415 = arith.constant 16 : i32
      %mul3A_416 = arith.muli %while3A_407, %mul3A_415 : i32
      %get3A_417 = arith.index_cast %mul3A_416 : i32 to index
      %get3A_418 = tpu.vector_load %arg9[%get3A_417] {strides = array<i32>} : memref<7500xi32, #tpu.memory_space<vmem>>, vector<16xi32>,
      %jit3A_419 = arith.constant 0 : i32
      %broadcast_in_dim3A_420 = vector.broadcast %jit3A_419 : i32 to vector<16xi32>
      %select_n3A_421 = arith.select %lt3A_414, %get3A_418, %broadcast_in_dim3A_420 : vector<16xi1>, vector<16xi32>
      %gather3A_422 = tpu.vector_load_idx %arg7[%select_n3A_421] : memref<7500xi32, #tpu.memory_space<vmem>>[vector<16xi32>], vector<16xi32>,
      %ge3A_423 = vector.broadcast %add3A_29 : i32 to vector<16xi32>
      %ge3A_424 = arith.cmpi sge, %gather3A_422, %ge3A_423 : vector<16xi32>
      %and3A_425 = arith.andi %lt3A_414, %ge3A_424 : vector<16xi1>
      %add3A_426 = arith.constant 20 : i32
      %add3A_427 = arith.addi %add3A_29, %add3A_426 : i32
      %lt3A_428 = vector.broadcast %add3A_427 : i32 to vector<16xi32>
      %lt3A_429 = arith.cmpi slt, %gather3A_422, %lt3A_428 : vector<16xi32>
      %and3A_430 = arith.andi %and3A_425, %lt3A_429 : vector<16xi1>
      %gather3A_431 = tpu.vector_load_idx %arg6[%select_n3A_421] masked %and3A_430 : memref<7500xi32, #tpu.memory_space<vmem>>[vector<16xi32>], vector<16xi32>, vector<16xi1>
      %jit3A_432 = arith.constant 0 : i32
      %broadcast_in_dim3A_433 = vector.broadcast %jit3A_432 : i32 to vector<16xi32>
      %select_n3A_434 = arith.select %and3A_430, %gather3A_431, %broadcast_in_dim3A_433 : vector<16xi1>, vector<16xi32>
      %gather3A_435 = tpu.vector_load_idx %arg8[%select_n3A_434] : memref<2560xf32, #tpu.memory_space<vmem>>[vector<16xi32>], vector<16xf32>,
      %gather3A_436 = tpu.vector_load_idx %arg8[%gather3A_422] : memref<2560xf32, #tpu.memory_space<vmem>>[vector<16xi32>], vector<16xf32>,
      %mul3A_437 = arith.mulf %gather3A_435, %gather3A_436 : vector<16xf32>
      %sub3A_438 = vector.broadcast %add3A_29 : i32 to vector<16xi32>
      %sub3A_439 = arith.subi %gather3A_422, %sub3A_438 : vector<16xi32>
      %mul3A_440 = arith.constant 2560 : i32
      %mul3A_441 = vector.broadcast %mul3A_440 : i32 to vector<16xi32>
      %mul3A_442 = arith.muli %sub3A_439, %mul3A_441 : vector<16xi32>
      %add3A_443 = arith.addi %mul3A_442, %gather3A_431 : vector<16xi32>
      %jit3A_444 = arith.constant 0 : i32
      %broadcast_in_dim3A_445 = vector.broadcast %jit3A_444 : i32 to vector<16xi32>
      %select_n3A_446 = arith.select %and3A_430, %add3A_443, %broadcast_in_dim3A_445 : vector<16xi1>, vector<16xi32>
      %eq3A = arith.constant 0 : i32
      %eq3A_447 = vector.broadcast %eq3A : i32 to vector<16xi32>
      %eq3A_448 = arith.cmpi eq, %iota3A, %eq3A_447 : vector<16xi32>
      %and3A_449 = arith.andi %and3A_430, %eq3A_448 : vector<16xi1>
      tpu.vector_store_idx %arg10[%select_n3A_446], %mul3A_437 masked %and3A_449 {add = true} : memref<51200xf32, #tpu.memory_space<vmem>>[vector<16xi32>], vector<16xf32>, vector<16xi1>
      %eq3A_450 = arith.constant 1 : i32
      %eq3A_451 = vector.broadcast %eq3A_450 : i32 to vector<16xi32>
      %eq3A_452 = arith.cmpi eq, %iota3A, %eq3A_451 : vector<16xi32>
      %and3A_453 = arith.andi %and3A_430, %eq3A_452 : vector<16xi1>
      tpu.vector_store_idx %arg10[%select_n3A_446], %mul3A_437 masked %and3A_453 {add = true} : memref<51200xf32, #tpu.memory_space<vmem>>[vector<16xi32>], vector<16xf32>, vector<16xi1>
      %eq3A_454 = arith.constant 2 : i32
      %eq3A_455 = vector.broadcast %eq3A_454 : i32 to vector<16xi32>
      %eq3A_456 = arith.cmpi eq, %iota3A, %eq3A_455 : vector<16xi32>
      %and3A_457 = arith.andi %and3A_430, %eq3A_456 : vector<16xi1>
      tpu.vector_store_idx %arg10[%select_n3A_446], %mul3A_437 masked %and3A_457 {add = true} : memref<51200xf32, #tpu.memory_space<vmem>>[vector<16xi32>], vector<16xf32>, vector<16xi1>
      %eq3A_458 = arith.constant 3 : i32
      %eq3A_459 = vector.broadcast %eq3A_458 : i32 to vector<16xi32>
      %eq3A_460 = arith.cmpi eq, %iota3A, %eq3A_459 : vector<16xi32>
      %and3A_461 = arith.andi %and3A_430, %eq3A_460 : vector<16xi1>
      tpu.vector_store_idx %arg10[%select_n3A_446], %mul3A_437 masked %and3A_461 {add = true} : memref<51200xf32, #tpu.memory_space<vmem>>[vector<16xi32>], vector<16xf32>, vector<16xi1>
      %eq3A_462 = arith.constant 4 : i32
      %eq3A_463 = vector.broadcast %eq3A_462 : i32 to vector<16xi32>
      %eq3A_464 = arith.cmpi eq, %iota3A, %eq3A_463 : vector<16xi32>
      %and3A_465 = arith.andi %and3A_430, %eq3A_464 : vector<16xi1>
      tpu.vector_store_idx %arg10[%select_n3A_446], %mul3A_437 masked %and3A_465 {add = true} : memref<51200xf32, #tpu.memory_space<vmem>>[vector<16xi32>], vector<16xf32>, vector<16xi1>
      %eq3A_466 = arith.constant 5 : i32
      %eq3A_467 = vector.broadcast %eq3A_466 : i32 to vector<16xi32>
      %eq3A_468 = arith.cmpi eq, %iota3A, %eq3A_467 : vector<16xi32>
      %and3A_469 = arith.andi %and3A_430, %eq3A_468 : vector<16xi1>
      tpu.vector_store_idx %arg10[%select_n3A_446], %mul3A_437 masked %and3A_469 {add = true} : memref<51200xf32, #tpu.memory_space<vmem>>[vector<16xi32>], vector<16xf32>, vector<16xi1>
      %eq3A_470 = arith.constant 6 : i32
      %eq3A_471 = vector.broadcast %eq3A_470 : i32 to vector<16xi32>
      %eq3A_472 = arith.cmpi eq, %iota3A, %eq3A_471 : vector<16xi32>
      %and3A_473 = arith.andi %and3A_430, %eq3A_472 : vector<16xi1>
      tpu.vector_store_idx %arg10[%select_n3A_446], %mul3A_437 masked %and3A_473 {add = true} : memref<51200xf32, #tpu.memory_space<vmem>>[vector<16xi32>], vector<16xf32>, vector<16xi1>
      %eq3A_474 = arith.constant 7 : i32
      %eq3A_475 = vector.broadcast %eq3A_474 : i32 to vector<16xi32>
      %eq3A_476 = arith.cmpi eq, %iota3A, %eq3A_475 : vector<16xi32>
      %and3A_477 = arith.andi %and3A_430, %eq3A_476 : vector<16xi1>
      tpu.vector_store_idx %arg10[%select_n3A_446], %mul3A_437 masked %and3A_477 {add = true} : memref<51200xf32, #tpu.memory_space<vmem>>[vector<16xi32>], vector<16xf32>, vector<16xi1>
      %eq3A_478 = arith.constant 8 : i32
      %eq3A_479 = vector.broadcast %eq3A_478 : i32 to vector<16xi32>
      %eq3A_480 = arith.cmpi eq, %iota3A, %eq3A_479 : vector<16xi32>
      %and3A_481 = arith.andi %and3A_430, %eq3A_480 : vector<16xi1>
      tpu.vector_store_idx %arg10[%select_n3A_446], %mul3A_437 masked %and3A_481 {add = true} : memref<51200xf32, #tpu.memory_space<vmem>>[vector<16xi32>], vector<16xf32>, vector<16xi1>
      %eq3A_482 = arith.constant 9 : i32
      %eq3A_483 = vector.broadcast %eq3A_482 : i32 to vector<16xi32>
      %eq3A_484 = arith.cmpi eq, %iota3A, %eq3A_483 : vector<16xi32>
      %and3A_485 = arith.andi %and3A_430, %eq3A_484 : vector<16xi1>
      tpu.vector_store_idx %arg10[%select_n3A_446], %mul3A_437 masked %and3A_485 {add = true} : memref<51200xf32, #tpu.memory_space<vmem>>[vector<16xi32>], vector<16xf32>, vector<16xi1>
      %eq3A_486 = arith.constant 10 : i32
      %eq3A_487 = vector.broadcast %eq3A_486 : i32 to vector<16xi32>
      %eq3A_488 = arith.cmpi eq, %iota3A, %eq3A_487 : vector<16xi32>
      %and3A_489 = arith.andi %and3A_430, %eq3A_488 : vector<16xi1>
      tpu.vector_store_idx %arg10[%select_n3A_446], %mul3A_437 masked %and3A_489 {add = true} : memref<51200xf32, #tpu.memory_space<vmem>>[vector<16xi32>], vector<16xf32>, vector<16xi1>
      %eq3A_490 = arith.constant 11 : i32
      %eq3A_491 = vector.broadcast %eq3A_490 : i32 to vector<16xi32>
      %eq3A_492 = arith.cmpi eq, %iota3A, %eq3A_491 : vector<16xi32>
      %and3A_493 = arith.andi %and3A_430, %eq3A_492 : vector<16xi1>
      tpu.vector_store_idx %arg10[%select_n3A_446], %mul3A_437 masked %and3A_493 {add = true} : memref<51200xf32, #tpu.memory_space<vmem>>[vector<16xi32>], vector<16xf32>, vector<16xi1>
      %eq3A_494 = arith.constant 12 : i32
      %eq3A_495 = vector.broadcast %eq3A_494 : i32 to vector<16xi32>
      %eq3A_496 = arith.cmpi eq, %iota3A, %eq3A_495 : vector<16xi32>
      %and3A_497 = arith.andi %and3A_430, %eq3A_496 : vector<16xi1>
      tpu.vector_store_idx %arg10[%select_n3A_446], %mul3A_437 masked %and3A_497 {add = true} : memref<51200xf32, #tpu.memory_space<vmem>>[vector<16xi32>], vector<16xf32>, vector<16xi1>
      %eq3A_498 = arith.constant 13 : i32
      %eq3A_499 = vector.broadcast %eq3A_498 : i32 to vector<16xi32>
      %eq3A_500 = arith.cmpi eq, %iota3A, %eq3A_499 : vector<16xi32>
      %and3A_501 = arith.andi %and3A_430, %eq3A_500 : vector<16xi1>
      tpu.vector_store_idx %arg10[%select_n3A_446], %mul3A_437 masked %and3A_501 {add = true} : memref<51200xf32, #tpu.memory_space<vmem>>[vector<16xi32>], vector<16xf32>, vector<16xi1>
      %eq3A_502 = arith.constant 14 : i32
      %eq3A_503 = vector.broadcast %eq3A_502 : i32 to vector<16xi32>
      %eq3A_504 = arith.cmpi eq, %iota3A, %eq3A_503 : vector<16xi32>
      %and3A_505 = arith.andi %and3A_430, %eq3A_504 : vector<16xi1>
      tpu.vector_store_idx %arg10[%select_n3A_446], %mul3A_437 masked %and3A_505 {add = true} : memref<51200xf32, #tpu.memory_space<vmem>>[vector<16xi32>], vector<16xf32>, vector<16xi1>
      %eq3A_506 = arith.constant 15 : i32
      %eq3A_507 = vector.broadcast %eq3A_506 : i32 to vector<16xi32>
      %eq3A_508 = arith.cmpi eq, %iota3A, %eq3A_507 : vector<16xi32>
      %and3A_509 = arith.andi %and3A_430, %eq3A_508 : vector<16xi1>
      tpu.vector_store_idx %arg10[%select_n3A_446], %mul3A_437 masked %and3A_509 {add = true} : memref<51200xf32, #tpu.memory_space<vmem>>[vector<16xi32>], vector<16xf32>, vector<16xi1>
      %while3A_510 = arith.constant 0 : i32
      scf.yield %while3A_510 : i32
    }
    %add3A_68 = arith.constant 0 : i32
    %add3A_69 = vector.broadcast %add3A_68 : i32 to vector<16xi32>
    %add3A_70 = arith.addi %add3A_69, %iota3A : vector<16xi32>
    %add3A_71 = vector.broadcast %add3A_29 : i32 to vector<16xi32>
    %add3A_72 = arith.addi %add3A_71, %add3A_70 : vector<16xi32>
    %lt3A_73 = arith.constant 20 : i32
    %lt3A_74 = vector.broadcast %lt3A_73 : i32 to vector<16xi32>
    %lt3A_75 = arith.cmpi slt, %add3A_70, %lt3A_74 : vector<16xi32>
    %lt3A_76 = arith.constant 2500 : i32
    %lt3A_77 = vector.broadcast %lt3A_76 : i32 to vector<16xi32>
    %lt3A_78 = arith.cmpi slt, %add3A_72, %lt3A_77 : vector<16xi32>
    %and3A_79 = arith.andi %lt3A_75, %lt3A_78 : vector<16xi1>
    %jit3A_80 = arith.constant 0 : i32
    %broadcast_in_dim3A = vector.broadcast %jit3A_80 : i32 to vector<16xi32>
    %select_n3A_81 = arith.select %and3A_79, %add3A_72, %broadcast_in_dim3A : vector<16xi1>, vector<16xi32>
    %gather3A = tpu.vector_load_idx %arg8[%select_n3A_81] : memref<2560xf32, #tpu.memory_space<vmem>>[vector<16xi32>], vector<16xf32>,
    %mul3A_82 = arith.constant 2560 : i32
    %mul3A_83 = vector.broadcast %mul3A_82 : i32 to vector<16xi32>
    %mul3A_84 = arith.muli %add3A_70, %mul3A_83 : vector<16xi32>
    %add3A_85 = arith.addi %mul3A_84, %select_n3A_81 : vector<16xi32>
    %jit3A_86 = arith.constant 0 : i32
    %broadcast_in_dim3A_87 = vector.broadcast %jit3A_86 : i32 to vector<16xi32>
    %select_n3A_88 = arith.select %and3A_79, %add3A_85, %broadcast_in_dim3A_87 : vector<16xi1>, vector<16xi32>
    %mul3A_89 = arith.mulf %gather3A, %gather3A : vector<16xf32>
    tpu.vector_store_idx %arg10[%select_n3A_88], %mul3A_89 masked %and3A_79 {add = true} : memref<51200xf32, #tpu.memory_space<vmem>>[vector<16xi32>], vector<16xf32>, vector<16xi1>
    %add3A_90 = arith.constant 16 : i32
    %add3A_91 = vector.broadcast %add3A_90 : i32 to vector<16xi32>
    %add3A_92 = arith.addi %add3A_91, %iota3A : vector<16xi32>
    %add3A_93 = vector.broadcast %add3A_29 : i32 to vector<16xi32>
    %add3A_94 = arith.addi %add3A_93, %add3A_92 : vector<16xi32>
    %lt3A_95 = arith.constant 20 : i32
    %lt3A_96 = vector.broadcast %lt3A_95 : i32 to vector<16xi32>
    %lt3A_97 = arith.cmpi slt, %add3A_92, %lt3A_96 : vector<16xi32>
    %lt3A_98 = arith.constant 2500 : i32
    %lt3A_99 = vector.broadcast %lt3A_98 : i32 to vector<16xi32>
    %lt3A_100 = arith.cmpi slt, %add3A_94, %lt3A_99 : vector<16xi32>
    %and3A_101 = arith.andi %lt3A_97, %lt3A_100 : vector<16xi1>
    %jit3A_102 = arith.constant 0 : i32
    %broadcast_in_dim3A_103 = vector.broadcast %jit3A_102 : i32 to vector<16xi32>
    %select_n3A_104 = arith.select %and3A_101, %add3A_94, %broadcast_in_dim3A_103 : vector<16xi1>, vector<16xi32>
    %gather3A_105 = tpu.vector_load_idx %arg8[%select_n3A_104] : memref<2560xf32, #tpu.memory_space<vmem>>[vector<16xi32>], vector<16xf32>,
    %mul3A_106 = arith.constant 2560 : i32
    %mul3A_107 = vector.broadcast %mul3A_106 : i32 to vector<16xi32>
    %mul3A_108 = arith.muli %add3A_92, %mul3A_107 : vector<16xi32>
    %add3A_109 = arith.addi %mul3A_108, %select_n3A_104 : vector<16xi32>
    %jit3A_110 = arith.constant 0 : i32
    %broadcast_in_dim3A_111 = vector.broadcast %jit3A_110 : i32 to vector<16xi32>
    %select_n3A_112 = arith.select %and3A_101, %add3A_109, %broadcast_in_dim3A_111 : vector<16xi1>, vector<16xi32>
    %mul3A_113 = arith.mulf %gather3A_105, %gather3A_105 : vector<16xf32>
    tpu.vector_store_idx %arg10[%select_n3A_112], %mul3A_113 masked %and3A_101 {add = true} : memref<51200xf32, #tpu.memory_space<vmem>>[vector<16xi32>], vector<16xf32>, vector<16xi1>
    %mul3A_114 = arith.constant 2560 : i32
    %mul3A_115 = arith.muli %add3A_29, %mul3A_114 : i32
    "tpu.region"() ({
      %run_scoped3A = tpu.sem_alloc : memref<!tpu.dma_semaphore, #tpu.memory_space<semaphore_mem>>
      %dma_start3A = tpu.memref_slice %arg5[%mul3A_115] : memref<6553600xf32, #tpu.memory_space<hbm>> -> memref<51200xf32, #tpu.memory_space<hbm>>
      %dma_start3A_407 = tpu.memref_slice %arg5[%mul3A_115] : memref<6553600xf32, #tpu.memory_space<hbm>> -> memref<51200xf32, #tpu.memory_space<hbm>>
      tpu.enqueue_dma source(%arg10 : memref<51200xf32, #tpu.memory_space<vmem>>) target(%dma_start3A_407 : memref<51200xf32, #tpu.memory_space<hbm>>) target_semaphore(%run_scoped3A : memref<!tpu.dma_semaphore, #tpu.memory_space<semaphore_mem>>)
      %dma_wait3A = tpu.memref_slice %arg5[%mul3A_115] : memref<6553600xf32, #tpu.memory_space<hbm>> -> memref<51200xf32, #tpu.memory_space<hbm>>
      %dma_wait3A_408 = tpu.memref_slice %arg5[%mul3A_115] : memref<6553600xf32, #tpu.memory_space<hbm>> -> memref<51200xf32, #tpu.memory_space<hbm>>
      tpu.wait_dma2 semaphore(%run_scoped3A : memref<!tpu.dma_semaphore, #tpu.memory_space<semaphore_mem>>) src(%arg10 : memref<51200xf32, #tpu.memory_space<vmem>>) dst(%dma_wait3A_408 : memref<51200xf32, #tpu.memory_space<hbm>>)
      tpu.yield
    }) : () -> ()
    %add3A_116 = arith.constant 20 : i32
    %add3A_117 = arith.addi %mul3A_2, %add3A_116 : i32
    %scan3A_118 = arith.constant 0 : i32
    %scan3A_119 = arith.constant 0 : i32
    %scan3A_120 = arith.constant 3200 : i32
    %scan3A_121 = arith.addi %scan3A_119, %scan3A_120 : i32
    %scan3A_122 = arith.constant 1 : i32
    %scan3A_123 = scf.for %scan3A_407 = %scan3A_119 to %scan3A_121 step %scan3A_122 iter_args(%scan3A_408 = %scan3A_118) -> (i32)  : i32 {
      %broadcast_in_dim3A_409 = arith.constant 0.000000e+00 : f32
      %broadcast_in_dim3A_410 = vector.broadcast %broadcast_in_dim3A_409 : f32 to vector<16xf32>
      %mul3A_411 = arith.constant 16 : i32
      %mul3A_412 = arith.muli %scan3A_407, %mul3A_411 : i32
      %swap3A = arith.index_cast %mul3A_412 : i32 to index
      %swap3A_413 = tpu.vector_load %arg10[%swap3A] {strides = array<i32>} : memref<51200xf32, #tpu.memory_space<vmem>>, vector<16xf32>,
      tpu.vector_store %arg10[%swap3A], %broadcast_in_dim3A_410 {strides = array<i32>} : memref<51200xf32, #tpu.memory_space<vmem>>, vector<16xf32>,
      %scan3A_414 = arith.constant 0 : i32
      scf.yield %scan3A_414 : i32
    }
    %scan3A_124 = arith.constant 3200 : i32
    %add3A_125 = arith.constant 15 : i32
    %add3A_126 = arith.addi %add3A_27, %add3A_125 : i32
    %jit3A_127 = arith.constant 16 : i32
    %div3A_128 = arith.divsi %add3A_126, %jit3A_127 : i32
    %sign3A_129 = arith.constant 0 : i32
    %sign3A_130 = arith.cmpi sgt, %add3A_126, %sign3A_129 : i32
    %sign3A_131 = arith.extui %sign3A_130 : i1 to i32
    %sign3A_132 = arith.constant 0 : i32
    %sign3A_133 = arith.cmpi slt, %add3A_126, %sign3A_132 : i32
    %sign3A_134 = arith.extui %sign3A_133 : i1 to i32
    %sign3A_135 = arith.subi %sign3A_131, %sign3A_134 : i32
    %sign3A_136 = arith.constant 0 : i32
    %sign3A_137 = arith.cmpi sgt, %jit3A_127, %sign3A_136 : i32
    %sign3A_138 = arith.extui %sign3A_137 : i1 to i32
    %sign3A_139 = arith.constant 0 : i32
    %sign3A_140 = arith.cmpi slt, %jit3A_127, %sign3A_139 : i32
    %sign3A_141 = arith.extui %sign3A_140 : i1 to i32
    %sign3A_142 = arith.subi %sign3A_138, %sign3A_141 : i32
    %ne3A_143 = arith.cmpi ne, %sign3A_135, %sign3A_142 : i32
    %rem3A_144 = arith.remsi %add3A_126, %jit3A_127 : i32
    %ne3A_145 = arith.constant 0 : i32
    %ne3A_146 = arith.cmpi ne, %rem3A_144, %ne3A_145 : i32
    %and3A_147 = arith.andi %ne3A_143, %ne3A_146 : i1
    %sub3A_148 = arith.constant 1 : i32
    %sub3A_149 = arith.subi %div3A_128, %sub3A_148 : i32
    %select_n3A_150 = arith.select %and3A_147, %sub3A_149, %div3A_128 : i32
    %while3A_151 = arith.constant 0 : i32
    %while3A_152 = arith.constant 0 : i32
    %while3A_153 = arith.subi %select_n3A_150, %while3A_151 : i32
    %while3A_154 = arith.addi %while3A_151, %while3A_153 : i32
    %while3A_155 = arith.constant 1 : i32
    %while3A_156 = arith.divsi %while3A_153, %while3A_155 : i32
    %while3A_157 = arith.muli %while3A_156, %while3A_155 : i32
    %while3A_158 = arith.addi %while3A_151, %while3A_157 : i32
    %while3A_159 = arith.constant 1 : i32
    %while3A_160 = scf.for %while3A_407 = %while3A_151 to %while3A_158 step %while3A_159 iter_args(%while3A_408 = %while3A_152) -> (i32)  : i32 {
      %mul3A_409 = arith.constant 16 : i32
      %mul3A_410 = arith.muli %while3A_407, %mul3A_409 : i32
      %add3A_411 = vector.broadcast %mul3A_410 : i32 to vector<16xi32>
      %add3A_412 = arith.addi %add3A_411, %iota3A : vector<16xi32>
      %lt3A_413 = vector.broadcast %add3A_27 : i32 to vector<16xi32>
      %lt3A_414 = arith.cmpi slt, %add3A_412, %lt3A_413 : vector<16xi32>
      %mul3A_415 = arith.constant 16 : i32
      %mul3A_416 = arith.muli %while3A_407, %mul3A_415 : i32
      %get3A_417 = arith.index_cast %mul3A_416 : i32 to index
      %get3A_418 = tpu.vector_load %arg9[%get3A_417] {strides = array<i32>} : memref<7500xi32, #tpu.memory_space<vmem>>, vector<16xi32>,
      %jit3A_419 = arith.constant 0 : i32
      %broadcast_in_dim3A_420 = vector.broadcast %jit3A_419 : i32 to vector<16xi32>
      %select_n3A_421 = arith.select %lt3A_414, %get3A_418, %broadcast_in_dim3A_420 : vector<16xi1>, vector<16xi32>
      %gather3A_422 = tpu.vector_load_idx %arg7[%select_n3A_421] : memref<7500xi32, #tpu.memory_space<vmem>>[vector<16xi32>], vector<16xi32>,
      %ge3A_423 = vector.broadcast %add3A_117 : i32 to vector<16xi32>
      %ge3A_424 = arith.cmpi sge, %gather3A_422, %ge3A_423 : vector<16xi32>
      %and3A_425 = arith.andi %lt3A_414, %ge3A_424 : vector<16xi1>
      %add3A_426 = arith.constant 20 : i32
      %add3A_427 = arith.addi %add3A_117, %add3A_426 : i32
      %lt3A_428 = vector.broadcast %add3A_427 : i32 to vector<16xi32>
      %lt3A_429 = arith.cmpi slt, %gather3A_422, %lt3A_428 : vector<16xi32>
      %and3A_430 = arith.andi %and3A_425, %lt3A_429 : vector<16xi1>
      %gather3A_431 = tpu.vector_load_idx %arg6[%select_n3A_421] masked %and3A_430 : memref<7500xi32, #tpu.memory_space<vmem>>[vector<16xi32>], vector<16xi32>, vector<16xi1>
      %jit3A_432 = arith.constant 0 : i32
      %broadcast_in_dim3A_433 = vector.broadcast %jit3A_432 : i32 to vector<16xi32>
      %select_n3A_434 = arith.select %and3A_430, %gather3A_431, %broadcast_in_dim3A_433 : vector<16xi1>, vector<16xi32>
      %gather3A_435 = tpu.vector_load_idx %arg8[%select_n3A_434] : memref<2560xf32, #tpu.memory_space<vmem>>[vector<16xi32>], vector<16xf32>,
      %gather3A_436 = tpu.vector_load_idx %arg8[%gather3A_422] : memref<2560xf32, #tpu.memory_space<vmem>>[vector<16xi32>], vector<16xf32>,
      %mul3A_437 = arith.mulf %gather3A_435, %gather3A_436 : vector<16xf32>
      %sub3A_438 = vector.broadcast %add3A_117 : i32 to vector<16xi32>
      %sub3A_439 = arith.subi %gather3A_422, %sub3A_438 : vector<16xi32>
      %mul3A_440 = arith.constant 2560 : i32
      %mul3A_441 = vector.broadcast %mul3A_440 : i32 to vector<16xi32>
      %mul3A_442 = arith.muli %sub3A_439, %mul3A_441 : vector<16xi32>
      %add3A_443 = arith.addi %mul3A_442, %gather3A_431 : vector<16xi32>
      %jit3A_444 = arith.constant 0 : i32
      %broadcast_in_dim3A_445 = vector.broadcast %jit3A_444 : i32 to vector<16xi32>
      %select_n3A_446 = arith.select %and3A_430, %add3A_443, %broadcast_in_dim3A_445 : vector<16xi1>, vector<16xi32>
      %eq3A = arith.constant 0 : i32
      %eq3A_447 = vector.broadcast %eq3A : i32 to vector<16xi32>
      %eq3A_448 = arith.cmpi eq, %iota3A, %eq3A_447 : vector<16xi32>
      %and3A_449 = arith.andi %and3A_430, %eq3A_448 : vector<16xi1>
      tpu.vector_store_idx %arg10[%select_n3A_446], %mul3A_437 masked %and3A_449 {add = true} : memref<51200xf32, #tpu.memory_space<vmem>>[vector<16xi32>], vector<16xf32>, vector<16xi1>
      %eq3A_450 = arith.constant 1 : i32
      %eq3A_451 = vector.broadcast %eq3A_450 : i32 to vector<16xi32>
      %eq3A_452 = arith.cmpi eq, %iota3A, %eq3A_451 : vector<16xi32>
      %and3A_453 = arith.andi %and3A_430, %eq3A_452 : vector<16xi1>
      tpu.vector_store_idx %arg10[%select_n3A_446], %mul3A_437 masked %and3A_453 {add = true} : memref<51200xf32, #tpu.memory_space<vmem>>[vector<16xi32>], vector<16xf32>, vector<16xi1>
      %eq3A_454 = arith.constant 2 : i32
      %eq3A_455 = vector.broadcast %eq3A_454 : i32 to vector<16xi32>
      %eq3A_456 = arith.cmpi eq, %iota3A, %eq3A_455 : vector<16xi32>
      %and3A_457 = arith.andi %and3A_430, %eq3A_456 : vector<16xi1>
      tpu.vector_store_idx %arg10[%select_n3A_446], %mul3A_437 masked %and3A_457 {add = true} : memref<51200xf32, #tpu.memory_space<vmem>>[vector<16xi32>], vector<16xf32>, vector<16xi1>
      %eq3A_458 = arith.constant 3 : i32
      %eq3A_459 = vector.broadcast %eq3A_458 : i32 to vector<16xi32>
      %eq3A_460 = arith.cmpi eq, %iota3A, %eq3A_459 : vector<16xi32>
      %and3A_461 = arith.andi %and3A_430, %eq3A_460 : vector<16xi1>
      tpu.vector_store_idx %arg10[%select_n3A_446], %mul3A_437 masked %and3A_461 {add = true} : memref<51200xf32, #tpu.memory_space<vmem>>[vector<16xi32>], vector<16xf32>, vector<16xi1>
      %eq3A_462 = arith.constant 4 : i32
      %eq3A_463 = vector.broadcast %eq3A_462 : i32 to vector<16xi32>
      %eq3A_464 = arith.cmpi eq, %iota3A, %eq3A_463 : vector<16xi32>
      %and3A_465 = arith.andi %and3A_430, %eq3A_464 : vector<16xi1>
      tpu.vector_store_idx %arg10[%select_n3A_446], %mul3A_437 masked %and3A_465 {add = true} : memref<51200xf32, #tpu.memory_space<vmem>>[vector<16xi32>], vector<16xf32>, vector<16xi1>
      %eq3A_466 = arith.constant 5 : i32
      %eq3A_467 = vector.broadcast %eq3A_466 : i32 to vector<16xi32>
      %eq3A_468 = arith.cmpi eq, %iota3A, %eq3A_467 : vector<16xi32>
      %and3A_469 = arith.andi %and3A_430, %eq3A_468 : vector<16xi1>
      tpu.vector_store_idx %arg10[%select_n3A_446], %mul3A_437 masked %and3A_469 {add = true} : memref<51200xf32, #tpu.memory_space<vmem>>[vector<16xi32>], vector<16xf32>, vector<16xi1>
      %eq3A_470 = arith.constant 6 : i32
      %eq3A_471 = vector.broadcast %eq3A_470 : i32 to vector<16xi32>
      %eq3A_472 = arith.cmpi eq, %iota3A, %eq3A_471 : vector<16xi32>
      %and3A_473 = arith.andi %and3A_430, %eq3A_472 : vector<16xi1>
      tpu.vector_store_idx %arg10[%select_n3A_446], %mul3A_437 masked %and3A_473 {add = true} : memref<51200xf32, #tpu.memory_space<vmem>>[vector<16xi32>], vector<16xf32>, vector<16xi1>
      %eq3A_474 = arith.constant 7 : i32
      %eq3A_475 = vector.broadcast %eq3A_474 : i32 to vector<16xi32>
      %eq3A_476 = arith.cmpi eq, %iota3A, %eq3A_475 : vector<16xi32>
      %and3A_477 = arith.andi %and3A_430, %eq3A_476 : vector<16xi1>
      tpu.vector_store_idx %arg10[%select_n3A_446], %mul3A_437 masked %and3A_477 {add = true} : memref<51200xf32, #tpu.memory_space<vmem>>[vector<16xi32>], vector<16xf32>, vector<16xi1>
      %eq3A_478 = arith.constant 8 : i32
      %eq3A_479 = vector.broadcast %eq3A_478 : i32 to vector<16xi32>
      %eq3A_480 = arith.cmpi eq, %iota3A, %eq3A_479 : vector<16xi32>
      %and3A_481 = arith.andi %and3A_430, %eq3A_480 : vector<16xi1>
      tpu.vector_store_idx %arg10[%select_n3A_446], %mul3A_437 masked %and3A_481 {add = true} : memref<51200xf32, #tpu.memory_space<vmem>>[vector<16xi32>], vector<16xf32>, vector<16xi1>
      %eq3A_482 = arith.constant 9 : i32
      %eq3A_483 = vector.broadcast %eq3A_482 : i32 to vector<16xi32>
      %eq3A_484 = arith.cmpi eq, %iota3A, %eq3A_483 : vector<16xi32>
      %and3A_485 = arith.andi %and3A_430, %eq3A_484 : vector<16xi1>
      tpu.vector_store_idx %arg10[%select_n3A_446], %mul3A_437 masked %and3A_485 {add = true} : memref<51200xf32, #tpu.memory_space<vmem>>[vector<16xi32>], vector<16xf32>, vector<16xi1>
      %eq3A_486 = arith.constant 10 : i32
      %eq3A_487 = vector.broadcast %eq3A_486 : i32 to vector<16xi32>
      %eq3A_488 = arith.cmpi eq, %iota3A, %eq3A_487 : vector<16xi32>
      %and3A_489 = arith.andi %and3A_430, %eq3A_488 : vector<16xi1>
      tpu.vector_store_idx %arg10[%select_n3A_446], %mul3A_437 masked %and3A_489 {add = true} : memref<51200xf32, #tpu.memory_space<vmem>>[vector<16xi32>], vector<16xf32>, vector<16xi1>
      %eq3A_490 = arith.constant 11 : i32
      %eq3A_491 = vector.broadcast %eq3A_490 : i32 to vector<16xi32>
      %eq3A_492 = arith.cmpi eq, %iota3A, %eq3A_491 : vector<16xi32>
      %and3A_493 = arith.andi %and3A_430, %eq3A_492 : vector<16xi1>
      tpu.vector_store_idx %arg10[%select_n3A_446], %mul3A_437 masked %and3A_493 {add = true} : memref<51200xf32, #tpu.memory_space<vmem>>[vector<16xi32>], vector<16xf32>, vector<16xi1>
      %eq3A_494 = arith.constant 12 : i32
      %eq3A_495 = vector.broadcast %eq3A_494 : i32 to vector<16xi32>
      %eq3A_496 = arith.cmpi eq, %iota3A, %eq3A_495 : vector<16xi32>
      %and3A_497 = arith.andi %and3A_430, %eq3A_496 : vector<16xi1>
      tpu.vector_store_idx %arg10[%select_n3A_446], %mul3A_437 masked %and3A_497 {add = true} : memref<51200xf32, #tpu.memory_space<vmem>>[vector<16xi32>], vector<16xf32>, vector<16xi1>
      %eq3A_498 = arith.constant 13 : i32
      %eq3A_499 = vector.broadcast %eq3A_498 : i32 to vector<16xi32>
      %eq3A_500 = arith.cmpi eq, %iota3A, %eq3A_499 : vector<16xi32>
      %and3A_501 = arith.andi %and3A_430, %eq3A_500 : vector<16xi1>
      tpu.vector_store_idx %arg10[%select_n3A_446], %mul3A_437 masked %and3A_501 {add = true} : memref<51200xf32, #tpu.memory_space<vmem>>[vector<16xi32>], vector<16xf32>, vector<16xi1>
      %eq3A_502 = arith.constant 14 : i32
      %eq3A_503 = vector.broadcast %eq3A_502 : i32 to vector<16xi32>
      %eq3A_504 = arith.cmpi eq, %iota3A, %eq3A_503 : vector<16xi32>
      %and3A_505 = arith.andi %and3A_430, %eq3A_504 : vector<16xi1>
      tpu.vector_store_idx %arg10[%select_n3A_446], %mul3A_437 masked %and3A_505 {add = true} : memref<51200xf32, #tpu.memory_space<vmem>>[vector<16xi32>], vector<16xf32>, vector<16xi1>
      %eq3A_506 = arith.constant 15 : i32
      %eq3A_507 = vector.broadcast %eq3A_506 : i32 to vector<16xi32>
      %eq3A_508 = arith.cmpi eq, %iota3A, %eq3A_507 : vector<16xi32>
      %and3A_509 = arith.andi %and3A_430, %eq3A_508 : vector<16xi1>
      tpu.vector_store_idx %arg10[%select_n3A_446], %mul3A_437 masked %and3A_509 {add = true} : memref<51200xf32, #tpu.memory_space<vmem>>[vector<16xi32>], vector<16xf32>, vector<16xi1>
      %while3A_510 = arith.constant 0 : i32
      scf.yield %while3A_510 : i32
    }
    %while3A_161 = arith.constant 1 : i32
    %while3A_162 = scf.for %while3A_407 = %while3A_158 to %while3A_154 step %while3A_161 iter_args(%while3A_408 = %while3A_160) -> (i32)  : i32 {
      %mul3A_409 = arith.constant 16 : i32
      %mul3A_410 = arith.muli %while3A_407, %mul3A_409 : i32
      %add3A_411 = vector.broadcast %mul3A_410 : i32 to vector<16xi32>
      %add3A_412 = arith.addi %add3A_411, %iota3A : vector<16xi32>
      %lt3A_413 = vector.broadcast %add3A_27 : i32 to vector<16xi32>
      %lt3A_414 = arith.cmpi slt, %add3A_412, %lt3A_413 : vector<16xi32>
      %mul3A_415 = arith.constant 16 : i32
      %mul3A_416 = arith.muli %while3A_407, %mul3A_415 : i32
      %get3A_417 = arith.index_cast %mul3A_416 : i32 to index
      %get3A_418 = tpu.vector_load %arg9[%get3A_417] {strides = array<i32>} : memref<7500xi32, #tpu.memory_space<vmem>>, vector<16xi32>,
      %jit3A_419 = arith.constant 0 : i32
      %broadcast_in_dim3A_420 = vector.broadcast %jit3A_419 : i32 to vector<16xi32>
      %select_n3A_421 = arith.select %lt3A_414, %get3A_418, %broadcast_in_dim3A_420 : vector<16xi1>, vector<16xi32>
      %gather3A_422 = tpu.vector_load_idx %arg7[%select_n3A_421] : memref<7500xi32, #tpu.memory_space<vmem>>[vector<16xi32>], vector<16xi32>,
      %ge3A_423 = vector.broadcast %add3A_117 : i32 to vector<16xi32>
      %ge3A_424 = arith.cmpi sge, %gather3A_422, %ge3A_423 : vector<16xi32>
      %and3A_425 = arith.andi %lt3A_414, %ge3A_424 : vector<16xi1>
      %add3A_426 = arith.constant 20 : i32
      %add3A_427 = arith.addi %add3A_117, %add3A_426 : i32
      %lt3A_428 = vector.broadcast %add3A_427 : i32 to vector<16xi32>
      %lt3A_429 = arith.cmpi slt, %gather3A_422, %lt3A_428 : vector<16xi32>
      %and3A_430 = arith.andi %and3A_425, %lt3A_429 : vector<16xi1>
      %gather3A_431 = tpu.vector_load_idx %arg6[%select_n3A_421] masked %and3A_430 : memref<7500xi32, #tpu.memory_space<vmem>>[vector<16xi32>], vector<16xi32>, vector<16xi1>
      %jit3A_432 = arith.constant 0 : i32
      %broadcast_in_dim3A_433 = vector.broadcast %jit3A_432 : i32 to vector<16xi32>
      %select_n3A_434 = arith.select %and3A_430, %gather3A_431, %broadcast_in_dim3A_433 : vector<16xi1>, vector<16xi32>
      %gather3A_435 = tpu.vector_load_idx %arg8[%select_n3A_434] : memref<2560xf32, #tpu.memory_space<vmem>>[vector<16xi32>], vector<16xf32>,
      %gather3A_436 = tpu.vector_load_idx %arg8[%gather3A_422] : memref<2560xf32, #tpu.memory_space<vmem>>[vector<16xi32>], vector<16xf32>,
      %mul3A_437 = arith.mulf %gather3A_435, %gather3A_436 : vector<16xf32>
      %sub3A_438 = vector.broadcast %add3A_117 : i32 to vector<16xi32>
      %sub3A_439 = arith.subi %gather3A_422, %sub3A_438 : vector<16xi32>
      %mul3A_440 = arith.constant 2560 : i32
      %mul3A_441 = vector.broadcast %mul3A_440 : i32 to vector<16xi32>
      %mul3A_442 = arith.muli %sub3A_439, %mul3A_441 : vector<16xi32>
      %add3A_443 = arith.addi %mul3A_442, %gather3A_431 : vector<16xi32>
      %jit3A_444 = arith.constant 0 : i32
      %broadcast_in_dim3A_445 = vector.broadcast %jit3A_444 : i32 to vector<16xi32>
      %select_n3A_446 = arith.select %and3A_430, %add3A_443, %broadcast_in_dim3A_445 : vector<16xi1>, vector<16xi32>
      %eq3A = arith.constant 0 : i32
      %eq3A_447 = vector.broadcast %eq3A : i32 to vector<16xi32>
      %eq3A_448 = arith.cmpi eq, %iota3A, %eq3A_447 : vector<16xi32>
      %and3A_449 = arith.andi %and3A_430, %eq3A_448 : vector<16xi1>
      tpu.vector_store_idx %arg10[%select_n3A_446], %mul3A_437 masked %and3A_449 {add = true} : memref<51200xf32, #tpu.memory_space<vmem>>[vector<16xi32>], vector<16xf32>, vector<16xi1>
      %eq3A_450 = arith.constant 1 : i32
      %eq3A_451 = vector.broadcast %eq3A_450 : i32 to vector<16xi32>
      %eq3A_452 = arith.cmpi eq, %iota3A, %eq3A_451 : vector<16xi32>
      %and3A_453 = arith.andi %and3A_430, %eq3A_452 : vector<16xi1>
      tpu.vector_store_idx %arg10[%select_n3A_446], %mul3A_437 masked %and3A_453 {add = true} : memref<51200xf32, #tpu.memory_space<vmem>>[vector<16xi32>], vector<16xf32>, vector<16xi1>
      %eq3A_454 = arith.constant 2 : i32
      %eq3A_455 = vector.broadcast %eq3A_454 : i32 to vector<16xi32>
      %eq3A_456 = arith.cmpi eq, %iota3A, %eq3A_455 : vector<16xi32>
      %and3A_457 = arith.andi %and3A_430, %eq3A_456 : vector<16xi1>
      tpu.vector_store_idx %arg10[%select_n3A_446], %mul3A_437 masked %and3A_457 {add = true} : memref<51200xf32, #tpu.memory_space<vmem>>[vector<16xi32>], vector<16xf32>, vector<16xi1>
      %eq3A_458 = arith.constant 3 : i32
      %eq3A_459 = vector.broadcast %eq3A_458 : i32 to vector<16xi32>
      %eq3A_460 = arith.cmpi eq, %iota3A, %eq3A_459 : vector<16xi32>
      %and3A_461 = arith.andi %and3A_430, %eq3A_460 : vector<16xi1>
      tpu.vector_store_idx %arg10[%select_n3A_446], %mul3A_437 masked %and3A_461 {add = true} : memref<51200xf32, #tpu.memory_space<vmem>>[vector<16xi32>], vector<16xf32>, vector<16xi1>
      %eq3A_462 = arith.constant 4 : i32
      %eq3A_463 = vector.broadcast %eq3A_462 : i32 to vector<16xi32>
      %eq3A_464 = arith.cmpi eq, %iota3A, %eq3A_463 : vector<16xi32>
      %and3A_465 = arith.andi %and3A_430, %eq3A_464 : vector<16xi1>
      tpu.vector_store_idx %arg10[%select_n3A_446], %mul3A_437 masked %and3A_465 {add = true} : memref<51200xf32, #tpu.memory_space<vmem>>[vector<16xi32>], vector<16xf32>, vector<16xi1>
      %eq3A_466 = arith.constant 5 : i32
      %eq3A_467 = vector.broadcast %eq3A_466 : i32 to vector<16xi32>
      %eq3A_468 = arith.cmpi eq, %iota3A, %eq3A_467 : vector<16xi32>
      %and3A_469 = arith.andi %and3A_430, %eq3A_468 : vector<16xi1>
      tpu.vector_store_idx %arg10[%select_n3A_446], %mul3A_437 masked %and3A_469 {add = true} : memref<51200xf32, #tpu.memory_space<vmem>>[vector<16xi32>], vector<16xf32>, vector<16xi1>
      %eq3A_470 = arith.constant 6 : i32
      %eq3A_471 = vector.broadcast %eq3A_470 : i32 to vector<16xi32>
      %eq3A_472 = arith.cmpi eq, %iota3A, %eq3A_471 : vector<16xi32>
      %and3A_473 = arith.andi %and3A_430, %eq3A_472 : vector<16xi1>
      tpu.vector_store_idx %arg10[%select_n3A_446], %mul3A_437 masked %and3A_473 {add = true} : memref<51200xf32, #tpu.memory_space<vmem>>[vector<16xi32>], vector<16xf32>, vector<16xi1>
      %eq3A_474 = arith.constant 7 : i32
      %eq3A_475 = vector.broadcast %eq3A_474 : i32 to vector<16xi32>
      %eq3A_476 = arith.cmpi eq, %iota3A, %eq3A_475 : vector<16xi32>
      %and3A_477 = arith.andi %and3A_430, %eq3A_476 : vector<16xi1>
      tpu.vector_store_idx %arg10[%select_n3A_446], %mul3A_437 masked %and3A_477 {add = true} : memref<51200xf32, #tpu.memory_space<vmem>>[vector<16xi32>], vector<16xf32>, vector<16xi1>
      %eq3A_478 = arith.constant 8 : i32
      %eq3A_479 = vector.broadcast %eq3A_478 : i32 to vector<16xi32>
      %eq3A_480 = arith.cmpi eq, %iota3A, %eq3A_479 : vector<16xi32>
      %and3A_481 = arith.andi %and3A_430, %eq3A_480 : vector<16xi1>
      tpu.vector_store_idx %arg10[%select_n3A_446], %mul3A_437 masked %and3A_481 {add = true} : memref<51200xf32, #tpu.memory_space<vmem>>[vector<16xi32>], vector<16xf32>, vector<16xi1>
      %eq3A_482 = arith.constant 9 : i32
      %eq3A_483 = vector.broadcast %eq3A_482 : i32 to vector<16xi32>
      %eq3A_484 = arith.cmpi eq, %iota3A, %eq3A_483 : vector<16xi32>
      %and3A_485 = arith.andi %and3A_430, %eq3A_484 : vector<16xi1>
      tpu.vector_store_idx %arg10[%select_n3A_446], %mul3A_437 masked %and3A_485 {add = true} : memref<51200xf32, #tpu.memory_space<vmem>>[vector<16xi32>], vector<16xf32>, vector<16xi1>
      %eq3A_486 = arith.constant 10 : i32
      %eq3A_487 = vector.broadcast %eq3A_486 : i32 to vector<16xi32>
      %eq3A_488 = arith.cmpi eq, %iota3A, %eq3A_487 : vector<16xi32>
      %and3A_489 = arith.andi %and3A_430, %eq3A_488 : vector<16xi1>
      tpu.vector_store_idx %arg10[%select_n3A_446], %mul3A_437 masked %and3A_489 {add = true} : memref<51200xf32, #tpu.memory_space<vmem>>[vector<16xi32>], vector<16xf32>, vector<16xi1>
      %eq3A_490 = arith.constant 11 : i32
      %eq3A_491 = vector.broadcast %eq3A_490 : i32 to vector<16xi32>
      %eq3A_492 = arith.cmpi eq, %iota3A, %eq3A_491 : vector<16xi32>
      %and3A_493 = arith.andi %and3A_430, %eq3A_492 : vector<16xi1>
      tpu.vector_store_idx %arg10[%select_n3A_446], %mul3A_437 masked %and3A_493 {add = true} : memref<51200xf32, #tpu.memory_space<vmem>>[vector<16xi32>], vector<16xf32>, vector<16xi1>
      %eq3A_494 = arith.constant 12 : i32
      %eq3A_495 = vector.broadcast %eq3A_494 : i32 to vector<16xi32>
      %eq3A_496 = arith.cmpi eq, %iota3A, %eq3A_495 : vector<16xi32>
      %and3A_497 = arith.andi %and3A_430, %eq3A_496 : vector<16xi1>
      tpu.vector_store_idx %arg10[%select_n3A_446], %mul3A_437 masked %and3A_497 {add = true} : memref<51200xf32, #tpu.memory_space<vmem>>[vector<16xi32>], vector<16xf32>, vector<16xi1>
      %eq3A_498 = arith.constant 13 : i32
      %eq3A_499 = vector.broadcast %eq3A_498 : i32 to vector<16xi32>
      %eq3A_500 = arith.cmpi eq, %iota3A, %eq3A_499 : vector<16xi32>
      %and3A_501 = arith.andi %and3A_430, %eq3A_500 : vector<16xi1>
      tpu.vector_store_idx %arg10[%select_n3A_446], %mul3A_437 masked %and3A_501 {add = true} : memref<51200xf32, #tpu.memory_space<vmem>>[vector<16xi32>], vector<16xf32>, vector<16xi1>
      %eq3A_502 = arith.constant 14 : i32
      %eq3A_503 = vector.broadcast %eq3A_502 : i32 to vector<16xi32>
      %eq3A_504 = arith.cmpi eq, %iota3A, %eq3A_503 : vector<16xi32>
      %and3A_505 = arith.andi %and3A_430, %eq3A_504 : vector<16xi1>
      tpu.vector_store_idx %arg10[%select_n3A_446], %mul3A_437 masked %and3A_505 {add = true} : memref<51200xf32, #tpu.memory_space<vmem>>[vector<16xi32>], vector<16xf32>, vector<16xi1>
      %eq3A_506 = arith.constant 15 : i32
      %eq3A_507 = vector.broadcast %eq3A_506 : i32 to vector<16xi32>
      %eq3A_508 = arith.cmpi eq, %iota3A, %eq3A_507 : vector<16xi32>
      %and3A_509 = arith.andi %and3A_430, %eq3A_508 : vector<16xi1>
      tpu.vector_store_idx %arg10[%select_n3A_446], %mul3A_437 masked %and3A_509 {add = true} : memref<51200xf32, #tpu.memory_space<vmem>>[vector<16xi32>], vector<16xf32>, vector<16xi1>
      %while3A_510 = arith.constant 0 : i32
      scf.yield %while3A_510 : i32
    }
    %add3A_163 = arith.constant 0 : i32
    %add3A_164 = vector.broadcast %add3A_163 : i32 to vector<16xi32>
    %add3A_165 = arith.addi %add3A_164, %iota3A : vector<16xi32>
    %add3A_166 = vector.broadcast %add3A_117 : i32 to vector<16xi32>
    %add3A_167 = arith.addi %add3A_166, %add3A_165 : vector<16xi32>
    %lt3A_168 = arith.constant 20 : i32
    %lt3A_169 = vector.broadcast %lt3A_168 : i32 to vector<16xi32>
    %lt3A_170 = arith.cmpi slt, %add3A_165, %lt3A_169 : vector<16xi32>
    %lt3A_171 = arith.constant 2500 : i32
    %lt3A_172 = vector.broadcast %lt3A_171 : i32 to vector<16xi32>
    %lt3A_173 = arith.cmpi slt, %add3A_167, %lt3A_172 : vector<16xi32>
    %and3A_174 = arith.andi %lt3A_170, %lt3A_173 : vector<16xi1>
    %jit3A_175 = arith.constant 0 : i32
    %broadcast_in_dim3A_176 = vector.broadcast %jit3A_175 : i32 to vector<16xi32>
    %select_n3A_177 = arith.select %and3A_174, %add3A_167, %broadcast_in_dim3A_176 : vector<16xi1>, vector<16xi32>
    %gather3A_178 = tpu.vector_load_idx %arg8[%select_n3A_177] : memref<2560xf32, #tpu.memory_space<vmem>>[vector<16xi32>], vector<16xf32>,
    %mul3A_179 = arith.constant 2560 : i32
    %mul3A_180 = vector.broadcast %mul3A_179 : i32 to vector<16xi32>
    %mul3A_181 = arith.muli %add3A_165, %mul3A_180 : vector<16xi32>
    %add3A_182 = arith.addi %mul3A_181, %select_n3A_177 : vector<16xi32>
    %jit3A_183 = arith.constant 0 : i32
    %broadcast_in_dim3A_184 = vector.broadcast %jit3A_183 : i32 to vector<16xi32>
    %select_n3A_185 = arith.select %and3A_174, %add3A_182, %broadcast_in_dim3A_184 : vector<16xi1>, vector<16xi32>
    %mul3A_186 = arith.mulf %gather3A_178, %gather3A_178 : vector<16xf32>
    tpu.vector_store_idx %arg10[%select_n3A_185], %mul3A_186 masked %and3A_174 {add = true} : memref<51200xf32, #tpu.memory_space<vmem>>[vector<16xi32>], vector<16xf32>, vector<16xi1>
    %add3A_187 = arith.constant 16 : i32
    %add3A_188 = vector.broadcast %add3A_187 : i32 to vector<16xi32>
    %add3A_189 = arith.addi %add3A_188, %iota3A : vector<16xi32>
    %add3A_190 = vector.broadcast %add3A_117 : i32 to vector<16xi32>
    %add3A_191 = arith.addi %add3A_190, %add3A_189 : vector<16xi32>
    %lt3A_192 = arith.constant 20 : i32
    %lt3A_193 = vector.broadcast %lt3A_192 : i32 to vector<16xi32>
    %lt3A_194 = arith.cmpi slt, %add3A_189, %lt3A_193 : vector<16xi32>
    %lt3A_195 = arith.constant 2500 : i32
    %lt3A_196 = vector.broadcast %lt3A_195 : i32 to vector<16xi32>
    %lt3A_197 = arith.cmpi slt, %add3A_191, %lt3A_196 : vector<16xi32>
    %and3A_198 = arith.andi %lt3A_194, %lt3A_197 : vector<16xi1>
    %jit3A_199 = arith.constant 0 : i32
    %broadcast_in_dim3A_200 = vector.broadcast %jit3A_199 : i32 to vector<16xi32>
    %select_n3A_201 = arith.select %and3A_198, %add3A_191, %broadcast_in_dim3A_200 : vector<16xi1>, vector<16xi32>
    %gather3A_202 = tpu.vector_load_idx %arg8[%select_n3A_201] : memref<2560xf32, #tpu.memory_space<vmem>>[vector<16xi32>], vector<16xf32>,
    %mul3A_203 = arith.constant 2560 : i32
    %mul3A_204 = vector.broadcast %mul3A_203 : i32 to vector<16xi32>
    %mul3A_205 = arith.muli %add3A_189, %mul3A_204 : vector<16xi32>
    %add3A_206 = arith.addi %mul3A_205, %select_n3A_201 : vector<16xi32>
    %jit3A_207 = arith.constant 0 : i32
    %broadcast_in_dim3A_208 = vector.broadcast %jit3A_207 : i32 to vector<16xi32>
    %select_n3A_209 = arith.select %and3A_198, %add3A_206, %broadcast_in_dim3A_208 : vector<16xi1>, vector<16xi32>
    %mul3A_210 = arith.mulf %gather3A_202, %gather3A_202 : vector<16xf32>
    tpu.vector_store_idx %arg10[%select_n3A_209], %mul3A_210 masked %and3A_198 {add = true} : memref<51200xf32, #tpu.memory_space<vmem>>[vector<16xi32>], vector<16xf32>, vector<16xi1>
    %mul3A_211 = arith.constant 2560 : i32
    %mul3A_212 = arith.muli %add3A_117, %mul3A_211 : i32
    "tpu.region"() ({
      %run_scoped3A = tpu.sem_alloc : memref<!tpu.dma_semaphore, #tpu.memory_space<semaphore_mem>>
      %dma_start3A = tpu.memref_slice %arg5[%mul3A_212] : memref<6553600xf32, #tpu.memory_space<hbm>> -> memref<51200xf32, #tpu.memory_space<hbm>>
      %dma_start3A_407 = tpu.memref_slice %arg5[%mul3A_212] : memref<6553600xf32, #tpu.memory_space<hbm>> -> memref<51200xf32, #tpu.memory_space<hbm>>
      tpu.enqueue_dma source(%arg10 : memref<51200xf32, #tpu.memory_space<vmem>>) target(%dma_start3A_407 : memref<51200xf32, #tpu.memory_space<hbm>>) target_semaphore(%run_scoped3A : memref<!tpu.dma_semaphore, #tpu.memory_space<semaphore_mem>>)
      %dma_wait3A = tpu.memref_slice %arg5[%mul3A_212] : memref<6553600xf32, #tpu.memory_space<hbm>> -> memref<51200xf32, #tpu.memory_space<hbm>>
      %dma_wait3A_408 = tpu.memref_slice %arg5[%mul3A_212] : memref<6553600xf32, #tpu.memory_space<hbm>> -> memref<51200xf32, #tpu.memory_space<hbm>>
      tpu.wait_dma2 semaphore(%run_scoped3A : memref<!tpu.dma_semaphore, #tpu.memory_space<semaphore_mem>>) src(%arg10 : memref<51200xf32, #tpu.memory_space<vmem>>) dst(%dma_wait3A_408 : memref<51200xf32, #tpu.memory_space<hbm>>)
      tpu.yield
    }) : () -> ()
    %add3A_213 = arith.constant 40 : i32
    %add3A_214 = arith.addi %mul3A_2, %add3A_213 : i32
    %scan3A_215 = arith.constant 0 : i32
    %scan3A_216 = arith.constant 0 : i32
    %scan3A_217 = arith.constant 3200 : i32
    %scan3A_218 = arith.addi %scan3A_216, %scan3A_217 : i32
    %scan3A_219 = arith.constant 1 : i32
    %scan3A_220 = scf.for %scan3A_407 = %scan3A_216 to %scan3A_218 step %scan3A_219 iter_args(%scan3A_408 = %scan3A_215) -> (i32)  : i32 {
      %broadcast_in_dim3A_409 = arith.constant 0.000000e+00 : f32
      %broadcast_in_dim3A_410 = vector.broadcast %broadcast_in_dim3A_409 : f32 to vector<16xf32>
      %mul3A_411 = arith.constant 16 : i32
      %mul3A_412 = arith.muli %scan3A_407, %mul3A_411 : i32
      %swap3A = arith.index_cast %mul3A_412 : i32 to index
      %swap3A_413 = tpu.vector_load %arg10[%swap3A] {strides = array<i32>} : memref<51200xf32, #tpu.memory_space<vmem>>, vector<16xf32>,
      tpu.vector_store %arg10[%swap3A], %broadcast_in_dim3A_410 {strides = array<i32>} : memref<51200xf32, #tpu.memory_space<vmem>>, vector<16xf32>,
      %scan3A_414 = arith.constant 0 : i32
      scf.yield %scan3A_414 : i32
    }
    %scan3A_221 = arith.constant 3200 : i32
    %add3A_222 = arith.constant 15 : i32
    %add3A_223 = arith.addi %add3A_27, %add3A_222 : i32
    %jit3A_224 = arith.constant 16 : i32
    %div3A_225 = arith.divsi %add3A_223, %jit3A_224 : i32
    %sign3A_226 = arith.constant 0 : i32
    %sign3A_227 = arith.cmpi sgt, %add3A_223, %sign3A_226 : i32
    %sign3A_228 = arith.extui %sign3A_227 : i1 to i32
    %sign3A_229 = arith.constant 0 : i32
    %sign3A_230 = arith.cmpi slt, %add3A_223, %sign3A_229 : i32
    %sign3A_231 = arith.extui %sign3A_230 : i1 to i32
    %sign3A_232 = arith.subi %sign3A_228, %sign3A_231 : i32
    %sign3A_233 = arith.constant 0 : i32
    %sign3A_234 = arith.cmpi sgt, %jit3A_224, %sign3A_233 : i32
    %sign3A_235 = arith.extui %sign3A_234 : i1 to i32
    %sign3A_236 = arith.constant 0 : i32
    %sign3A_237 = arith.cmpi slt, %jit3A_224, %sign3A_236 : i32
    %sign3A_238 = arith.extui %sign3A_237 : i1 to i32
    %sign3A_239 = arith.subi %sign3A_235, %sign3A_238 : i32
    %ne3A_240 = arith.cmpi ne, %sign3A_232, %sign3A_239 : i32
    %rem3A_241 = arith.remsi %add3A_223, %jit3A_224 : i32
    %ne3A_242 = arith.constant 0 : i32
    %ne3A_243 = arith.cmpi ne, %rem3A_241, %ne3A_242 : i32
    %and3A_244 = arith.andi %ne3A_240, %ne3A_243 : i1
    %sub3A_245 = arith.constant 1 : i32
    %sub3A_246 = arith.subi %div3A_225, %sub3A_245 : i32
    %select_n3A_247 = arith.select %and3A_244, %sub3A_246, %div3A_225 : i32
    %while3A_248 = arith.constant 0 : i32
    %while3A_249 = arith.constant 0 : i32
    %while3A_250 = arith.subi %select_n3A_247, %while3A_248 : i32
    %while3A_251 = arith.addi %while3A_248, %while3A_250 : i32
    %while3A_252 = arith.constant 1 : i32
    %while3A_253 = arith.divsi %while3A_250, %while3A_252 : i32
    %while3A_254 = arith.muli %while3A_253, %while3A_252 : i32
    %while3A_255 = arith.addi %while3A_248, %while3A_254 : i32
    %while3A_256 = arith.constant 1 : i32
    %while3A_257 = scf.for %while3A_407 = %while3A_248 to %while3A_255 step %while3A_256 iter_args(%while3A_408 = %while3A_249) -> (i32)  : i32 {
      %mul3A_409 = arith.constant 16 : i32
      %mul3A_410 = arith.muli %while3A_407, %mul3A_409 : i32
      %add3A_411 = vector.broadcast %mul3A_410 : i32 to vector<16xi32>
      %add3A_412 = arith.addi %add3A_411, %iota3A : vector<16xi32>
      %lt3A_413 = vector.broadcast %add3A_27 : i32 to vector<16xi32>
      %lt3A_414 = arith.cmpi slt, %add3A_412, %lt3A_413 : vector<16xi32>
      %mul3A_415 = arith.constant 16 : i32
      %mul3A_416 = arith.muli %while3A_407, %mul3A_415 : i32
      %get3A_417 = arith.index_cast %mul3A_416 : i32 to index
      %get3A_418 = tpu.vector_load %arg9[%get3A_417] {strides = array<i32>} : memref<7500xi32, #tpu.memory_space<vmem>>, vector<16xi32>,
      %jit3A_419 = arith.constant 0 : i32
      %broadcast_in_dim3A_420 = vector.broadcast %jit3A_419 : i32 to vector<16xi32>
      %select_n3A_421 = arith.select %lt3A_414, %get3A_418, %broadcast_in_dim3A_420 : vector<16xi1>, vector<16xi32>
      %gather3A_422 = tpu.vector_load_idx %arg7[%select_n3A_421] : memref<7500xi32, #tpu.memory_space<vmem>>[vector<16xi32>], vector<16xi32>,
      %ge3A_423 = vector.broadcast %add3A_214 : i32 to vector<16xi32>
      %ge3A_424 = arith.cmpi sge, %gather3A_422, %ge3A_423 : vector<16xi32>
      %and3A_425 = arith.andi %lt3A_414, %ge3A_424 : vector<16xi1>
      %add3A_426 = arith.constant 20 : i32
      %add3A_427 = arith.addi %add3A_214, %add3A_426 : i32
      %lt3A_428 = vector.broadcast %add3A_427 : i32 to vector<16xi32>
      %lt3A_429 = arith.cmpi slt, %gather3A_422, %lt3A_428 : vector<16xi32>
      %and3A_430 = arith.andi %and3A_425, %lt3A_429 : vector<16xi1>
      %gather3A_431 = tpu.vector_load_idx %arg6[%select_n3A_421] masked %and3A_430 : memref<7500xi32, #tpu.memory_space<vmem>>[vector<16xi32>], vector<16xi32>, vector<16xi1>
      %jit3A_432 = arith.constant 0 : i32
      %broadcast_in_dim3A_433 = vector.broadcast %jit3A_432 : i32 to vector<16xi32>
      %select_n3A_434 = arith.select %and3A_430, %gather3A_431, %broadcast_in_dim3A_433 : vector<16xi1>, vector<16xi32>
      %gather3A_435 = tpu.vector_load_idx %arg8[%select_n3A_434] : memref<2560xf32, #tpu.memory_space<vmem>>[vector<16xi32>], vector<16xf32>,
      %gather3A_436 = tpu.vector_load_idx %arg8[%gather3A_422] : memref<2560xf32, #tpu.memory_space<vmem>>[vector<16xi32>], vector<16xf32>,
      %mul3A_437 = arith.mulf %gather3A_435, %gather3A_436 : vector<16xf32>
      %sub3A_438 = vector.broadcast %add3A_214 : i32 to vector<16xi32>
      %sub3A_439 = arith.subi %gather3A_422, %sub3A_438 : vector<16xi32>
      %mul3A_440 = arith.constant 2560 : i32
      %mul3A_441 = vector.broadcast %mul3A_440 : i32 to vector<16xi32>
      %mul3A_442 = arith.muli %sub3A_439, %mul3A_441 : vector<16xi32>
      %add3A_443 = arith.addi %mul3A_442, %gather3A_431 : vector<16xi32>
      %jit3A_444 = arith.constant 0 : i32
      %broadcast_in_dim3A_445 = vector.broadcast %jit3A_444 : i32 to vector<16xi32>
      %select_n3A_446 = arith.select %and3A_430, %add3A_443, %broadcast_in_dim3A_445 : vector<16xi1>, vector<16xi32>
      %eq3A = arith.constant 0 : i32
      %eq3A_447 = vector.broadcast %eq3A : i32 to vector<16xi32>
      %eq3A_448 = arith.cmpi eq, %iota3A, %eq3A_447 : vector<16xi32>
      %and3A_449 = arith.andi %and3A_430, %eq3A_448 : vector<16xi1>
      tpu.vector_store_idx %arg10[%select_n3A_446], %mul3A_437 masked %and3A_449 {add = true} : memref<51200xf32, #tpu.memory_space<vmem>>[vector<16xi32>], vector<16xf32>, vector<16xi1>
      %eq3A_450 = arith.constant 1 : i32
      %eq3A_451 = vector.broadcast %eq3A_450 : i32 to vector<16xi32>
      %eq3A_452 = arith.cmpi eq, %iota3A, %eq3A_451 : vector<16xi32>
      %and3A_453 = arith.andi %and3A_430, %eq3A_452 : vector<16xi1>
      tpu.vector_store_idx %arg10[%select_n3A_446], %mul3A_437 masked %and3A_453 {add = true} : memref<51200xf32, #tpu.memory_space<vmem>>[vector<16xi32>], vector<16xf32>, vector<16xi1>
      %eq3A_454 = arith.constant 2 : i32
      %eq3A_455 = vector.broadcast %eq3A_454 : i32 to vector<16xi32>
      %eq3A_456 = arith.cmpi eq, %iota3A, %eq3A_455 : vector<16xi32>
      %and3A_457 = arith.andi %and3A_430, %eq3A_456 : vector<16xi1>
      tpu.vector_store_idx %arg10[%select_n3A_446], %mul3A_437 masked %and3A_457 {add = true} : memref<51200xf32, #tpu.memory_space<vmem>>[vector<16xi32>], vector<16xf32>, vector<16xi1>
      %eq3A_458 = arith.constant 3 : i32
      %eq3A_459 = vector.broadcast %eq3A_458 : i32 to vector<16xi32>
      %eq3A_460 = arith.cmpi eq, %iota3A, %eq3A_459 : vector<16xi32>
      %and3A_461 = arith.andi %and3A_430, %eq3A_460 : vector<16xi1>
      tpu.vector_store_idx %arg10[%select_n3A_446], %mul3A_437 masked %and3A_461 {add = true} : memref<51200xf32, #tpu.memory_space<vmem>>[vector<16xi32>], vector<16xf32>, vector<16xi1>
      %eq3A_462 = arith.constant 4 : i32
      %eq3A_463 = vector.broadcast %eq3A_462 : i32 to vector<16xi32>
      %eq3A_464 = arith.cmpi eq, %iota3A, %eq3A_463 : vector<16xi32>
      %and3A_465 = arith.andi %and3A_430, %eq3A_464 : vector<16xi1>
      tpu.vector_store_idx %arg10[%select_n3A_446], %mul3A_437 masked %and3A_465 {add = true} : memref<51200xf32, #tpu.memory_space<vmem>>[vector<16xi32>], vector<16xf32>, vector<16xi1>
      %eq3A_466 = arith.constant 5 : i32
      %eq3A_467 = vector.broadcast %eq3A_466 : i32 to vector<16xi32>
      %eq3A_468 = arith.cmpi eq, %iota3A, %eq3A_467 : vector<16xi32>
      %and3A_469 = arith.andi %and3A_430, %eq3A_468 : vector<16xi1>
      tpu.vector_store_idx %arg10[%select_n3A_446], %mul3A_437 masked %and3A_469 {add = true} : memref<51200xf32, #tpu.memory_space<vmem>>[vector<16xi32>], vector<16xf32>, vector<16xi1>
      %eq3A_470 = arith.constant 6 : i32
      %eq3A_471 = vector.broadcast %eq3A_470 : i32 to vector<16xi32>
      %eq3A_472 = arith.cmpi eq, %iota3A, %eq3A_471 : vector<16xi32>
      %and3A_473 = arith.andi %and3A_430, %eq3A_472 : vector<16xi1>
      tpu.vector_store_idx %arg10[%select_n3A_446], %mul3A_437 masked %and3A_473 {add = true} : memref<51200xf32, #tpu.memory_space<vmem>>[vector<16xi32>], vector<16xf32>, vector<16xi1>
      %eq3A_474 = arith.constant 7 : i32
      %eq3A_475 = vector.broadcast %eq3A_474 : i32 to vector<16xi32>
      %eq3A_476 = arith.cmpi eq, %iota3A, %eq3A_475 : vector<16xi32>
      %and3A_477 = arith.andi %and3A_430, %eq3A_476 : vector<16xi1>
      tpu.vector_store_idx %arg10[%select_n3A_446], %mul3A_437 masked %and3A_477 {add = true} : memref<51200xf32, #tpu.memory_space<vmem>>[vector<16xi32>], vector<16xf32>, vector<16xi1>
      %eq3A_478 = arith.constant 8 : i32
      %eq3A_479 = vector.broadcast %eq3A_478 : i32 to vector<16xi32>
      %eq3A_480 = arith.cmpi eq, %iota3A, %eq3A_479 : vector<16xi32>
      %and3A_481 = arith.andi %and3A_430, %eq3A_480 : vector<16xi1>
      tpu.vector_store_idx %arg10[%select_n3A_446], %mul3A_437 masked %and3A_481 {add = true} : memref<51200xf32, #tpu.memory_space<vmem>>[vector<16xi32>], vector<16xf32>, vector<16xi1>
      %eq3A_482 = arith.constant 9 : i32
      %eq3A_483 = vector.broadcast %eq3A_482 : i32 to vector<16xi32>
      %eq3A_484 = arith.cmpi eq, %iota3A, %eq3A_483 : vector<16xi32>
      %and3A_485 = arith.andi %and3A_430, %eq3A_484 : vector<16xi1>
      tpu.vector_store_idx %arg10[%select_n3A_446], %mul3A_437 masked %and3A_485 {add = true} : memref<51200xf32, #tpu.memory_space<vmem>>[vector<16xi32>], vector<16xf32>, vector<16xi1>
      %eq3A_486 = arith.constant 10 : i32
      %eq3A_487 = vector.broadcast %eq3A_486 : i32 to vector<16xi32>
      %eq3A_488 = arith.cmpi eq, %iota3A, %eq3A_487 : vector<16xi32>
      %and3A_489 = arith.andi %and3A_430, %eq3A_488 : vector<16xi1>
      tpu.vector_store_idx %arg10[%select_n3A_446], %mul3A_437 masked %and3A_489 {add = true} : memref<51200xf32, #tpu.memory_space<vmem>>[vector<16xi32>], vector<16xf32>, vector<16xi1>
      %eq3A_490 = arith.constant 11 : i32
      %eq3A_491 = vector.broadcast %eq3A_490 : i32 to vector<16xi32>
      %eq3A_492 = arith.cmpi eq, %iota3A, %eq3A_491 : vector<16xi32>
      %and3A_493 = arith.andi %and3A_430, %eq3A_492 : vector<16xi1>
      tpu.vector_store_idx %arg10[%select_n3A_446], %mul3A_437 masked %and3A_493 {add = true} : memref<51200xf32, #tpu.memory_space<vmem>>[vector<16xi32>], vector<16xf32>, vector<16xi1>
      %eq3A_494 = arith.constant 12 : i32
      %eq3A_495 = vector.broadcast %eq3A_494 : i32 to vector<16xi32>
      %eq3A_496 = arith.cmpi eq, %iota3A, %eq3A_495 : vector<16xi32>
      %and3A_497 = arith.andi %and3A_430, %eq3A_496 : vector<16xi1>
      tpu.vector_store_idx %arg10[%select_n3A_446], %mul3A_437 masked %and3A_497 {add = true} : memref<51200xf32, #tpu.memory_space<vmem>>[vector<16xi32>], vector<16xf32>, vector<16xi1>
      %eq3A_498 = arith.constant 13 : i32
      %eq3A_499 = vector.broadcast %eq3A_498 : i32 to vector<16xi32>
      %eq3A_500 = arith.cmpi eq, %iota3A, %eq3A_499 : vector<16xi32>
      %and3A_501 = arith.andi %and3A_430, %eq3A_500 : vector<16xi1>
      tpu.vector_store_idx %arg10[%select_n3A_446], %mul3A_437 masked %and3A_501 {add = true} : memref<51200xf32, #tpu.memory_space<vmem>>[vector<16xi32>], vector<16xf32>, vector<16xi1>
      %eq3A_502 = arith.constant 14 : i32
      %eq3A_503 = vector.broadcast %eq3A_502 : i32 to vector<16xi32>
      %eq3A_504 = arith.cmpi eq, %iota3A, %eq3A_503 : vector<16xi32>
      %and3A_505 = arith.andi %and3A_430, %eq3A_504 : vector<16xi1>
      tpu.vector_store_idx %arg10[%select_n3A_446], %mul3A_437 masked %and3A_505 {add = true} : memref<51200xf32, #tpu.memory_space<vmem>>[vector<16xi32>], vector<16xf32>, vector<16xi1>
      %eq3A_506 = arith.constant 15 : i32
      %eq3A_507 = vector.broadcast %eq3A_506 : i32 to vector<16xi32>
      %eq3A_508 = arith.cmpi eq, %iota3A, %eq3A_507 : vector<16xi32>
      %and3A_509 = arith.andi %and3A_430, %eq3A_508 : vector<16xi1>
      tpu.vector_store_idx %arg10[%select_n3A_446], %mul3A_437 masked %and3A_509 {add = true} : memref<51200xf32, #tpu.memory_space<vmem>>[vector<16xi32>], vector<16xf32>, vector<16xi1>
      %while3A_510 = arith.constant 0 : i32
      scf.yield %while3A_510 : i32
    }
    %while3A_258 = arith.constant 1 : i32
    %while3A_259 = scf.for %while3A_407 = %while3A_255 to %while3A_251 step %while3A_258 iter_args(%while3A_408 = %while3A_257) -> (i32)  : i32 {
      %mul3A_409 = arith.constant 16 : i32
      %mul3A_410 = arith.muli %while3A_407, %mul3A_409 : i32
      %add3A_411 = vector.broadcast %mul3A_410 : i32 to vector<16xi32>
      %add3A_412 = arith.addi %add3A_411, %iota3A : vector<16xi32>
      %lt3A_413 = vector.broadcast %add3A_27 : i32 to vector<16xi32>
      %lt3A_414 = arith.cmpi slt, %add3A_412, %lt3A_413 : vector<16xi32>
      %mul3A_415 = arith.constant 16 : i32
      %mul3A_416 = arith.muli %while3A_407, %mul3A_415 : i32
      %get3A_417 = arith.index_cast %mul3A_416 : i32 to index
      %get3A_418 = tpu.vector_load %arg9[%get3A_417] {strides = array<i32>} : memref<7500xi32, #tpu.memory_space<vmem>>, vector<16xi32>,
      %jit3A_419 = arith.constant 0 : i32
      %broadcast_in_dim3A_420 = vector.broadcast %jit3A_419 : i32 to vector<16xi32>
      %select_n3A_421 = arith.select %lt3A_414, %get3A_418, %broadcast_in_dim3A_420 : vector<16xi1>, vector<16xi32>
      %gather3A_422 = tpu.vector_load_idx %arg7[%select_n3A_421] : memref<7500xi32, #tpu.memory_space<vmem>>[vector<16xi32>], vector<16xi32>,
      %ge3A_423 = vector.broadcast %add3A_214 : i32 to vector<16xi32>
      %ge3A_424 = arith.cmpi sge, %gather3A_422, %ge3A_423 : vector<16xi32>
      %and3A_425 = arith.andi %lt3A_414, %ge3A_424 : vector<16xi1>
      %add3A_426 = arith.constant 20 : i32
      %add3A_427 = arith.addi %add3A_214, %add3A_426 : i32
      %lt3A_428 = vector.broadcast %add3A_427 : i32 to vector<16xi32>
      %lt3A_429 = arith.cmpi slt, %gather3A_422, %lt3A_428 : vector<16xi32>
      %and3A_430 = arith.andi %and3A_425, %lt3A_429 : vector<16xi1>
      %gather3A_431 = tpu.vector_load_idx %arg6[%select_n3A_421] masked %and3A_430 : memref<7500xi32, #tpu.memory_space<vmem>>[vector<16xi32>], vector<16xi32>, vector<16xi1>
      %jit3A_432 = arith.constant 0 : i32
      %broadcast_in_dim3A_433 = vector.broadcast %jit3A_432 : i32 to vector<16xi32>
      %select_n3A_434 = arith.select %and3A_430, %gather3A_431, %broadcast_in_dim3A_433 : vector<16xi1>, vector<16xi32>
      %gather3A_435 = tpu.vector_load_idx %arg8[%select_n3A_434] : memref<2560xf32, #tpu.memory_space<vmem>>[vector<16xi32>], vector<16xf32>,
      %gather3A_436 = tpu.vector_load_idx %arg8[%gather3A_422] : memref<2560xf32, #tpu.memory_space<vmem>>[vector<16xi32>], vector<16xf32>,
      %mul3A_437 = arith.mulf %gather3A_435, %gather3A_436 : vector<16xf32>
      %sub3A_438 = vector.broadcast %add3A_214 : i32 to vector<16xi32>
      %sub3A_439 = arith.subi %gather3A_422, %sub3A_438 : vector<16xi32>
      %mul3A_440 = arith.constant 2560 : i32
      %mul3A_441 = vector.broadcast %mul3A_440 : i32 to vector<16xi32>
      %mul3A_442 = arith.muli %sub3A_439, %mul3A_441 : vector<16xi32>
      %add3A_443 = arith.addi %mul3A_442, %gather3A_431 : vector<16xi32>
      %jit3A_444 = arith.constant 0 : i32
      %broadcast_in_dim3A_445 = vector.broadcast %jit3A_444 : i32 to vector<16xi32>
      %select_n3A_446 = arith.select %and3A_430, %add3A_443, %broadcast_in_dim3A_445 : vector<16xi1>, vector<16xi32>
      %eq3A = arith.constant 0 : i32
      %eq3A_447 = vector.broadcast %eq3A : i32 to vector<16xi32>
      %eq3A_448 = arith.cmpi eq, %iota3A, %eq3A_447 : vector<16xi32>
      %and3A_449 = arith.andi %and3A_430, %eq3A_448 : vector<16xi1>
      tpu.vector_store_idx %arg10[%select_n3A_446], %mul3A_437 masked %and3A_449 {add = true} : memref<51200xf32, #tpu.memory_space<vmem>>[vector<16xi32>], vector<16xf32>, vector<16xi1>
      %eq3A_450 = arith.constant 1 : i32
      %eq3A_451 = vector.broadcast %eq3A_450 : i32 to vector<16xi32>
      %eq3A_452 = arith.cmpi eq, %iota3A, %eq3A_451 : vector<16xi32>
      %and3A_453 = arith.andi %and3A_430, %eq3A_452 : vector<16xi1>
      tpu.vector_store_idx %arg10[%select_n3A_446], %mul3A_437 masked %and3A_453 {add = true} : memref<51200xf32, #tpu.memory_space<vmem>>[vector<16xi32>], vector<16xf32>, vector<16xi1>
      %eq3A_454 = arith.constant 2 : i32
      %eq3A_455 = vector.broadcast %eq3A_454 : i32 to vector<16xi32>
      %eq3A_456 = arith.cmpi eq, %iota3A, %eq3A_455 : vector<16xi32>
      %and3A_457 = arith.andi %and3A_430, %eq3A_456 : vector<16xi1>
      tpu.vector_store_idx %arg10[%select_n3A_446], %mul3A_437 masked %and3A_457 {add = true} : memref<51200xf32, #tpu.memory_space<vmem>>[vector<16xi32>], vector<16xf32>, vector<16xi1>
      %eq3A_458 = arith.constant 3 : i32
      %eq3A_459 = vector.broadcast %eq3A_458 : i32 to vector<16xi32>
      %eq3A_460 = arith.cmpi eq, %iota3A, %eq3A_459 : vector<16xi32>
      %and3A_461 = arith.andi %and3A_430, %eq3A_460 : vector<16xi1>
      tpu.vector_store_idx %arg10[%select_n3A_446], %mul3A_437 masked %and3A_461 {add = true} : memref<51200xf32, #tpu.memory_space<vmem>>[vector<16xi32>], vector<16xf32>, vector<16xi1>
      %eq3A_462 = arith.constant 4 : i32
      %eq3A_463 = vector.broadcast %eq3A_462 : i32 to vector<16xi32>
      %eq3A_464 = arith.cmpi eq, %iota3A, %eq3A_463 : vector<16xi32>
      %and3A_465 = arith.andi %and3A_430, %eq3A_464 : vector<16xi1>
      tpu.vector_store_idx %arg10[%select_n3A_446], %mul3A_437 masked %and3A_465 {add = true} : memref<51200xf32, #tpu.memory_space<vmem>>[vector<16xi32>], vector<16xf32>, vector<16xi1>
      %eq3A_466 = arith.constant 5 : i32
      %eq3A_467 = vector.broadcast %eq3A_466 : i32 to vector<16xi32>
      %eq3A_468 = arith.cmpi eq, %iota3A, %eq3A_467 : vector<16xi32>
      %and3A_469 = arith.andi %and3A_430, %eq3A_468 : vector<16xi1>
      tpu.vector_store_idx %arg10[%select_n3A_446], %mul3A_437 masked %and3A_469 {add = true} : memref<51200xf32, #tpu.memory_space<vmem>>[vector<16xi32>], vector<16xf32>, vector<16xi1>
      %eq3A_470 = arith.constant 6 : i32
      %eq3A_471 = vector.broadcast %eq3A_470 : i32 to vector<16xi32>
      %eq3A_472 = arith.cmpi eq, %iota3A, %eq3A_471 : vector<16xi32>
      %and3A_473 = arith.andi %and3A_430, %eq3A_472 : vector<16xi1>
      tpu.vector_store_idx %arg10[%select_n3A_446], %mul3A_437 masked %and3A_473 {add = true} : memref<51200xf32, #tpu.memory_space<vmem>>[vector<16xi32>], vector<16xf32>, vector<16xi1>
      %eq3A_474 = arith.constant 7 : i32
      %eq3A_475 = vector.broadcast %eq3A_474 : i32 to vector<16xi32>
      %eq3A_476 = arith.cmpi eq, %iota3A, %eq3A_475 : vector<16xi32>
      %and3A_477 = arith.andi %and3A_430, %eq3A_476 : vector<16xi1>
      tpu.vector_store_idx %arg10[%select_n3A_446], %mul3A_437 masked %and3A_477 {add = true} : memref<51200xf32, #tpu.memory_space<vmem>>[vector<16xi32>], vector<16xf32>, vector<16xi1>
      %eq3A_478 = arith.constant 8 : i32
      %eq3A_479 = vector.broadcast %eq3A_478 : i32 to vector<16xi32>
      %eq3A_480 = arith.cmpi eq, %iota3A, %eq3A_479 : vector<16xi32>
      %and3A_481 = arith.andi %and3A_430, %eq3A_480 : vector<16xi1>
      tpu.vector_store_idx %arg10[%select_n3A_446], %mul3A_437 masked %and3A_481 {add = true} : memref<51200xf32, #tpu.memory_space<vmem>>[vector<16xi32>], vector<16xf32>, vector<16xi1>
      %eq3A_482 = arith.constant 9 : i32
      %eq3A_483 = vector.broadcast %eq3A_482 : i32 to vector<16xi32>
      %eq3A_484 = arith.cmpi eq, %iota3A, %eq3A_483 : vector<16xi32>
      %and3A_485 = arith.andi %and3A_430, %eq3A_484 : vector<16xi1>
      tpu.vector_store_idx %arg10[%select_n3A_446], %mul3A_437 masked %and3A_485 {add = true} : memref<51200xf32, #tpu.memory_space<vmem>>[vector<16xi32>], vector<16xf32>, vector<16xi1>
      %eq3A_486 = arith.constant 10 : i32
      %eq3A_487 = vector.broadcast %eq3A_486 : i32 to vector<16xi32>
      %eq3A_488 = arith.cmpi eq, %iota3A, %eq3A_487 : vector<16xi32>
      %and3A_489 = arith.andi %and3A_430, %eq3A_488 : vector<16xi1>
      tpu.vector_store_idx %arg10[%select_n3A_446], %mul3A_437 masked %and3A_489 {add = true} : memref<51200xf32, #tpu.memory_space<vmem>>[vector<16xi32>], vector<16xf32>, vector<16xi1>
      %eq3A_490 = arith.constant 11 : i32
      %eq3A_491 = vector.broadcast %eq3A_490 : i32 to vector<16xi32>
      %eq3A_492 = arith.cmpi eq, %iota3A, %eq3A_491 : vector<16xi32>
      %and3A_493 = arith.andi %and3A_430, %eq3A_492 : vector<16xi1>
      tpu.vector_store_idx %arg10[%select_n3A_446], %mul3A_437 masked %and3A_493 {add = true} : memref<51200xf32, #tpu.memory_space<vmem>>[vector<16xi32>], vector<16xf32>, vector<16xi1>
      %eq3A_494 = arith.constant 12 : i32
      %eq3A_495 = vector.broadcast %eq3A_494 : i32 to vector<16xi32>
      %eq3A_496 = arith.cmpi eq, %iota3A, %eq3A_495 : vector<16xi32>
      %and3A_497 = arith.andi %and3A_430, %eq3A_496 : vector<16xi1>
      tpu.vector_store_idx %arg10[%select_n3A_446], %mul3A_437 masked %and3A_497 {add = true} : memref<51200xf32, #tpu.memory_space<vmem>>[vector<16xi32>], vector<16xf32>, vector<16xi1>
      %eq3A_498 = arith.constant 13 : i32
      %eq3A_499 = vector.broadcast %eq3A_498 : i32 to vector<16xi32>
      %eq3A_500 = arith.cmpi eq, %iota3A, %eq3A_499 : vector<16xi32>
      %and3A_501 = arith.andi %and3A_430, %eq3A_500 : vector<16xi1>
      tpu.vector_store_idx %arg10[%select_n3A_446], %mul3A_437 masked %and3A_501 {add = true} : memref<51200xf32, #tpu.memory_space<vmem>>[vector<16xi32>], vector<16xf32>, vector<16xi1>
      %eq3A_502 = arith.constant 14 : i32
      %eq3A_503 = vector.broadcast %eq3A_502 : i32 to vector<16xi32>
      %eq3A_504 = arith.cmpi eq, %iota3A, %eq3A_503 : vector<16xi32>
      %and3A_505 = arith.andi %and3A_430, %eq3A_504 : vector<16xi1>
      tpu.vector_store_idx %arg10[%select_n3A_446], %mul3A_437 masked %and3A_505 {add = true} : memref<51200xf32, #tpu.memory_space<vmem>>[vector<16xi32>], vector<16xf32>, vector<16xi1>
      %eq3A_506 = arith.constant 15 : i32
      %eq3A_507 = vector.broadcast %eq3A_506 : i32 to vector<16xi32>
      %eq3A_508 = arith.cmpi eq, %iota3A, %eq3A_507 : vector<16xi32>
      %and3A_509 = arith.andi %and3A_430, %eq3A_508 : vector<16xi1>
      tpu.vector_store_idx %arg10[%select_n3A_446], %mul3A_437 masked %and3A_509 {add = true} : memref<51200xf32, #tpu.memory_space<vmem>>[vector<16xi32>], vector<16xf32>, vector<16xi1>
      %while3A_510 = arith.constant 0 : i32
      scf.yield %while3A_510 : i32
    }
    %add3A_260 = arith.constant 0 : i32
    %add3A_261 = vector.broadcast %add3A_260 : i32 to vector<16xi32>
    %add3A_262 = arith.addi %add3A_261, %iota3A : vector<16xi32>
    %add3A_263 = vector.broadcast %add3A_214 : i32 to vector<16xi32>
    %add3A_264 = arith.addi %add3A_263, %add3A_262 : vector<16xi32>
    %lt3A_265 = arith.constant 20 : i32
    %lt3A_266 = vector.broadcast %lt3A_265 : i32 to vector<16xi32>
    %lt3A_267 = arith.cmpi slt, %add3A_262, %lt3A_266 : vector<16xi32>
    %lt3A_268 = arith.constant 2500 : i32
    %lt3A_269 = vector.broadcast %lt3A_268 : i32 to vector<16xi32>
    %lt3A_270 = arith.cmpi slt, %add3A_264, %lt3A_269 : vector<16xi32>
    %and3A_271 = arith.andi %lt3A_267, %lt3A_270 : vector<16xi1>
    %jit3A_272 = arith.constant 0 : i32
    %broadcast_in_dim3A_273 = vector.broadcast %jit3A_272 : i32 to vector<16xi32>
    %select_n3A_274 = arith.select %and3A_271, %add3A_264, %broadcast_in_dim3A_273 : vector<16xi1>, vector<16xi32>
    %gather3A_275 = tpu.vector_load_idx %arg8[%select_n3A_274] : memref<2560xf32, #tpu.memory_space<vmem>>[vector<16xi32>], vector<16xf32>,
    %mul3A_276 = arith.constant 2560 : i32
    %mul3A_277 = vector.broadcast %mul3A_276 : i32 to vector<16xi32>
    %mul3A_278 = arith.muli %add3A_262, %mul3A_277 : vector<16xi32>
    %add3A_279 = arith.addi %mul3A_278, %select_n3A_274 : vector<16xi32>
    %jit3A_280 = arith.constant 0 : i32
    %broadcast_in_dim3A_281 = vector.broadcast %jit3A_280 : i32 to vector<16xi32>
    %select_n3A_282 = arith.select %and3A_271, %add3A_279, %broadcast_in_dim3A_281 : vector<16xi1>, vector<16xi32>
    %mul3A_283 = arith.mulf %gather3A_275, %gather3A_275 : vector<16xf32>
    tpu.vector_store_idx %arg10[%select_n3A_282], %mul3A_283 masked %and3A_271 {add = true} : memref<51200xf32, #tpu.memory_space<vmem>>[vector<16xi32>], vector<16xf32>, vector<16xi1>
    %add3A_284 = arith.constant 16 : i32
    %add3A_285 = vector.broadcast %add3A_284 : i32 to vector<16xi32>
    %add3A_286 = arith.addi %add3A_285, %iota3A : vector<16xi32>
    %add3A_287 = vector.broadcast %add3A_214 : i32 to vector<16xi32>
    %add3A_288 = arith.addi %add3A_287, %add3A_286 : vector<16xi32>
    %lt3A_289 = arith.constant 20 : i32
    %lt3A_290 = vector.broadcast %lt3A_289 : i32 to vector<16xi32>
    %lt3A_291 = arith.cmpi slt, %add3A_286, %lt3A_290 : vector<16xi32>
    %lt3A_292 = arith.constant 2500 : i32
    %lt3A_293 = vector.broadcast %lt3A_292 : i32 to vector<16xi32>
    %lt3A_294 = arith.cmpi slt, %add3A_288, %lt3A_293 : vector<16xi32>
    %and3A_295 = arith.andi %lt3A_291, %lt3A_294 : vector<16xi1>
    %jit3A_296 = arith.constant 0 : i32
    %broadcast_in_dim3A_297 = vector.broadcast %jit3A_296 : i32 to vector<16xi32>
    %select_n3A_298 = arith.select %and3A_295, %add3A_288, %broadcast_in_dim3A_297 : vector<16xi1>, vector<16xi32>
    %gather3A_299 = tpu.vector_load_idx %arg8[%select_n3A_298] : memref<2560xf32, #tpu.memory_space<vmem>>[vector<16xi32>], vector<16xf32>,
    %mul3A_300 = arith.constant 2560 : i32
    %mul3A_301 = vector.broadcast %mul3A_300 : i32 to vector<16xi32>
    %mul3A_302 = arith.muli %add3A_286, %mul3A_301 : vector<16xi32>
    %add3A_303 = arith.addi %mul3A_302, %select_n3A_298 : vector<16xi32>
    %jit3A_304 = arith.constant 0 : i32
    %broadcast_in_dim3A_305 = vector.broadcast %jit3A_304 : i32 to vector<16xi32>
    %select_n3A_306 = arith.select %and3A_295, %add3A_303, %broadcast_in_dim3A_305 : vector<16xi1>, vector<16xi32>
    %mul3A_307 = arith.mulf %gather3A_299, %gather3A_299 : vector<16xf32>
    tpu.vector_store_idx %arg10[%select_n3A_306], %mul3A_307 masked %and3A_295 {add = true} : memref<51200xf32, #tpu.memory_space<vmem>>[vector<16xi32>], vector<16xf32>, vector<16xi1>
    %mul3A_308 = arith.constant 2560 : i32
    %mul3A_309 = arith.muli %add3A_214, %mul3A_308 : i32
    "tpu.region"() ({
      %run_scoped3A = tpu.sem_alloc : memref<!tpu.dma_semaphore, #tpu.memory_space<semaphore_mem>>
      %dma_start3A = tpu.memref_slice %arg5[%mul3A_309] : memref<6553600xf32, #tpu.memory_space<hbm>> -> memref<51200xf32, #tpu.memory_space<hbm>>
      %dma_start3A_407 = tpu.memref_slice %arg5[%mul3A_309] : memref<6553600xf32, #tpu.memory_space<hbm>> -> memref<51200xf32, #tpu.memory_space<hbm>>
      tpu.enqueue_dma source(%arg10 : memref<51200xf32, #tpu.memory_space<vmem>>) target(%dma_start3A_407 : memref<51200xf32, #tpu.memory_space<hbm>>) target_semaphore(%run_scoped3A : memref<!tpu.dma_semaphore, #tpu.memory_space<semaphore_mem>>)
      %dma_wait3A = tpu.memref_slice %arg5[%mul3A_309] : memref<6553600xf32, #tpu.memory_space<hbm>> -> memref<51200xf32, #tpu.memory_space<hbm>>
      %dma_wait3A_408 = tpu.memref_slice %arg5[%mul3A_309] : memref<6553600xf32, #tpu.memory_space<hbm>> -> memref<51200xf32, #tpu.memory_space<hbm>>
      tpu.wait_dma2 semaphore(%run_scoped3A : memref<!tpu.dma_semaphore, #tpu.memory_space<semaphore_mem>>) src(%arg10 : memref<51200xf32, #tpu.memory_space<vmem>>) dst(%dma_wait3A_408 : memref<51200xf32, #tpu.memory_space<hbm>>)
      tpu.yield
    }) : () -> ()
    %add3A_310 = arith.constant 60 : i32
    %add3A_311 = arith.addi %mul3A_2, %add3A_310 : i32
    %scan3A_312 = arith.constant 0 : i32
    %scan3A_313 = arith.constant 0 : i32
    %scan3A_314 = arith.constant 3200 : i32
    %scan3A_315 = arith.addi %scan3A_313, %scan3A_314 : i32
    %scan3A_316 = arith.constant 1 : i32
    %scan3A_317 = scf.for %scan3A_407 = %scan3A_313 to %scan3A_315 step %scan3A_316 iter_args(%scan3A_408 = %scan3A_312) -> (i32)  : i32 {
      %broadcast_in_dim3A_409 = arith.constant 0.000000e+00 : f32
      %broadcast_in_dim3A_410 = vector.broadcast %broadcast_in_dim3A_409 : f32 to vector<16xf32>
      %mul3A_411 = arith.constant 16 : i32
      %mul3A_412 = arith.muli %scan3A_407, %mul3A_411 : i32
      %swap3A = arith.index_cast %mul3A_412 : i32 to index
      %swap3A_413 = tpu.vector_load %arg10[%swap3A] {strides = array<i32>} : memref<51200xf32, #tpu.memory_space<vmem>>, vector<16xf32>,
      tpu.vector_store %arg10[%swap3A], %broadcast_in_dim3A_410 {strides = array<i32>} : memref<51200xf32, #tpu.memory_space<vmem>>, vector<16xf32>,
      %scan3A_414 = arith.constant 0 : i32
      scf.yield %scan3A_414 : i32
    }
    %scan3A_318 = arith.constant 3200 : i32
    %add3A_319 = arith.constant 15 : i32
    %add3A_320 = arith.addi %add3A_27, %add3A_319 : i32
    %jit3A_321 = arith.constant 16 : i32
    %div3A_322 = arith.divsi %add3A_320, %jit3A_321 : i32
    %sign3A_323 = arith.constant 0 : i32
    %sign3A_324 = arith.cmpi sgt, %add3A_320, %sign3A_323 : i32
    %sign3A_325 = arith.extui %sign3A_324 : i1 to i32
    %sign3A_326 = arith.constant 0 : i32
    %sign3A_327 = arith.cmpi slt, %add3A_320, %sign3A_326 : i32
    %sign3A_328 = arith.extui %sign3A_327 : i1 to i32
    %sign3A_329 = arith.subi %sign3A_325, %sign3A_328 : i32
    %sign3A_330 = arith.constant 0 : i32
    %sign3A_331 = arith.cmpi sgt, %jit3A_321, %sign3A_330 : i32
    %sign3A_332 = arith.extui %sign3A_331 : i1 to i32
    %sign3A_333 = arith.constant 0 : i32
    %sign3A_334 = arith.cmpi slt, %jit3A_321, %sign3A_333 : i32
    %sign3A_335 = arith.extui %sign3A_334 : i1 to i32
    %sign3A_336 = arith.subi %sign3A_332, %sign3A_335 : i32
    %ne3A_337 = arith.cmpi ne, %sign3A_329, %sign3A_336 : i32
    %rem3A_338 = arith.remsi %add3A_320, %jit3A_321 : i32
    %ne3A_339 = arith.constant 0 : i32
    %ne3A_340 = arith.cmpi ne, %rem3A_338, %ne3A_339 : i32
    %and3A_341 = arith.andi %ne3A_337, %ne3A_340 : i1
    %sub3A_342 = arith.constant 1 : i32
    %sub3A_343 = arith.subi %div3A_322, %sub3A_342 : i32
    %select_n3A_344 = arith.select %and3A_341, %sub3A_343, %div3A_322 : i32
    %while3A_345 = arith.constant 0 : i32
    %while3A_346 = arith.constant 0 : i32
    %while3A_347 = arith.subi %select_n3A_344, %while3A_345 : i32
    %while3A_348 = arith.addi %while3A_345, %while3A_347 : i32
    %while3A_349 = arith.constant 1 : i32
    %while3A_350 = arith.divsi %while3A_347, %while3A_349 : i32
    %while3A_351 = arith.muli %while3A_350, %while3A_349 : i32
    %while3A_352 = arith.addi %while3A_345, %while3A_351 : i32
    %while3A_353 = arith.constant 1 : i32
    %while3A_354 = scf.for %while3A_407 = %while3A_345 to %while3A_352 step %while3A_353 iter_args(%while3A_408 = %while3A_346) -> (i32)  : i32 {
      %mul3A_409 = arith.constant 16 : i32
      %mul3A_410 = arith.muli %while3A_407, %mul3A_409 : i32
      %add3A_411 = vector.broadcast %mul3A_410 : i32 to vector<16xi32>
      %add3A_412 = arith.addi %add3A_411, %iota3A : vector<16xi32>
      %lt3A_413 = vector.broadcast %add3A_27 : i32 to vector<16xi32>
      %lt3A_414 = arith.cmpi slt, %add3A_412, %lt3A_413 : vector<16xi32>
      %mul3A_415 = arith.constant 16 : i32
      %mul3A_416 = arith.muli %while3A_407, %mul3A_415 : i32
      %get3A_417 = arith.index_cast %mul3A_416 : i32 to index
      %get3A_418 = tpu.vector_load %arg9[%get3A_417] {strides = array<i32>} : memref<7500xi32, #tpu.memory_space<vmem>>, vector<16xi32>,
      %jit3A_419 = arith.constant 0 : i32
      %broadcast_in_dim3A_420 = vector.broadcast %jit3A_419 : i32 to vector<16xi32>
      %select_n3A_421 = arith.select %lt3A_414, %get3A_418, %broadcast_in_dim3A_420 : vector<16xi1>, vector<16xi32>
      %gather3A_422 = tpu.vector_load_idx %arg7[%select_n3A_421] : memref<7500xi32, #tpu.memory_space<vmem>>[vector<16xi32>], vector<16xi32>,
      %ge3A_423 = vector.broadcast %add3A_311 : i32 to vector<16xi32>
      %ge3A_424 = arith.cmpi sge, %gather3A_422, %ge3A_423 : vector<16xi32>
      %and3A_425 = arith.andi %lt3A_414, %ge3A_424 : vector<16xi1>
      %add3A_426 = arith.constant 20 : i32
      %add3A_427 = arith.addi %add3A_311, %add3A_426 : i32
      %lt3A_428 = vector.broadcast %add3A_427 : i32 to vector<16xi32>
      %lt3A_429 = arith.cmpi slt, %gather3A_422, %lt3A_428 : vector<16xi32>
      %and3A_430 = arith.andi %and3A_425, %lt3A_429 : vector<16xi1>
      %gather3A_431 = tpu.vector_load_idx %arg6[%select_n3A_421] masked %and3A_430 : memref<7500xi32, #tpu.memory_space<vmem>>[vector<16xi32>], vector<16xi32>, vector<16xi1>
      %jit3A_432 = arith.constant 0 : i32
      %broadcast_in_dim3A_433 = vector.broadcast %jit3A_432 : i32 to vector<16xi32>
      %select_n3A_434 = arith.select %and3A_430, %gather3A_431, %broadcast_in_dim3A_433 : vector<16xi1>, vector<16xi32>
      %gather3A_435 = tpu.vector_load_idx %arg8[%select_n3A_434] : memref<2560xf32, #tpu.memory_space<vmem>>[vector<16xi32>], vector<16xf32>,
      %gather3A_436 = tpu.vector_load_idx %arg8[%gather3A_422] : memref<2560xf32, #tpu.memory_space<vmem>>[vector<16xi32>], vector<16xf32>,
      %mul3A_437 = arith.mulf %gather3A_435, %gather3A_436 : vector<16xf32>
      %sub3A_438 = vector.broadcast %add3A_311 : i32 to vector<16xi32>
      %sub3A_439 = arith.subi %gather3A_422, %sub3A_438 : vector<16xi32>
      %mul3A_440 = arith.constant 2560 : i32
      %mul3A_441 = vector.broadcast %mul3A_440 : i32 to vector<16xi32>
      %mul3A_442 = arith.muli %sub3A_439, %mul3A_441 : vector<16xi32>
      %add3A_443 = arith.addi %mul3A_442, %gather3A_431 : vector<16xi32>
      %jit3A_444 = arith.constant 0 : i32
      %broadcast_in_dim3A_445 = vector.broadcast %jit3A_444 : i32 to vector<16xi32>
      %select_n3A_446 = arith.select %and3A_430, %add3A_443, %broadcast_in_dim3A_445 : vector<16xi1>, vector<16xi32>
      %eq3A = arith.constant 0 : i32
      %eq3A_447 = vector.broadcast %eq3A : i32 to vector<16xi32>
      %eq3A_448 = arith.cmpi eq, %iota3A, %eq3A_447 : vector<16xi32>
      %and3A_449 = arith.andi %and3A_430, %eq3A_448 : vector<16xi1>
      tpu.vector_store_idx %arg10[%select_n3A_446], %mul3A_437 masked %and3A_449 {add = true} : memref<51200xf32, #tpu.memory_space<vmem>>[vector<16xi32>], vector<16xf32>, vector<16xi1>
      %eq3A_450 = arith.constant 1 : i32
      %eq3A_451 = vector.broadcast %eq3A_450 : i32 to vector<16xi32>
      %eq3A_452 = arith.cmpi eq, %iota3A, %eq3A_451 : vector<16xi32>
      %and3A_453 = arith.andi %and3A_430, %eq3A_452 : vector<16xi1>
      tpu.vector_store_idx %arg10[%select_n3A_446], %mul3A_437 masked %and3A_453 {add = true} : memref<51200xf32, #tpu.memory_space<vmem>>[vector<16xi32>], vector<16xf32>, vector<16xi1>
      %eq3A_454 = arith.constant 2 : i32
      %eq3A_455 = vector.broadcast %eq3A_454 : i32 to vector<16xi32>
      %eq3A_456 = arith.cmpi eq, %iota3A, %eq3A_455 : vector<16xi32>
      %and3A_457 = arith.andi %and3A_430, %eq3A_456 : vector<16xi1>
      tpu.vector_store_idx %arg10[%select_n3A_446], %mul3A_437 masked %and3A_457 {add = true} : memref<51200xf32, #tpu.memory_space<vmem>>[vector<16xi32>], vector<16xf32>, vector<16xi1>
      %eq3A_458 = arith.constant 3 : i32
      %eq3A_459 = vector.broadcast %eq3A_458 : i32 to vector<16xi32>
      %eq3A_460 = arith.cmpi eq, %iota3A, %eq3A_459 : vector<16xi32>
      %and3A_461 = arith.andi %and3A_430, %eq3A_460 : vector<16xi1>
      tpu.vector_store_idx %arg10[%select_n3A_446], %mul3A_437 masked %and3A_461 {add = true} : memref<51200xf32, #tpu.memory_space<vmem>>[vector<16xi32>], vector<16xf32>, vector<16xi1>
      %eq3A_462 = arith.constant 4 : i32
      %eq3A_463 = vector.broadcast %eq3A_462 : i32 to vector<16xi32>
      %eq3A_464 = arith.cmpi eq, %iota3A, %eq3A_463 : vector<16xi32>
      %and3A_465 = arith.andi %and3A_430, %eq3A_464 : vector<16xi1>
      tpu.vector_store_idx %arg10[%select_n3A_446], %mul3A_437 masked %and3A_465 {add = true} : memref<51200xf32, #tpu.memory_space<vmem>>[vector<16xi32>], vector<16xf32>, vector<16xi1>
      %eq3A_466 = arith.constant 5 : i32
      %eq3A_467 = vector.broadcast %eq3A_466 : i32 to vector<16xi32>
      %eq3A_468 = arith.cmpi eq, %iota3A, %eq3A_467 : vector<16xi32>
      %and3A_469 = arith.andi %and3A_430, %eq3A_468 : vector<16xi1>
      tpu.vector_store_idx %arg10[%select_n3A_446], %mul3A_437 masked %and3A_469 {add = true} : memref<51200xf32, #tpu.memory_space<vmem>>[vector<16xi32>], vector<16xf32>, vector<16xi1>
      %eq3A_470 = arith.constant 6 : i32
      %eq3A_471 = vector.broadcast %eq3A_470 : i32 to vector<16xi32>
      %eq3A_472 = arith.cmpi eq, %iota3A, %eq3A_471 : vector<16xi32>
      %and3A_473 = arith.andi %and3A_430, %eq3A_472 : vector<16xi1>
      tpu.vector_store_idx %arg10[%select_n3A_446], %mul3A_437 masked %and3A_473 {add = true} : memref<51200xf32, #tpu.memory_space<vmem>>[vector<16xi32>], vector<16xf32>, vector<16xi1>
      %eq3A_474 = arith.constant 7 : i32
      %eq3A_475 = vector.broadcast %eq3A_474 : i32 to vector<16xi32>
      %eq3A_476 = arith.cmpi eq, %iota3A, %eq3A_475 : vector<16xi32>
      %and3A_477 = arith.andi %and3A_430, %eq3A_476 : vector<16xi1>
      tpu.vector_store_idx %arg10[%select_n3A_446], %mul3A_437 masked %and3A_477 {add = true} : memref<51200xf32, #tpu.memory_space<vmem>>[vector<16xi32>], vector<16xf32>, vector<16xi1>
      %eq3A_478 = arith.constant 8 : i32
      %eq3A_479 = vector.broadcast %eq3A_478 : i32 to vector<16xi32>
      %eq3A_480 = arith.cmpi eq, %iota3A, %eq3A_479 : vector<16xi32>
      %and3A_481 = arith.andi %and3A_430, %eq3A_480 : vector<16xi1>
      tpu.vector_store_idx %arg10[%select_n3A_446], %mul3A_437 masked %and3A_481 {add = true} : memref<51200xf32, #tpu.memory_space<vmem>>[vector<16xi32>], vector<16xf32>, vector<16xi1>
      %eq3A_482 = arith.constant 9 : i32
      %eq3A_483 = vector.broadcast %eq3A_482 : i32 to vector<16xi32>
      %eq3A_484 = arith.cmpi eq, %iota3A, %eq3A_483 : vector<16xi32>
      %and3A_485 = arith.andi %and3A_430, %eq3A_484 : vector<16xi1>
      tpu.vector_store_idx %arg10[%select_n3A_446], %mul3A_437 masked %and3A_485 {add = true} : memref<51200xf32, #tpu.memory_space<vmem>>[vector<16xi32>], vector<16xf32>, vector<16xi1>
      %eq3A_486 = arith.constant 10 : i32
      %eq3A_487 = vector.broadcast %eq3A_486 : i32 to vector<16xi32>
      %eq3A_488 = arith.cmpi eq, %iota3A, %eq3A_487 : vector<16xi32>
      %and3A_489 = arith.andi %and3A_430, %eq3A_488 : vector<16xi1>
      tpu.vector_store_idx %arg10[%select_n3A_446], %mul3A_437 masked %and3A_489 {add = true} : memref<51200xf32, #tpu.memory_space<vmem>>[vector<16xi32>], vector<16xf32>, vector<16xi1>
      %eq3A_490 = arith.constant 11 : i32
      %eq3A_491 = vector.broadcast %eq3A_490 : i32 to vector<16xi32>
      %eq3A_492 = arith.cmpi eq, %iota3A, %eq3A_491 : vector<16xi32>
      %and3A_493 = arith.andi %and3A_430, %eq3A_492 : vector<16xi1>
      tpu.vector_store_idx %arg10[%select_n3A_446], %mul3A_437 masked %and3A_493 {add = true} : memref<51200xf32, #tpu.memory_space<vmem>>[vector<16xi32>], vector<16xf32>, vector<16xi1>
      %eq3A_494 = arith.constant 12 : i32
      %eq3A_495 = vector.broadcast %eq3A_494 : i32 to vector<16xi32>
      %eq3A_496 = arith.cmpi eq, %iota3A, %eq3A_495 : vector<16xi32>
      %and3A_497 = arith.andi %and3A_430, %eq3A_496 : vector<16xi1>
      tpu.vector_store_idx %arg10[%select_n3A_446], %mul3A_437 masked %and3A_497 {add = true} : memref<51200xf32, #tpu.memory_space<vmem>>[vector<16xi32>], vector<16xf32>, vector<16xi1>
      %eq3A_498 = arith.constant 13 : i32
      %eq3A_499 = vector.broadcast %eq3A_498 : i32 to vector<16xi32>
      %eq3A_500 = arith.cmpi eq, %iota3A, %eq3A_499 : vector<16xi32>
      %and3A_501 = arith.andi %and3A_430, %eq3A_500 : vector<16xi1>
      tpu.vector_store_idx %arg10[%select_n3A_446], %mul3A_437 masked %and3A_501 {add = true} : memref<51200xf32, #tpu.memory_space<vmem>>[vector<16xi32>], vector<16xf32>, vector<16xi1>
      %eq3A_502 = arith.constant 14 : i32
      %eq3A_503 = vector.broadcast %eq3A_502 : i32 to vector<16xi32>
      %eq3A_504 = arith.cmpi eq, %iota3A, %eq3A_503 : vector<16xi32>
      %and3A_505 = arith.andi %and3A_430, %eq3A_504 : vector<16xi1>
      tpu.vector_store_idx %arg10[%select_n3A_446], %mul3A_437 masked %and3A_505 {add = true} : memref<51200xf32, #tpu.memory_space<vmem>>[vector<16xi32>], vector<16xf32>, vector<16xi1>
      %eq3A_506 = arith.constant 15 : i32
      %eq3A_507 = vector.broadcast %eq3A_506 : i32 to vector<16xi32>
      %eq3A_508 = arith.cmpi eq, %iota3A, %eq3A_507 : vector<16xi32>
      %and3A_509 = arith.andi %and3A_430, %eq3A_508 : vector<16xi1>
      tpu.vector_store_idx %arg10[%select_n3A_446], %mul3A_437 masked %and3A_509 {add = true} : memref<51200xf32, #tpu.memory_space<vmem>>[vector<16xi32>], vector<16xf32>, vector<16xi1>
      %while3A_510 = arith.constant 0 : i32
      scf.yield %while3A_510 : i32
    }
    %while3A_355 = arith.constant 1 : i32
    %while3A_356 = scf.for %while3A_407 = %while3A_352 to %while3A_348 step %while3A_355 iter_args(%while3A_408 = %while3A_354) -> (i32)  : i32 {
      %mul3A_409 = arith.constant 16 : i32
      %mul3A_410 = arith.muli %while3A_407, %mul3A_409 : i32
      %add3A_411 = vector.broadcast %mul3A_410 : i32 to vector<16xi32>
      %add3A_412 = arith.addi %add3A_411, %iota3A : vector<16xi32>
      %lt3A_413 = vector.broadcast %add3A_27 : i32 to vector<16xi32>
      %lt3A_414 = arith.cmpi slt, %add3A_412, %lt3A_413 : vector<16xi32>
      %mul3A_415 = arith.constant 16 : i32
      %mul3A_416 = arith.muli %while3A_407, %mul3A_415 : i32
      %get3A_417 = arith.index_cast %mul3A_416 : i32 to index
      %get3A_418 = tpu.vector_load %arg9[%get3A_417] {strides = array<i32>} : memref<7500xi32, #tpu.memory_space<vmem>>, vector<16xi32>,
      %jit3A_419 = arith.constant 0 : i32
      %broadcast_in_dim3A_420 = vector.broadcast %jit3A_419 : i32 to vector<16xi32>
      %select_n3A_421 = arith.select %lt3A_414, %get3A_418, %broadcast_in_dim3A_420 : vector<16xi1>, vector<16xi32>
      %gather3A_422 = tpu.vector_load_idx %arg7[%select_n3A_421] : memref<7500xi32, #tpu.memory_space<vmem>>[vector<16xi32>], vector<16xi32>,
      %ge3A_423 = vector.broadcast %add3A_311 : i32 to vector<16xi32>
      %ge3A_424 = arith.cmpi sge, %gather3A_422, %ge3A_423 : vector<16xi32>
      %and3A_425 = arith.andi %lt3A_414, %ge3A_424 : vector<16xi1>
      %add3A_426 = arith.constant 20 : i32
      %add3A_427 = arith.addi %add3A_311, %add3A_426 : i32
      %lt3A_428 = vector.broadcast %add3A_427 : i32 to vector<16xi32>
      %lt3A_429 = arith.cmpi slt, %gather3A_422, %lt3A_428 : vector<16xi32>
      %and3A_430 = arith.andi %and3A_425, %lt3A_429 : vector<16xi1>
      %gather3A_431 = tpu.vector_load_idx %arg6[%select_n3A_421] masked %and3A_430 : memref<7500xi32, #tpu.memory_space<vmem>>[vector<16xi32>], vector<16xi32>, vector<16xi1>
      %jit3A_432 = arith.constant 0 : i32
      %broadcast_in_dim3A_433 = vector.broadcast %jit3A_432 : i32 to vector<16xi32>
      %select_n3A_434 = arith.select %and3A_430, %gather3A_431, %broadcast_in_dim3A_433 : vector<16xi1>, vector<16xi32>
      %gather3A_435 = tpu.vector_load_idx %arg8[%select_n3A_434] : memref<2560xf32, #tpu.memory_space<vmem>>[vector<16xi32>], vector<16xf32>,
      %gather3A_436 = tpu.vector_load_idx %arg8[%gather3A_422] : memref<2560xf32, #tpu.memory_space<vmem>>[vector<16xi32>], vector<16xf32>,
      %mul3A_437 = arith.mulf %gather3A_435, %gather3A_436 : vector<16xf32>
      %sub3A_438 = vector.broadcast %add3A_311 : i32 to vector<16xi32>
      %sub3A_439 = arith.subi %gather3A_422, %sub3A_438 : vector<16xi32>
      %mul3A_440 = arith.constant 2560 : i32
      %mul3A_441 = vector.broadcast %mul3A_440 : i32 to vector<16xi32>
      %mul3A_442 = arith.muli %sub3A_439, %mul3A_441 : vector<16xi32>
      %add3A_443 = arith.addi %mul3A_442, %gather3A_431 : vector<16xi32>
      %jit3A_444 = arith.constant 0 : i32
      %broadcast_in_dim3A_445 = vector.broadcast %jit3A_444 : i32 to vector<16xi32>
      %select_n3A_446 = arith.select %and3A_430, %add3A_443, %broadcast_in_dim3A_445 : vector<16xi1>, vector<16xi32>
      %eq3A = arith.constant 0 : i32
      %eq3A_447 = vector.broadcast %eq3A : i32 to vector<16xi32>
      %eq3A_448 = arith.cmpi eq, %iota3A, %eq3A_447 : vector<16xi32>
      %and3A_449 = arith.andi %and3A_430, %eq3A_448 : vector<16xi1>
      tpu.vector_store_idx %arg10[%select_n3A_446], %mul3A_437 masked %and3A_449 {add = true} : memref<51200xf32, #tpu.memory_space<vmem>>[vector<16xi32>], vector<16xf32>, vector<16xi1>
      %eq3A_450 = arith.constant 1 : i32
      %eq3A_451 = vector.broadcast %eq3A_450 : i32 to vector<16xi32>
      %eq3A_452 = arith.cmpi eq, %iota3A, %eq3A_451 : vector<16xi32>
      %and3A_453 = arith.andi %and3A_430, %eq3A_452 : vector<16xi1>
      tpu.vector_store_idx %arg10[%select_n3A_446], %mul3A_437 masked %and3A_453 {add = true} : memref<51200xf32, #tpu.memory_space<vmem>>[vector<16xi32>], vector<16xf32>, vector<16xi1>
      %eq3A_454 = arith.constant 2 : i32
      %eq3A_455 = vector.broadcast %eq3A_454 : i32 to vector<16xi32>
      %eq3A_456 = arith.cmpi eq, %iota3A, %eq3A_455 : vector<16xi32>
      %and3A_457 = arith.andi %and3A_430, %eq3A_456 : vector<16xi1>
      tpu.vector_store_idx %arg10[%select_n3A_446], %mul3A_437 masked %and3A_457 {add = true} : memref<51200xf32, #tpu.memory_space<vmem>>[vector<16xi32>], vector<16xf32>, vector<16xi1>
      %eq3A_458 = arith.constant 3 : i32
      %eq3A_459 = vector.broadcast %eq3A_458 : i32 to vector<16xi32>
      %eq3A_460 = arith.cmpi eq, %iota3A, %eq3A_459 : vector<16xi32>
      %and3A_461 = arith.andi %and3A_430, %eq3A_460 : vector<16xi1>
      tpu.vector_store_idx %arg10[%select_n3A_446], %mul3A_437 masked %and3A_461 {add = true} : memref<51200xf32, #tpu.memory_space<vmem>>[vector<16xi32>], vector<16xf32>, vector<16xi1>
      %eq3A_462 = arith.constant 4 : i32
      %eq3A_463 = vector.broadcast %eq3A_462 : i32 to vector<16xi32>
      %eq3A_464 = arith.cmpi eq, %iota3A, %eq3A_463 : vector<16xi32>
      %and3A_465 = arith.andi %and3A_430, %eq3A_464 : vector<16xi1>
      tpu.vector_store_idx %arg10[%select_n3A_446], %mul3A_437 masked %and3A_465 {add = true} : memref<51200xf32, #tpu.memory_space<vmem>>[vector<16xi32>], vector<16xf32>, vector<16xi1>
      %eq3A_466 = arith.constant 5 : i32
      %eq3A_467 = vector.broadcast %eq3A_466 : i32 to vector<16xi32>
      %eq3A_468 = arith.cmpi eq, %iota3A, %eq3A_467 : vector<16xi32>
      %and3A_469 = arith.andi %and3A_430, %eq3A_468 : vector<16xi1>
      tpu.vector_store_idx %arg10[%select_n3A_446], %mul3A_437 masked %and3A_469 {add = true} : memref<51200xf32, #tpu.memory_space<vmem>>[vector<16xi32>], vector<16xf32>, vector<16xi1>
      %eq3A_470 = arith.constant 6 : i32
      %eq3A_471 = vector.broadcast %eq3A_470 : i32 to vector<16xi32>
      %eq3A_472 = arith.cmpi eq, %iota3A, %eq3A_471 : vector<16xi32>
      %and3A_473 = arith.andi %and3A_430, %eq3A_472 : vector<16xi1>
      tpu.vector_store_idx %arg10[%select_n3A_446], %mul3A_437 masked %and3A_473 {add = true} : memref<51200xf32, #tpu.memory_space<vmem>>[vector<16xi32>], vector<16xf32>, vector<16xi1>
      %eq3A_474 = arith.constant 7 : i32
      %eq3A_475 = vector.broadcast %eq3A_474 : i32 to vector<16xi32>
      %eq3A_476 = arith.cmpi eq, %iota3A, %eq3A_475 : vector<16xi32>
      %and3A_477 = arith.andi %and3A_430, %eq3A_476 : vector<16xi1>
      tpu.vector_store_idx %arg10[%select_n3A_446], %mul3A_437 masked %and3A_477 {add = true} : memref<51200xf32, #tpu.memory_space<vmem>>[vector<16xi32>], vector<16xf32>, vector<16xi1>
      %eq3A_478 = arith.constant 8 : i32
      %eq3A_479 = vector.broadcast %eq3A_478 : i32 to vector<16xi32>
      %eq3A_480 = arith.cmpi eq, %iota3A, %eq3A_479 : vector<16xi32>
      %and3A_481 = arith.andi %and3A_430, %eq3A_480 : vector<16xi1>
      tpu.vector_store_idx %arg10[%select_n3A_446], %mul3A_437 masked %and3A_481 {add = true} : memref<51200xf32, #tpu.memory_space<vmem>>[vector<16xi32>], vector<16xf32>, vector<16xi1>
      %eq3A_482 = arith.constant 9 : i32
      %eq3A_483 = vector.broadcast %eq3A_482 : i32 to vector<16xi32>
      %eq3A_484 = arith.cmpi eq, %iota3A, %eq3A_483 : vector<16xi32>
      %and3A_485 = arith.andi %and3A_430, %eq3A_484 : vector<16xi1>
      tpu.vector_store_idx %arg10[%select_n3A_446], %mul3A_437 masked %and3A_485 {add = true} : memref<51200xf32, #tpu.memory_space<vmem>>[vector<16xi32>], vector<16xf32>, vector<16xi1>
      %eq3A_486 = arith.constant 10 : i32
      %eq3A_487 = vector.broadcast %eq3A_486 : i32 to vector<16xi32>
      %eq3A_488 = arith.cmpi eq, %iota3A, %eq3A_487 : vector<16xi32>
      %and3A_489 = arith.andi %and3A_430, %eq3A_488 : vector<16xi1>
      tpu.vector_store_idx %arg10[%select_n3A_446], %mul3A_437 masked %and3A_489 {add = true} : memref<51200xf32, #tpu.memory_space<vmem>>[vector<16xi32>], vector<16xf32>, vector<16xi1>
      %eq3A_490 = arith.constant 11 : i32
      %eq3A_491 = vector.broadcast %eq3A_490 : i32 to vector<16xi32>
      %eq3A_492 = arith.cmpi eq, %iota3A, %eq3A_491 : vector<16xi32>
      %and3A_493 = arith.andi %and3A_430, %eq3A_492 : vector<16xi1>
      tpu.vector_store_idx %arg10[%select_n3A_446], %mul3A_437 masked %and3A_493 {add = true} : memref<51200xf32, #tpu.memory_space<vmem>>[vector<16xi32>], vector<16xf32>, vector<16xi1>
      %eq3A_494 = arith.constant 12 : i32
      %eq3A_495 = vector.broadcast %eq3A_494 : i32 to vector<16xi32>
      %eq3A_496 = arith.cmpi eq, %iota3A, %eq3A_495 : vector<16xi32>
      %and3A_497 = arith.andi %and3A_430, %eq3A_496 : vector<16xi1>
      tpu.vector_store_idx %arg10[%select_n3A_446], %mul3A_437 masked %and3A_497 {add = true} : memref<51200xf32, #tpu.memory_space<vmem>>[vector<16xi32>], vector<16xf32>, vector<16xi1>
      %eq3A_498 = arith.constant 13 : i32
      %eq3A_499 = vector.broadcast %eq3A_498 : i32 to vector<16xi32>
      %eq3A_500 = arith.cmpi eq, %iota3A, %eq3A_499 : vector<16xi32>
      %and3A_501 = arith.andi %and3A_430, %eq3A_500 : vector<16xi1>
      tpu.vector_store_idx %arg10[%select_n3A_446], %mul3A_437 masked %and3A_501 {add = true} : memref<51200xf32, #tpu.memory_space<vmem>>[vector<16xi32>], vector<16xf32>, vector<16xi1>
      %eq3A_502 = arith.constant 14 : i32
      %eq3A_503 = vector.broadcast %eq3A_502 : i32 to vector<16xi32>
      %eq3A_504 = arith.cmpi eq, %iota3A, %eq3A_503 : vector<16xi32>
      %and3A_505 = arith.andi %and3A_430, %eq3A_504 : vector<16xi1>
      tpu.vector_store_idx %arg10[%select_n3A_446], %mul3A_437 masked %and3A_505 {add = true} : memref<51200xf32, #tpu.memory_space<vmem>>[vector<16xi32>], vector<16xf32>, vector<16xi1>
      %eq3A_506 = arith.constant 15 : i32
      %eq3A_507 = vector.broadcast %eq3A_506 : i32 to vector<16xi32>
      %eq3A_508 = arith.cmpi eq, %iota3A, %eq3A_507 : vector<16xi32>
      %and3A_509 = arith.andi %and3A_430, %eq3A_508 : vector<16xi1>
      tpu.vector_store_idx %arg10[%select_n3A_446], %mul3A_437 masked %and3A_509 {add = true} : memref<51200xf32, #tpu.memory_space<vmem>>[vector<16xi32>], vector<16xf32>, vector<16xi1>
      %while3A_510 = arith.constant 0 : i32
      scf.yield %while3A_510 : i32
    }
    %add3A_357 = arith.constant 0 : i32
    %add3A_358 = vector.broadcast %add3A_357 : i32 to vector<16xi32>
    %add3A_359 = arith.addi %add3A_358, %iota3A : vector<16xi32>
    %add3A_360 = vector.broadcast %add3A_311 : i32 to vector<16xi32>
    %add3A_361 = arith.addi %add3A_360, %add3A_359 : vector<16xi32>
    %lt3A_362 = arith.constant 20 : i32
    %lt3A_363 = vector.broadcast %lt3A_362 : i32 to vector<16xi32>
    %lt3A_364 = arith.cmpi slt, %add3A_359, %lt3A_363 : vector<16xi32>
    %lt3A_365 = arith.constant 2500 : i32
    %lt3A_366 = vector.broadcast %lt3A_365 : i32 to vector<16xi32>
    %lt3A_367 = arith.cmpi slt, %add3A_361, %lt3A_366 : vector<16xi32>
    %and3A_368 = arith.andi %lt3A_364, %lt3A_367 : vector<16xi1>
    %jit3A_369 = arith.constant 0 : i32
    %broadcast_in_dim3A_370 = vector.broadcast %jit3A_369 : i32 to vector<16xi32>
    %select_n3A_371 = arith.select %and3A_368, %add3A_361, %broadcast_in_dim3A_370 : vector<16xi1>, vector<16xi32>
    %gather3A_372 = tpu.vector_load_idx %arg8[%select_n3A_371] : memref<2560xf32, #tpu.memory_space<vmem>>[vector<16xi32>], vector<16xf32>,
    %mul3A_373 = arith.constant 2560 : i32
    %mul3A_374 = vector.broadcast %mul3A_373 : i32 to vector<16xi32>
    %mul3A_375 = arith.muli %add3A_359, %mul3A_374 : vector<16xi32>
    %add3A_376 = arith.addi %mul3A_375, %select_n3A_371 : vector<16xi32>
    %jit3A_377 = arith.constant 0 : i32
    %broadcast_in_dim3A_378 = vector.broadcast %jit3A_377 : i32 to vector<16xi32>
    %select_n3A_379 = arith.select %and3A_368, %add3A_376, %broadcast_in_dim3A_378 : vector<16xi1>, vector<16xi32>
    %mul3A_380 = arith.mulf %gather3A_372, %gather3A_372 : vector<16xf32>
    tpu.vector_store_idx %arg10[%select_n3A_379], %mul3A_380 masked %and3A_368 {add = true} : memref<51200xf32, #tpu.memory_space<vmem>>[vector<16xi32>], vector<16xf32>, vector<16xi1>
    %add3A_381 = arith.constant 16 : i32
    %add3A_382 = vector.broadcast %add3A_381 : i32 to vector<16xi32>
    %add3A_383 = arith.addi %add3A_382, %iota3A : vector<16xi32>
    %add3A_384 = vector.broadcast %add3A_311 : i32 to vector<16xi32>
    %add3A_385 = arith.addi %add3A_384, %add3A_383 : vector<16xi32>
    %lt3A_386 = arith.constant 20 : i32
    %lt3A_387 = vector.broadcast %lt3A_386 : i32 to vector<16xi32>
    %lt3A_388 = arith.cmpi slt, %add3A_383, %lt3A_387 : vector<16xi32>
    %lt3A_389 = arith.constant 2500 : i32
    %lt3A_390 = vector.broadcast %lt3A_389 : i32 to vector<16xi32>
    %lt3A_391 = arith.cmpi slt, %add3A_385, %lt3A_390 : vector<16xi32>
    %and3A_392 = arith.andi %lt3A_388, %lt3A_391 : vector<16xi1>
    %jit3A_393 = arith.constant 0 : i32
    %broadcast_in_dim3A_394 = vector.broadcast %jit3A_393 : i32 to vector<16xi32>
    %select_n3A_395 = arith.select %and3A_392, %add3A_385, %broadcast_in_dim3A_394 : vector<16xi1>, vector<16xi32>
    %gather3A_396 = tpu.vector_load_idx %arg8[%select_n3A_395] : memref<2560xf32, #tpu.memory_space<vmem>>[vector<16xi32>], vector<16xf32>,
    %mul3A_397 = arith.constant 2560 : i32
    %mul3A_398 = vector.broadcast %mul3A_397 : i32 to vector<16xi32>
    %mul3A_399 = arith.muli %add3A_383, %mul3A_398 : vector<16xi32>
    %add3A_400 = arith.addi %mul3A_399, %select_n3A_395 : vector<16xi32>
    %jit3A_401 = arith.constant 0 : i32
    %broadcast_in_dim3A_402 = vector.broadcast %jit3A_401 : i32 to vector<16xi32>
    %select_n3A_403 = arith.select %and3A_392, %add3A_400, %broadcast_in_dim3A_402 : vector<16xi1>, vector<16xi32>
    %mul3A_404 = arith.mulf %gather3A_396, %gather3A_396 : vector<16xf32>
    tpu.vector_store_idx %arg10[%select_n3A_403], %mul3A_404 masked %and3A_392 {add = true} : memref<51200xf32, #tpu.memory_space<vmem>>[vector<16xi32>], vector<16xf32>, vector<16xi1>
    %mul3A_405 = arith.constant 2560 : i32
    %mul3A_406 = arith.muli %add3A_311, %mul3A_405 : i32
    "tpu.region"() ({
      %run_scoped3A = tpu.sem_alloc : memref<!tpu.dma_semaphore, #tpu.memory_space<semaphore_mem>>
      %dma_start3A = tpu.memref_slice %arg5[%mul3A_406] : memref<6553600xf32, #tpu.memory_space<hbm>> -> memref<51200xf32, #tpu.memory_space<hbm>>
      %dma_start3A_407 = tpu.memref_slice %arg5[%mul3A_406] : memref<6553600xf32, #tpu.memory_space<hbm>> -> memref<51200xf32, #tpu.memory_space<hbm>>
      tpu.enqueue_dma source(%arg10 : memref<51200xf32, #tpu.memory_space<vmem>>) target(%dma_start3A_407 : memref<51200xf32, #tpu.memory_space<hbm>>) target_semaphore(%run_scoped3A : memref<!tpu.dma_semaphore, #tpu.memory_space<semaphore_mem>>)
      %dma_wait3A = tpu.memref_slice %arg5[%mul3A_406] : memref<6553600xf32, #tpu.memory_space<hbm>> -> memref<51200xf32, #tpu.memory_space<hbm>>
      %dma_wait3A_408 = tpu.memref_slice %arg5[%mul3A_406] : memref<6553600xf32, #tpu.memory_space<hbm>> -> memref<51200xf32, #tpu.memory_space<hbm>>
      tpu.wait_dma2 semaphore(%run_scoped3A : memref<!tpu.dma_semaphore, #tpu.memory_space<semaphore_mem>>) src(%arg10 : memref<51200xf32, #tpu.memory_space<vmem>>) dst(%dma_wait3A_408 : memref<51200xf32, #tpu.memory_space<hbm>>)
      tpu.yield
    }) : () -> ()
    return
  }
}

#map = affine_map<(d0, d1) -> (0)>
module attributes {stable_mosaic.version = 14 : i64} {
  func.func @k(%arg0: i32, %arg1: i32, %arg2: memref<4800xi32, #tpu.memory_space<hbm>>, %arg3: memref<4800xi32, #tpu.memory_space<hbm>>, %arg4: memref<1664xf32, #tpu.memory_space<hbm>>, %arg5: memref<2768896xf32, #tpu.memory_space<hbm>>, %arg6: memref<4800xi32, #tpu.memory_space<vmem>>, %arg7: memref<4800xi32, #tpu.memory_space<vmem>>, %arg8: memref<1664xf32, #tpu.memory_space<vmem>>, %arg9: memref<4800xi32, #tpu.memory_space<vmem>>, %arg10: memref<86528xf32, #tpu.memory_space<vmem>>) attributes {dimension_semantics = [#tpu.dimension_semantics<core_parallel>, #tpu.dimension_semantics<subcore_parallel>], iteration_bounds = array<i64: 2, 16>, scalar_prefetch = 0 : i64, scratch_operands = 5 : i64, tpu.core_type = #tpu.core_type<sc_vector_subcore>, window_params = [{transform_indices = #map}, {transform_indices = #map}, {transform_indices = #map}, {transform_indices = #map}]} {
    %mul3A = arith.constant 2 : i32
    %mul3A_0 = arith.muli %arg1, %mul3A : i32
    %add3A = arith.addi %mul3A_0, %arg0 : i32
    %mul3A_1 = arith.constant 52 : i32
    %mul3A_2 = arith.muli %add3A, %mul3A_1 : i32
    %add3A_3 = arith.constant 52 : i32
    %add3A_4 = arith.addi %mul3A_2, %add3A_3 : i32
    "tpu.region"() ({
      %run_scoped3A = tpu.sem_alloc : memref<!tpu.dma_semaphore, #tpu.memory_space<semaphore_mem>>
      tpu.enqueue_dma source(%arg2 : memref<4800xi32, #tpu.memory_space<hbm>>) target(%arg6 : memref<4800xi32, #tpu.memory_space<vmem>>) target_semaphore(%run_scoped3A : memref<!tpu.dma_semaphore, #tpu.memory_space<semaphore_mem>>)
      tpu.wait_dma2 semaphore(%run_scoped3A : memref<!tpu.dma_semaphore, #tpu.memory_space<semaphore_mem>>) src(%arg2 : memref<4800xi32, #tpu.memory_space<hbm>>) dst(%arg6 : memref<4800xi32, #tpu.memory_space<vmem>>)
      tpu.yield
    }) : () -> ()
    "tpu.region"() ({
      %run_scoped3A = tpu.sem_alloc : memref<!tpu.dma_semaphore, #tpu.memory_space<semaphore_mem>>
      tpu.enqueue_dma source(%arg3 : memref<4800xi32, #tpu.memory_space<hbm>>) target(%arg7 : memref<4800xi32, #tpu.memory_space<vmem>>) target_semaphore(%run_scoped3A : memref<!tpu.dma_semaphore, #tpu.memory_space<semaphore_mem>>)
      tpu.wait_dma2 semaphore(%run_scoped3A : memref<!tpu.dma_semaphore, #tpu.memory_space<semaphore_mem>>) src(%arg3 : memref<4800xi32, #tpu.memory_space<hbm>>) dst(%arg7 : memref<4800xi32, #tpu.memory_space<vmem>>)
      tpu.yield
    }) : () -> ()
    "tpu.region"() ({
      %run_scoped3A = tpu.sem_alloc : memref<!tpu.dma_semaphore, #tpu.memory_space<semaphore_mem>>
      tpu.enqueue_dma source(%arg4 : memref<1664xf32, #tpu.memory_space<hbm>>) target(%arg8 : memref<1664xf32, #tpu.memory_space<vmem>>) target_semaphore(%run_scoped3A : memref<!tpu.dma_semaphore, #tpu.memory_space<semaphore_mem>>)
      tpu.wait_dma2 semaphore(%run_scoped3A : memref<!tpu.dma_semaphore, #tpu.memory_space<semaphore_mem>>) src(%arg4 : memref<1664xf32, #tpu.memory_space<hbm>>) dst(%arg8 : memref<1664xf32, #tpu.memory_space<vmem>>)
      tpu.yield
    }) : () -> ()
    %iota3A = tpu.iota {dimensions = array<i32: 0>} : vector<16xi32>
    %scan3A = arith.constant 0 : i32
    %scan3A_5 = arith.constant 0 : i32
    %scan3A_6 = arith.constant 300 : i32
    %scan3A_7 = arith.addi %scan3A_5, %scan3A_6 : i32
    %scan3A_8 = arith.constant 1 : i32
    %scan3A_9 = scf.for %scan3A_144 = %scan3A_5 to %scan3A_7 step %scan3A_8 iter_args(%scan3A_145 = %scan3A) -> (i32)  : i32 {
      %mul3A_146 = arith.constant 16 : i32
      %mul3A_147 = arith.muli %scan3A_144, %mul3A_146 : i32
      %lt3A_148 = arith.constant 16 : i32
      %lt3A_149 = vector.broadcast %lt3A_148 : i32 to vector<16xi32>
      %lt3A_150 = arith.cmpi slt, %iota3A, %lt3A_149 : vector<16xi32>
      %get3A = arith.index_cast %mul3A_147 : i32 to index
      %get3A_151 = tpu.vector_load %arg7[%get3A] {strides = array<i32>} : memref<4800xi32, #tpu.memory_space<vmem>>, vector<16xi32>,
      %ge3A = vector.broadcast %mul3A_2 : i32 to vector<16xi32>
      %ge3A_152 = arith.cmpi sge, %get3A_151, %ge3A : vector<16xi32>
      %and3A_153 = arith.andi %lt3A_150, %ge3A_152 : vector<16xi1>
      %lt3A_154 = vector.broadcast %add3A_4 : i32 to vector<16xi32>
      %lt3A_155 = arith.cmpi slt, %get3A_151, %lt3A_154 : vector<16xi32>
      %and3A_156 = arith.andi %and3A_153, %lt3A_155 : vector<16xi1>
      %convert_element_type3A = arith.extui %and3A_156 : vector<16xi1> to vector<16xi32>
      %cumsum3A = arith.constant true
      %cumsum3A_157 = vector.broadcast %cumsum3A : i1 to vector<16xi1>
      %cumsum3A_158 = tpu.scan <sum>, %convert_element_type3A masked %cumsum3A_157 : vector<16xi32>, vector<16xi1> -> vector<16xi32>
      %add3A_159 = vector.broadcast %scan3A_145 : i32 to vector<16xi32>
      %add3A_160 = arith.addi %add3A_159, %cumsum3A_158 : vector<16xi32>
      %sub3A_161 = arith.constant 1 : i32
      %sub3A_162 = vector.broadcast %sub3A_161 : i32 to vector<16xi32>
      %sub3A_163 = arith.subi %add3A_160, %sub3A_162 : vector<16xi32>
      %add3A_164 = vector.broadcast %mul3A_147 : i32 to vector<16xi32>
      %add3A_165 = arith.addi %add3A_164, %iota3A : vector<16xi32>
      tpu.vector_store_idx %arg9[%sub3A_163], %add3A_165 masked %and3A_156 : memref<4800xi32, #tpu.memory_space<vmem>>[vector<16xi32>], vector<16xi32>, vector<16xi1>
      %slice3A = vector.extract_strided_slice %cumsum3A_158 {offsets = [15], sizes = [1], strides = [1]} : vector<16xi32> to vector<1xi32>
      %squeeze3A = vector.extract %slice3A[0] : i32 from vector<1xi32>
      %add3A_166 = arith.addi %scan3A_145, %squeeze3A : i32
      scf.yield %add3A_166 : i32
    }
    %scan3A_10 = arith.constant 300 : i32
    %add3A_11 = arith.constant 0 : i32
    %add3A_12 = arith.addi %mul3A_2, %add3A_11 : i32
    %scan3A_13 = arith.constant 0 : i32
    %scan3A_14 = arith.constant 0 : i32
    %scan3A_15 = arith.constant 5408 : i32
    %scan3A_16 = arith.addi %scan3A_14, %scan3A_15 : i32
    %scan3A_17 = arith.constant 1 : i32
    %scan3A_18 = scf.for %scan3A_144 = %scan3A_14 to %scan3A_16 step %scan3A_17 iter_args(%scan3A_145 = %scan3A_13) -> (i32)  : i32 {
      %broadcast_in_dim3A_146 = arith.constant 0.000000e+00 : f32
      %broadcast_in_dim3A_147 = vector.broadcast %broadcast_in_dim3A_146 : f32 to vector<16xf32>
      %mul3A_148 = arith.constant 16 : i32
      %mul3A_149 = arith.muli %scan3A_144, %mul3A_148 : i32
      %swap3A = arith.index_cast %mul3A_149 : i32 to index
      %swap3A_150 = tpu.vector_load %arg10[%swap3A] {strides = array<i32>} : memref<86528xf32, #tpu.memory_space<vmem>>, vector<16xf32>,
      tpu.vector_store %arg10[%swap3A], %broadcast_in_dim3A_147 {strides = array<i32>} : memref<86528xf32, #tpu.memory_space<vmem>>, vector<16xf32>,
      %scan3A_151 = arith.constant 0 : i32
      scf.yield %scan3A_151 : i32
    }
    %scan3A_19 = arith.constant 5408 : i32
    %add3A_20 = arith.constant 15 : i32
    %add3A_21 = arith.addi %scan3A_9, %add3A_20 : i32
    %jit3A = arith.constant 16 : i32
    %div3A = arith.divsi %add3A_21, %jit3A : i32
    %sign3A = arith.constant 0 : i32
    %sign3A_22 = arith.cmpi sgt, %add3A_21, %sign3A : i32
    %sign3A_23 = arith.extui %sign3A_22 : i1 to i32
    %sign3A_24 = arith.constant 0 : i32
    %sign3A_25 = arith.cmpi slt, %add3A_21, %sign3A_24 : i32
    %sign3A_26 = arith.extui %sign3A_25 : i1 to i32
    %sign3A_27 = arith.subi %sign3A_23, %sign3A_26 : i32
    %sign3A_28 = arith.constant 0 : i32
    %sign3A_29 = arith.cmpi sgt, %jit3A, %sign3A_28 : i32
    %sign3A_30 = arith.extui %sign3A_29 : i1 to i32
    %sign3A_31 = arith.constant 0 : i32
    %sign3A_32 = arith.cmpi slt, %jit3A, %sign3A_31 : i32
    %sign3A_33 = arith.extui %sign3A_32 : i1 to i32
    %sign3A_34 = arith.subi %sign3A_30, %sign3A_33 : i32
    %ne3A = arith.cmpi ne, %sign3A_27, %sign3A_34 : i32
    %rem3A = arith.remsi %add3A_21, %jit3A : i32
    %ne3A_35 = arith.constant 0 : i32
    %ne3A_36 = arith.cmpi ne, %rem3A, %ne3A_35 : i32
    %and3A = arith.andi %ne3A, %ne3A_36 : i1
    %sub3A = arith.constant 1 : i32
    %sub3A_37 = arith.subi %div3A, %sub3A : i32
    %select_n3A = arith.select %and3A, %sub3A_37, %div3A : i32
    %while3A = arith.constant 0 : i32
    %while3A_38 = arith.constant 0 : i32
    %while3A_39 = arith.subi %select_n3A, %while3A : i32
    %while3A_40 = arith.addi %while3A, %while3A_39 : i32
    %while3A_41 = arith.constant 1 : i32
    %while3A_42 = arith.divsi %while3A_39, %while3A_41 : i32
    %while3A_43 = arith.muli %while3A_42, %while3A_41 : i32
    %while3A_44 = arith.addi %while3A, %while3A_43 : i32
    %while3A_45 = arith.constant 1 : i32
    %while3A_46 = scf.for %while3A_144 = %while3A to %while3A_44 step %while3A_45 iter_args(%while3A_145 = %while3A_38) -> (i32)  : i32 {
      %mul3A_146 = arith.constant 16 : i32
      %mul3A_147 = arith.muli %while3A_144, %mul3A_146 : i32
      %add3A_148 = vector.broadcast %mul3A_147 : i32 to vector<16xi32>
      %add3A_149 = arith.addi %add3A_148, %iota3A : vector<16xi32>
      %lt3A_150 = vector.broadcast %scan3A_9 : i32 to vector<16xi32>
      %lt3A_151 = arith.cmpi slt, %add3A_149, %lt3A_150 : vector<16xi32>
      %mul3A_152 = arith.constant 16 : i32
      %mul3A_153 = arith.muli %while3A_144, %mul3A_152 : i32
      %get3A = arith.index_cast %mul3A_153 : i32 to index
      %get3A_154 = tpu.vector_load %arg9[%get3A] {strides = array<i32>} : memref<4800xi32, #tpu.memory_space<vmem>>, vector<16xi32>,
      %jit3A_155 = arith.constant 0 : i32
      %broadcast_in_dim3A_156 = vector.broadcast %jit3A_155 : i32 to vector<16xi32>
      %select_n3A_157 = arith.select %lt3A_151, %get3A_154, %broadcast_in_dim3A_156 : vector<16xi1>, vector<16xi32>
      %gather3A_158 = tpu.vector_load_idx %arg7[%select_n3A_157] : memref<4800xi32, #tpu.memory_space<vmem>>[vector<16xi32>], vector<16xi32>,
      %ge3A = vector.broadcast %add3A_12 : i32 to vector<16xi32>
      %ge3A_159 = arith.cmpi sge, %gather3A_158, %ge3A : vector<16xi32>
      %and3A_160 = arith.andi %lt3A_151, %ge3A_159 : vector<16xi1>
      %add3A_161 = arith.constant 52 : i32
      %add3A_162 = arith.addi %add3A_12, %add3A_161 : i32
      %lt3A_163 = vector.broadcast %add3A_162 : i32 to vector<16xi32>
      %lt3A_164 = arith.cmpi slt, %gather3A_158, %lt3A_163 : vector<16xi32>
      %and3A_165 = arith.andi %and3A_160, %lt3A_164 : vector<16xi1>
      %gather3A_166 = tpu.vector_load_idx %arg6[%select_n3A_157] masked %and3A_165 : memref<4800xi32, #tpu.memory_space<vmem>>[vector<16xi32>], vector<16xi32>, vector<16xi1>
      %jit3A_167 = arith.constant 0 : i32
      %broadcast_in_dim3A_168 = vector.broadcast %jit3A_167 : i32 to vector<16xi32>
      %select_n3A_169 = arith.select %and3A_165, %gather3A_166, %broadcast_in_dim3A_168 : vector<16xi1>, vector<16xi32>
      %gather3A_170 = tpu.vector_load_idx %arg8[%select_n3A_169] : memref<1664xf32, #tpu.memory_space<vmem>>[vector<16xi32>], vector<16xf32>,
      %gather3A_171 = tpu.vector_load_idx %arg8[%gather3A_158] : memref<1664xf32, #tpu.memory_space<vmem>>[vector<16xi32>], vector<16xf32>,
      %mul3A_172 = arith.mulf %gather3A_170, %gather3A_171 : vector<16xf32>
      %sub3A_173 = vector.broadcast %add3A_12 : i32 to vector<16xi32>
      %sub3A_174 = arith.subi %gather3A_158, %sub3A_173 : vector<16xi32>
      %mul3A_175 = arith.constant 1664 : i32
      %mul3A_176 = vector.broadcast %mul3A_175 : i32 to vector<16xi32>
      %mul3A_177 = arith.muli %sub3A_174, %mul3A_176 : vector<16xi32>
      %add3A_178 = arith.addi %mul3A_177, %gather3A_166 : vector<16xi32>
      %jit3A_179 = arith.constant 0 : i32
      %broadcast_in_dim3A_180 = vector.broadcast %jit3A_179 : i32 to vector<16xi32>
      %select_n3A_181 = arith.select %and3A_165, %add3A_178, %broadcast_in_dim3A_180 : vector<16xi1>, vector<16xi32>
      %eq3A = arith.constant 0 : i32
      %eq3A_182 = vector.broadcast %eq3A : i32 to vector<16xi32>
      %eq3A_183 = arith.cmpi eq, %iota3A, %eq3A_182 : vector<16xi32>
      %and3A_184 = arith.andi %and3A_165, %eq3A_183 : vector<16xi1>
      tpu.vector_store_idx %arg10[%select_n3A_181], %mul3A_172 masked %and3A_184 {add = true} : memref<86528xf32, #tpu.memory_space<vmem>>[vector<16xi32>], vector<16xf32>, vector<16xi1>
      %eq3A_185 = arith.constant 1 : i32
      %eq3A_186 = vector.broadcast %eq3A_185 : i32 to vector<16xi32>
      %eq3A_187 = arith.cmpi eq, %iota3A, %eq3A_186 : vector<16xi32>
      %and3A_188 = arith.andi %and3A_165, %eq3A_187 : vector<16xi1>
      tpu.vector_store_idx %arg10[%select_n3A_181], %mul3A_172 masked %and3A_188 {add = true} : memref<86528xf32, #tpu.memory_space<vmem>>[vector<16xi32>], vector<16xf32>, vector<16xi1>
      %eq3A_189 = arith.constant 2 : i32
      %eq3A_190 = vector.broadcast %eq3A_189 : i32 to vector<16xi32>
      %eq3A_191 = arith.cmpi eq, %iota3A, %eq3A_190 : vector<16xi32>
      %and3A_192 = arith.andi %and3A_165, %eq3A_191 : vector<16xi1>
      tpu.vector_store_idx %arg10[%select_n3A_181], %mul3A_172 masked %and3A_192 {add = true} : memref<86528xf32, #tpu.memory_space<vmem>>[vector<16xi32>], vector<16xf32>, vector<16xi1>
      %eq3A_193 = arith.constant 3 : i32
      %eq3A_194 = vector.broadcast %eq3A_193 : i32 to vector<16xi32>
      %eq3A_195 = arith.cmpi eq, %iota3A, %eq3A_194 : vector<16xi32>
      %and3A_196 = arith.andi %and3A_165, %eq3A_195 : vector<16xi1>
      tpu.vector_store_idx %arg10[%select_n3A_181], %mul3A_172 masked %and3A_196 {add = true} : memref<86528xf32, #tpu.memory_space<vmem>>[vector<16xi32>], vector<16xf32>, vector<16xi1>
      %eq3A_197 = arith.constant 4 : i32
      %eq3A_198 = vector.broadcast %eq3A_197 : i32 to vector<16xi32>
      %eq3A_199 = arith.cmpi eq, %iota3A, %eq3A_198 : vector<16xi32>
      %and3A_200 = arith.andi %and3A_165, %eq3A_199 : vector<16xi1>
      tpu.vector_store_idx %arg10[%select_n3A_181], %mul3A_172 masked %and3A_200 {add = true} : memref<86528xf32, #tpu.memory_space<vmem>>[vector<16xi32>], vector<16xf32>, vector<16xi1>
      %eq3A_201 = arith.constant 5 : i32
      %eq3A_202 = vector.broadcast %eq3A_201 : i32 to vector<16xi32>
      %eq3A_203 = arith.cmpi eq, %iota3A, %eq3A_202 : vector<16xi32>
      %and3A_204 = arith.andi %and3A_165, %eq3A_203 : vector<16xi1>
      tpu.vector_store_idx %arg10[%select_n3A_181], %mul3A_172 masked %and3A_204 {add = true} : memref<86528xf32, #tpu.memory_space<vmem>>[vector<16xi32>], vector<16xf32>, vector<16xi1>
      %eq3A_205 = arith.constant 6 : i32
      %eq3A_206 = vector.broadcast %eq3A_205 : i32 to vector<16xi32>
      %eq3A_207 = arith.cmpi eq, %iota3A, %eq3A_206 : vector<16xi32>
      %and3A_208 = arith.andi %and3A_165, %eq3A_207 : vector<16xi1>
      tpu.vector_store_idx %arg10[%select_n3A_181], %mul3A_172 masked %and3A_208 {add = true} : memref<86528xf32, #tpu.memory_space<vmem>>[vector<16xi32>], vector<16xf32>, vector<16xi1>
      %eq3A_209 = arith.constant 7 : i32
      %eq3A_210 = vector.broadcast %eq3A_209 : i32 to vector<16xi32>
      %eq3A_211 = arith.cmpi eq, %iota3A, %eq3A_210 : vector<16xi32>
      %and3A_212 = arith.andi %and3A_165, %eq3A_211 : vector<16xi1>
      tpu.vector_store_idx %arg10[%select_n3A_181], %mul3A_172 masked %and3A_212 {add = true} : memref<86528xf32, #tpu.memory_space<vmem>>[vector<16xi32>], vector<16xf32>, vector<16xi1>
      %eq3A_213 = arith.constant 8 : i32
      %eq3A_214 = vector.broadcast %eq3A_213 : i32 to vector<16xi32>
      %eq3A_215 = arith.cmpi eq, %iota3A, %eq3A_214 : vector<16xi32>
      %and3A_216 = arith.andi %and3A_165, %eq3A_215 : vector<16xi1>
      tpu.vector_store_idx %arg10[%select_n3A_181], %mul3A_172 masked %and3A_216 {add = true} : memref<86528xf32, #tpu.memory_space<vmem>>[vector<16xi32>], vector<16xf32>, vector<16xi1>
      %eq3A_217 = arith.constant 9 : i32
      %eq3A_218 = vector.broadcast %eq3A_217 : i32 to vector<16xi32>
      %eq3A_219 = arith.cmpi eq, %iota3A, %eq3A_218 : vector<16xi32>
      %and3A_220 = arith.andi %and3A_165, %eq3A_219 : vector<16xi1>
      tpu.vector_store_idx %arg10[%select_n3A_181], %mul3A_172 masked %and3A_220 {add = true} : memref<86528xf32, #tpu.memory_space<vmem>>[vector<16xi32>], vector<16xf32>, vector<16xi1>
      %eq3A_221 = arith.constant 10 : i32
      %eq3A_222 = vector.broadcast %eq3A_221 : i32 to vector<16xi32>
      %eq3A_223 = arith.cmpi eq, %iota3A, %eq3A_222 : vector<16xi32>
      %and3A_224 = arith.andi %and3A_165, %eq3A_223 : vector<16xi1>
      tpu.vector_store_idx %arg10[%select_n3A_181], %mul3A_172 masked %and3A_224 {add = true} : memref<86528xf32, #tpu.memory_space<vmem>>[vector<16xi32>], vector<16xf32>, vector<16xi1>
      %eq3A_225 = arith.constant 11 : i32
      %eq3A_226 = vector.broadcast %eq3A_225 : i32 to vector<16xi32>
      %eq3A_227 = arith.cmpi eq, %iota3A, %eq3A_226 : vector<16xi32>
      %and3A_228 = arith.andi %and3A_165, %eq3A_227 : vector<16xi1>
      tpu.vector_store_idx %arg10[%select_n3A_181], %mul3A_172 masked %and3A_228 {add = true} : memref<86528xf32, #tpu.memory_space<vmem>>[vector<16xi32>], vector<16xf32>, vector<16xi1>
      %eq3A_229 = arith.constant 12 : i32
      %eq3A_230 = vector.broadcast %eq3A_229 : i32 to vector<16xi32>
      %eq3A_231 = arith.cmpi eq, %iota3A, %eq3A_230 : vector<16xi32>
      %and3A_232 = arith.andi %and3A_165, %eq3A_231 : vector<16xi1>
      tpu.vector_store_idx %arg10[%select_n3A_181], %mul3A_172 masked %and3A_232 {add = true} : memref<86528xf32, #tpu.memory_space<vmem>>[vector<16xi32>], vector<16xf32>, vector<16xi1>
      %eq3A_233 = arith.constant 13 : i32
      %eq3A_234 = vector.broadcast %eq3A_233 : i32 to vector<16xi32>
      %eq3A_235 = arith.cmpi eq, %iota3A, %eq3A_234 : vector<16xi32>
      %and3A_236 = arith.andi %and3A_165, %eq3A_235 : vector<16xi1>
      tpu.vector_store_idx %arg10[%select_n3A_181], %mul3A_172 masked %and3A_236 {add = true} : memref<86528xf32, #tpu.memory_space<vmem>>[vector<16xi32>], vector<16xf32>, vector<16xi1>
      %eq3A_237 = arith.constant 14 : i32
      %eq3A_238 = vector.broadcast %eq3A_237 : i32 to vector<16xi32>
      %eq3A_239 = arith.cmpi eq, %iota3A, %eq3A_238 : vector<16xi32>
      %and3A_240 = arith.andi %and3A_165, %eq3A_239 : vector<16xi1>
      tpu.vector_store_idx %arg10[%select_n3A_181], %mul3A_172 masked %and3A_240 {add = true} : memref<86528xf32, #tpu.memory_space<vmem>>[vector<16xi32>], vector<16xf32>, vector<16xi1>
      %eq3A_241 = arith.constant 15 : i32
      %eq3A_242 = vector.broadcast %eq3A_241 : i32 to vector<16xi32>
      %eq3A_243 = arith.cmpi eq, %iota3A, %eq3A_242 : vector<16xi32>
      %and3A_244 = arith.andi %and3A_165, %eq3A_243 : vector<16xi1>
      tpu.vector_store_idx %arg10[%select_n3A_181], %mul3A_172 masked %and3A_244 {add = true} : memref<86528xf32, #tpu.memory_space<vmem>>[vector<16xi32>], vector<16xf32>, vector<16xi1>
      %while3A_245 = arith.constant 0 : i32
      scf.yield %while3A_245 : i32
    }
    %while3A_47 = arith.constant 1 : i32
    %while3A_48 = scf.for %while3A_144 = %while3A_44 to %while3A_40 step %while3A_47 iter_args(%while3A_145 = %while3A_46) -> (i32)  : i32 {
      %mul3A_146 = arith.constant 16 : i32
      %mul3A_147 = arith.muli %while3A_144, %mul3A_146 : i32
      %add3A_148 = vector.broadcast %mul3A_147 : i32 to vector<16xi32>
      %add3A_149 = arith.addi %add3A_148, %iota3A : vector<16xi32>
      %lt3A_150 = vector.broadcast %scan3A_9 : i32 to vector<16xi32>
      %lt3A_151 = arith.cmpi slt, %add3A_149, %lt3A_150 : vector<16xi32>
      %mul3A_152 = arith.constant 16 : i32
      %mul3A_153 = arith.muli %while3A_144, %mul3A_152 : i32
      %get3A = arith.index_cast %mul3A_153 : i32 to index
      %get3A_154 = tpu.vector_load %arg9[%get3A] {strides = array<i32>} : memref<4800xi32, #tpu.memory_space<vmem>>, vector<16xi32>,
      %jit3A_155 = arith.constant 0 : i32
      %broadcast_in_dim3A_156 = vector.broadcast %jit3A_155 : i32 to vector<16xi32>
      %select_n3A_157 = arith.select %lt3A_151, %get3A_154, %broadcast_in_dim3A_156 : vector<16xi1>, vector<16xi32>
      %gather3A_158 = tpu.vector_load_idx %arg7[%select_n3A_157] : memref<4800xi32, #tpu.memory_space<vmem>>[vector<16xi32>], vector<16xi32>,
      %ge3A = vector.broadcast %add3A_12 : i32 to vector<16xi32>
      %ge3A_159 = arith.cmpi sge, %gather3A_158, %ge3A : vector<16xi32>
      %and3A_160 = arith.andi %lt3A_151, %ge3A_159 : vector<16xi1>
      %add3A_161 = arith.constant 52 : i32
      %add3A_162 = arith.addi %add3A_12, %add3A_161 : i32
      %lt3A_163 = vector.broadcast %add3A_162 : i32 to vector<16xi32>
      %lt3A_164 = arith.cmpi slt, %gather3A_158, %lt3A_163 : vector<16xi32>
      %and3A_165 = arith.andi %and3A_160, %lt3A_164 : vector<16xi1>
      %gather3A_166 = tpu.vector_load_idx %arg6[%select_n3A_157] masked %and3A_165 : memref<4800xi32, #tpu.memory_space<vmem>>[vector<16xi32>], vector<16xi32>, vector<16xi1>
      %jit3A_167 = arith.constant 0 : i32
      %broadcast_in_dim3A_168 = vector.broadcast %jit3A_167 : i32 to vector<16xi32>
      %select_n3A_169 = arith.select %and3A_165, %gather3A_166, %broadcast_in_dim3A_168 : vector<16xi1>, vector<16xi32>
      %gather3A_170 = tpu.vector_load_idx %arg8[%select_n3A_169] : memref<1664xf32, #tpu.memory_space<vmem>>[vector<16xi32>], vector<16xf32>,
      %gather3A_171 = tpu.vector_load_idx %arg8[%gather3A_158] : memref<1664xf32, #tpu.memory_space<vmem>>[vector<16xi32>], vector<16xf32>,
      %mul3A_172 = arith.mulf %gather3A_170, %gather3A_171 : vector<16xf32>
      %sub3A_173 = vector.broadcast %add3A_12 : i32 to vector<16xi32>
      %sub3A_174 = arith.subi %gather3A_158, %sub3A_173 : vector<16xi32>
      %mul3A_175 = arith.constant 1664 : i32
      %mul3A_176 = vector.broadcast %mul3A_175 : i32 to vector<16xi32>
      %mul3A_177 = arith.muli %sub3A_174, %mul3A_176 : vector<16xi32>
      %add3A_178 = arith.addi %mul3A_177, %gather3A_166 : vector<16xi32>
      %jit3A_179 = arith.constant 0 : i32
      %broadcast_in_dim3A_180 = vector.broadcast %jit3A_179 : i32 to vector<16xi32>
      %select_n3A_181 = arith.select %and3A_165, %add3A_178, %broadcast_in_dim3A_180 : vector<16xi1>, vector<16xi32>
      %eq3A = arith.constant 0 : i32
      %eq3A_182 = vector.broadcast %eq3A : i32 to vector<16xi32>
      %eq3A_183 = arith.cmpi eq, %iota3A, %eq3A_182 : vector<16xi32>
      %and3A_184 = arith.andi %and3A_165, %eq3A_183 : vector<16xi1>
      tpu.vector_store_idx %arg10[%select_n3A_181], %mul3A_172 masked %and3A_184 {add = true} : memref<86528xf32, #tpu.memory_space<vmem>>[vector<16xi32>], vector<16xf32>, vector<16xi1>
      %eq3A_185 = arith.constant 1 : i32
      %eq3A_186 = vector.broadcast %eq3A_185 : i32 to vector<16xi32>
      %eq3A_187 = arith.cmpi eq, %iota3A, %eq3A_186 : vector<16xi32>
      %and3A_188 = arith.andi %and3A_165, %eq3A_187 : vector<16xi1>
      tpu.vector_store_idx %arg10[%select_n3A_181], %mul3A_172 masked %and3A_188 {add = true} : memref<86528xf32, #tpu.memory_space<vmem>>[vector<16xi32>], vector<16xf32>, vector<16xi1>
      %eq3A_189 = arith.constant 2 : i32
      %eq3A_190 = vector.broadcast %eq3A_189 : i32 to vector<16xi32>
      %eq3A_191 = arith.cmpi eq, %iota3A, %eq3A_190 : vector<16xi32>
      %and3A_192 = arith.andi %and3A_165, %eq3A_191 : vector<16xi1>
      tpu.vector_store_idx %arg10[%select_n3A_181], %mul3A_172 masked %and3A_192 {add = true} : memref<86528xf32, #tpu.memory_space<vmem>>[vector<16xi32>], vector<16xf32>, vector<16xi1>
      %eq3A_193 = arith.constant 3 : i32
      %eq3A_194 = vector.broadcast %eq3A_193 : i32 to vector<16xi32>
      %eq3A_195 = arith.cmpi eq, %iota3A, %eq3A_194 : vector<16xi32>
      %and3A_196 = arith.andi %and3A_165, %eq3A_195 : vector<16xi1>
      tpu.vector_store_idx %arg10[%select_n3A_181], %mul3A_172 masked %and3A_196 {add = true} : memref<86528xf32, #tpu.memory_space<vmem>>[vector<16xi32>], vector<16xf32>, vector<16xi1>
      %eq3A_197 = arith.constant 4 : i32
      %eq3A_198 = vector.broadcast %eq3A_197 : i32 to vector<16xi32>
      %eq3A_199 = arith.cmpi eq, %iota3A, %eq3A_198 : vector<16xi32>
      %and3A_200 = arith.andi %and3A_165, %eq3A_199 : vector<16xi1>
      tpu.vector_store_idx %arg10[%select_n3A_181], %mul3A_172 masked %and3A_200 {add = true} : memref<86528xf32, #tpu.memory_space<vmem>>[vector<16xi32>], vector<16xf32>, vector<16xi1>
      %eq3A_201 = arith.constant 5 : i32
      %eq3A_202 = vector.broadcast %eq3A_201 : i32 to vector<16xi32>
      %eq3A_203 = arith.cmpi eq, %iota3A, %eq3A_202 : vector<16xi32>
      %and3A_204 = arith.andi %and3A_165, %eq3A_203 : vector<16xi1>
      tpu.vector_store_idx %arg10[%select_n3A_181], %mul3A_172 masked %and3A_204 {add = true} : memref<86528xf32, #tpu.memory_space<vmem>>[vector<16xi32>], vector<16xf32>, vector<16xi1>
      %eq3A_205 = arith.constant 6 : i32
      %eq3A_206 = vector.broadcast %eq3A_205 : i32 to vector<16xi32>
      %eq3A_207 = arith.cmpi eq, %iota3A, %eq3A_206 : vector<16xi32>
      %and3A_208 = arith.andi %and3A_165, %eq3A_207 : vector<16xi1>
      tpu.vector_store_idx %arg10[%select_n3A_181], %mul3A_172 masked %and3A_208 {add = true} : memref<86528xf32, #tpu.memory_space<vmem>>[vector<16xi32>], vector<16xf32>, vector<16xi1>
      %eq3A_209 = arith.constant 7 : i32
      %eq3A_210 = vector.broadcast %eq3A_209 : i32 to vector<16xi32>
      %eq3A_211 = arith.cmpi eq, %iota3A, %eq3A_210 : vector<16xi32>
      %and3A_212 = arith.andi %and3A_165, %eq3A_211 : vector<16xi1>
      tpu.vector_store_idx %arg10[%select_n3A_181], %mul3A_172 masked %and3A_212 {add = true} : memref<86528xf32, #tpu.memory_space<vmem>>[vector<16xi32>], vector<16xf32>, vector<16xi1>
      %eq3A_213 = arith.constant 8 : i32
      %eq3A_214 = vector.broadcast %eq3A_213 : i32 to vector<16xi32>
      %eq3A_215 = arith.cmpi eq, %iota3A, %eq3A_214 : vector<16xi32>
      %and3A_216 = arith.andi %and3A_165, %eq3A_215 : vector<16xi1>
      tpu.vector_store_idx %arg10[%select_n3A_181], %mul3A_172 masked %and3A_216 {add = true} : memref<86528xf32, #tpu.memory_space<vmem>>[vector<16xi32>], vector<16xf32>, vector<16xi1>
      %eq3A_217 = arith.constant 9 : i32
      %eq3A_218 = vector.broadcast %eq3A_217 : i32 to vector<16xi32>
      %eq3A_219 = arith.cmpi eq, %iota3A, %eq3A_218 : vector<16xi32>
      %and3A_220 = arith.andi %and3A_165, %eq3A_219 : vector<16xi1>
      tpu.vector_store_idx %arg10[%select_n3A_181], %mul3A_172 masked %and3A_220 {add = true} : memref<86528xf32, #tpu.memory_space<vmem>>[vector<16xi32>], vector<16xf32>, vector<16xi1>
      %eq3A_221 = arith.constant 10 : i32
      %eq3A_222 = vector.broadcast %eq3A_221 : i32 to vector<16xi32>
      %eq3A_223 = arith.cmpi eq, %iota3A, %eq3A_222 : vector<16xi32>
      %and3A_224 = arith.andi %and3A_165, %eq3A_223 : vector<16xi1>
      tpu.vector_store_idx %arg10[%select_n3A_181], %mul3A_172 masked %and3A_224 {add = true} : memref<86528xf32, #tpu.memory_space<vmem>>[vector<16xi32>], vector<16xf32>, vector<16xi1>
      %eq3A_225 = arith.constant 11 : i32
      %eq3A_226 = vector.broadcast %eq3A_225 : i32 to vector<16xi32>
      %eq3A_227 = arith.cmpi eq, %iota3A, %eq3A_226 : vector<16xi32>
      %and3A_228 = arith.andi %and3A_165, %eq3A_227 : vector<16xi1>
      tpu.vector_store_idx %arg10[%select_n3A_181], %mul3A_172 masked %and3A_228 {add = true} : memref<86528xf32, #tpu.memory_space<vmem>>[vector<16xi32>], vector<16xf32>, vector<16xi1>
      %eq3A_229 = arith.constant 12 : i32
      %eq3A_230 = vector.broadcast %eq3A_229 : i32 to vector<16xi32>
      %eq3A_231 = arith.cmpi eq, %iota3A, %eq3A_230 : vector<16xi32>
      %and3A_232 = arith.andi %and3A_165, %eq3A_231 : vector<16xi1>
      tpu.vector_store_idx %arg10[%select_n3A_181], %mul3A_172 masked %and3A_232 {add = true} : memref<86528xf32, #tpu.memory_space<vmem>>[vector<16xi32>], vector<16xf32>, vector<16xi1>
      %eq3A_233 = arith.constant 13 : i32
      %eq3A_234 = vector.broadcast %eq3A_233 : i32 to vector<16xi32>
      %eq3A_235 = arith.cmpi eq, %iota3A, %eq3A_234 : vector<16xi32>
      %and3A_236 = arith.andi %and3A_165, %eq3A_235 : vector<16xi1>
      tpu.vector_store_idx %arg10[%select_n3A_181], %mul3A_172 masked %and3A_236 {add = true} : memref<86528xf32, #tpu.memory_space<vmem>>[vector<16xi32>], vector<16xf32>, vector<16xi1>
      %eq3A_237 = arith.constant 14 : i32
      %eq3A_238 = vector.broadcast %eq3A_237 : i32 to vector<16xi32>
      %eq3A_239 = arith.cmpi eq, %iota3A, %eq3A_238 : vector<16xi32>
      %and3A_240 = arith.andi %and3A_165, %eq3A_239 : vector<16xi1>
      tpu.vector_store_idx %arg10[%select_n3A_181], %mul3A_172 masked %and3A_240 {add = true} : memref<86528xf32, #tpu.memory_space<vmem>>[vector<16xi32>], vector<16xf32>, vector<16xi1>
      %eq3A_241 = arith.constant 15 : i32
      %eq3A_242 = vector.broadcast %eq3A_241 : i32 to vector<16xi32>
      %eq3A_243 = arith.cmpi eq, %iota3A, %eq3A_242 : vector<16xi32>
      %and3A_244 = arith.andi %and3A_165, %eq3A_243 : vector<16xi1>
      tpu.vector_store_idx %arg10[%select_n3A_181], %mul3A_172 masked %and3A_244 {add = true} : memref<86528xf32, #tpu.memory_space<vmem>>[vector<16xi32>], vector<16xf32>, vector<16xi1>
      %while3A_245 = arith.constant 0 : i32
      scf.yield %while3A_245 : i32
    }
    %add3A_49 = arith.constant 0 : i32
    %add3A_50 = vector.broadcast %add3A_49 : i32 to vector<16xi32>
    %add3A_51 = arith.addi %add3A_50, %iota3A : vector<16xi32>
    %add3A_52 = vector.broadcast %add3A_12 : i32 to vector<16xi32>
    %add3A_53 = arith.addi %add3A_52, %add3A_51 : vector<16xi32>
    %lt3A = arith.constant 52 : i32
    %lt3A_54 = vector.broadcast %lt3A : i32 to vector<16xi32>
    %lt3A_55 = arith.cmpi slt, %add3A_51, %lt3A_54 : vector<16xi32>
    %lt3A_56 = arith.constant 1600 : i32
    %lt3A_57 = vector.broadcast %lt3A_56 : i32 to vector<16xi32>
    %lt3A_58 = arith.cmpi slt, %add3A_53, %lt3A_57 : vector<16xi32>
    %and3A_59 = arith.andi %lt3A_55, %lt3A_58 : vector<16xi1>
    %jit3A_60 = arith.constant 0 : i32
    %broadcast_in_dim3A = vector.broadcast %jit3A_60 : i32 to vector<16xi32>
    %select_n3A_61 = arith.select %and3A_59, %add3A_53, %broadcast_in_dim3A : vector<16xi1>, vector<16xi32>
    %gather3A = tpu.vector_load_idx %arg8[%select_n3A_61] : memref<1664xf32, #tpu.memory_space<vmem>>[vector<16xi32>], vector<16xf32>,
    %mul3A_62 = arith.constant 1664 : i32
    %mul3A_63 = vector.broadcast %mul3A_62 : i32 to vector<16xi32>
    %mul3A_64 = arith.muli %add3A_51, %mul3A_63 : vector<16xi32>
    %add3A_65 = arith.addi %mul3A_64, %select_n3A_61 : vector<16xi32>
    %jit3A_66 = arith.constant 0 : i32
    %broadcast_in_dim3A_67 = vector.broadcast %jit3A_66 : i32 to vector<16xi32>
    %select_n3A_68 = arith.select %and3A_59, %add3A_65, %broadcast_in_dim3A_67 : vector<16xi1>, vector<16xi32>
    %mul3A_69 = arith.mulf %gather3A, %gather3A : vector<16xf32>
    tpu.vector_store_idx %arg10[%select_n3A_68], %mul3A_69 masked %and3A_59 {add = true} : memref<86528xf32, #tpu.memory_space<vmem>>[vector<16xi32>], vector<16xf32>, vector<16xi1>
    %add3A_70 = arith.constant 16 : i32
    %add3A_71 = vector.broadcast %add3A_70 : i32 to vector<16xi32>
    %add3A_72 = arith.addi %add3A_71, %iota3A : vector<16xi32>
    %add3A_73 = vector.broadcast %add3A_12 : i32 to vector<16xi32>
    %add3A_74 = arith.addi %add3A_73, %add3A_72 : vector<16xi32>
    %lt3A_75 = arith.constant 52 : i32
    %lt3A_76 = vector.broadcast %lt3A_75 : i32 to vector<16xi32>
    %lt3A_77 = arith.cmpi slt, %add3A_72, %lt3A_76 : vector<16xi32>
    %lt3A_78 = arith.constant 1600 : i32
    %lt3A_79 = vector.broadcast %lt3A_78 : i32 to vector<16xi32>
    %lt3A_80 = arith.cmpi slt, %add3A_74, %lt3A_79 : vector<16xi32>
    %and3A_81 = arith.andi %lt3A_77, %lt3A_80 : vector<16xi1>
    %jit3A_82 = arith.constant 0 : i32
    %broadcast_in_dim3A_83 = vector.broadcast %jit3A_82 : i32 to vector<16xi32>
    %select_n3A_84 = arith.select %and3A_81, %add3A_74, %broadcast_in_dim3A_83 : vector<16xi1>, vector<16xi32>
    %gather3A_85 = tpu.vector_load_idx %arg8[%select_n3A_84] : memref<1664xf32, #tpu.memory_space<vmem>>[vector<16xi32>], vector<16xf32>,
    %mul3A_86 = arith.constant 1664 : i32
    %mul3A_87 = vector.broadcast %mul3A_86 : i32 to vector<16xi32>
    %mul3A_88 = arith.muli %add3A_72, %mul3A_87 : vector<16xi32>
    %add3A_89 = arith.addi %mul3A_88, %select_n3A_84 : vector<16xi32>
    %jit3A_90 = arith.constant 0 : i32
    %broadcast_in_dim3A_91 = vector.broadcast %jit3A_90 : i32 to vector<16xi32>
    %select_n3A_92 = arith.select %and3A_81, %add3A_89, %broadcast_in_dim3A_91 : vector<16xi1>, vector<16xi32>
    %mul3A_93 = arith.mulf %gather3A_85, %gather3A_85 : vector<16xf32>
    tpu.vector_store_idx %arg10[%select_n3A_92], %mul3A_93 masked %and3A_81 {add = true} : memref<86528xf32, #tpu.memory_space<vmem>>[vector<16xi32>], vector<16xf32>, vector<16xi1>
    %add3A_94 = arith.constant 32 : i32
    %add3A_95 = vector.broadcast %add3A_94 : i32 to vector<16xi32>
    %add3A_96 = arith.addi %add3A_95, %iota3A : vector<16xi32>
    %add3A_97 = vector.broadcast %add3A_12 : i32 to vector<16xi32>
    %add3A_98 = arith.addi %add3A_97, %add3A_96 : vector<16xi32>
    %lt3A_99 = arith.constant 52 : i32
    %lt3A_100 = vector.broadcast %lt3A_99 : i32 to vector<16xi32>
    %lt3A_101 = arith.cmpi slt, %add3A_96, %lt3A_100 : vector<16xi32>
    %lt3A_102 = arith.constant 1600 : i32
    %lt3A_103 = vector.broadcast %lt3A_102 : i32 to vector<16xi32>
    %lt3A_104 = arith.cmpi slt, %add3A_98, %lt3A_103 : vector<16xi32>
    %and3A_105 = arith.andi %lt3A_101, %lt3A_104 : vector<16xi1>
    %jit3A_106 = arith.constant 0 : i32
    %broadcast_in_dim3A_107 = vector.broadcast %jit3A_106 : i32 to vector<16xi32>
    %select_n3A_108 = arith.select %and3A_105, %add3A_98, %broadcast_in_dim3A_107 : vector<16xi1>, vector<16xi32>
    %gather3A_109 = tpu.vector_load_idx %arg8[%select_n3A_108] : memref<1664xf32, #tpu.memory_space<vmem>>[vector<16xi32>], vector<16xf32>,
    %mul3A_110 = arith.constant 1664 : i32
    %mul3A_111 = vector.broadcast %mul3A_110 : i32 to vector<16xi32>
    %mul3A_112 = arith.muli %add3A_96, %mul3A_111 : vector<16xi32>
    %add3A_113 = arith.addi %mul3A_112, %select_n3A_108 : vector<16xi32>
    %jit3A_114 = arith.constant 0 : i32
    %broadcast_in_dim3A_115 = vector.broadcast %jit3A_114 : i32 to vector<16xi32>
    %select_n3A_116 = arith.select %and3A_105, %add3A_113, %broadcast_in_dim3A_115 : vector<16xi1>, vector<16xi32>
    %mul3A_117 = arith.mulf %gather3A_109, %gather3A_109 : vector<16xf32>
    tpu.vector_store_idx %arg10[%select_n3A_116], %mul3A_117 masked %and3A_105 {add = true} : memref<86528xf32, #tpu.memory_space<vmem>>[vector<16xi32>], vector<16xf32>, vector<16xi1>
    %add3A_118 = arith.constant 48 : i32
    %add3A_119 = vector.broadcast %add3A_118 : i32 to vector<16xi32>
    %add3A_120 = arith.addi %add3A_119, %iota3A : vector<16xi32>
    %add3A_121 = vector.broadcast %add3A_12 : i32 to vector<16xi32>
    %add3A_122 = arith.addi %add3A_121, %add3A_120 : vector<16xi32>
    %lt3A_123 = arith.constant 52 : i32
    %lt3A_124 = vector.broadcast %lt3A_123 : i32 to vector<16xi32>
    %lt3A_125 = arith.cmpi slt, %add3A_120, %lt3A_124 : vector<16xi32>
    %lt3A_126 = arith.constant 1600 : i32
    %lt3A_127 = vector.broadcast %lt3A_126 : i32 to vector<16xi32>
    %lt3A_128 = arith.cmpi slt, %add3A_122, %lt3A_127 : vector<16xi32>
    %and3A_129 = arith.andi %lt3A_125, %lt3A_128 : vector<16xi1>
    %jit3A_130 = arith.constant 0 : i32
    %broadcast_in_dim3A_131 = vector.broadcast %jit3A_130 : i32 to vector<16xi32>
    %select_n3A_132 = arith.select %and3A_129, %add3A_122, %broadcast_in_dim3A_131 : vector<16xi1>, vector<16xi32>
    %gather3A_133 = tpu.vector_load_idx %arg8[%select_n3A_132] : memref<1664xf32, #tpu.memory_space<vmem>>[vector<16xi32>], vector<16xf32>,
    %mul3A_134 = arith.constant 1664 : i32
    %mul3A_135 = vector.broadcast %mul3A_134 : i32 to vector<16xi32>
    %mul3A_136 = arith.muli %add3A_120, %mul3A_135 : vector<16xi32>
    %add3A_137 = arith.addi %mul3A_136, %select_n3A_132 : vector<16xi32>
    %jit3A_138 = arith.constant 0 : i32
    %broadcast_in_dim3A_139 = vector.broadcast %jit3A_138 : i32 to vector<16xi32>
    %select_n3A_140 = arith.select %and3A_129, %add3A_137, %broadcast_in_dim3A_139 : vector<16xi1>, vector<16xi32>
    %mul3A_141 = arith.mulf %gather3A_133, %gather3A_133 : vector<16xf32>
    tpu.vector_store_idx %arg10[%select_n3A_140], %mul3A_141 masked %and3A_129 {add = true} : memref<86528xf32, #tpu.memory_space<vmem>>[vector<16xi32>], vector<16xf32>, vector<16xi1>
    %mul3A_142 = arith.constant 1664 : i32
    %mul3A_143 = arith.muli %add3A_12, %mul3A_142 : i32
    "tpu.region"() ({
      %run_scoped3A = tpu.sem_alloc : memref<!tpu.dma_semaphore, #tpu.memory_space<semaphore_mem>>
      %dma_start3A = tpu.memref_slice %arg5[%mul3A_143] : memref<2768896xf32, #tpu.memory_space<hbm>> -> memref<86528xf32, #tpu.memory_space<hbm>>
      %dma_start3A_144 = tpu.memref_slice %arg5[%mul3A_143] : memref<2768896xf32, #tpu.memory_space<hbm>> -> memref<86528xf32, #tpu.memory_space<hbm>>
      tpu.enqueue_dma source(%arg10 : memref<86528xf32, #tpu.memory_space<vmem>>) target(%dma_start3A_144 : memref<86528xf32, #tpu.memory_space<hbm>>) target_semaphore(%run_scoped3A : memref<!tpu.dma_semaphore, #tpu.memory_space<semaphore_mem>>)
      %dma_wait3A = tpu.memref_slice %arg5[%mul3A_143] : memref<2768896xf32, #tpu.memory_space<hbm>> -> memref<86528xf32, #tpu.memory_space<hbm>>
      %dma_wait3A_145 = tpu.memref_slice %arg5[%mul3A_143] : memref<2768896xf32, #tpu.memory_space<hbm>> -> memref<86528xf32, #tpu.memory_space<hbm>>
      tpu.wait_dma2 semaphore(%run_scoped3A : memref<!tpu.dma_semaphore, #tpu.memory_space<semaphore_mem>>) src(%arg10 : memref<86528xf32, #tpu.memory_space<vmem>>) dst(%dma_wait3A_145 : memref<86528xf32, #tpu.memory_space<hbm>>)
      tpu.yield
    }) : () -> ()
    return
  }
}

#map = affine_map<(d0, d1) -> (0)>
module attributes {stable_mosaic.version = 14 : i64} {
  func.func @k(%arg0: i32, %arg1: i32, %arg2: memref<2700xi32, #tpu.memory_space<hbm>>, %arg3: memref<2700xi32, #tpu.memory_space<hbm>>, %arg4: memref<1024xf32, #tpu.memory_space<hbm>>, %arg5: memref<1048576xf32, #tpu.memory_space<hbm>>, %arg6: memref<2700xi32, #tpu.memory_space<vmem>>, %arg7: memref<2700xi32, #tpu.memory_space<vmem>>, %arg8: memref<1024xf32, #tpu.memory_space<vmem>>, %arg9: memref<2700xi32, #tpu.memory_space<vmem>>, %arg10: memref<32768xf32, #tpu.memory_space<vmem>>) attributes {dimension_semantics = [#tpu.dimension_semantics<core_parallel>, #tpu.dimension_semantics<subcore_parallel>], iteration_bounds = array<i64: 2, 16>, scalar_prefetch = 0 : i64, scratch_operands = 5 : i64, tpu.core_type = #tpu.core_type<sc_vector_subcore>, window_params = [{transform_indices = #map}, {transform_indices = #map}, {transform_indices = #map}, {transform_indices = #map}]} {
    %mul3A = arith.constant 2 : i32
    %mul3A_0 = arith.muli %arg1, %mul3A : i32
    %add3A = arith.addi %mul3A_0, %arg0 : i32
    %mul3A_1 = arith.constant 32 : i32
    %mul3A_2 = arith.muli %add3A, %mul3A_1 : i32
    %add3A_3 = arith.constant 32 : i32
    %add3A_4 = arith.addi %mul3A_2, %add3A_3 : i32
    "tpu.region"() ({
      %run_scoped3A = tpu.sem_alloc : memref<!tpu.dma_semaphore, #tpu.memory_space<semaphore_mem>>
      tpu.enqueue_dma source(%arg2 : memref<2700xi32, #tpu.memory_space<hbm>>) target(%arg6 : memref<2700xi32, #tpu.memory_space<vmem>>) target_semaphore(%run_scoped3A : memref<!tpu.dma_semaphore, #tpu.memory_space<semaphore_mem>>)
      tpu.wait_dma2 semaphore(%run_scoped3A : memref<!tpu.dma_semaphore, #tpu.memory_space<semaphore_mem>>) src(%arg2 : memref<2700xi32, #tpu.memory_space<hbm>>) dst(%arg6 : memref<2700xi32, #tpu.memory_space<vmem>>)
      tpu.yield
    }) : () -> ()
    "tpu.region"() ({
      %run_scoped3A = tpu.sem_alloc : memref<!tpu.dma_semaphore, #tpu.memory_space<semaphore_mem>>
      tpu.enqueue_dma source(%arg3 : memref<2700xi32, #tpu.memory_space<hbm>>) target(%arg7 : memref<2700xi32, #tpu.memory_space<vmem>>) target_semaphore(%run_scoped3A : memref<!tpu.dma_semaphore, #tpu.memory_space<semaphore_mem>>)
      tpu.wait_dma2 semaphore(%run_scoped3A : memref<!tpu.dma_semaphore, #tpu.memory_space<semaphore_mem>>) src(%arg3 : memref<2700xi32, #tpu.memory_space<hbm>>) dst(%arg7 : memref<2700xi32, #tpu.memory_space<vmem>>)
      tpu.yield
    }) : () -> ()
    "tpu.region"() ({
      %run_scoped3A = tpu.sem_alloc : memref<!tpu.dma_semaphore, #tpu.memory_space<semaphore_mem>>
      tpu.enqueue_dma source(%arg4 : memref<1024xf32, #tpu.memory_space<hbm>>) target(%arg8 : memref<1024xf32, #tpu.memory_space<vmem>>) target_semaphore(%run_scoped3A : memref<!tpu.dma_semaphore, #tpu.memory_space<semaphore_mem>>)
      tpu.wait_dma2 semaphore(%run_scoped3A : memref<!tpu.dma_semaphore, #tpu.memory_space<semaphore_mem>>) src(%arg4 : memref<1024xf32, #tpu.memory_space<hbm>>) dst(%arg8 : memref<1024xf32, #tpu.memory_space<vmem>>)
      tpu.yield
    }) : () -> ()
    %iota3A = tpu.iota {dimensions = array<i32: 0>} : vector<16xi32>
    %scan3A = arith.constant 0 : i32
    %scan3A_5 = arith.constant 0 : i32
    %scan3A_6 = arith.constant 168 : i32
    %scan3A_7 = arith.addi %scan3A_5, %scan3A_6 : i32
    %scan3A_8 = arith.constant 1 : i32
    %scan3A_9 = scf.for %scan3A_116 = %scan3A_5 to %scan3A_7 step %scan3A_8 iter_args(%scan3A_117 = %scan3A) -> (i32)  : i32 {
      %mul3A_118 = arith.constant 16 : i32
      %mul3A_119 = arith.muli %scan3A_116, %mul3A_118 : i32
      %lt3A_120 = arith.constant 16 : i32
      %lt3A_121 = vector.broadcast %lt3A_120 : i32 to vector<16xi32>
      %lt3A_122 = arith.cmpi slt, %iota3A, %lt3A_121 : vector<16xi32>
      %get3A_123 = arith.index_cast %mul3A_119 : i32 to index
      %get3A_124 = tpu.vector_load %arg7[%get3A_123] {strides = array<i32>} : memref<2700xi32, #tpu.memory_space<vmem>>, vector<16xi32>,
      %ge3A_125 = vector.broadcast %mul3A_2 : i32 to vector<16xi32>
      %ge3A_126 = arith.cmpi sge, %get3A_124, %ge3A_125 : vector<16xi32>
      %and3A_127 = arith.andi %lt3A_122, %ge3A_126 : vector<16xi1>
      %lt3A_128 = vector.broadcast %add3A_4 : i32 to vector<16xi32>
      %lt3A_129 = arith.cmpi slt, %get3A_124, %lt3A_128 : vector<16xi32>
      %and3A_130 = arith.andi %and3A_127, %lt3A_129 : vector<16xi1>
      %convert_element_type3A_131 = arith.extui %and3A_130 : vector<16xi1> to vector<16xi32>
      %cumsum3A_132 = arith.constant true
      %cumsum3A_133 = vector.broadcast %cumsum3A_132 : i1 to vector<16xi1>
      %cumsum3A_134 = tpu.scan <sum>, %convert_element_type3A_131 masked %cumsum3A_133 : vector<16xi32>, vector<16xi1> -> vector<16xi32>
      %add3A_135 = vector.broadcast %scan3A_117 : i32 to vector<16xi32>
      %add3A_136 = arith.addi %add3A_135, %cumsum3A_134 : vector<16xi32>
      %sub3A_137 = arith.constant 1 : i32
      %sub3A_138 = vector.broadcast %sub3A_137 : i32 to vector<16xi32>
      %sub3A_139 = arith.subi %add3A_136, %sub3A_138 : vector<16xi32>
      %add3A_140 = vector.broadcast %mul3A_119 : i32 to vector<16xi32>
      %add3A_141 = arith.addi %add3A_140, %iota3A : vector<16xi32>
      tpu.vector_store_idx %arg9[%sub3A_139], %add3A_141 masked %and3A_130 : memref<2700xi32, #tpu.memory_space<vmem>>[vector<16xi32>], vector<16xi32>, vector<16xi1>
      %slice3A_142 = vector.extract_strided_slice %cumsum3A_134 {offsets = [15], sizes = [1], strides = [1]} : vector<16xi32> to vector<1xi32>
      %squeeze3A_143 = vector.extract %slice3A_142[0] : i32 from vector<1xi32>
      %add3A_144 = arith.addi %scan3A_117, %squeeze3A_143 : i32
      scf.yield %add3A_144 : i32
    }
    %scan3A_10 = arith.constant 168 : i32
    %ge3A = arith.constant 4 : i32
    %ge3A_11 = vector.broadcast %ge3A : i32 to vector<16xi32>
    %ge3A_12 = arith.cmpi sge, %iota3A, %ge3A_11 : vector<16xi32>
    %get3A = arith.constant 2684 : index
    %get3A_13 = tpu.vector_load %arg7[%get3A] {strides = array<i32>} : memref<2700xi32, #tpu.memory_space<vmem>>, vector<16xi32>,
    %ge3A_14 = vector.broadcast %mul3A_2 : i32 to vector<16xi32>
    %ge3A_15 = arith.cmpi sge, %get3A_13, %ge3A_14 : vector<16xi32>
    %and3A = arith.andi %ge3A_12, %ge3A_15 : vector<16xi1>
    %lt3A = vector.broadcast %add3A_4 : i32 to vector<16xi32>
    %lt3A_16 = arith.cmpi slt, %get3A_13, %lt3A : vector<16xi32>
    %and3A_17 = arith.andi %and3A, %lt3A_16 : vector<16xi1>
    %convert_element_type3A = arith.extui %and3A_17 : vector<16xi1> to vector<16xi32>
    %cumsum3A = arith.constant true
    %cumsum3A_18 = vector.broadcast %cumsum3A : i1 to vector<16xi1>
    %cumsum3A_19 = tpu.scan <sum>, %convert_element_type3A masked %cumsum3A_18 : vector<16xi32>, vector<16xi1> -> vector<16xi32>
    %add3A_20 = vector.broadcast %scan3A_9 : i32 to vector<16xi32>
    %add3A_21 = arith.addi %add3A_20, %cumsum3A_19 : vector<16xi32>
    %sub3A = arith.constant 1 : i32
    %sub3A_22 = vector.broadcast %sub3A : i32 to vector<16xi32>
    %sub3A_23 = arith.subi %add3A_21, %sub3A_22 : vector<16xi32>
    %add3A_24 = arith.constant 2684 : i32
    %add3A_25 = vector.broadcast %add3A_24 : i32 to vector<16xi32>
    %add3A_26 = arith.addi %add3A_25, %iota3A : vector<16xi32>
    tpu.vector_store_idx %arg9[%sub3A_23], %add3A_26 masked %and3A_17 : memref<2700xi32, #tpu.memory_space<vmem>>[vector<16xi32>], vector<16xi32>, vector<16xi1>
    %slice3A = vector.extract_strided_slice %cumsum3A_19 {offsets = [15], sizes = [1], strides = [1]} : vector<16xi32> to vector<1xi32>
    %squeeze3A = vector.extract %slice3A[0] : i32 from vector<1xi32>
    %add3A_27 = arith.addi %scan3A_9, %squeeze3A : i32
    %add3A_28 = arith.constant 0 : i32
    %add3A_29 = arith.addi %mul3A_2, %add3A_28 : i32
    %scan3A_30 = arith.constant 0 : i32
    %scan3A_31 = arith.constant 0 : i32
    %scan3A_32 = arith.constant 2048 : i32
    %scan3A_33 = arith.addi %scan3A_31, %scan3A_32 : i32
    %scan3A_34 = arith.constant 1 : i32
    %scan3A_35 = scf.for %scan3A_116 = %scan3A_31 to %scan3A_33 step %scan3A_34 iter_args(%scan3A_117 = %scan3A_30) -> (i32)  : i32 {
      %broadcast_in_dim3A_118 = arith.constant 0.000000e+00 : f32
      %broadcast_in_dim3A_119 = vector.broadcast %broadcast_in_dim3A_118 : f32 to vector<16xf32>
      %mul3A_120 = arith.constant 16 : i32
      %mul3A_121 = arith.muli %scan3A_116, %mul3A_120 : i32
      %swap3A = arith.index_cast %mul3A_121 : i32 to index
      %swap3A_122 = tpu.vector_load %arg10[%swap3A] {strides = array<i32>} : memref<32768xf32, #tpu.memory_space<vmem>>, vector<16xf32>,
      tpu.vector_store %arg10[%swap3A], %broadcast_in_dim3A_119 {strides = array<i32>} : memref<32768xf32, #tpu.memory_space<vmem>>, vector<16xf32>,
      %scan3A_123 = arith.constant 0 : i32
      scf.yield %scan3A_123 : i32
    }
    %scan3A_36 = arith.constant 2048 : i32
    %add3A_37 = arith.constant 15 : i32
    %add3A_38 = arith.addi %add3A_27, %add3A_37 : i32
    %jit3A = arith.constant 16 : i32
    %div3A = arith.divsi %add3A_38, %jit3A : i32
    %sign3A = arith.constant 0 : i32
    %sign3A_39 = arith.cmpi sgt, %add3A_38, %sign3A : i32
    %sign3A_40 = arith.extui %sign3A_39 : i1 to i32
    %sign3A_41 = arith.constant 0 : i32
    %sign3A_42 = arith.cmpi slt, %add3A_38, %sign3A_41 : i32
    %sign3A_43 = arith.extui %sign3A_42 : i1 to i32
    %sign3A_44 = arith.subi %sign3A_40, %sign3A_43 : i32
    %sign3A_45 = arith.constant 0 : i32
    %sign3A_46 = arith.cmpi sgt, %jit3A, %sign3A_45 : i32
    %sign3A_47 = arith.extui %sign3A_46 : i1 to i32
    %sign3A_48 = arith.constant 0 : i32
    %sign3A_49 = arith.cmpi slt, %jit3A, %sign3A_48 : i32
    %sign3A_50 = arith.extui %sign3A_49 : i1 to i32
    %sign3A_51 = arith.subi %sign3A_47, %sign3A_50 : i32
    %ne3A = arith.cmpi ne, %sign3A_44, %sign3A_51 : i32
    %rem3A = arith.remsi %add3A_38, %jit3A : i32
    %ne3A_52 = arith.constant 0 : i32
    %ne3A_53 = arith.cmpi ne, %rem3A, %ne3A_52 : i32
    %and3A_54 = arith.andi %ne3A, %ne3A_53 : i1
    %sub3A_55 = arith.constant 1 : i32
    %sub3A_56 = arith.subi %div3A, %sub3A_55 : i32
    %select_n3A = arith.select %and3A_54, %sub3A_56, %div3A : i32
    %while3A = arith.constant 0 : i32
    %while3A_57 = arith.constant 0 : i32
    %while3A_58 = arith.subi %select_n3A, %while3A : i32
    %while3A_59 = arith.addi %while3A, %while3A_58 : i32
    %while3A_60 = arith.constant 1 : i32
    %while3A_61 = arith.divsi %while3A_58, %while3A_60 : i32
    %while3A_62 = arith.muli %while3A_61, %while3A_60 : i32
    %while3A_63 = arith.addi %while3A, %while3A_62 : i32
    %while3A_64 = arith.constant 1 : i32
    %while3A_65 = scf.for %while3A_116 = %while3A to %while3A_63 step %while3A_64 iter_args(%while3A_117 = %while3A_57) -> (i32)  : i32 {
      %mul3A_118 = arith.constant 16 : i32
      %mul3A_119 = arith.muli %while3A_116, %mul3A_118 : i32
      %add3A_120 = vector.broadcast %mul3A_119 : i32 to vector<16xi32>
      %add3A_121 = arith.addi %add3A_120, %iota3A : vector<16xi32>
      %lt3A_122 = vector.broadcast %add3A_27 : i32 to vector<16xi32>
      %lt3A_123 = arith.cmpi slt, %add3A_121, %lt3A_122 : vector<16xi32>
      %mul3A_124 = arith.constant 16 : i32
      %mul3A_125 = arith.muli %while3A_116, %mul3A_124 : i32
      %get3A_126 = arith.index_cast %mul3A_125 : i32 to index
      %get3A_127 = tpu.vector_load %arg9[%get3A_126] {strides = array<i32>} : memref<2700xi32, #tpu.memory_space<vmem>>, vector<16xi32>,
      %jit3A_128 = arith.constant 0 : i32
      %broadcast_in_dim3A_129 = vector.broadcast %jit3A_128 : i32 to vector<16xi32>
      %select_n3A_130 = arith.select %lt3A_123, %get3A_127, %broadcast_in_dim3A_129 : vector<16xi1>, vector<16xi32>
      %gather3A_131 = tpu.vector_load_idx %arg7[%select_n3A_130] : memref<2700xi32, #tpu.memory_space<vmem>>[vector<16xi32>], vector<16xi32>,
      %ge3A_132 = vector.broadcast %add3A_29 : i32 to vector<16xi32>
      %ge3A_133 = arith.cmpi sge, %gather3A_131, %ge3A_132 : vector<16xi32>
      %and3A_134 = arith.andi %lt3A_123, %ge3A_133 : vector<16xi1>
      %add3A_135 = arith.constant 32 : i32
      %add3A_136 = arith.addi %add3A_29, %add3A_135 : i32
      %lt3A_137 = vector.broadcast %add3A_136 : i32 to vector<16xi32>
      %lt3A_138 = arith.cmpi slt, %gather3A_131, %lt3A_137 : vector<16xi32>
      %and3A_139 = arith.andi %and3A_134, %lt3A_138 : vector<16xi1>
      %gather3A_140 = tpu.vector_load_idx %arg6[%select_n3A_130] masked %and3A_139 : memref<2700xi32, #tpu.memory_space<vmem>>[vector<16xi32>], vector<16xi32>, vector<16xi1>
      %jit3A_141 = arith.constant 0 : i32
      %broadcast_in_dim3A_142 = vector.broadcast %jit3A_141 : i32 to vector<16xi32>
      %select_n3A_143 = arith.select %and3A_139, %gather3A_140, %broadcast_in_dim3A_142 : vector<16xi1>, vector<16xi32>
      %gather3A_144 = tpu.vector_load_idx %arg8[%select_n3A_143] : memref<1024xf32, #tpu.memory_space<vmem>>[vector<16xi32>], vector<16xf32>,
      %gather3A_145 = tpu.vector_load_idx %arg8[%gather3A_131] : memref<1024xf32, #tpu.memory_space<vmem>>[vector<16xi32>], vector<16xf32>,
      %mul3A_146 = arith.mulf %gather3A_144, %gather3A_145 : vector<16xf32>
      %sub3A_147 = vector.broadcast %add3A_29 : i32 to vector<16xi32>
      %sub3A_148 = arith.subi %gather3A_131, %sub3A_147 : vector<16xi32>
      %mul3A_149 = arith.constant 1024 : i32
      %mul3A_150 = vector.broadcast %mul3A_149 : i32 to vector<16xi32>
      %mul3A_151 = arith.muli %sub3A_148, %mul3A_150 : vector<16xi32>
      %add3A_152 = arith.addi %mul3A_151, %gather3A_140 : vector<16xi32>
      %jit3A_153 = arith.constant 0 : i32
      %broadcast_in_dim3A_154 = vector.broadcast %jit3A_153 : i32 to vector<16xi32>
      %select_n3A_155 = arith.select %and3A_139, %add3A_152, %broadcast_in_dim3A_154 : vector<16xi1>, vector<16xi32>
      %eq3A = arith.constant 0 : i32
      %eq3A_156 = vector.broadcast %eq3A : i32 to vector<16xi32>
      %eq3A_157 = arith.cmpi eq, %iota3A, %eq3A_156 : vector<16xi32>
      %and3A_158 = arith.andi %and3A_139, %eq3A_157 : vector<16xi1>
      tpu.vector_store_idx %arg10[%select_n3A_155], %mul3A_146 masked %and3A_158 {add = true} : memref<32768xf32, #tpu.memory_space<vmem>>[vector<16xi32>], vector<16xf32>, vector<16xi1>
      %eq3A_159 = arith.constant 1 : i32
      %eq3A_160 = vector.broadcast %eq3A_159 : i32 to vector<16xi32>
      %eq3A_161 = arith.cmpi eq, %iota3A, %eq3A_160 : vector<16xi32>
      %and3A_162 = arith.andi %and3A_139, %eq3A_161 : vector<16xi1>
      tpu.vector_store_idx %arg10[%select_n3A_155], %mul3A_146 masked %and3A_162 {add = true} : memref<32768xf32, #tpu.memory_space<vmem>>[vector<16xi32>], vector<16xf32>, vector<16xi1>
      %eq3A_163 = arith.constant 2 : i32
      %eq3A_164 = vector.broadcast %eq3A_163 : i32 to vector<16xi32>
      %eq3A_165 = arith.cmpi eq, %iota3A, %eq3A_164 : vector<16xi32>
      %and3A_166 = arith.andi %and3A_139, %eq3A_165 : vector<16xi1>
      tpu.vector_store_idx %arg10[%select_n3A_155], %mul3A_146 masked %and3A_166 {add = true} : memref<32768xf32, #tpu.memory_space<vmem>>[vector<16xi32>], vector<16xf32>, vector<16xi1>
      %eq3A_167 = arith.constant 3 : i32
      %eq3A_168 = vector.broadcast %eq3A_167 : i32 to vector<16xi32>
      %eq3A_169 = arith.cmpi eq, %iota3A, %eq3A_168 : vector<16xi32>
      %and3A_170 = arith.andi %and3A_139, %eq3A_169 : vector<16xi1>
      tpu.vector_store_idx %arg10[%select_n3A_155], %mul3A_146 masked %and3A_170 {add = true} : memref<32768xf32, #tpu.memory_space<vmem>>[vector<16xi32>], vector<16xf32>, vector<16xi1>
      %eq3A_171 = arith.constant 4 : i32
      %eq3A_172 = vector.broadcast %eq3A_171 : i32 to vector<16xi32>
      %eq3A_173 = arith.cmpi eq, %iota3A, %eq3A_172 : vector<16xi32>
      %and3A_174 = arith.andi %and3A_139, %eq3A_173 : vector<16xi1>
      tpu.vector_store_idx %arg10[%select_n3A_155], %mul3A_146 masked %and3A_174 {add = true} : memref<32768xf32, #tpu.memory_space<vmem>>[vector<16xi32>], vector<16xf32>, vector<16xi1>
      %eq3A_175 = arith.constant 5 : i32
      %eq3A_176 = vector.broadcast %eq3A_175 : i32 to vector<16xi32>
      %eq3A_177 = arith.cmpi eq, %iota3A, %eq3A_176 : vector<16xi32>
      %and3A_178 = arith.andi %and3A_139, %eq3A_177 : vector<16xi1>
      tpu.vector_store_idx %arg10[%select_n3A_155], %mul3A_146 masked %and3A_178 {add = true} : memref<32768xf32, #tpu.memory_space<vmem>>[vector<16xi32>], vector<16xf32>, vector<16xi1>
      %eq3A_179 = arith.constant 6 : i32
      %eq3A_180 = vector.broadcast %eq3A_179 : i32 to vector<16xi32>
      %eq3A_181 = arith.cmpi eq, %iota3A, %eq3A_180 : vector<16xi32>
      %and3A_182 = arith.andi %and3A_139, %eq3A_181 : vector<16xi1>
      tpu.vector_store_idx %arg10[%select_n3A_155], %mul3A_146 masked %and3A_182 {add = true} : memref<32768xf32, #tpu.memory_space<vmem>>[vector<16xi32>], vector<16xf32>, vector<16xi1>
      %eq3A_183 = arith.constant 7 : i32
      %eq3A_184 = vector.broadcast %eq3A_183 : i32 to vector<16xi32>
      %eq3A_185 = arith.cmpi eq, %iota3A, %eq3A_184 : vector<16xi32>
      %and3A_186 = arith.andi %and3A_139, %eq3A_185 : vector<16xi1>
      tpu.vector_store_idx %arg10[%select_n3A_155], %mul3A_146 masked %and3A_186 {add = true} : memref<32768xf32, #tpu.memory_space<vmem>>[vector<16xi32>], vector<16xf32>, vector<16xi1>
      %eq3A_187 = arith.constant 8 : i32
      %eq3A_188 = vector.broadcast %eq3A_187 : i32 to vector<16xi32>
      %eq3A_189 = arith.cmpi eq, %iota3A, %eq3A_188 : vector<16xi32>
      %and3A_190 = arith.andi %and3A_139, %eq3A_189 : vector<16xi1>
      tpu.vector_store_idx %arg10[%select_n3A_155], %mul3A_146 masked %and3A_190 {add = true} : memref<32768xf32, #tpu.memory_space<vmem>>[vector<16xi32>], vector<16xf32>, vector<16xi1>
      %eq3A_191 = arith.constant 9 : i32
      %eq3A_192 = vector.broadcast %eq3A_191 : i32 to vector<16xi32>
      %eq3A_193 = arith.cmpi eq, %iota3A, %eq3A_192 : vector<16xi32>
      %and3A_194 = arith.andi %and3A_139, %eq3A_193 : vector<16xi1>
      tpu.vector_store_idx %arg10[%select_n3A_155], %mul3A_146 masked %and3A_194 {add = true} : memref<32768xf32, #tpu.memory_space<vmem>>[vector<16xi32>], vector<16xf32>, vector<16xi1>
      %eq3A_195 = arith.constant 10 : i32
      %eq3A_196 = vector.broadcast %eq3A_195 : i32 to vector<16xi32>
      %eq3A_197 = arith.cmpi eq, %iota3A, %eq3A_196 : vector<16xi32>
      %and3A_198 = arith.andi %and3A_139, %eq3A_197 : vector<16xi1>
      tpu.vector_store_idx %arg10[%select_n3A_155], %mul3A_146 masked %and3A_198 {add = true} : memref<32768xf32, #tpu.memory_space<vmem>>[vector<16xi32>], vector<16xf32>, vector<16xi1>
      %eq3A_199 = arith.constant 11 : i32
      %eq3A_200 = vector.broadcast %eq3A_199 : i32 to vector<16xi32>
      %eq3A_201 = arith.cmpi eq, %iota3A, %eq3A_200 : vector<16xi32>
      %and3A_202 = arith.andi %and3A_139, %eq3A_201 : vector<16xi1>
      tpu.vector_store_idx %arg10[%select_n3A_155], %mul3A_146 masked %and3A_202 {add = true} : memref<32768xf32, #tpu.memory_space<vmem>>[vector<16xi32>], vector<16xf32>, vector<16xi1>
      %eq3A_203 = arith.constant 12 : i32
      %eq3A_204 = vector.broadcast %eq3A_203 : i32 to vector<16xi32>
      %eq3A_205 = arith.cmpi eq, %iota3A, %eq3A_204 : vector<16xi32>
      %and3A_206 = arith.andi %and3A_139, %eq3A_205 : vector<16xi1>
      tpu.vector_store_idx %arg10[%select_n3A_155], %mul3A_146 masked %and3A_206 {add = true} : memref<32768xf32, #tpu.memory_space<vmem>>[vector<16xi32>], vector<16xf32>, vector<16xi1>
      %eq3A_207 = arith.constant 13 : i32
      %eq3A_208 = vector.broadcast %eq3A_207 : i32 to vector<16xi32>
      %eq3A_209 = arith.cmpi eq, %iota3A, %eq3A_208 : vector<16xi32>
      %and3A_210 = arith.andi %and3A_139, %eq3A_209 : vector<16xi1>
      tpu.vector_store_idx %arg10[%select_n3A_155], %mul3A_146 masked %and3A_210 {add = true} : memref<32768xf32, #tpu.memory_space<vmem>>[vector<16xi32>], vector<16xf32>, vector<16xi1>
      %eq3A_211 = arith.constant 14 : i32
      %eq3A_212 = vector.broadcast %eq3A_211 : i32 to vector<16xi32>
      %eq3A_213 = arith.cmpi eq, %iota3A, %eq3A_212 : vector<16xi32>
      %and3A_214 = arith.andi %and3A_139, %eq3A_213 : vector<16xi1>
      tpu.vector_store_idx %arg10[%select_n3A_155], %mul3A_146 masked %and3A_214 {add = true} : memref<32768xf32, #tpu.memory_space<vmem>>[vector<16xi32>], vector<16xf32>, vector<16xi1>
      %eq3A_215 = arith.constant 15 : i32
      %eq3A_216 = vector.broadcast %eq3A_215 : i32 to vector<16xi32>
      %eq3A_217 = arith.cmpi eq, %iota3A, %eq3A_216 : vector<16xi32>
      %and3A_218 = arith.andi %and3A_139, %eq3A_217 : vector<16xi1>
      tpu.vector_store_idx %arg10[%select_n3A_155], %mul3A_146 masked %and3A_218 {add = true} : memref<32768xf32, #tpu.memory_space<vmem>>[vector<16xi32>], vector<16xf32>, vector<16xi1>
      %while3A_219 = arith.constant 0 : i32
      scf.yield %while3A_219 : i32
    }
    %while3A_66 = arith.constant 1 : i32
    %while3A_67 = scf.for %while3A_116 = %while3A_63 to %while3A_59 step %while3A_66 iter_args(%while3A_117 = %while3A_65) -> (i32)  : i32 {
      %mul3A_118 = arith.constant 16 : i32
      %mul3A_119 = arith.muli %while3A_116, %mul3A_118 : i32
      %add3A_120 = vector.broadcast %mul3A_119 : i32 to vector<16xi32>
      %add3A_121 = arith.addi %add3A_120, %iota3A : vector<16xi32>
      %lt3A_122 = vector.broadcast %add3A_27 : i32 to vector<16xi32>
      %lt3A_123 = arith.cmpi slt, %add3A_121, %lt3A_122 : vector<16xi32>
      %mul3A_124 = arith.constant 16 : i32
      %mul3A_125 = arith.muli %while3A_116, %mul3A_124 : i32
      %get3A_126 = arith.index_cast %mul3A_125 : i32 to index
      %get3A_127 = tpu.vector_load %arg9[%get3A_126] {strides = array<i32>} : memref<2700xi32, #tpu.memory_space<vmem>>, vector<16xi32>,
      %jit3A_128 = arith.constant 0 : i32
      %broadcast_in_dim3A_129 = vector.broadcast %jit3A_128 : i32 to vector<16xi32>
      %select_n3A_130 = arith.select %lt3A_123, %get3A_127, %broadcast_in_dim3A_129 : vector<16xi1>, vector<16xi32>
      %gather3A_131 = tpu.vector_load_idx %arg7[%select_n3A_130] : memref<2700xi32, #tpu.memory_space<vmem>>[vector<16xi32>], vector<16xi32>,
      %ge3A_132 = vector.broadcast %add3A_29 : i32 to vector<16xi32>
      %ge3A_133 = arith.cmpi sge, %gather3A_131, %ge3A_132 : vector<16xi32>
      %and3A_134 = arith.andi %lt3A_123, %ge3A_133 : vector<16xi1>
      %add3A_135 = arith.constant 32 : i32
      %add3A_136 = arith.addi %add3A_29, %add3A_135 : i32
      %lt3A_137 = vector.broadcast %add3A_136 : i32 to vector<16xi32>
      %lt3A_138 = arith.cmpi slt, %gather3A_131, %lt3A_137 : vector<16xi32>
      %and3A_139 = arith.andi %and3A_134, %lt3A_138 : vector<16xi1>
      %gather3A_140 = tpu.vector_load_idx %arg6[%select_n3A_130] masked %and3A_139 : memref<2700xi32, #tpu.memory_space<vmem>>[vector<16xi32>], vector<16xi32>, vector<16xi1>
      %jit3A_141 = arith.constant 0 : i32
      %broadcast_in_dim3A_142 = vector.broadcast %jit3A_141 : i32 to vector<16xi32>
      %select_n3A_143 = arith.select %and3A_139, %gather3A_140, %broadcast_in_dim3A_142 : vector<16xi1>, vector<16xi32>
      %gather3A_144 = tpu.vector_load_idx %arg8[%select_n3A_143] : memref<1024xf32, #tpu.memory_space<vmem>>[vector<16xi32>], vector<16xf32>,
      %gather3A_145 = tpu.vector_load_idx %arg8[%gather3A_131] : memref<1024xf32, #tpu.memory_space<vmem>>[vector<16xi32>], vector<16xf32>,
      %mul3A_146 = arith.mulf %gather3A_144, %gather3A_145 : vector<16xf32>
      %sub3A_147 = vector.broadcast %add3A_29 : i32 to vector<16xi32>
      %sub3A_148 = arith.subi %gather3A_131, %sub3A_147 : vector<16xi32>
      %mul3A_149 = arith.constant 1024 : i32
      %mul3A_150 = vector.broadcast %mul3A_149 : i32 to vector<16xi32>
      %mul3A_151 = arith.muli %sub3A_148, %mul3A_150 : vector<16xi32>
      %add3A_152 = arith.addi %mul3A_151, %gather3A_140 : vector<16xi32>
      %jit3A_153 = arith.constant 0 : i32
      %broadcast_in_dim3A_154 = vector.broadcast %jit3A_153 : i32 to vector<16xi32>
      %select_n3A_155 = arith.select %and3A_139, %add3A_152, %broadcast_in_dim3A_154 : vector<16xi1>, vector<16xi32>
      %eq3A = arith.constant 0 : i32
      %eq3A_156 = vector.broadcast %eq3A : i32 to vector<16xi32>
      %eq3A_157 = arith.cmpi eq, %iota3A, %eq3A_156 : vector<16xi32>
      %and3A_158 = arith.andi %and3A_139, %eq3A_157 : vector<16xi1>
      tpu.vector_store_idx %arg10[%select_n3A_155], %mul3A_146 masked %and3A_158 {add = true} : memref<32768xf32, #tpu.memory_space<vmem>>[vector<16xi32>], vector<16xf32>, vector<16xi1>
      %eq3A_159 = arith.constant 1 : i32
      %eq3A_160 = vector.broadcast %eq3A_159 : i32 to vector<16xi32>
      %eq3A_161 = arith.cmpi eq, %iota3A, %eq3A_160 : vector<16xi32>
      %and3A_162 = arith.andi %and3A_139, %eq3A_161 : vector<16xi1>
      tpu.vector_store_idx %arg10[%select_n3A_155], %mul3A_146 masked %and3A_162 {add = true} : memref<32768xf32, #tpu.memory_space<vmem>>[vector<16xi32>], vector<16xf32>, vector<16xi1>
      %eq3A_163 = arith.constant 2 : i32
      %eq3A_164 = vector.broadcast %eq3A_163 : i32 to vector<16xi32>
      %eq3A_165 = arith.cmpi eq, %iota3A, %eq3A_164 : vector<16xi32>
      %and3A_166 = arith.andi %and3A_139, %eq3A_165 : vector<16xi1>
      tpu.vector_store_idx %arg10[%select_n3A_155], %mul3A_146 masked %and3A_166 {add = true} : memref<32768xf32, #tpu.memory_space<vmem>>[vector<16xi32>], vector<16xf32>, vector<16xi1>
      %eq3A_167 = arith.constant 3 : i32
      %eq3A_168 = vector.broadcast %eq3A_167 : i32 to vector<16xi32>
      %eq3A_169 = arith.cmpi eq, %iota3A, %eq3A_168 : vector<16xi32>
      %and3A_170 = arith.andi %and3A_139, %eq3A_169 : vector<16xi1>
      tpu.vector_store_idx %arg10[%select_n3A_155], %mul3A_146 masked %and3A_170 {add = true} : memref<32768xf32, #tpu.memory_space<vmem>>[vector<16xi32>], vector<16xf32>, vector<16xi1>
      %eq3A_171 = arith.constant 4 : i32
      %eq3A_172 = vector.broadcast %eq3A_171 : i32 to vector<16xi32>
      %eq3A_173 = arith.cmpi eq, %iota3A, %eq3A_172 : vector<16xi32>
      %and3A_174 = arith.andi %and3A_139, %eq3A_173 : vector<16xi1>
      tpu.vector_store_idx %arg10[%select_n3A_155], %mul3A_146 masked %and3A_174 {add = true} : memref<32768xf32, #tpu.memory_space<vmem>>[vector<16xi32>], vector<16xf32>, vector<16xi1>
      %eq3A_175 = arith.constant 5 : i32
      %eq3A_176 = vector.broadcast %eq3A_175 : i32 to vector<16xi32>
      %eq3A_177 = arith.cmpi eq, %iota3A, %eq3A_176 : vector<16xi32>
      %and3A_178 = arith.andi %and3A_139, %eq3A_177 : vector<16xi1>
      tpu.vector_store_idx %arg10[%select_n3A_155], %mul3A_146 masked %and3A_178 {add = true} : memref<32768xf32, #tpu.memory_space<vmem>>[vector<16xi32>], vector<16xf32>, vector<16xi1>
      %eq3A_179 = arith.constant 6 : i32
      %eq3A_180 = vector.broadcast %eq3A_179 : i32 to vector<16xi32>
      %eq3A_181 = arith.cmpi eq, %iota3A, %eq3A_180 : vector<16xi32>
      %and3A_182 = arith.andi %and3A_139, %eq3A_181 : vector<16xi1>
      tpu.vector_store_idx %arg10[%select_n3A_155], %mul3A_146 masked %and3A_182 {add = true} : memref<32768xf32, #tpu.memory_space<vmem>>[vector<16xi32>], vector<16xf32>, vector<16xi1>
      %eq3A_183 = arith.constant 7 : i32
      %eq3A_184 = vector.broadcast %eq3A_183 : i32 to vector<16xi32>
      %eq3A_185 = arith.cmpi eq, %iota3A, %eq3A_184 : vector<16xi32>
      %and3A_186 = arith.andi %and3A_139, %eq3A_185 : vector<16xi1>
      tpu.vector_store_idx %arg10[%select_n3A_155], %mul3A_146 masked %and3A_186 {add = true} : memref<32768xf32, #tpu.memory_space<vmem>>[vector<16xi32>], vector<16xf32>, vector<16xi1>
      %eq3A_187 = arith.constant 8 : i32
      %eq3A_188 = vector.broadcast %eq3A_187 : i32 to vector<16xi32>
      %eq3A_189 = arith.cmpi eq, %iota3A, %eq3A_188 : vector<16xi32>
      %and3A_190 = arith.andi %and3A_139, %eq3A_189 : vector<16xi1>
      tpu.vector_store_idx %arg10[%select_n3A_155], %mul3A_146 masked %and3A_190 {add = true} : memref<32768xf32, #tpu.memory_space<vmem>>[vector<16xi32>], vector<16xf32>, vector<16xi1>
      %eq3A_191 = arith.constant 9 : i32
      %eq3A_192 = vector.broadcast %eq3A_191 : i32 to vector<16xi32>
      %eq3A_193 = arith.cmpi eq, %iota3A, %eq3A_192 : vector<16xi32>
      %and3A_194 = arith.andi %and3A_139, %eq3A_193 : vector<16xi1>
      tpu.vector_store_idx %arg10[%select_n3A_155], %mul3A_146 masked %and3A_194 {add = true} : memref<32768xf32, #tpu.memory_space<vmem>>[vector<16xi32>], vector<16xf32>, vector<16xi1>
      %eq3A_195 = arith.constant 10 : i32
      %eq3A_196 = vector.broadcast %eq3A_195 : i32 to vector<16xi32>
      %eq3A_197 = arith.cmpi eq, %iota3A, %eq3A_196 : vector<16xi32>
      %and3A_198 = arith.andi %and3A_139, %eq3A_197 : vector<16xi1>
      tpu.vector_store_idx %arg10[%select_n3A_155], %mul3A_146 masked %and3A_198 {add = true} : memref<32768xf32, #tpu.memory_space<vmem>>[vector<16xi32>], vector<16xf32>, vector<16xi1>
      %eq3A_199 = arith.constant 11 : i32
      %eq3A_200 = vector.broadcast %eq3A_199 : i32 to vector<16xi32>
      %eq3A_201 = arith.cmpi eq, %iota3A, %eq3A_200 : vector<16xi32>
      %and3A_202 = arith.andi %and3A_139, %eq3A_201 : vector<16xi1>
      tpu.vector_store_idx %arg10[%select_n3A_155], %mul3A_146 masked %and3A_202 {add = true} : memref<32768xf32, #tpu.memory_space<vmem>>[vector<16xi32>], vector<16xf32>, vector<16xi1>
      %eq3A_203 = arith.constant 12 : i32
      %eq3A_204 = vector.broadcast %eq3A_203 : i32 to vector<16xi32>
      %eq3A_205 = arith.cmpi eq, %iota3A, %eq3A_204 : vector<16xi32>
      %and3A_206 = arith.andi %and3A_139, %eq3A_205 : vector<16xi1>
      tpu.vector_store_idx %arg10[%select_n3A_155], %mul3A_146 masked %and3A_206 {add = true} : memref<32768xf32, #tpu.memory_space<vmem>>[vector<16xi32>], vector<16xf32>, vector<16xi1>
      %eq3A_207 = arith.constant 13 : i32
      %eq3A_208 = vector.broadcast %eq3A_207 : i32 to vector<16xi32>
      %eq3A_209 = arith.cmpi eq, %iota3A, %eq3A_208 : vector<16xi32>
      %and3A_210 = arith.andi %and3A_139, %eq3A_209 : vector<16xi1>
      tpu.vector_store_idx %arg10[%select_n3A_155], %mul3A_146 masked %and3A_210 {add = true} : memref<32768xf32, #tpu.memory_space<vmem>>[vector<16xi32>], vector<16xf32>, vector<16xi1>
      %eq3A_211 = arith.constant 14 : i32
      %eq3A_212 = vector.broadcast %eq3A_211 : i32 to vector<16xi32>
      %eq3A_213 = arith.cmpi eq, %iota3A, %eq3A_212 : vector<16xi32>
      %and3A_214 = arith.andi %and3A_139, %eq3A_213 : vector<16xi1>
      tpu.vector_store_idx %arg10[%select_n3A_155], %mul3A_146 masked %and3A_214 {add = true} : memref<32768xf32, #tpu.memory_space<vmem>>[vector<16xi32>], vector<16xf32>, vector<16xi1>
      %eq3A_215 = arith.constant 15 : i32
      %eq3A_216 = vector.broadcast %eq3A_215 : i32 to vector<16xi32>
      %eq3A_217 = arith.cmpi eq, %iota3A, %eq3A_216 : vector<16xi32>
      %and3A_218 = arith.andi %and3A_139, %eq3A_217 : vector<16xi1>
      tpu.vector_store_idx %arg10[%select_n3A_155], %mul3A_146 masked %and3A_218 {add = true} : memref<32768xf32, #tpu.memory_space<vmem>>[vector<16xi32>], vector<16xf32>, vector<16xi1>
      %while3A_219 = arith.constant 0 : i32
      scf.yield %while3A_219 : i32
    }
    %add3A_68 = arith.constant 0 : i32
    %add3A_69 = vector.broadcast %add3A_68 : i32 to vector<16xi32>
    %add3A_70 = arith.addi %add3A_69, %iota3A : vector<16xi32>
    %add3A_71 = vector.broadcast %add3A_29 : i32 to vector<16xi32>
    %add3A_72 = arith.addi %add3A_71, %add3A_70 : vector<16xi32>
    %lt3A_73 = arith.constant 32 : i32
    %lt3A_74 = vector.broadcast %lt3A_73 : i32 to vector<16xi32>
    %lt3A_75 = arith.cmpi slt, %add3A_70, %lt3A_74 : vector<16xi32>
    %lt3A_76 = arith.constant 900 : i32
    %lt3A_77 = vector.broadcast %lt3A_76 : i32 to vector<16xi32>
    %lt3A_78 = arith.cmpi slt, %add3A_72, %lt3A_77 : vector<16xi32>
    %and3A_79 = arith.andi %lt3A_75, %lt3A_78 : vector<16xi1>
    %jit3A_80 = arith.constant 0 : i32
    %broadcast_in_dim3A = vector.broadcast %jit3A_80 : i32 to vector<16xi32>
    %select_n3A_81 = arith.select %and3A_79, %add3A_72, %broadcast_in_dim3A : vector<16xi1>, vector<16xi32>
    %gather3A = tpu.vector_load_idx %arg8[%select_n3A_81] : memref<1024xf32, #tpu.memory_space<vmem>>[vector<16xi32>], vector<16xf32>,
    %mul3A_82 = arith.constant 1024 : i32
    %mul3A_83 = vector.broadcast %mul3A_82 : i32 to vector<16xi32>
    %mul3A_84 = arith.muli %add3A_70, %mul3A_83 : vector<16xi32>
    %add3A_85 = arith.addi %mul3A_84, %select_n3A_81 : vector<16xi32>
    %jit3A_86 = arith.constant 0 : i32
    %broadcast_in_dim3A_87 = vector.broadcast %jit3A_86 : i32 to vector<16xi32>
    %select_n3A_88 = arith.select %and3A_79, %add3A_85, %broadcast_in_dim3A_87 : vector<16xi1>, vector<16xi32>
    %mul3A_89 = arith.mulf %gather3A, %gather3A : vector<16xf32>
    tpu.vector_store_idx %arg10[%select_n3A_88], %mul3A_89 masked %and3A_79 {add = true} : memref<32768xf32, #tpu.memory_space<vmem>>[vector<16xi32>], vector<16xf32>, vector<16xi1>
    %add3A_90 = arith.constant 16 : i32
    %add3A_91 = vector.broadcast %add3A_90 : i32 to vector<16xi32>
    %add3A_92 = arith.addi %add3A_91, %iota3A : vector<16xi32>
    %add3A_93 = vector.broadcast %add3A_29 : i32 to vector<16xi32>
    %add3A_94 = arith.addi %add3A_93, %add3A_92 : vector<16xi32>
    %lt3A_95 = arith.constant 32 : i32
    %lt3A_96 = vector.broadcast %lt3A_95 : i32 to vector<16xi32>
    %lt3A_97 = arith.cmpi slt, %add3A_92, %lt3A_96 : vector<16xi32>
    %lt3A_98 = arith.constant 900 : i32
    %lt3A_99 = vector.broadcast %lt3A_98 : i32 to vector<16xi32>
    %lt3A_100 = arith.cmpi slt, %add3A_94, %lt3A_99 : vector<16xi32>
    %and3A_101 = arith.andi %lt3A_97, %lt3A_100 : vector<16xi1>
    %jit3A_102 = arith.constant 0 : i32
    %broadcast_in_dim3A_103 = vector.broadcast %jit3A_102 : i32 to vector<16xi32>
    %select_n3A_104 = arith.select %and3A_101, %add3A_94, %broadcast_in_dim3A_103 : vector<16xi1>, vector<16xi32>
    %gather3A_105 = tpu.vector_load_idx %arg8[%select_n3A_104] : memref<1024xf32, #tpu.memory_space<vmem>>[vector<16xi32>], vector<16xf32>,
    %mul3A_106 = arith.constant 1024 : i32
    %mul3A_107 = vector.broadcast %mul3A_106 : i32 to vector<16xi32>
    %mul3A_108 = arith.muli %add3A_92, %mul3A_107 : vector<16xi32>
    %add3A_109 = arith.addi %mul3A_108, %select_n3A_104 : vector<16xi32>
    %jit3A_110 = arith.constant 0 : i32
    %broadcast_in_dim3A_111 = vector.broadcast %jit3A_110 : i32 to vector<16xi32>
    %select_n3A_112 = arith.select %and3A_101, %add3A_109, %broadcast_in_dim3A_111 : vector<16xi1>, vector<16xi32>
    %mul3A_113 = arith.mulf %gather3A_105, %gather3A_105 : vector<16xf32>
    tpu.vector_store_idx %arg10[%select_n3A_112], %mul3A_113 masked %and3A_101 {add = true} : memref<32768xf32, #tpu.memory_space<vmem>>[vector<16xi32>], vector<16xf32>, vector<16xi1>
    %mul3A_114 = arith.constant 1024 : i32
    %mul3A_115 = arith.muli %add3A_29, %mul3A_114 : i32
    "tpu.region"() ({
      %run_scoped3A = tpu.sem_alloc : memref<!tpu.dma_semaphore, #tpu.memory_space<semaphore_mem>>
      %dma_start3A = tpu.memref_slice %arg5[%mul3A_115] : memref<1048576xf32, #tpu.memory_space<hbm>> -> memref<32768xf32, #tpu.memory_space<hbm>>
      %dma_start3A_116 = tpu.memref_slice %arg5[%mul3A_115] : memref<1048576xf32, #tpu.memory_space<hbm>> -> memref<32768xf32, #tpu.memory_space<hbm>>
      tpu.enqueue_dma source(%arg10 : memref<32768xf32, #tpu.memory_space<vmem>>) target(%dma_start3A_116 : memref<32768xf32, #tpu.memory_space<hbm>>) target_semaphore(%run_scoped3A : memref<!tpu.dma_semaphore, #tpu.memory_space<semaphore_mem>>)
      %dma_wait3A = tpu.memref_slice %arg5[%mul3A_115] : memref<1048576xf32, #tpu.memory_space<hbm>> -> memref<32768xf32, #tpu.memory_space<hbm>>
      %dma_wait3A_117 = tpu.memref_slice %arg5[%mul3A_115] : memref<1048576xf32, #tpu.memory_space<hbm>> -> memref<32768xf32, #tpu.memory_space<hbm>>
      tpu.wait_dma2 semaphore(%run_scoped3A : memref<!tpu.dma_semaphore, #tpu.memory_space<semaphore_mem>>) src(%arg10 : memref<32768xf32, #tpu.memory_space<vmem>>) dst(%dma_wait3A_117 : memref<32768xf32, #tpu.memory_space<hbm>>)
      tpu.yield
    }) : () -> ()
    return
  }
}

module attributes {stable_mosaic.version = 14 : i64} {
  func.func @_dinv_kernel(%arg0: i32, %arg1: memref<4864x1xi32, #tpu.memory_space<vmem>>, %arg2: memref<1x1x128xf32, #tpu.memory_space<vmem>>) attributes {dimension_semantics = [#tpu.dimension_semantics<arbitrary>], iteration_bounds = array<i64: 13>, scalar_prefetch = 0 : i64, scratch_operands = 0 : i64, tpu.core_type = #tpu.core_type<tc>, window_params = [{pipeline_mode = #tpu.pipeline_mode<synchronous>, transform_indices = @transform_0, window_bounds = array<i64: 4864, 1>}, {transform_indices = @transform_1, window_bounds = array<i64: 1, 1, 128>}]} {
    %get3A = arith.constant 0 : index
    %get3A_0 = arith.constant 0 : index
    %get3A_1 = vector.load %arg1[%get3A, %get3A_0] : memref<4864x1xi32, #tpu.memory_space<vmem>>, vector<4864x1xi32>
    %mul3A = arith.constant 128 : i32
    %mul3A_2 = arith.muli %arg0, %mul3A : i32
    %iota3A = tpu.iota {dimensions = array<i32: 1>} : vector<1x128xi32>
    %add3A = vector.broadcast %mul3A_2 : i32 to vector<1x128xi32>
    %add3A_3 = arith.addi %add3A, %iota3A : vector<1x128xi32>
    %eq3A = vector.broadcast %get3A_1 : vector<4864x1xi32> to vector<4864x128xi32>
    %eq3A_4 = vector.broadcast %add3A_3 : vector<1x128xi32> to vector<4864x128xi32>
    %eq3A_5 = arith.cmpi eq, %eq3A, %eq3A_4 : vector<4864x128xi32>
    %convert_element_type3A = arith.extui %eq3A_5 : vector<4864x128xi1> to vector<4864x128xi32>
    %convert_element_type3A_6 = arith.sitofp %convert_element_type3A : vector<4864x128xi32> to vector<4864x128xf32>
    %reduce_sum3A = arith.constant dense<0.000000e+00> : vector<128xf32>
    %reduce_sum3A_7 = vector.multi_reduction <add>, %convert_element_type3A_6, %reduce_sum3A [0] : vector<4864x128xf32> to vector<128xf32>
    %broadcast_in_dim3A = vector.shape_cast %reduce_sum3A_7 : vector<128xf32> to vector<1x128xf32>
    %add3A_8 = arith.constant 1.000000e+00 : f32
    %add3A_9 = vector.broadcast %add3A_8 : f32 to vector<1x128xf32>
    %add3A_10 = arith.addf %broadcast_in_dim3A, %add3A_9 : vector<1x128xf32>
    %rsqrt3A = math.rsqrt %add3A_10 : vector<1x128xf32>
    %lt3A = arith.constant 1600 : i32
    %lt3A_11 = vector.broadcast %lt3A : i32 to vector<1x128xi32>
    %lt3A_12 = arith.cmpi slt, %add3A_3, %lt3A_11 : vector<1x128xi32>
    %jit3A = arith.constant 0.000000e+00 : f32
    %broadcast_in_dim3A_13 = vector.broadcast %jit3A : f32 to vector<1x128xf32>
    %select_n3A = arith.select %lt3A_12, %rsqrt3A, %broadcast_in_dim3A_13 : vector<1x128xi1>, vector<1x128xf32>
    %reshape3A = vector.shape_cast %select_n3A : vector<1x128xf32> to vector<1x1x128xf32>
    %swap3A = arith.constant 0 : index
    %swap3A_14 = arith.constant 0 : index
    %swap3A_15 = arith.constant 0 : index
    %swap3A_16 = vector.load %arg2[%swap3A, %swap3A_14, %swap3A_15] : memref<1x1x128xf32, #tpu.memory_space<vmem>>, vector<1x1x128xf32>
    tpu.vector_store %arg2[%swap3A, %swap3A_14, %swap3A_15], %reshape3A {strides = array<i32>} : memref<1x1x128xf32, #tpu.memory_space<vmem>>, vector<1x1x128xf32>,
    return
  }
  func.func @transform_0(%arg0: i32) -> (i32, i32) {
    %c0_i32 = arith.constant 0 : i32
    %c0_i32_0 = arith.constant 0 : i32
    %c0_i32_1 = arith.constant 0 : i32
    return %c0_i32, %c0_i32_0 : i32, i32
  }
  func.func @transform_1(%arg0: i32) -> (i32, i32, i32) {
    %c0_i32 = arith.constant 0 : i32
    %c0_i32_0 = arith.constant 0 : i32
    %c0_i32_1 = arith.constant 0 : i32
    return %arg0, %c0_i32, %c0_i32_0 : i32, i32, i32
  }
}

module attributes {stable_mosaic.version = 14 : i64} {
  func.func @_enc_kernel(%arg0: i32, %arg1: memref<8192x8xf32, #tpu.memory_space<vmem>>, %arg2: memref<8x128xf32, #tpu.memory_space<vmem>>, %arg3: memref<1x128xf32, #tpu.memory_space<vmem>>, %arg4: memref<8192x128xf32, #tpu.memory_space<vmem>>) attributes {dimension_semantics = [#tpu.dimension_semantics<arbitrary>], iteration_bounds = array<i64: 5>, scalar_prefetch = 0 : i64, scratch_operands = 0 : i64, tpu.core_type = #tpu.core_type<tc>, window_params = [{transform_indices = @transform_0, window_bounds = array<i64: 8192, 8>}, {pipeline_mode = #tpu.pipeline_mode<synchronous>, transform_indices = @transform_1, window_bounds = array<i64: 8, 128>}, {pipeline_mode = #tpu.pipeline_mode<synchronous>, transform_indices = @transform_2, window_bounds = array<i64: 1, 128>}, {transform_indices = @transform_3, window_bounds = array<i64: 8192, 128>}]} {
    %get3A = arith.constant 0 : index
    %get3A_0 = arith.constant 0 : index
    %get3A_1 = vector.load %arg1[%get3A, %get3A_0] : memref<8192x8xf32, #tpu.memory_space<vmem>>, vector<8192x8xf32>
    %get3A_2 = arith.constant 0 : index
    %get3A_3 = arith.constant 0 : index
    %get3A_4 = vector.load %arg2[%get3A_2, %get3A_3] : memref<8x128xf32, #tpu.memory_space<vmem>>, vector<8x128xf32>
    %dot_general3A = arith.constant dense<0.000000e+00> : vector<8192x128xf32>
    %dot_general3A_5 = tpu.matmul %get3A_1, %get3A_4, %dot_general3A {dimension_numbers = #tpu.dot_dimension_numbers<[1], [0], [0], [1], [0, 0, 1, 1], [], []>, transpose_lhs_hint = false} : vector<8192x8xf32>, vector<8x128xf32>, vector<8192x128xf32> -> vector<8192x128xf32>
    %get3A_6 = arith.constant 0 : index
    %get3A_7 = arith.constant 0 : index
    %get3A_8 = vector.load %arg3[%get3A_6, %get3A_7] : memref<1x128xf32, #tpu.memory_space<vmem>>, vector<1x128xf32>
    %add3A = vector.broadcast %get3A_8 : vector<1x128xf32> to vector<8192x128xf32>
    %add3A_9 = arith.addf %dot_general3A_5, %add3A : vector<8192x128xf32>
    %swap3A = arith.constant 0 : index
    %swap3A_10 = arith.constant 0 : index
    %swap3A_11 = vector.load %arg4[%swap3A, %swap3A_10] : memref<8192x128xf32, #tpu.memory_space<vmem>>, vector<8192x128xf32>
    tpu.vector_store %arg4[%swap3A, %swap3A_10], %add3A_9 {strides = array<i32>} : memref<8192x128xf32, #tpu.memory_space<vmem>>, vector<8192x128xf32>,
    return
  }
  func.func @transform_0(%arg0: i32) -> (i32, i32) {
    %c0_i32 = arith.constant 0 : i32
    %c0_i32_0 = arith.constant 0 : i32
    return %arg0, %c0_i32 : i32, i32
  }
  func.func @transform_1(%arg0: i32) -> (i32, i32) {
    %c0_i32 = arith.constant 0 : i32
    %c0_i32_0 = arith.constant 0 : i32
    %c0_i32_1 = arith.constant 0 : i32
    return %c0_i32, %c0_i32_0 : i32, i32
  }
  func.func @transform_2(%arg0: i32) -> (i32, i32) {
    %c0_i32 = arith.constant 0 : i32
    %c0_i32_0 = arith.constant 0 : i32
    %c0_i32_1 = arith.constant 0 : i32
    return %c0_i32, %c0_i32_0 : i32, i32
  }
  func.func @transform_3(%arg0: i32) -> (i32, i32) {
    %c0_i32 = arith.constant 0 : i32
    %c0_i32_0 = arith.constant 0 : i32
    return %arg0, %c0_i32 : i32, i32
  }
}

module attributes {stable_mosaic.version = 14 : i64} {
  func.func @_dinv_kernel(%arg0: i32, %arg1: memref<2816x1xi32, #tpu.memory_space<vmem>>, %arg2: memref<1x1x128xf32, #tpu.memory_space<vmem>>) attributes {dimension_semantics = [#tpu.dimension_semantics<arbitrary>], iteration_bounds = array<i64: 8>, scalar_prefetch = 0 : i64, scratch_operands = 0 : i64, tpu.core_type = #tpu.core_type<tc>, window_params = [{pipeline_mode = #tpu.pipeline_mode<synchronous>, transform_indices = @transform_0, window_bounds = array<i64: 2816, 1>}, {transform_indices = @transform_1, window_bounds = array<i64: 1, 1, 128>}]} {
    %get3A = arith.constant 0 : index
    %get3A_0 = arith.constant 0 : index
    %get3A_1 = vector.load %arg1[%get3A, %get3A_0] : memref<2816x1xi32, #tpu.memory_space<vmem>>, vector<2816x1xi32>
    %mul3A = arith.constant 128 : i32
    %mul3A_2 = arith.muli %arg0, %mul3A : i32
    %iota3A = tpu.iota {dimensions = array<i32: 1>} : vector<1x128xi32>
    %add3A = vector.broadcast %mul3A_2 : i32 to vector<1x128xi32>
    %add3A_3 = arith.addi %add3A, %iota3A : vector<1x128xi32>
    %eq3A = vector.broadcast %get3A_1 : vector<2816x1xi32> to vector<2816x128xi32>
    %eq3A_4 = vector.broadcast %add3A_3 : vector<1x128xi32> to vector<2816x128xi32>
    %eq3A_5 = arith.cmpi eq, %eq3A, %eq3A_4 : vector<2816x128xi32>
    %convert_element_type3A = arith.extui %eq3A_5 : vector<2816x128xi1> to vector<2816x128xi32>
    %convert_element_type3A_6 = arith.sitofp %convert_element_type3A : vector<2816x128xi32> to vector<2816x128xf32>
    %reduce_sum3A = arith.constant dense<0.000000e+00> : vector<128xf32>
    %reduce_sum3A_7 = vector.multi_reduction <add>, %convert_element_type3A_6, %reduce_sum3A [0] : vector<2816x128xf32> to vector<128xf32>
    %broadcast_in_dim3A = vector.shape_cast %reduce_sum3A_7 : vector<128xf32> to vector<1x128xf32>
    %add3A_8 = arith.constant 1.000000e+00 : f32
    %add3A_9 = vector.broadcast %add3A_8 : f32 to vector<1x128xf32>
    %add3A_10 = arith.addf %broadcast_in_dim3A, %add3A_9 : vector<1x128xf32>
    %rsqrt3A = math.rsqrt %add3A_10 : vector<1x128xf32>
    %lt3A = arith.constant 900 : i32
    %lt3A_11 = vector.broadcast %lt3A : i32 to vector<1x128xi32>
    %lt3A_12 = arith.cmpi slt, %add3A_3, %lt3A_11 : vector<1x128xi32>
    %jit3A = arith.constant 0.000000e+00 : f32
    %broadcast_in_dim3A_13 = vector.broadcast %jit3A : f32 to vector<1x128xf32>
    %select_n3A = arith.select %lt3A_12, %rsqrt3A, %broadcast_in_dim3A_13 : vector<1x128xi1>, vector<1x128xf32>
    %reshape3A = vector.shape_cast %select_n3A : vector<1x128xf32> to vector<1x1x128xf32>
    %swap3A = arith.constant 0 : index
    %swap3A_14 = arith.constant 0 : index
    %swap3A_15 = arith.constant 0 : index
    %swap3A_16 = vector.load %arg2[%swap3A, %swap3A_14, %swap3A_15] : memref<1x1x128xf32, #tpu.memory_space<vmem>>, vector<1x1x128xf32>
    tpu.vector_store %arg2[%swap3A, %swap3A_14, %swap3A_15], %reshape3A {strides = array<i32>} : memref<1x1x128xf32, #tpu.memory_space<vmem>>, vector<1x1x128xf32>,
    return
  }
  func.func @transform_0(%arg0: i32) -> (i32, i32) {
    %c0_i32 = arith.constant 0 : i32
    %c0_i32_0 = arith.constant 0 : i32
    %c0_i32_1 = arith.constant 0 : i32
    return %c0_i32, %c0_i32_0 : i32, i32
  }
  func.func @transform_1(%arg0: i32) -> (i32, i32, i32) {
    %c0_i32 = arith.constant 0 : i32
    %c0_i32_0 = arith.constant 0 : i32
    %c0_i32_1 = arith.constant 0 : i32
    return %arg0, %c0_i32, %c0_i32_0 : i32, i32, i32
  }
}

module attributes {stable_mosaic.version = 14 : i64} {
  func.func @_dinv_kernel(%arg0: i32, %arg1: memref<7552x1xi32, #tpu.memory_space<vmem>>, %arg2: memref<1x1x128xf32, #tpu.memory_space<vmem>>) attributes {dimension_semantics = [#tpu.dimension_semantics<arbitrary>], iteration_bounds = array<i64: 20>, scalar_prefetch = 0 : i64, scratch_operands = 0 : i64, tpu.core_type = #tpu.core_type<tc>, window_params = [{pipeline_mode = #tpu.pipeline_mode<synchronous>, transform_indices = @transform_0, window_bounds = array<i64: 7552, 1>}, {transform_indices = @transform_1, window_bounds = array<i64: 1, 1, 128>}]} {
    %get3A = arith.constant 0 : index
    %get3A_0 = arith.constant 0 : index
    %get3A_1 = vector.load %arg1[%get3A, %get3A_0] : memref<7552x1xi32, #tpu.memory_space<vmem>>, vector<7552x1xi32>
    %mul3A = arith.constant 128 : i32
    %mul3A_2 = arith.muli %arg0, %mul3A : i32
    %iota3A = tpu.iota {dimensions = array<i32: 1>} : vector<1x128xi32>
    %add3A = vector.broadcast %mul3A_2 : i32 to vector<1x128xi32>
    %add3A_3 = arith.addi %add3A, %iota3A : vector<1x128xi32>
    %eq3A = vector.broadcast %get3A_1 : vector<7552x1xi32> to vector<7552x128xi32>
    %eq3A_4 = vector.broadcast %add3A_3 : vector<1x128xi32> to vector<7552x128xi32>
    %eq3A_5 = arith.cmpi eq, %eq3A, %eq3A_4 : vector<7552x128xi32>
    %convert_element_type3A = arith.extui %eq3A_5 : vector<7552x128xi1> to vector<7552x128xi32>
    %convert_element_type3A_6 = arith.sitofp %convert_element_type3A : vector<7552x128xi32> to vector<7552x128xf32>
    %reduce_sum3A = arith.constant dense<0.000000e+00> : vector<128xf32>
    %reduce_sum3A_7 = vector.multi_reduction <add>, %convert_element_type3A_6, %reduce_sum3A [0] : vector<7552x128xf32> to vector<128xf32>
    %broadcast_in_dim3A = vector.shape_cast %reduce_sum3A_7 : vector<128xf32> to vector<1x128xf32>
    %add3A_8 = arith.constant 1.000000e+00 : f32
    %add3A_9 = vector.broadcast %add3A_8 : f32 to vector<1x128xf32>
    %add3A_10 = arith.addf %broadcast_in_dim3A, %add3A_9 : vector<1x128xf32>
    %rsqrt3A = math.rsqrt %add3A_10 : vector<1x128xf32>
    %lt3A = arith.constant 2500 : i32
    %lt3A_11 = vector.broadcast %lt3A : i32 to vector<1x128xi32>
    %lt3A_12 = arith.cmpi slt, %add3A_3, %lt3A_11 : vector<1x128xi32>
    %jit3A = arith.constant 0.000000e+00 : f32
    %broadcast_in_dim3A_13 = vector.broadcast %jit3A : f32 to vector<1x128xf32>
    %select_n3A = arith.select %lt3A_12, %rsqrt3A, %broadcast_in_dim3A_13 : vector<1x128xi1>, vector<1x128xf32>
    %reshape3A = vector.shape_cast %select_n3A : vector<1x128xf32> to vector<1x1x128xf32>
    %swap3A = arith.constant 0 : index
    %swap3A_14 = arith.constant 0 : index
    %swap3A_15 = arith.constant 0 : index
    %swap3A_16 = vector.load %arg2[%swap3A, %swap3A_14, %swap3A_15] : memref<1x1x128xf32, #tpu.memory_space<vmem>>, vector<1x1x128xf32>
    tpu.vector_store %arg2[%swap3A, %swap3A_14, %swap3A_15], %reshape3A {strides = array<i32>} : memref<1x1x128xf32, #tpu.memory_space<vmem>>, vector<1x1x128xf32>,
    return
  }
  func.func @transform_0(%arg0: i32) -> (i32, i32) {
    %c0_i32 = arith.constant 0 : i32
    %c0_i32_0 = arith.constant 0 : i32
    %c0_i32_1 = arith.constant 0 : i32
    return %c0_i32, %c0_i32_0 : i32, i32
  }
  func.func @transform_1(%arg0: i32) -> (i32, i32, i32) {
    %c0_i32 = arith.constant 0 : i32
    %c0_i32_0 = arith.constant 0 : i32
    %c0_i32_1 = arith.constant 0 : i32
    return %arg0, %c0_i32, %c0_i32_0 : i32, i32, i32
  }
}

module attributes {stable_mosaic.version = 14 : i64} {
  func.func @_k1_kernel(%arg0: i32, %arg1: memref<8192x128xf32, #tpu.memory_space<vmem>>, %arg2: memref<2x128xf32, #tpu.memory_space<vmem>>, %arg3: memref<1x128xf32, #tpu.memory_space<vmem>>, %arg4: memref<1x128xf32, #tpu.memory_space<vmem>>, %arg5: memref<128x128xf32, #tpu.memory_space<vmem>>, %arg6: memref<8192x128xf32, #tpu.memory_space<vmem>>) attributes {dimension_semantics = [#tpu.dimension_semantics<arbitrary>], iteration_bounds = array<i64: 2>, scalar_prefetch = 0 : i64, scratch_operands = 0 : i64, tpu.core_type = #tpu.core_type<tc>, window_params = [{transform_indices = @transform_0, window_bounds = array<i64: 8192, 128>}, {pipeline_mode = #tpu.pipeline_mode<synchronous>, transform_indices = @transform_1, window_bounds = array<i64: 2, 128>}, {pipeline_mode = #tpu.pipeline_mode<synchronous>, transform_indices = @transform_2, window_bounds = array<i64: 1, 128>}, {pipeline_mode = #tpu.pipeline_mode<synchronous>, transform_indices = @transform_3, window_bounds = array<i64: 1, 128>}, {pipeline_mode = #tpu.pipeline_mode<synchronous>, transform_indices = @transform_4, window_bounds = array<i64: 128, 128>}, {transform_indices = @transform_5, window_bounds = array<i64: 8192, 128>}]} {
    %get3A = arith.constant 0 : index
    %get3A_0 = arith.constant 0 : index
    %get3A_1 = vector.load %arg2[%get3A, %get3A_0] : memref<2x128xf32, #tpu.memory_space<vmem>>, vector<1x128xf32>
    %div3A = arith.constant 1.440000e+04 : f32
    %div3A_2 = vector.broadcast %div3A : f32 to vector<1x128xf32>
    %div3A_3 = arith.divf %get3A_1, %div3A_2 : vector<1x128xf32>
    %get3A_4 = arith.constant 1 : index
    %get3A_5 = arith.constant 0 : index
    %get3A_6 = vector.load %arg2[%get3A_4, %get3A_5] : memref<2x128xf32, #tpu.memory_space<vmem>>, vector<1x128xf32>
    %div3A_7 = arith.constant 1.440000e+04 : f32
    %div3A_8 = vector.broadcast %div3A_7 : f32 to vector<1x128xf32>
    %div3A_9 = arith.divf %get3A_6, %div3A_8 : vector<1x128xf32>
    %mul3A = arith.mulf %div3A_3, %div3A_3 : vector<1x128xf32>
    %sub3A = arith.subf %div3A_9, %mul3A : vector<1x128xf32>
    %get3A_10 = arith.constant 0 : index
    %get3A_11 = arith.constant 0 : index
    %get3A_12 = vector.load %arg3[%get3A_10, %get3A_11] : memref<1x128xf32, #tpu.memory_space<vmem>>, vector<1x128xf32>
    %add3A = arith.constant 9.99999974E-6 : f32
    %add3A_13 = vector.broadcast %add3A : f32 to vector<1x128xf32>
    %add3A_14 = arith.addf %sub3A, %add3A_13 : vector<1x128xf32>
    %rsqrt3A = math.rsqrt %add3A_14 : vector<1x128xf32>
    %mul3A_15 = arith.mulf %get3A_12, %rsqrt3A : vector<1x128xf32>
    %get3A_16 = arith.constant 0 : index
    %get3A_17 = arith.constant 0 : index
    %get3A_18 = vector.load %arg4[%get3A_16, %get3A_17] : memref<1x128xf32, #tpu.memory_space<vmem>>, vector<1x128xf32>
    %mul3A_19 = arith.mulf %div3A_3, %mul3A_15 : vector<1x128xf32>
    %sub3A_20 = arith.subf %get3A_18, %mul3A_19 : vector<1x128xf32>
    %get3A_21 = arith.constant 0 : index
    %get3A_22 = arith.constant 0 : index
    %get3A_23 = vector.load %arg1[%get3A_21, %get3A_22] : memref<8192x128xf32, #tpu.memory_space<vmem>>, vector<8192x128xf32>
    %mul3A_24 = vector.broadcast %mul3A_15 : vector<1x128xf32> to vector<8192x128xf32>
    %mul3A_25 = arith.mulf %get3A_23, %mul3A_24 : vector<8192x128xf32>
    %add3A_26 = vector.broadcast %sub3A_20 : vector<1x128xf32> to vector<8192x128xf32>
    %add3A_27 = arith.addf %mul3A_25, %add3A_26 : vector<8192x128xf32>
    %get3A_28 = arith.constant 0 : index
    %get3A_29 = arith.constant 0 : index
    %get3A_30 = vector.load %arg5[%get3A_28, %get3A_29] : memref<128x128xf32, #tpu.memory_space<vmem>>, vector<128x128xf32>
    %dot_general3A = arith.constant dense<0.000000e+00> : vector<8192x128xf32>
    %dot_general3A_31 = tpu.matmul %add3A_27, %get3A_30, %dot_general3A {dimension_numbers = #tpu.dot_dimension_numbers<[1], [0], [0], [1], [0, 0, 1, 1], [], []>, precision = #tpu.contract_precision<fp32>, transpose_lhs_hint = false} : vector<8192x128xf32>, vector<128x128xf32>, vector<8192x128xf32> -> vector<8192x128xf32>
    %swap3A = arith.constant 0 : index
    %swap3A_32 = arith.constant 0 : index
    %swap3A_33 = vector.load %arg6[%swap3A, %swap3A_32] : memref<8192x128xf32, #tpu.memory_space<vmem>>, vector<8192x128xf32>
    tpu.vector_store %arg6[%swap3A, %swap3A_32], %dot_general3A_31 {strides = array<i32>} : memref<8192x128xf32, #tpu.memory_space<vmem>>, vector<8192x128xf32>,
    return
  }
  func.func @transform_0(%arg0: i32) -> (i32, i32) {
    %c0_i32 = arith.constant 0 : i32
    %c0_i32_0 = arith.constant 0 : i32
    return %arg0, %c0_i32 : i32, i32
  }
  func.func @transform_1(%arg0: i32) -> (i32, i32) {
    %c0_i32 = arith.constant 0 : i32
    %c0_i32_0 = arith.constant 0 : i32
    %c0_i32_1 = arith.constant 0 : i32
    return %c0_i32, %c0_i32_0 : i32, i32
  }
  func.func @transform_2(%arg0: i32) -> (i32, i32) {
    %c0_i32 = arith.constant 0 : i32
    %c0_i32_0 = arith.constant 0 : i32
    %c0_i32_1 = arith.constant 0 : i32
    return %c0_i32, %c0_i32_0 : i32, i32
  }
  func.func @transform_3(%arg0: i32) -> (i32, i32) {
    %c0_i32 = arith.constant 0 : i32
    %c0_i32_0 = arith.constant 0 : i32
    %c0_i32_1 = arith.constant 0 : i32
    return %c0_i32, %c0_i32_0 : i32, i32
  }
  func.func @transform_4(%arg0: i32) -> (i32, i32) {
    %c0_i32 = arith.constant 0 : i32
    %c0_i32_0 = arith.constant 0 : i32
    %c0_i32_1 = arith.constant 0 : i32
    return %c0_i32, %c0_i32_0 : i32, i32
  }
  func.func @transform_5(%arg0: i32) -> (i32, i32) {
    %c0_i32 = arith.constant 0 : i32
    %c0_i32_0 = arith.constant 0 : i32
    return %arg0, %c0_i32 : i32, i32
  }
}

module attributes {stable_mosaic.version = 14 : i64} {
  func.func @_k1_kernel(%arg0: i32, %arg1: memref<8192x128xf32, #tpu.memory_space<vmem>>, %arg2: memref<2x128xf32, #tpu.memory_space<vmem>>, %arg3: memref<1x128xf32, #tpu.memory_space<vmem>>, %arg4: memref<1x128xf32, #tpu.memory_space<vmem>>, %arg5: memref<128x128xf32, #tpu.memory_space<vmem>>, %arg6: memref<8192x128xf32, #tpu.memory_space<vmem>>) attributes {dimension_semantics = [#tpu.dimension_semantics<arbitrary>], iteration_bounds = array<i64: 5>, scalar_prefetch = 0 : i64, scratch_operands = 0 : i64, tpu.core_type = #tpu.core_type<tc>, window_params = [{transform_indices = @transform_0, window_bounds = array<i64: 8192, 128>}, {pipeline_mode = #tpu.pipeline_mode<synchronous>, transform_indices = @transform_1, window_bounds = array<i64: 2, 128>}, {pipeline_mode = #tpu.pipeline_mode<synchronous>, transform_indices = @transform_2, window_bounds = array<i64: 1, 128>}, {pipeline_mode = #tpu.pipeline_mode<synchronous>, transform_indices = @transform_3, window_bounds = array<i64: 1, 128>}, {pipeline_mode = #tpu.pipeline_mode<synchronous>, transform_indices = @transform_4, window_bounds = array<i64: 128, 128>}, {transform_indices = @transform_5, window_bounds = array<i64: 8192, 128>}]} {
    %get3A = arith.constant 0 : index
    %get3A_0 = arith.constant 0 : index
    %get3A_1 = vector.load %arg2[%get3A, %get3A_0] : memref<2x128xf32, #tpu.memory_space<vmem>>, vector<1x128xf32>
    %div3A = arith.constant 4.000000e+04 : f32
    %div3A_2 = vector.broadcast %div3A : f32 to vector<1x128xf32>
    %div3A_3 = arith.divf %get3A_1, %div3A_2 : vector<1x128xf32>
    %get3A_4 = arith.constant 1 : index
    %get3A_5 = arith.constant 0 : index
    %get3A_6 = vector.load %arg2[%get3A_4, %get3A_5] : memref<2x128xf32, #tpu.memory_space<vmem>>, vector<1x128xf32>
    %div3A_7 = arith.constant 4.000000e+04 : f32
    %div3A_8 = vector.broadcast %div3A_7 : f32 to vector<1x128xf32>
    %div3A_9 = arith.divf %get3A_6, %div3A_8 : vector<1x128xf32>
    %mul3A = arith.mulf %div3A_3, %div3A_3 : vector<1x128xf32>
    %sub3A = arith.subf %div3A_9, %mul3A : vector<1x128xf32>
    %get3A_10 = arith.constant 0 : index
    %get3A_11 = arith.constant 0 : index
    %get3A_12 = vector.load %arg3[%get3A_10, %get3A_11] : memref<1x128xf32, #tpu.memory_space<vmem>>, vector<1x128xf32>
    %add3A = arith.constant 9.99999974E-6 : f32
    %add3A_13 = vector.broadcast %add3A : f32 to vector<1x128xf32>
    %add3A_14 = arith.addf %sub3A, %add3A_13 : vector<1x128xf32>
    %rsqrt3A = math.rsqrt %add3A_14 : vector<1x128xf32>
    %mul3A_15 = arith.mulf %get3A_12, %rsqrt3A : vector<1x128xf32>
    %get3A_16 = arith.constant 0 : index
    %get3A_17 = arith.constant 0 : index
    %get3A_18 = vector.load %arg4[%get3A_16, %get3A_17] : memref<1x128xf32, #tpu.memory_space<vmem>>, vector<1x128xf32>
    %mul3A_19 = arith.mulf %div3A_3, %mul3A_15 : vector<1x128xf32>
    %sub3A_20 = arith.subf %get3A_18, %mul3A_19 : vector<1x128xf32>
    %get3A_21 = arith.constant 0 : index
    %get3A_22 = arith.constant 0 : index
    %get3A_23 = vector.load %arg1[%get3A_21, %get3A_22] : memref<8192x128xf32, #tpu.memory_space<vmem>>, vector<8192x128xf32>
    %mul3A_24 = vector.broadcast %mul3A_15 : vector<1x128xf32> to vector<8192x128xf32>
    %mul3A_25 = arith.mulf %get3A_23, %mul3A_24 : vector<8192x128xf32>
    %add3A_26 = vector.broadcast %sub3A_20 : vector<1x128xf32> to vector<8192x128xf32>
    %add3A_27 = arith.addf %mul3A_25, %add3A_26 : vector<8192x128xf32>
    %get3A_28 = arith.constant 0 : index
    %get3A_29 = arith.constant 0 : index
    %get3A_30 = vector.load %arg5[%get3A_28, %get3A_29] : memref<128x128xf32, #tpu.memory_space<vmem>>, vector<128x128xf32>
    %dot_general3A = arith.constant dense<0.000000e+00> : vector<8192x128xf32>
    %dot_general3A_31 = tpu.matmul %add3A_27, %get3A_30, %dot_general3A {dimension_numbers = #tpu.dot_dimension_numbers<[1], [0], [0], [1], [0, 0, 1, 1], [], []>, precision = #tpu.contract_precision<fp32>, transpose_lhs_hint = false} : vector<8192x128xf32>, vector<128x128xf32>, vector<8192x128xf32> -> vector<8192x128xf32>
    %swap3A = arith.constant 0 : index
    %swap3A_32 = arith.constant 0 : index
    %swap3A_33 = vector.load %arg6[%swap3A, %swap3A_32] : memref<8192x128xf32, #tpu.memory_space<vmem>>, vector<8192x128xf32>
    tpu.vector_store %arg6[%swap3A, %swap3A_32], %dot_general3A_31 {strides = array<i32>} : memref<8192x128xf32, #tpu.memory_space<vmem>>, vector<8192x128xf32>,
    return
  }
  func.func @transform_0(%arg0: i32) -> (i32, i32) {
    %c0_i32 = arith.constant 0 : i32
    %c0_i32_0 = arith.constant 0 : i32
    return %arg0, %c0_i32 : i32, i32
  }
  func.func @transform_1(%arg0: i32) -> (i32, i32) {
    %c0_i32 = arith.constant 0 : i32
    %c0_i32_0 = arith.constant 0 : i32
    %c0_i32_1 = arith.constant 0 : i32
    return %c0_i32, %c0_i32_0 : i32, i32
  }
  func.func @transform_2(%arg0: i32) -> (i32, i32) {
    %c0_i32 = arith.constant 0 : i32
    %c0_i32_0 = arith.constant 0 : i32
    %c0_i32_1 = arith.constant 0 : i32
    return %c0_i32, %c0_i32_0 : i32, i32
  }
  func.func @transform_3(%arg0: i32) -> (i32, i32) {
    %c0_i32 = arith.constant 0 : i32
    %c0_i32_0 = arith.constant 0 : i32
    %c0_i32_1 = arith.constant 0 : i32
    return %c0_i32, %c0_i32_0 : i32, i32
  }
  func.func @transform_4(%arg0: i32) -> (i32, i32) {
    %c0_i32 = arith.constant 0 : i32
    %c0_i32_0 = arith.constant 0 : i32
    %c0_i32_1 = arith.constant 0 : i32
    return %c0_i32, %c0_i32_0 : i32, i32
  }
  func.func @transform_5(%arg0: i32) -> (i32, i32) {
    %c0_i32 = arith.constant 0 : i32
    %c0_i32_0 = arith.constant 0 : i32
    return %arg0, %c0_i32 : i32, i32
  }
}

module attributes {stable_mosaic.version = 14 : i64} {
  func.func @_k1_kernel(%arg0: i32, %arg1: memref<2048x128xf32, #tpu.memory_space<vmem>>, %arg2: memref<2x128xf32, #tpu.memory_space<vmem>>, %arg3: memref<1x128xf32, #tpu.memory_space<vmem>>, %arg4: memref<1x128xf32, #tpu.memory_space<vmem>>, %arg5: memref<128x128xf32, #tpu.memory_space<vmem>>, %arg6: memref<2048x128xf32, #tpu.memory_space<vmem>>) attributes {dimension_semantics = [#tpu.dimension_semantics<arbitrary>], iteration_bounds = array<i64: 13>, scalar_prefetch = 0 : i64, scratch_operands = 0 : i64, tpu.core_type = #tpu.core_type<tc>, window_params = [{transform_indices = @transform_0, window_bounds = array<i64: 2048, 128>}, {pipeline_mode = #tpu.pipeline_mode<synchronous>, transform_indices = @transform_1, window_bounds = array<i64: 2, 128>}, {pipeline_mode = #tpu.pipeline_mode<synchronous>, transform_indices = @transform_2, window_bounds = array<i64: 1, 128>}, {pipeline_mode = #tpu.pipeline_mode<synchronous>, transform_indices = @transform_3, window_bounds = array<i64: 1, 128>}, {pipeline_mode = #tpu.pipeline_mode<synchronous>, transform_indices = @transform_4, window_bounds = array<i64: 128, 128>}, {transform_indices = @transform_5, window_bounds = array<i64: 2048, 128>}]} {
    %get3A = arith.constant 0 : index
    %get3A_0 = arith.constant 0 : index
    %get3A_1 = vector.load %arg2[%get3A, %get3A_0] : memref<2x128xf32, #tpu.memory_space<vmem>>, vector<1x128xf32>
    %div3A = arith.constant 2.560000e+04 : f32
    %div3A_2 = vector.broadcast %div3A : f32 to vector<1x128xf32>
    %div3A_3 = arith.divf %get3A_1, %div3A_2 : vector<1x128xf32>
    %get3A_4 = arith.constant 1 : index
    %get3A_5 = arith.constant 0 : index
    %get3A_6 = vector.load %arg2[%get3A_4, %get3A_5] : memref<2x128xf32, #tpu.memory_space<vmem>>, vector<1x128xf32>
    %div3A_7 = arith.constant 2.560000e+04 : f32
    %div3A_8 = vector.broadcast %div3A_7 : f32 to vector<1x128xf32>
    %div3A_9 = arith.divf %get3A_6, %div3A_8 : vector<1x128xf32>
    %mul3A = arith.mulf %div3A_3, %div3A_3 : vector<1x128xf32>
    %sub3A = arith.subf %div3A_9, %mul3A : vector<1x128xf32>
    %get3A_10 = arith.constant 0 : index
    %get3A_11 = arith.constant 0 : index
    %get3A_12 = vector.load %arg3[%get3A_10, %get3A_11] : memref<1x128xf32, #tpu.memory_space<vmem>>, vector<1x128xf32>
    %add3A = arith.constant 9.99999974E-6 : f32
    %add3A_13 = vector.broadcast %add3A : f32 to vector<1x128xf32>
    %add3A_14 = arith.addf %sub3A, %add3A_13 : vector<1x128xf32>
    %rsqrt3A = math.rsqrt %add3A_14 : vector<1x128xf32>
    %mul3A_15 = arith.mulf %get3A_12, %rsqrt3A : vector<1x128xf32>
    %get3A_16 = arith.constant 0 : index
    %get3A_17 = arith.constant 0 : index
    %get3A_18 = vector.load %arg4[%get3A_16, %get3A_17] : memref<1x128xf32, #tpu.memory_space<vmem>>, vector<1x128xf32>
    %mul3A_19 = arith.mulf %div3A_3, %mul3A_15 : vector<1x128xf32>
    %sub3A_20 = arith.subf %get3A_18, %mul3A_19 : vector<1x128xf32>
    %get3A_21 = arith.constant 0 : index
    %get3A_22 = arith.constant 0 : index
    %get3A_23 = vector.load %arg1[%get3A_21, %get3A_22] : memref<2048x128xf32, #tpu.memory_space<vmem>>, vector<2048x128xf32>
    %mul3A_24 = vector.broadcast %mul3A_15 : vector<1x128xf32> to vector<2048x128xf32>
    %mul3A_25 = arith.mulf %get3A_23, %mul3A_24 : vector<2048x128xf32>
    %add3A_26 = vector.broadcast %sub3A_20 : vector<1x128xf32> to vector<2048x128xf32>
    %add3A_27 = arith.addf %mul3A_25, %add3A_26 : vector<2048x128xf32>
    %get3A_28 = arith.constant 0 : index
    %get3A_29 = arith.constant 0 : index
    %get3A_30 = vector.load %arg5[%get3A_28, %get3A_29] : memref<128x128xf32, #tpu.memory_space<vmem>>, vector<128x128xf32>
    %dot_general3A = arith.constant dense<0.000000e+00> : vector<2048x128xf32>
    %dot_general3A_31 = tpu.matmul %add3A_27, %get3A_30, %dot_general3A {dimension_numbers = #tpu.dot_dimension_numbers<[1], [0], [0], [1], [0, 0, 1, 1], [], []>, precision = #tpu.contract_precision<fp32>, transpose_lhs_hint = false} : vector<2048x128xf32>, vector<128x128xf32>, vector<2048x128xf32> -> vector<2048x128xf32>
    %swap3A = arith.constant 0 : index
    %swap3A_32 = arith.constant 0 : index
    %swap3A_33 = vector.load %arg6[%swap3A, %swap3A_32] : memref<2048x128xf32, #tpu.memory_space<vmem>>, vector<2048x128xf32>
    tpu.vector_store %arg6[%swap3A, %swap3A_32], %dot_general3A_31 {strides = array<i32>} : memref<2048x128xf32, #tpu.memory_space<vmem>>, vector<2048x128xf32>,
    return
  }
  func.func @transform_0(%arg0: i32) -> (i32, i32) {
    %c0_i32 = arith.constant 0 : i32
    %c0_i32_0 = arith.constant 0 : i32
    return %arg0, %c0_i32 : i32, i32
  }
  func.func @transform_1(%arg0: i32) -> (i32, i32) {
    %c0_i32 = arith.constant 0 : i32
    %c0_i32_0 = arith.constant 0 : i32
    %c0_i32_1 = arith.constant 0 : i32
    return %c0_i32, %c0_i32_0 : i32, i32
  }
  func.func @transform_2(%arg0: i32) -> (i32, i32) {
    %c0_i32 = arith.constant 0 : i32
    %c0_i32_0 = arith.constant 0 : i32
    %c0_i32_1 = arith.constant 0 : i32
    return %c0_i32, %c0_i32_0 : i32, i32
  }
  func.func @transform_3(%arg0: i32) -> (i32, i32) {
    %c0_i32 = arith.constant 0 : i32
    %c0_i32_0 = arith.constant 0 : i32
    %c0_i32_1 = arith.constant 0 : i32
    return %c0_i32, %c0_i32_0 : i32, i32
  }
  func.func @transform_4(%arg0: i32) -> (i32, i32) {
    %c0_i32 = arith.constant 0 : i32
    %c0_i32_0 = arith.constant 0 : i32
    %c0_i32_1 = arith.constant 0 : i32
    return %c0_i32, %c0_i32_0 : i32, i32
  }
  func.func @transform_5(%arg0: i32) -> (i32, i32) {
    %c0_i32 = arith.constant 0 : i32
    %c0_i32_0 = arith.constant 0 : i32
    return %arg0, %c0_i32 : i32, i32
  }
}

module attributes {stable_mosaic.version = 14 : i64} {
  func.func @_k2_kernel(%arg0: i32, %arg1: memref<128x1664xf32, #tpu.memory_space<vmem>>, %arg2: memref<1664x2048xf32, #tpu.memory_space<vmem>>, %arg3: memref<1x128xf32, #tpu.memory_space<vmem>>, %arg4: memref<128x2048xf32, #tpu.memory_space<vmem>>, %arg5: memref<2x128xf32, #tpu.memory_space<vmem>>) attributes {dimension_semantics = [#tpu.dimension_semantics<arbitrary>], iteration_bounds = array<i64: 13>, scalar_prefetch = 0 : i64, scratch_operands = 0 : i64, tpu.core_type = #tpu.core_type<tc>, window_params = [{transform_indices = @transform_0, window_bounds = array<i64: 128, 1664>}, {pipeline_mode = #tpu.pipeline_mode<synchronous>, transform_indices = @transform_1, window_bounds = array<i64: 1664, 2048>}, {pipeline_mode = #tpu.pipeline_mode<synchronous>, transform_indices = @transform_2, window_bounds = array<i64: 1, 128>}, {transform_indices = @transform_3, window_bounds = array<i64: 128, 2048>}, {pipeline_mode = #tpu.pipeline_mode<synchronous>, transform_indices = @transform_4, window_bounds = array<i64: 2, 128>}]} {
    %get3A = arith.constant 0 : index
    %get3A_0 = arith.constant 0 : index
    %get3A_1 = vector.load %arg1[%get3A, %get3A_0] : memref<128x1664xf32, #tpu.memory_space<vmem>>, vector<128x1664xf32>
    %get3A_2 = arith.constant 0 : index
    %get3A_3 = arith.constant 0 : index
    %get3A_4 = vector.load %arg2[%get3A_2, %get3A_3] : memref<1664x2048xf32, #tpu.memory_space<vmem>>, vector<1664x2048xf32>
    %dot_general3A = arith.constant dense<0.000000e+00> : vector<128x2048xf32>
    %dot_general3A_5 = tpu.matmul %get3A_1, %get3A_4, %dot_general3A {dimension_numbers = #tpu.dot_dimension_numbers<[1], [0], [0], [1], [0, 0, 1, 1], [], []>, precision = #tpu.contract_precision<fp32>, transpose_lhs_hint = false} : vector<128x1664xf32>, vector<1664x2048xf32>, vector<128x2048xf32> -> vector<128x2048xf32>
    %reshape3A = vector.shape_cast %dot_general3A_5 : vector<128x2048xf32> to vector<128x16x128xf32>
    %get3A_6 = arith.constant 0 : index
    %get3A_7 = arith.constant 0 : index
    %get3A_8 = vector.load %arg3[%get3A_6, %get3A_7] : memref<1x128xf32, #tpu.memory_space<vmem>>, vector<1x128xf32>
    %reshape3A_9 = vector.shape_cast %get3A_8 : vector<1x128xf32> to vector<1x1x128xf32>
    %add3A = vector.broadcast %reshape3A_9 : vector<1x1x128xf32> to vector<128x16x128xf32>
    %add3A_10 = arith.addf %reshape3A, %add3A : vector<128x16x128xf32>
    %max3A = arith.constant 0.000000e+00 : f32
    %max3A_11 = vector.broadcast %max3A : f32 to vector<128x16x128xf32>
    %max3A_12 = arith.maximumf %add3A_10, %max3A_11 : vector<128x16x128xf32>
    %mul3A = arith.constant 128 : i32
    %mul3A_13 = arith.muli %arg0, %mul3A : i32
    %iota3A = tpu.iota {dimensions = array<i32: 0>} : vector<128x1x1xi32>
    %add3A_14 = vector.broadcast %mul3A_13 : i32 to vector<128x1x1xi32>
    %add3A_15 = arith.addi %add3A_14, %iota3A : vector<128x1x1xi32>
    %lt3A = arith.constant 1600 : i32
    %lt3A_16 = vector.broadcast %lt3A : i32 to vector<128x1x1xi32>
    %lt3A_17 = arith.cmpi slt, %add3A_15, %lt3A_16 : vector<128x1x1xi32>
    %jit3A = arith.constant 0.000000e+00 : f32
    %broadcast_in_dim3A = vector.shape_cast %lt3A_17 : vector<128x1x1xi1> to vector<128x1x1xi1>
    %broadcast_in_dim3A_18 = vector.broadcast %broadcast_in_dim3A : vector<128x1x1xi1> to vector<128x16x128xi1>
    %broadcast_in_dim3A_19 = vector.broadcast %jit3A : f32 to vector<128x16x128xf32>
    %select_n3A = arith.select %broadcast_in_dim3A_18, %max3A_12, %broadcast_in_dim3A_19 : vector<128x16x128xi1>, vector<128x16x128xf32>
    %reshape3A_20 = vector.shape_cast %select_n3A : vector<128x16x128xf32> to vector<128x2048xf32>
    %swap3A = arith.constant 0 : index
    %swap3A_21 = arith.constant 0 : index
    %swap3A_22 = vector.load %arg4[%swap3A, %swap3A_21] : memref<128x2048xf32, #tpu.memory_space<vmem>>, vector<128x2048xf32>
    tpu.vector_store %arg4[%swap3A, %swap3A_21], %reshape3A_20 {strides = array<i32>} : memref<128x2048xf32, #tpu.memory_space<vmem>>, vector<128x2048xf32>,
    %reduce_sum3A = arith.constant dense<0.000000e+00> : vector<128xf32>
    %reduce_sum3A_23 = vector.multi_reduction <add>, %select_n3A, %reduce_sum3A [0, 1] : vector<128x16x128xf32> to vector<128xf32>
    %mul3A_24 = arith.mulf %select_n3A, %select_n3A : vector<128x16x128xf32>
    %reduce_sum3A_25 = arith.constant dense<0.000000e+00> : vector<128xf32>
    %reduce_sum3A_26 = vector.multi_reduction <add>, %mul3A_24, %reduce_sum3A_25 [0, 1] : vector<128x16x128xf32> to vector<128xf32>
    %stack3A = vector.shape_cast %reduce_sum3A_23 : vector<128xf32> to vector<1x128xf32>
    %stack3A_27 = vector.shape_cast %reduce_sum3A_26 : vector<128xf32> to vector<1x128xf32>
    %stack3A_28 = tpu.concatenate %stack3A, %stack3A_27 in 0 : vector<1x128xf32>, vector<1x128xf32> -> vector<2x128xf32>
    %eq3A = arith.constant 0 : i32
    %eq3A_29 = arith.cmpi eq, %arg0, %eq3A : i32
    %convert_element_type3A = arith.extui %eq3A_29 : i1 to i32
    %cond3A = arith.constant 0 : i32
    %cond3A_30 = arith.cmpi ne, %convert_element_type3A, %cond3A : i32
    scf.if %cond3A_30 {
      %swap3A_35 = arith.constant 0 : index
      %swap3A_36 = arith.constant 0 : index
      %swap3A_37 = vector.load %arg5[%swap3A_35, %swap3A_36] : memref<2x128xf32, #tpu.memory_space<vmem>>, vector<2x128xf32>
      tpu.vector_store %arg5[%swap3A_35, %swap3A_36], %stack3A_28 {strides = array<i32>} : memref<2x128xf32, #tpu.memory_space<vmem>>, vector<2x128xf32>,
    } else {
    }
    %gt3A = arith.constant 0 : i32
    %gt3A_31 = arith.cmpi sgt, %arg0, %gt3A : i32
    %convert_element_type3A_32 = arith.extui %gt3A_31 : i1 to i32
    %cond3A_33 = arith.constant 0 : i32
    %cond3A_34 = arith.cmpi ne, %convert_element_type3A_32, %cond3A_33 : i32
    scf.if %cond3A_34 {
      %get3A_35 = arith.constant 0 : index
      %get3A_36 = arith.constant 0 : index
      %get3A_37 = vector.load %arg5[%get3A_35, %get3A_36] : memref<2x128xf32, #tpu.memory_space<vmem>>, vector<2x128xf32>
      %add3A_38 = arith.addf %get3A_37, %stack3A_28 : vector<2x128xf32>
      %swap3A_39 = arith.constant 0 : index
      %swap3A_40 = arith.constant 0 : index
      %swap3A_41 = vector.load %arg5[%swap3A_39, %swap3A_40] : memref<2x128xf32, #tpu.memory_space<vmem>>, vector<2x128xf32>
      tpu.vector_store %arg5[%swap3A_39, %swap3A_40], %add3A_38 {strides = array<i32>} : memref<2x128xf32, #tpu.memory_space<vmem>>, vector<2x128xf32>,
    } else {
    }
    return
  }
  func.func @transform_0(%arg0: i32) -> (i32, i32) {
    %c0_i32 = arith.constant 0 : i32
    %c0_i32_0 = arith.constant 0 : i32
    return %arg0, %c0_i32 : i32, i32
  }
  func.func @transform_1(%arg0: i32) -> (i32, i32) {
    %c0_i32 = arith.constant 0 : i32
    %c0_i32_0 = arith.constant 0 : i32
    %c0_i32_1 = arith.constant 0 : i32
    return %c0_i32, %c0_i32_0 : i32, i32
  }
  func.func @transform_2(%arg0: i32) -> (i32, i32) {
    %c0_i32 = arith.constant 0 : i32
    %c0_i32_0 = arith.constant 0 : i32
    %c0_i32_1 = arith.constant 0 : i32
    return %c0_i32, %c0_i32_0 : i32, i32
  }
  func.func @transform_3(%arg0: i32) -> (i32, i32) {
    %c0_i32 = arith.constant 0 : i32
    %c0_i32_0 = arith.constant 0 : i32
    return %arg0, %c0_i32 : i32, i32
  }
  func.func @transform_4(%arg0: i32) -> (i32, i32) {
    %c0_i32 = arith.constant 0 : i32
    %c0_i32_0 = arith.constant 0 : i32
    %c0_i32_1 = arith.constant 0 : i32
    return %c0_i32, %c0_i32_0 : i32, i32
  }
}

module attributes {stable_mosaic.version = 14 : i64} {
  func.func @_k2_kernel(%arg0: i32, %arg1: memref<512x1024xf32, #tpu.memory_space<vmem>>, %arg2: memref<1024x2048xf32, #tpu.memory_space<vmem>>, %arg3: memref<1x128xf32, #tpu.memory_space<vmem>>, %arg4: memref<512x2048xf32, #tpu.memory_space<vmem>>, %arg5: memref<2x128xf32, #tpu.memory_space<vmem>>) attributes {dimension_semantics = [#tpu.dimension_semantics<arbitrary>], iteration_bounds = array<i64: 2>, scalar_prefetch = 0 : i64, scratch_operands = 0 : i64, tpu.core_type = #tpu.core_type<tc>, window_params = [{transform_indices = @transform_0, window_bounds = array<i64: 512, 1024>}, {pipeline_mode = #tpu.pipeline_mode<synchronous>, transform_indices = @transform_1, window_bounds = array<i64: 1024, 2048>}, {pipeline_mode = #tpu.pipeline_mode<synchronous>, transform_indices = @transform_2, window_bounds = array<i64: 1, 128>}, {transform_indices = @transform_3, window_bounds = array<i64: 512, 2048>}, {pipeline_mode = #tpu.pipeline_mode<synchronous>, transform_indices = @transform_4, window_bounds = array<i64: 2, 128>}]} {
    %get3A = arith.constant 0 : index
    %get3A_0 = arith.constant 0 : index
    %get3A_1 = vector.load %arg1[%get3A, %get3A_0] : memref<512x1024xf32, #tpu.memory_space<vmem>>, vector<512x1024xf32>
    %get3A_2 = arith.constant 0 : index
    %get3A_3 = arith.constant 0 : index
    %get3A_4 = vector.load %arg2[%get3A_2, %get3A_3] : memref<1024x2048xf32, #tpu.memory_space<vmem>>, vector<1024x2048xf32>
    %dot_general3A = arith.constant dense<0.000000e+00> : vector<512x2048xf32>
    %dot_general3A_5 = tpu.matmul %get3A_1, %get3A_4, %dot_general3A {dimension_numbers = #tpu.dot_dimension_numbers<[1], [0], [0], [1], [0, 0, 1, 1], [], []>, precision = #tpu.contract_precision<fp32>, transpose_lhs_hint = false} : vector<512x1024xf32>, vector<1024x2048xf32>, vector<512x2048xf32> -> vector<512x2048xf32>
    %reshape3A = vector.shape_cast %dot_general3A_5 : vector<512x2048xf32> to vector<512x16x128xf32>
    %get3A_6 = arith.constant 0 : index
    %get3A_7 = arith.constant 0 : index
    %get3A_8 = vector.load %arg3[%get3A_6, %get3A_7] : memref<1x128xf32, #tpu.memory_space<vmem>>, vector<1x128xf32>
    %reshape3A_9 = vector.shape_cast %get3A_8 : vector<1x128xf32> to vector<1x1x128xf32>
    %add3A = vector.broadcast %reshape3A_9 : vector<1x1x128xf32> to vector<512x16x128xf32>
    %add3A_10 = arith.addf %reshape3A, %add3A : vector<512x16x128xf32>
    %max3A = arith.constant 0.000000e+00 : f32
    %max3A_11 = vector.broadcast %max3A : f32 to vector<512x16x128xf32>
    %max3A_12 = arith.maximumf %add3A_10, %max3A_11 : vector<512x16x128xf32>
    %mul3A = arith.constant 512 : i32
    %mul3A_13 = arith.muli %arg0, %mul3A : i32
    %iota3A = tpu.iota {dimensions = array<i32: 0>} : vector<512x1x1xi32>
    %add3A_14 = vector.broadcast %mul3A_13 : i32 to vector<512x1x1xi32>
    %add3A_15 = arith.addi %add3A_14, %iota3A : vector<512x1x1xi32>
    %lt3A = arith.constant 900 : i32
    %lt3A_16 = vector.broadcast %lt3A : i32 to vector<512x1x1xi32>
    %lt3A_17 = arith.cmpi slt, %add3A_15, %lt3A_16 : vector<512x1x1xi32>
    %jit3A = arith.constant 0.000000e+00 : f32
    %broadcast_in_dim3A = vector.shape_cast %lt3A_17 : vector<512x1x1xi1> to vector<512x1x1xi1>
    %broadcast_in_dim3A_18 = vector.broadcast %broadcast_in_dim3A : vector<512x1x1xi1> to vector<512x16x128xi1>
    %broadcast_in_dim3A_19 = vector.broadcast %jit3A : f32 to vector<512x16x128xf32>
    %select_n3A = arith.select %broadcast_in_dim3A_18, %max3A_12, %broadcast_in_dim3A_19 : vector<512x16x128xi1>, vector<512x16x128xf32>
    %reshape3A_20 = vector.shape_cast %select_n3A : vector<512x16x128xf32> to vector<512x2048xf32>
    %swap3A = arith.constant 0 : index
    %swap3A_21 = arith.constant 0 : index
    %swap3A_22 = vector.load %arg4[%swap3A, %swap3A_21] : memref<512x2048xf32, #tpu.memory_space<vmem>>, vector<512x2048xf32>
    tpu.vector_store %arg4[%swap3A, %swap3A_21], %reshape3A_20 {strides = array<i32>} : memref<512x2048xf32, #tpu.memory_space<vmem>>, vector<512x2048xf32>,
    %reduce_sum3A = arith.constant dense<0.000000e+00> : vector<128xf32>
    %reduce_sum3A_23 = vector.multi_reduction <add>, %select_n3A, %reduce_sum3A [0, 1] : vector<512x16x128xf32> to vector<128xf32>
    %mul3A_24 = arith.mulf %select_n3A, %select_n3A : vector<512x16x128xf32>
    %reduce_sum3A_25 = arith.constant dense<0.000000e+00> : vector<128xf32>
    %reduce_sum3A_26 = vector.multi_reduction <add>, %mul3A_24, %reduce_sum3A_25 [0, 1] : vector<512x16x128xf32> to vector<128xf32>
    %stack3A = vector.shape_cast %reduce_sum3A_23 : vector<128xf32> to vector<1x128xf32>
    %stack3A_27 = vector.shape_cast %reduce_sum3A_26 : vector<128xf32> to vector<1x128xf32>
    %stack3A_28 = tpu.concatenate %stack3A, %stack3A_27 in 0 : vector<1x128xf32>, vector<1x128xf32> -> vector<2x128xf32>
    %eq3A = arith.constant 0 : i32
    %eq3A_29 = arith.cmpi eq, %arg0, %eq3A : i32
    %convert_element_type3A = arith.extui %eq3A_29 : i1 to i32
    %cond3A = arith.constant 0 : i32
    %cond3A_30 = arith.cmpi ne, %convert_element_type3A, %cond3A : i32
    scf.if %cond3A_30 {
      %swap3A_35 = arith.constant 0 : index
      %swap3A_36 = arith.constant 0 : index
      %swap3A_37 = vector.load %arg5[%swap3A_35, %swap3A_36] : memref<2x128xf32, #tpu.memory_space<vmem>>, vector<2x128xf32>
      tpu.vector_store %arg5[%swap3A_35, %swap3A_36], %stack3A_28 {strides = array<i32>} : memref<2x128xf32, #tpu.memory_space<vmem>>, vector<2x128xf32>,
    } else {
    }
    %gt3A = arith.constant 0 : i32
    %gt3A_31 = arith.cmpi sgt, %arg0, %gt3A : i32
    %convert_element_type3A_32 = arith.extui %gt3A_31 : i1 to i32
    %cond3A_33 = arith.constant 0 : i32
    %cond3A_34 = arith.cmpi ne, %convert_element_type3A_32, %cond3A_33 : i32
    scf.if %cond3A_34 {
      %get3A_35 = arith.constant 0 : index
      %get3A_36 = arith.constant 0 : index
      %get3A_37 = vector.load %arg5[%get3A_35, %get3A_36] : memref<2x128xf32, #tpu.memory_space<vmem>>, vector<2x128xf32>
      %add3A_38 = arith.addf %get3A_37, %stack3A_28 : vector<2x128xf32>
      %swap3A_39 = arith.constant 0 : index
      %swap3A_40 = arith.constant 0 : index
      %swap3A_41 = vector.load %arg5[%swap3A_39, %swap3A_40] : memref<2x128xf32, #tpu.memory_space<vmem>>, vector<2x128xf32>
      tpu.vector_store %arg5[%swap3A_39, %swap3A_40], %add3A_38 {strides = array<i32>} : memref<2x128xf32, #tpu.memory_space<vmem>>, vector<2x128xf32>,
    } else {
    }
    return
  }
  func.func @transform_0(%arg0: i32) -> (i32, i32) {
    %c0_i32 = arith.constant 0 : i32
    %c0_i32_0 = arith.constant 0 : i32
    return %arg0, %c0_i32 : i32, i32
  }
  func.func @transform_1(%arg0: i32) -> (i32, i32) {
    %c0_i32 = arith.constant 0 : i32
    %c0_i32_0 = arith.constant 0 : i32
    %c0_i32_1 = arith.constant 0 : i32
    return %c0_i32, %c0_i32_0 : i32, i32
  }
  func.func @transform_2(%arg0: i32) -> (i32, i32) {
    %c0_i32 = arith.constant 0 : i32
    %c0_i32_0 = arith.constant 0 : i32
    %c0_i32_1 = arith.constant 0 : i32
    return %c0_i32, %c0_i32_0 : i32, i32
  }
  func.func @transform_3(%arg0: i32) -> (i32, i32) {
    %c0_i32 = arith.constant 0 : i32
    %c0_i32_0 = arith.constant 0 : i32
    return %arg0, %c0_i32 : i32, i32
  }
  func.func @transform_4(%arg0: i32) -> (i32, i32) {
    %c0_i32 = arith.constant 0 : i32
    %c0_i32_0 = arith.constant 0 : i32
    %c0_i32_1 = arith.constant 0 : i32
    return %c0_i32, %c0_i32_0 : i32, i32
  }
}

module attributes {stable_mosaic.version = 14 : i64} {
  func.func @_k2_kernel(%arg0: i32, %arg1: memref<512x2560xf32, #tpu.memory_space<vmem>>, %arg2: memref<2560x2048xf32, #tpu.memory_space<vmem>>, %arg3: memref<1x128xf32, #tpu.memory_space<vmem>>, %arg4: memref<512x2048xf32, #tpu.memory_space<vmem>>, %arg5: memref<2x128xf32, #tpu.memory_space<vmem>>) attributes {dimension_semantics = [#tpu.dimension_semantics<arbitrary>], iteration_bounds = array<i64: 5>, scalar_prefetch = 0 : i64, scratch_operands = 0 : i64, tpu.core_type = #tpu.core_type<tc>, window_params = [{transform_indices = @transform_0, window_bounds = array<i64: 512, 2560>}, {pipeline_mode = #tpu.pipeline_mode<synchronous>, transform_indices = @transform_1, window_bounds = array<i64: 2560, 2048>}, {pipeline_mode = #tpu.pipeline_mode<synchronous>, transform_indices = @transform_2, window_bounds = array<i64: 1, 128>}, {transform_indices = @transform_3, window_bounds = array<i64: 512, 2048>}, {pipeline_mode = #tpu.pipeline_mode<synchronous>, transform_indices = @transform_4, window_bounds = array<i64: 2, 128>}]} {
    %get3A = arith.constant 0 : index
    %get3A_0 = arith.constant 0 : index
    %get3A_1 = vector.load %arg1[%get3A, %get3A_0] : memref<512x2560xf32, #tpu.memory_space<vmem>>, vector<512x2560xf32>
    %get3A_2 = arith.constant 0 : index
    %get3A_3 = arith.constant 0 : index
    %get3A_4 = vector.load %arg2[%get3A_2, %get3A_3] : memref<2560x2048xf32, #tpu.memory_space<vmem>>, vector<2560x2048xf32>
    %dot_general3A = arith.constant dense<0.000000e+00> : vector<512x2048xf32>
    %dot_general3A_5 = tpu.matmul %get3A_1, %get3A_4, %dot_general3A {dimension_numbers = #tpu.dot_dimension_numbers<[1], [0], [0], [1], [0, 0, 1, 1], [], []>, precision = #tpu.contract_precision<fp32>, transpose_lhs_hint = false} : vector<512x2560xf32>, vector<2560x2048xf32>, vector<512x2048xf32> -> vector<512x2048xf32>
    %reshape3A = vector.shape_cast %dot_general3A_5 : vector<512x2048xf32> to vector<512x16x128xf32>
    %get3A_6 = arith.constant 0 : index
    %get3A_7 = arith.constant 0 : index
    %get3A_8 = vector.load %arg3[%get3A_6, %get3A_7] : memref<1x128xf32, #tpu.memory_space<vmem>>, vector<1x128xf32>
    %reshape3A_9 = vector.shape_cast %get3A_8 : vector<1x128xf32> to vector<1x1x128xf32>
    %add3A = vector.broadcast %reshape3A_9 : vector<1x1x128xf32> to vector<512x16x128xf32>
    %add3A_10 = arith.addf %reshape3A, %add3A : vector<512x16x128xf32>
    %max3A = arith.constant 0.000000e+00 : f32
    %max3A_11 = vector.broadcast %max3A : f32 to vector<512x16x128xf32>
    %max3A_12 = arith.maximumf %add3A_10, %max3A_11 : vector<512x16x128xf32>
    %mul3A = arith.constant 512 : i32
    %mul3A_13 = arith.muli %arg0, %mul3A : i32
    %iota3A = tpu.iota {dimensions = array<i32: 0>} : vector<512x1x1xi32>
    %add3A_14 = vector.broadcast %mul3A_13 : i32 to vector<512x1x1xi32>
    %add3A_15 = arith.addi %add3A_14, %iota3A : vector<512x1x1xi32>
    %lt3A = arith.constant 2500 : i32
    %lt3A_16 = vector.broadcast %lt3A : i32 to vector<512x1x1xi32>
    %lt3A_17 = arith.cmpi slt, %add3A_15, %lt3A_16 : vector<512x1x1xi32>
    %jit3A = arith.constant 0.000000e+00 : f32
    %broadcast_in_dim3A = vector.shape_cast %lt3A_17 : vector<512x1x1xi1> to vector<512x1x1xi1>
    %broadcast_in_dim3A_18 = vector.broadcast %broadcast_in_dim3A : vector<512x1x1xi1> to vector<512x16x128xi1>
    %broadcast_in_dim3A_19 = vector.broadcast %jit3A : f32 to vector<512x16x128xf32>
    %select_n3A = arith.select %broadcast_in_dim3A_18, %max3A_12, %broadcast_in_dim3A_19 : vector<512x16x128xi1>, vector<512x16x128xf32>
    %reshape3A_20 = vector.shape_cast %select_n3A : vector<512x16x128xf32> to vector<512x2048xf32>
    %swap3A = arith.constant 0 : index
    %swap3A_21 = arith.constant 0 : index
    %swap3A_22 = vector.load %arg4[%swap3A, %swap3A_21] : memref<512x2048xf32, #tpu.memory_space<vmem>>, vector<512x2048xf32>
    tpu.vector_store %arg4[%swap3A, %swap3A_21], %reshape3A_20 {strides = array<i32>} : memref<512x2048xf32, #tpu.memory_space<vmem>>, vector<512x2048xf32>,
    %reduce_sum3A = arith.constant dense<0.000000e+00> : vector<128xf32>
    %reduce_sum3A_23 = vector.multi_reduction <add>, %select_n3A, %reduce_sum3A [0, 1] : vector<512x16x128xf32> to vector<128xf32>
    %mul3A_24 = arith.mulf %select_n3A, %select_n3A : vector<512x16x128xf32>
    %reduce_sum3A_25 = arith.constant dense<0.000000e+00> : vector<128xf32>
    %reduce_sum3A_26 = vector.multi_reduction <add>, %mul3A_24, %reduce_sum3A_25 [0, 1] : vector<512x16x128xf32> to vector<128xf32>
    %stack3A = vector.shape_cast %reduce_sum3A_23 : vector<128xf32> to vector<1x128xf32>
    %stack3A_27 = vector.shape_cast %reduce_sum3A_26 : vector<128xf32> to vector<1x128xf32>
    %stack3A_28 = tpu.concatenate %stack3A, %stack3A_27 in 0 : vector<1x128xf32>, vector<1x128xf32> -> vector<2x128xf32>
    %eq3A = arith.constant 0 : i32
    %eq3A_29 = arith.cmpi eq, %arg0, %eq3A : i32
    %convert_element_type3A = arith.extui %eq3A_29 : i1 to i32
    %cond3A = arith.constant 0 : i32
    %cond3A_30 = arith.cmpi ne, %convert_element_type3A, %cond3A : i32
    scf.if %cond3A_30 {
      %swap3A_35 = arith.constant 0 : index
      %swap3A_36 = arith.constant 0 : index
      %swap3A_37 = vector.load %arg5[%swap3A_35, %swap3A_36] : memref<2x128xf32, #tpu.memory_space<vmem>>, vector<2x128xf32>
      tpu.vector_store %arg5[%swap3A_35, %swap3A_36], %stack3A_28 {strides = array<i32>} : memref<2x128xf32, #tpu.memory_space<vmem>>, vector<2x128xf32>,
    } else {
    }
    %gt3A = arith.constant 0 : i32
    %gt3A_31 = arith.cmpi sgt, %arg0, %gt3A : i32
    %convert_element_type3A_32 = arith.extui %gt3A_31 : i1 to i32
    %cond3A_33 = arith.constant 0 : i32
    %cond3A_34 = arith.cmpi ne, %convert_element_type3A_32, %cond3A_33 : i32
    scf.if %cond3A_34 {
      %get3A_35 = arith.constant 0 : index
      %get3A_36 = arith.constant 0 : index
      %get3A_37 = vector.load %arg5[%get3A_35, %get3A_36] : memref<2x128xf32, #tpu.memory_space<vmem>>, vector<2x128xf32>
      %add3A_38 = arith.addf %get3A_37, %stack3A_28 : vector<2x128xf32>
      %swap3A_39 = arith.constant 0 : index
      %swap3A_40 = arith.constant 0 : index
      %swap3A_41 = vector.load %arg5[%swap3A_39, %swap3A_40] : memref<2x128xf32, #tpu.memory_space<vmem>>, vector<2x128xf32>
      tpu.vector_store %arg5[%swap3A_39, %swap3A_40], %add3A_38 {strides = array<i32>} : memref<2x128xf32, #tpu.memory_space<vmem>>, vector<2x128xf32>,
    } else {
    }
    return
  }
  func.func @transform_0(%arg0: i32) -> (i32, i32) {
    %c0_i32 = arith.constant 0 : i32
    %c0_i32_0 = arith.constant 0 : i32
    return %arg0, %c0_i32 : i32, i32
  }
  func.func @transform_1(%arg0: i32) -> (i32, i32) {
    %c0_i32 = arith.constant 0 : i32
    %c0_i32_0 = arith.constant 0 : i32
    %c0_i32_1 = arith.constant 0 : i32
    return %c0_i32, %c0_i32_0 : i32, i32
  }
  func.func @transform_2(%arg0: i32) -> (i32, i32) {
    %c0_i32 = arith.constant 0 : i32
    %c0_i32_0 = arith.constant 0 : i32
    %c0_i32_1 = arith.constant 0 : i32
    return %c0_i32, %c0_i32_0 : i32, i32
  }
  func.func @transform_3(%arg0: i32) -> (i32, i32) {
    %c0_i32 = arith.constant 0 : i32
    %c0_i32_0 = arith.constant 0 : i32
    return %arg0, %c0_i32 : i32, i32
  }
  func.func @transform_4(%arg0: i32) -> (i32, i32) {
    %c0_i32 = arith.constant 0 : i32
    %c0_i32_0 = arith.constant 0 : i32
    %c0_i32_1 = arith.constant 0 : i32
    return %c0_i32, %c0_i32_0 : i32, i32
  }
}

module attributes {stable_mosaic.version = 14 : i64} {
  func.func @_k3_kernel(%arg0: i32, %arg1: memref<128x2048xf32, #tpu.memory_space<vmem>>, %arg2: memref<2x128xf32, #tpu.memory_space<vmem>>, %arg3: memref<1x128xf32, #tpu.memory_space<vmem>>, %arg4: memref<1x128xf32, #tpu.memory_space<vmem>>, %arg5: memref<128x64xf32, #tpu.memory_space<vmem>>, %arg6: memref<1x64xf32, #tpu.memory_space<vmem>>, %arg7: memref<16x64xf32, #tpu.memory_space<vmem>>, %arg8: memref<16x128xf32, #tpu.memory_space<vmem>>) attributes {dimension_semantics = [#tpu.dimension_semantics<arbitrary>], iteration_bounds = array<i64: 13>, scalar_prefetch = 0 : i64, scratch_operands = 1 : i64, tpu.core_type = #tpu.core_type<tc>, window_params = [{transform_indices = @transform_0, window_bounds = array<i64: 128, 2048>}, {pipeline_mode = #tpu.pipeline_mode<synchronous>, transform_indices = @transform_1, window_bounds = array<i64: 2, 128>}, {pipeline_mode = #tpu.pipeline_mode<synchronous>, transform_indices = @transform_2, window_bounds = array<i64: 1, 128>}, {pipeline_mode = #tpu.pipeline_mode<synchronous>, transform_indices = @transform_3, window_bounds = array<i64: 1, 128>}, {pipeline_mode = #tpu.pipeline_mode<synchronous>, transform_indices = @transform_4, window_bounds = array<i64: 128, 64>}, {pipeline_mode = #tpu.pipeline_mode<synchronous>, transform_indices = @transform_5, window_bounds = array<i64: 1, 64>}, {pipeline_mode = #tpu.pipeline_mode<synchronous>, transform_indices = @transform_6, window_bounds = array<i64: 16, 64>}]} {
    %get3A = arith.constant 0 : index
    %get3A_0 = arith.constant 0 : index
    %get3A_1 = vector.load %arg1[%get3A, %get3A_0] : memref<128x2048xf32, #tpu.memory_space<vmem>>, vector<128x2048xf32>
    %reshape3A = vector.shape_cast %get3A_1 : vector<128x2048xf32> to vector<128x16x128xf32>
    %reduce_sum3A = arith.constant dense<0.000000e+00> : vector<16x128xf32>
    %reduce_sum3A_2 = vector.multi_reduction <add>, %reshape3A, %reduce_sum3A [0] : vector<128x16x128xf32> to vector<16x128xf32>
    %eq3A = arith.constant 0 : i32
    %eq3A_3 = arith.cmpi eq, %arg0, %eq3A : i32
    %convert_element_type3A = arith.extui %eq3A_3 : i1 to i32
    %cond3A = arith.constant 0 : i32
    %cond3A_4 = arith.cmpi ne, %convert_element_type3A, %cond3A : i32
    scf.if %cond3A_4 {
      %swap3A = arith.constant 0 : index
      %swap3A_14 = arith.constant 0 : index
      %swap3A_15 = vector.load %arg8[%swap3A, %swap3A_14] : memref<16x128xf32, #tpu.memory_space<vmem>>, vector<16x128xf32>
      tpu.vector_store %arg8[%swap3A, %swap3A_14], %reduce_sum3A_2 {strides = array<i32>} : memref<16x128xf32, #tpu.memory_space<vmem>>, vector<16x128xf32>,
    } else {
    }
    %gt3A = arith.constant 0 : i32
    %gt3A_5 = arith.cmpi sgt, %arg0, %gt3A : i32
    %convert_element_type3A_6 = arith.extui %gt3A_5 : i1 to i32
    %cond3A_7 = arith.constant 0 : i32
    %cond3A_8 = arith.cmpi ne, %convert_element_type3A_6, %cond3A_7 : i32
    scf.if %cond3A_8 {
      %get3A_14 = arith.constant 0 : index
      %get3A_15 = arith.constant 0 : index
      %get3A_16 = vector.load %arg8[%get3A_14, %get3A_15] : memref<16x128xf32, #tpu.memory_space<vmem>>, vector<16x128xf32>
      %add3A = arith.addf %get3A_16, %reduce_sum3A_2 : vector<16x128xf32>
      %swap3A = arith.constant 0 : index
      %swap3A_17 = arith.constant 0 : index
      %swap3A_18 = vector.load %arg8[%swap3A, %swap3A_17] : memref<16x128xf32, #tpu.memory_space<vmem>>, vector<16x128xf32>
      tpu.vector_store %arg8[%swap3A, %swap3A_17], %add3A {strides = array<i32>} : memref<16x128xf32, #tpu.memory_space<vmem>>, vector<16x128xf32>,
    } else {
    }
    %eq3A_9 = arith.constant 12 : i32
    %eq3A_10 = arith.cmpi eq, %arg0, %eq3A_9 : i32
    %convert_element_type3A_11 = arith.extui %eq3A_10 : i1 to i32
    %cond3A_12 = arith.constant 0 : i32
    %cond3A_13 = arith.cmpi ne, %convert_element_type3A_11, %cond3A_12 : i32
    scf.if %cond3A_13 {
      %get3A_14 = arith.constant 0 : index
      %get3A_15 = arith.constant 0 : index
      %get3A_16 = vector.load %arg2[%get3A_14, %get3A_15] : memref<2x128xf32, #tpu.memory_space<vmem>>, vector<1x128xf32>
      %div3A = arith.constant 2.560000e+04 : f32
      %div3A_17 = vector.broadcast %div3A : f32 to vector<1x128xf32>
      %div3A_18 = arith.divf %get3A_16, %div3A_17 : vector<1x128xf32>
      %get3A_19 = arith.constant 1 : index
      %get3A_20 = arith.constant 0 : index
      %get3A_21 = vector.load %arg2[%get3A_19, %get3A_20] : memref<2x128xf32, #tpu.memory_space<vmem>>, vector<1x128xf32>
      %div3A_22 = arith.constant 2.560000e+04 : f32
      %div3A_23 = vector.broadcast %div3A_22 : f32 to vector<1x128xf32>
      %div3A_24 = arith.divf %get3A_21, %div3A_23 : vector<1x128xf32>
      %mul3A = arith.mulf %div3A_18, %div3A_18 : vector<1x128xf32>
      %sub3A = arith.subf %div3A_24, %mul3A : vector<1x128xf32>
      %get3A_25 = arith.constant 0 : index
      %get3A_26 = arith.constant 0 : index
      %get3A_27 = vector.load %arg3[%get3A_25, %get3A_26] : memref<1x128xf32, #tpu.memory_space<vmem>>, vector<1x128xf32>
      %add3A = arith.constant 9.99999974E-6 : f32
      %add3A_28 = vector.broadcast %add3A : f32 to vector<1x128xf32>
      %add3A_29 = arith.addf %sub3A, %add3A_28 : vector<1x128xf32>
      %rsqrt3A = math.rsqrt %add3A_29 : vector<1x128xf32>
      %mul3A_30 = arith.mulf %get3A_27, %rsqrt3A : vector<1x128xf32>
      %get3A_31 = arith.constant 0 : index
      %get3A_32 = arith.constant 0 : index
      %get3A_33 = vector.load %arg4[%get3A_31, %get3A_32] : memref<1x128xf32, #tpu.memory_space<vmem>>, vector<1x128xf32>
      %mul3A_34 = arith.mulf %div3A_18, %mul3A_30 : vector<1x128xf32>
      %sub3A_35 = arith.subf %get3A_33, %mul3A_34 : vector<1x128xf32>
      %get3A_36 = arith.constant 0 : index
      %get3A_37 = arith.constant 0 : index
      %get3A_38 = vector.load %arg8[%get3A_36, %get3A_37] : memref<16x128xf32, #tpu.memory_space<vmem>>, vector<16x128xf32>
      %div3A_39 = arith.constant 1.600000e+03 : f32
      %div3A_40 = vector.broadcast %div3A_39 : f32 to vector<16x128xf32>
      %div3A_41 = arith.divf %get3A_38, %div3A_40 : vector<16x128xf32>
      %mul3A_42 = vector.broadcast %mul3A_30 : vector<1x128xf32> to vector<16x128xf32>
      %mul3A_43 = arith.mulf %div3A_41, %mul3A_42 : vector<16x128xf32>
      %add3A_44 = vector.broadcast %sub3A_35 : vector<1x128xf32> to vector<16x128xf32>
      %add3A_45 = arith.addf %mul3A_43, %add3A_44 : vector<16x128xf32>
      %get3A_46 = arith.constant 0 : index
      %get3A_47 = arith.constant 0 : index
      %get3A_48 = vector.load %arg5[%get3A_46, %get3A_47] : memref<128x64xf32, #tpu.memory_space<vmem>>, vector<128x64xf32>
      %dot_general3A = arith.constant dense<0.000000e+00> : vector<16x64xf32>
      %dot_general3A_49 = tpu.matmul %add3A_45, %get3A_48, %dot_general3A {dimension_numbers = #tpu.dot_dimension_numbers<[1], [0], [0], [1], [0, 0, 1, 1], [], []>, transpose_lhs_hint = false} : vector<16x128xf32>, vector<128x64xf32>, vector<16x64xf32> -> vector<16x64xf32>
      %get3A_50 = arith.constant 0 : index
      %get3A_51 = arith.constant 0 : index
      %get3A_52 = vector.load %arg6[%get3A_50, %get3A_51] : memref<1x64xf32, #tpu.memory_space<vmem>>, vector<1x64xf32>
      %add3A_53 = vector.broadcast %get3A_52 : vector<1x64xf32> to vector<16x64xf32>
      %add3A_54 = arith.addf %dot_general3A_49, %add3A_53 : vector<16x64xf32>
      %swap3A = arith.constant 0 : index
      %swap3A_55 = arith.constant 0 : index
      %swap3A_56 = vector.load %arg7[%swap3A, %swap3A_55] : memref<16x64xf32, #tpu.memory_space<vmem>>, vector<16x64xf32>
      tpu.vector_store %arg7[%swap3A, %swap3A_55], %add3A_54 {strides = array<i32>} : memref<16x64xf32, #tpu.memory_space<vmem>>, vector<16x64xf32>,
    } else {
    }
    return
  }
  func.func @transform_0(%arg0: i32) -> (i32, i32) {
    %c0_i32 = arith.constant 0 : i32
    %c0_i32_0 = arith.constant 0 : i32
    return %arg0, %c0_i32 : i32, i32
  }
  func.func @transform_1(%arg0: i32) -> (i32, i32) {
    %c0_i32 = arith.constant 0 : i32
    %c0_i32_0 = arith.constant 0 : i32
    %c0_i32_1 = arith.constant 0 : i32
    return %c0_i32, %c0_i32_0 : i32, i32
  }
  func.func @transform_2(%arg0: i32) -> (i32, i32) {
    %c0_i32 = arith.constant 0 : i32
    %c0_i32_0 = arith.constant 0 : i32
    %c0_i32_1 = arith.constant 0 : i32
    return %c0_i32, %c0_i32_0 : i32, i32
  }
  func.func @transform_3(%arg0: i32) -> (i32, i32) {
    %c0_i32 = arith.constant 0 : i32
    %c0_i32_0 = arith.constant 0 : i32
    %c0_i32_1 = arith.constant 0 : i32
    return %c0_i32, %c0_i32_0 : i32, i32
  }
  func.func @transform_4(%arg0: i32) -> (i32, i32) {
    %c0_i32 = arith.constant 0 : i32
    %c0_i32_0 = arith.constant 0 : i32
    %c0_i32_1 = arith.constant 0 : i32
    return %c0_i32, %c0_i32_0 : i32, i32
  }
  func.func @transform_5(%arg0: i32) -> (i32, i32) {
    %c0_i32 = arith.constant 0 : i32
    %c0_i32_0 = arith.constant 0 : i32
    %c0_i32_1 = arith.constant 0 : i32
    return %c0_i32, %c0_i32_0 : i32, i32
  }
  func.func @transform_6(%arg0: i32) -> (i32, i32) {
    %c0_i32 = arith.constant 0 : i32
    %c0_i32_0 = arith.constant 0 : i32
    %c0_i32_1 = arith.constant 0 : i32
    return %c0_i32, %c0_i32_0 : i32, i32
  }
}

module attributes {stable_mosaic.version = 14 : i64} {
  func.func @_k3_kernel(%arg0: i32, %arg1: memref<512x2048xf32, #tpu.memory_space<vmem>>, %arg2: memref<2x128xf32, #tpu.memory_space<vmem>>, %arg3: memref<1x128xf32, #tpu.memory_space<vmem>>, %arg4: memref<1x128xf32, #tpu.memory_space<vmem>>, %arg5: memref<128x64xf32, #tpu.memory_space<vmem>>, %arg6: memref<1x64xf32, #tpu.memory_space<vmem>>, %arg7: memref<16x64xf32, #tpu.memory_space<vmem>>, %arg8: memref<16x128xf32, #tpu.memory_space<vmem>>) attributes {dimension_semantics = [#tpu.dimension_semantics<arbitrary>], iteration_bounds = array<i64: 2>, scalar_prefetch = 0 : i64, scratch_operands = 1 : i64, tpu.core_type = #tpu.core_type<tc>, window_params = [{transform_indices = @transform_0, window_bounds = array<i64: 512, 2048>}, {pipeline_mode = #tpu.pipeline_mode<synchronous>, transform_indices = @transform_1, window_bounds = array<i64: 2, 128>}, {pipeline_mode = #tpu.pipeline_mode<synchronous>, transform_indices = @transform_2, window_bounds = array<i64: 1, 128>}, {pipeline_mode = #tpu.pipeline_mode<synchronous>, transform_indices = @transform_3, window_bounds = array<i64: 1, 128>}, {pipeline_mode = #tpu.pipeline_mode<synchronous>, transform_indices = @transform_4, window_bounds = array<i64: 128, 64>}, {pipeline_mode = #tpu.pipeline_mode<synchronous>, transform_indices = @transform_5, window_bounds = array<i64: 1, 64>}, {pipeline_mode = #tpu.pipeline_mode<synchronous>, transform_indices = @transform_6, window_bounds = array<i64: 16, 64>}]} {
    %get3A = arith.constant 0 : index
    %get3A_0 = arith.constant 0 : index
    %get3A_1 = vector.load %arg1[%get3A, %get3A_0] : memref<512x2048xf32, #tpu.memory_space<vmem>>, vector<512x2048xf32>
    %reshape3A = vector.shape_cast %get3A_1 : vector<512x2048xf32> to vector<512x16x128xf32>
    %reduce_sum3A = arith.constant dense<0.000000e+00> : vector<16x128xf32>
    %reduce_sum3A_2 = vector.multi_reduction <add>, %reshape3A, %reduce_sum3A [0] : vector<512x16x128xf32> to vector<16x128xf32>
    %eq3A = arith.constant 0 : i32
    %eq3A_3 = arith.cmpi eq, %arg0, %eq3A : i32
    %convert_element_type3A = arith.extui %eq3A_3 : i1 to i32
    %cond3A = arith.constant 0 : i32
    %cond3A_4 = arith.cmpi ne, %convert_element_type3A, %cond3A : i32
    scf.if %cond3A_4 {
      %swap3A = arith.constant 0 : index
      %swap3A_14 = arith.constant 0 : index
      %swap3A_15 = vector.load %arg8[%swap3A, %swap3A_14] : memref<16x128xf32, #tpu.memory_space<vmem>>, vector<16x128xf32>
      tpu.vector_store %arg8[%swap3A, %swap3A_14], %reduce_sum3A_2 {strides = array<i32>} : memref<16x128xf32, #tpu.memory_space<vmem>>, vector<16x128xf32>,
    } else {
    }
    %gt3A = arith.constant 0 : i32
    %gt3A_5 = arith.cmpi sgt, %arg0, %gt3A : i32
    %convert_element_type3A_6 = arith.extui %gt3A_5 : i1 to i32
    %cond3A_7 = arith.constant 0 : i32
    %cond3A_8 = arith.cmpi ne, %convert_element_type3A_6, %cond3A_7 : i32
    scf.if %cond3A_8 {
      %get3A_14 = arith.constant 0 : index
      %get3A_15 = arith.constant 0 : index
      %get3A_16 = vector.load %arg8[%get3A_14, %get3A_15] : memref<16x128xf32, #tpu.memory_space<vmem>>, vector<16x128xf32>
      %add3A = arith.addf %get3A_16, %reduce_sum3A_2 : vector<16x128xf32>
      %swap3A = arith.constant 0 : index
      %swap3A_17 = arith.constant 0 : index
      %swap3A_18 = vector.load %arg8[%swap3A, %swap3A_17] : memref<16x128xf32, #tpu.memory_space<vmem>>, vector<16x128xf32>
      tpu.vector_store %arg8[%swap3A, %swap3A_17], %add3A {strides = array<i32>} : memref<16x128xf32, #tpu.memory_space<vmem>>, vector<16x128xf32>,
    } else {
    }
    %eq3A_9 = arith.constant 1 : i32
    %eq3A_10 = arith.cmpi eq, %arg0, %eq3A_9 : i32
    %convert_element_type3A_11 = arith.extui %eq3A_10 : i1 to i32
    %cond3A_12 = arith.constant 0 : i32
    %cond3A_13 = arith.cmpi ne, %convert_element_type3A_11, %cond3A_12 : i32
    scf.if %cond3A_13 {
      %get3A_14 = arith.constant 0 : index
      %get3A_15 = arith.constant 0 : index
      %get3A_16 = vector.load %arg2[%get3A_14, %get3A_15] : memref<2x128xf32, #tpu.memory_space<vmem>>, vector<1x128xf32>
      %div3A = arith.constant 1.440000e+04 : f32
      %div3A_17 = vector.broadcast %div3A : f32 to vector<1x128xf32>
      %div3A_18 = arith.divf %get3A_16, %div3A_17 : vector<1x128xf32>
      %get3A_19 = arith.constant 1 : index
      %get3A_20 = arith.constant 0 : index
      %get3A_21 = vector.load %arg2[%get3A_19, %get3A_20] : memref<2x128xf32, #tpu.memory_space<vmem>>, vector<1x128xf32>
      %div3A_22 = arith.constant 1.440000e+04 : f32
      %div3A_23 = vector.broadcast %div3A_22 : f32 to vector<1x128xf32>
      %div3A_24 = arith.divf %get3A_21, %div3A_23 : vector<1x128xf32>
      %mul3A = arith.mulf %div3A_18, %div3A_18 : vector<1x128xf32>
      %sub3A = arith.subf %div3A_24, %mul3A : vector<1x128xf32>
      %get3A_25 = arith.constant 0 : index
      %get3A_26 = arith.constant 0 : index
      %get3A_27 = vector.load %arg3[%get3A_25, %get3A_26] : memref<1x128xf32, #tpu.memory_space<vmem>>, vector<1x128xf32>
      %add3A = arith.constant 9.99999974E-6 : f32
      %add3A_28 = vector.broadcast %add3A : f32 to vector<1x128xf32>
      %add3A_29 = arith.addf %sub3A, %add3A_28 : vector<1x128xf32>
      %rsqrt3A = math.rsqrt %add3A_29 : vector<1x128xf32>
      %mul3A_30 = arith.mulf %get3A_27, %rsqrt3A : vector<1x128xf32>
      %get3A_31 = arith.constant 0 : index
      %get3A_32 = arith.constant 0 : index
      %get3A_33 = vector.load %arg4[%get3A_31, %get3A_32] : memref<1x128xf32, #tpu.memory_space<vmem>>, vector<1x128xf32>
      %mul3A_34 = arith.mulf %div3A_18, %mul3A_30 : vector<1x128xf32>
      %sub3A_35 = arith.subf %get3A_33, %mul3A_34 : vector<1x128xf32>
      %get3A_36 = arith.constant 0 : index
      %get3A_37 = arith.constant 0 : index
      %get3A_38 = vector.load %arg8[%get3A_36, %get3A_37] : memref<16x128xf32, #tpu.memory_space<vmem>>, vector<16x128xf32>
      %div3A_39 = arith.constant 9.000000e+02 : f32
      %div3A_40 = vector.broadcast %div3A_39 : f32 to vector<16x128xf32>
      %div3A_41 = arith.divf %get3A_38, %div3A_40 : vector<16x128xf32>
      %mul3A_42 = vector.broadcast %mul3A_30 : vector<1x128xf32> to vector<16x128xf32>
      %mul3A_43 = arith.mulf %div3A_41, %mul3A_42 : vector<16x128xf32>
      %add3A_44 = vector.broadcast %sub3A_35 : vector<1x128xf32> to vector<16x128xf32>
      %add3A_45 = arith.addf %mul3A_43, %add3A_44 : vector<16x128xf32>
      %get3A_46 = arith.constant 0 : index
      %get3A_47 = arith.constant 0 : index
      %get3A_48 = vector.load %arg5[%get3A_46, %get3A_47] : memref<128x64xf32, #tpu.memory_space<vmem>>, vector<128x64xf32>
      %dot_general3A = arith.constant dense<0.000000e+00> : vector<16x64xf32>
      %dot_general3A_49 = tpu.matmul %add3A_45, %get3A_48, %dot_general3A {dimension_numbers = #tpu.dot_dimension_numbers<[1], [0], [0], [1], [0, 0, 1, 1], [], []>, transpose_lhs_hint = false} : vector<16x128xf32>, vector<128x64xf32>, vector<16x64xf32> -> vector<16x64xf32>
      %get3A_50 = arith.constant 0 : index
      %get3A_51 = arith.constant 0 : index
      %get3A_52 = vector.load %arg6[%get3A_50, %get3A_51] : memref<1x64xf32, #tpu.memory_space<vmem>>, vector<1x64xf32>
      %add3A_53 = vector.broadcast %get3A_52 : vector<1x64xf32> to vector<16x64xf32>
      %add3A_54 = arith.addf %dot_general3A_49, %add3A_53 : vector<16x64xf32>
      %swap3A = arith.constant 0 : index
      %swap3A_55 = arith.constant 0 : index
      %swap3A_56 = vector.load %arg7[%swap3A, %swap3A_55] : memref<16x64xf32, #tpu.memory_space<vmem>>, vector<16x64xf32>
      tpu.vector_store %arg7[%swap3A, %swap3A_55], %add3A_54 {strides = array<i32>} : memref<16x64xf32, #tpu.memory_space<vmem>>, vector<16x64xf32>,
    } else {
    }
    return
  }
  func.func @transform_0(%arg0: i32) -> (i32, i32) {
    %c0_i32 = arith.constant 0 : i32
    %c0_i32_0 = arith.constant 0 : i32
    return %arg0, %c0_i32 : i32, i32
  }
  func.func @transform_1(%arg0: i32) -> (i32, i32) {
    %c0_i32 = arith.constant 0 : i32
    %c0_i32_0 = arith.constant 0 : i32
    %c0_i32_1 = arith.constant 0 : i32
    return %c0_i32, %c0_i32_0 : i32, i32
  }
  func.func @transform_2(%arg0: i32) -> (i32, i32) {
    %c0_i32 = arith.constant 0 : i32
    %c0_i32_0 = arith.constant 0 : i32
    %c0_i32_1 = arith.constant 0 : i32
    return %c0_i32, %c0_i32_0 : i32, i32
  }
  func.func @transform_3(%arg0: i32) -> (i32, i32) {
    %c0_i32 = arith.constant 0 : i32
    %c0_i32_0 = arith.constant 0 : i32
    %c0_i32_1 = arith.constant 0 : i32
    return %c0_i32, %c0_i32_0 : i32, i32
  }
  func.func @transform_4(%arg0: i32) -> (i32, i32) {
    %c0_i32 = arith.constant 0 : i32
    %c0_i32_0 = arith.constant 0 : i32
    %c0_i32_1 = arith.constant 0 : i32
    return %c0_i32, %c0_i32_0 : i32, i32
  }
  func.func @transform_5(%arg0: i32) -> (i32, i32) {
    %c0_i32 = arith.constant 0 : i32
    %c0_i32_0 = arith.constant 0 : i32
    %c0_i32_1 = arith.constant 0 : i32
    return %c0_i32, %c0_i32_0 : i32, i32
  }
  func.func @transform_6(%arg0: i32) -> (i32, i32) {
    %c0_i32 = arith.constant 0 : i32
    %c0_i32_0 = arith.constant 0 : i32
    %c0_i32_1 = arith.constant 0 : i32
    return %c0_i32, %c0_i32_0 : i32, i32
  }
}

module attributes {stable_mosaic.version = 14 : i64} {
  func.func @_k3_kernel(%arg0: i32, %arg1: memref<512x2048xf32, #tpu.memory_space<vmem>>, %arg2: memref<2x128xf32, #tpu.memory_space<vmem>>, %arg3: memref<1x128xf32, #tpu.memory_space<vmem>>, %arg4: memref<1x128xf32, #tpu.memory_space<vmem>>, %arg5: memref<128x64xf32, #tpu.memory_space<vmem>>, %arg6: memref<1x64xf32, #tpu.memory_space<vmem>>, %arg7: memref<16x64xf32, #tpu.memory_space<vmem>>, %arg8: memref<16x128xf32, #tpu.memory_space<vmem>>) attributes {dimension_semantics = [#tpu.dimension_semantics<arbitrary>], iteration_bounds = array<i64: 5>, scalar_prefetch = 0 : i64, scratch_operands = 1 : i64, tpu.core_type = #tpu.core_type<tc>, window_params = [{transform_indices = @transform_0, window_bounds = array<i64: 512, 2048>}, {pipeline_mode = #tpu.pipeline_mode<synchronous>, transform_indices = @transform_1, window_bounds = array<i64: 2, 128>}, {pipeline_mode = #tpu.pipeline_mode<synchronous>, transform_indices = @transform_2, window_bounds = array<i64: 1, 128>}, {pipeline_mode = #tpu.pipeline_mode<synchronous>, transform_indices = @transform_3, window_bounds = array<i64: 1, 128>}, {pipeline_mode = #tpu.pipeline_mode<synchronous>, transform_indices = @transform_4, window_bounds = array<i64: 128, 64>}, {pipeline_mode = #tpu.pipeline_mode<synchronous>, transform_indices = @transform_5, window_bounds = array<i64: 1, 64>}, {pipeline_mode = #tpu.pipeline_mode<synchronous>, transform_indices = @transform_6, window_bounds = array<i64: 16, 64>}]} {
    %get3A = arith.constant 0 : index
    %get3A_0 = arith.constant 0 : index
    %get3A_1 = vector.load %arg1[%get3A, %get3A_0] : memref<512x2048xf32, #tpu.memory_space<vmem>>, vector<512x2048xf32>
    %reshape3A = vector.shape_cast %get3A_1 : vector<512x2048xf32> to vector<512x16x128xf32>
    %reduce_sum3A = arith.constant dense<0.000000e+00> : vector<16x128xf32>
    %reduce_sum3A_2 = vector.multi_reduction <add>, %reshape3A, %reduce_sum3A [0] : vector<512x16x128xf32> to vector<16x128xf32>
    %eq3A = arith.constant 0 : i32
    %eq3A_3 = arith.cmpi eq, %arg0, %eq3A : i32
    %convert_element_type3A = arith.extui %eq3A_3 : i1 to i32
    %cond3A = arith.constant 0 : i32
    %cond3A_4 = arith.cmpi ne, %convert_element_type3A, %cond3A : i32
    scf.if %cond3A_4 {
      %swap3A = arith.constant 0 : index
      %swap3A_14 = arith.constant 0 : index
      %swap3A_15 = vector.load %arg8[%swap3A, %swap3A_14] : memref<16x128xf32, #tpu.memory_space<vmem>>, vector<16x128xf32>
      tpu.vector_store %arg8[%swap3A, %swap3A_14], %reduce_sum3A_2 {strides = array<i32>} : memref<16x128xf32, #tpu.memory_space<vmem>>, vector<16x128xf32>,
    } else {
    }
    %gt3A = arith.constant 0 : i32
    %gt3A_5 = arith.cmpi sgt, %arg0, %gt3A : i32
    %convert_element_type3A_6 = arith.extui %gt3A_5 : i1 to i32
    %cond3A_7 = arith.constant 0 : i32
    %cond3A_8 = arith.cmpi ne, %convert_element_type3A_6, %cond3A_7 : i32
    scf.if %cond3A_8 {
      %get3A_14 = arith.constant 0 : index
      %get3A_15 = arith.constant 0 : index
      %get3A_16 = vector.load %arg8[%get3A_14, %get3A_15] : memref<16x128xf32, #tpu.memory_space<vmem>>, vector<16x128xf32>
      %add3A = arith.addf %get3A_16, %reduce_sum3A_2 : vector<16x128xf32>
      %swap3A = arith.constant 0 : index
      %swap3A_17 = arith.constant 0 : index
      %swap3A_18 = vector.load %arg8[%swap3A, %swap3A_17] : memref<16x128xf32, #tpu.memory_space<vmem>>, vector<16x128xf32>
      tpu.vector_store %arg8[%swap3A, %swap3A_17], %add3A {strides = array<i32>} : memref<16x128xf32, #tpu.memory_space<vmem>>, vector<16x128xf32>,
    } else {
    }
    %eq3A_9 = arith.constant 4 : i32
    %eq3A_10 = arith.cmpi eq, %arg0, %eq3A_9 : i32
    %convert_element_type3A_11 = arith.extui %eq3A_10 : i1 to i32
    %cond3A_12 = arith.constant 0 : i32
    %cond3A_13 = arith.cmpi ne, %convert_element_type3A_11, %cond3A_12 : i32
    scf.if %cond3A_13 {
      %get3A_14 = arith.constant 0 : index
      %get3A_15 = arith.constant 0 : index
      %get3A_16 = vector.load %arg2[%get3A_14, %get3A_15] : memref<2x128xf32, #tpu.memory_space<vmem>>, vector<1x128xf32>
      %div3A = arith.constant 4.000000e+04 : f32
      %div3A_17 = vector.broadcast %div3A : f32 to vector<1x128xf32>
      %div3A_18 = arith.divf %get3A_16, %div3A_17 : vector<1x128xf32>
      %get3A_19 = arith.constant 1 : index
      %get3A_20 = arith.constant 0 : index
      %get3A_21 = vector.load %arg2[%get3A_19, %get3A_20] : memref<2x128xf32, #tpu.memory_space<vmem>>, vector<1x128xf32>
      %div3A_22 = arith.constant 4.000000e+04 : f32
      %div3A_23 = vector.broadcast %div3A_22 : f32 to vector<1x128xf32>
      %div3A_24 = arith.divf %get3A_21, %div3A_23 : vector<1x128xf32>
      %mul3A = arith.mulf %div3A_18, %div3A_18 : vector<1x128xf32>
      %sub3A = arith.subf %div3A_24, %mul3A : vector<1x128xf32>
      %get3A_25 = arith.constant 0 : index
      %get3A_26 = arith.constant 0 : index
      %get3A_27 = vector.load %arg3[%get3A_25, %get3A_26] : memref<1x128xf32, #tpu.memory_space<vmem>>, vector<1x128xf32>
      %add3A = arith.constant 9.99999974E-6 : f32
      %add3A_28 = vector.broadcast %add3A : f32 to vector<1x128xf32>
      %add3A_29 = arith.addf %sub3A, %add3A_28 : vector<1x128xf32>
      %rsqrt3A = math.rsqrt %add3A_29 : vector<1x128xf32>
      %mul3A_30 = arith.mulf %get3A_27, %rsqrt3A : vector<1x128xf32>
      %get3A_31 = arith.constant 0 : index
      %get3A_32 = arith.constant 0 : index
      %get3A_33 = vector.load %arg4[%get3A_31, %get3A_32] : memref<1x128xf32, #tpu.memory_space<vmem>>, vector<1x128xf32>
      %mul3A_34 = arith.mulf %div3A_18, %mul3A_30 : vector<1x128xf32>
      %sub3A_35 = arith.subf %get3A_33, %mul3A_34 : vector<1x128xf32>
      %get3A_36 = arith.constant 0 : index
      %get3A_37 = arith.constant 0 : index
      %get3A_38 = vector.load %arg8[%get3A_36, %get3A_37] : memref<16x128xf32, #tpu.memory_space<vmem>>, vector<16x128xf32>
      %div3A_39 = arith.constant 2.500000e+03 : f32
      %div3A_40 = vector.broadcast %div3A_39 : f32 to vector<16x128xf32>
      %div3A_41 = arith.divf %get3A_38, %div3A_40 : vector<16x128xf32>
      %mul3A_42 = vector.broadcast %mul3A_30 : vector<1x128xf32> to vector<16x128xf32>
      %mul3A_43 = arith.mulf %div3A_41, %mul3A_42 : vector<16x128xf32>
      %add3A_44 = vector.broadcast %sub3A_35 : vector<1x128xf32> to vector<16x128xf32>
      %add3A_45 = arith.addf %mul3A_43, %add3A_44 : vector<16x128xf32>
      %get3A_46 = arith.constant 0 : index
      %get3A_47 = arith.constant 0 : index
      %get3A_48 = vector.load %arg5[%get3A_46, %get3A_47] : memref<128x64xf32, #tpu.memory_space<vmem>>, vector<128x64xf32>
      %dot_general3A = arith.constant dense<0.000000e+00> : vector<16x64xf32>
      %dot_general3A_49 = tpu.matmul %add3A_45, %get3A_48, %dot_general3A {dimension_numbers = #tpu.dot_dimension_numbers<[1], [0], [0], [1], [0, 0, 1, 1], [], []>, transpose_lhs_hint = false} : vector<16x128xf32>, vector<128x64xf32>, vector<16x64xf32> -> vector<16x64xf32>
      %get3A_50 = arith.constant 0 : index
      %get3A_51 = arith.constant 0 : index
      %get3A_52 = vector.load %arg6[%get3A_50, %get3A_51] : memref<1x64xf32, #tpu.memory_space<vmem>>, vector<1x64xf32>
      %add3A_53 = vector.broadcast %get3A_52 : vector<1x64xf32> to vector<16x64xf32>
      %add3A_54 = arith.addf %dot_general3A_49, %add3A_53 : vector<16x64xf32>
      %swap3A = arith.constant 0 : index
      %swap3A_55 = arith.constant 0 : index
      %swap3A_56 = vector.load %arg7[%swap3A, %swap3A_55] : memref<16x64xf32, #tpu.memory_space<vmem>>, vector<16x64xf32>
      tpu.vector_store %arg7[%swap3A, %swap3A_55], %add3A_54 {strides = array<i32>} : memref<16x64xf32, #tpu.memory_space<vmem>>, vector<16x64xf32>,
    } else {
    }
    return
  }
  func.func @transform_0(%arg0: i32) -> (i32, i32) {
    %c0_i32 = arith.constant 0 : i32
    %c0_i32_0 = arith.constant 0 : i32
    return %arg0, %c0_i32 : i32, i32
  }
  func.func @transform_1(%arg0: i32) -> (i32, i32) {
    %c0_i32 = arith.constant 0 : i32
    %c0_i32_0 = arith.constant 0 : i32
    %c0_i32_1 = arith.constant 0 : i32
    return %c0_i32, %c0_i32_0 : i32, i32
  }
  func.func @transform_2(%arg0: i32) -> (i32, i32) {
    %c0_i32 = arith.constant 0 : i32
    %c0_i32_0 = arith.constant 0 : i32
    %c0_i32_1 = arith.constant 0 : i32
    return %c0_i32, %c0_i32_0 : i32, i32
  }
  func.func @transform_3(%arg0: i32) -> (i32, i32) {
    %c0_i32 = arith.constant 0 : i32
    %c0_i32_0 = arith.constant 0 : i32
    %c0_i32_1 = arith.constant 0 : i32
    return %c0_i32, %c0_i32_0 : i32, i32
  }
  func.func @transform_4(%arg0: i32) -> (i32, i32) {
    %c0_i32 = arith.constant 0 : i32
    %c0_i32_0 = arith.constant 0 : i32
    %c0_i32_1 = arith.constant 0 : i32
    return %c0_i32, %c0_i32_0 : i32, i32
  }
  func.func @transform_5(%arg0: i32) -> (i32, i32) {
    %c0_i32 = arith.constant 0 : i32
    %c0_i32_0 = arith.constant 0 : i32
    %c0_i32_1 = arith.constant 0 : i32
    return %c0_i32, %c0_i32_0 : i32, i32
  }
  func.func @transform_6(%arg0: i32) -> (i32, i32) {
    %c0_i32 = arith.constant 0 : i32
    %c0_i32_0 = arith.constant 0 : i32
    %c0_i32_1 = arith.constant 0 : i32
    return %c0_i32, %c0_i32_0 : i32, i32
  }
}

module attributes {stable_mosaic.version = 14 : i64} {
  func.func @_loss_kernel(%arg0: memref<16x64xf32, #tpu.memory_space<vmem>>, %arg1: memref<16x64xf32, #tpu.memory_space<vmem>>, %arg2: memref<16x64xf32, #tpu.memory_space<vmem>>, %arg3: memref<16x1xi32, #tpu.memory_space<vmem>>, %arg4: memref<16x1xf32, #tpu.memory_space<vmem>>, %arg5: memref<16x1xi32, #tpu.memory_space<vmem>>, %arg6: memref<16x1xi32, #tpu.memory_space<vmem>>, %arg7: memref<16x1xi32, #tpu.memory_space<vmem>>, %arg8: memref<1x1xf32, #tpu.memory_space<vmem>>, %arg9: memref<1x1xf32, #tpu.memory_space<vmem>>, %arg10: memref<1x1xf32, #tpu.memory_space<vmem>>) attributes {dimension_semantics = [], scalar_prefetch = 0 : i64, scratch_operands = 0 : i64, tpu.core_type = #tpu.core_type<tc>} {
    %iota3A = tpu.iota {dimensions = array<i32: 1>} : vector<16x64xi32>
    %lt3A = arith.constant 60 : i32
    %lt3A_0 = vector.broadcast %lt3A : i32 to vector<16x64xi32>
    %lt3A_1 = arith.cmpi slt, %iota3A, %lt3A_0 : vector<16x64xi32>
    %get3A = arith.constant 0 : index
    %get3A_2 = arith.constant 0 : index
    %get3A_3 = vector.load %arg0[%get3A, %get3A_2] : memref<16x64xf32, #tpu.memory_space<vmem>>, vector<16x64xf32>
    %jit3A = arith.constant -1.000000e+30 : f32
    %broadcast_in_dim3A = vector.broadcast %jit3A : f32 to vector<16x64xf32>
    %select_n3A = arith.select %lt3A_1, %get3A_3, %broadcast_in_dim3A : vector<16x64xi1>, vector<16x64xf32>
    %reduce_max3A = arith.constant dense<0xFF800000> : vector<16xf32>
    %reduce_max3A_4 = vector.multi_reduction <maximumf>, %select_n3A, %reduce_max3A [1] : vector<16x64xf32> to vector<16xf32>
    %broadcast_in_dim3A_5 = vector.shape_cast %reduce_max3A_4 : vector<16xf32> to vector<16x1xf32>
    %sub3A = vector.broadcast %broadcast_in_dim3A_5 : vector<16x1xf32> to vector<16x64xf32>
    %sub3A_6 = arith.subf %select_n3A, %sub3A : vector<16x64xf32>
    %exp3A = math.exp %sub3A_6 : vector<16x64xf32>
    %jit3A_7 = arith.constant 0.000000e+00 : f32
    %broadcast_in_dim3A_8 = vector.broadcast %jit3A_7 : f32 to vector<16x64xf32>
    %select_n3A_9 = arith.select %lt3A_1, %exp3A, %broadcast_in_dim3A_8 : vector<16x64xi1>, vector<16x64xf32>
    %reduce_sum3A = arith.constant dense<0.000000e+00> : vector<16xf32>
    %reduce_sum3A_10 = vector.multi_reduction <add>, %select_n3A_9, %reduce_sum3A [1] : vector<16x64xf32> to vector<16xf32>
    %broadcast_in_dim3A_11 = vector.shape_cast %reduce_sum3A_10 : vector<16xf32> to vector<16x1xf32>
    %sub3A_12 = vector.broadcast %broadcast_in_dim3A_5 : vector<16x1xf32> to vector<16x64xf32>
    %sub3A_13 = arith.subf %select_n3A, %sub3A_12 : vector<16x64xf32>
    %log3A = math.log %broadcast_in_dim3A_11 : vector<16x1xf32>
    %sub3A_14 = vector.broadcast %log3A : vector<16x1xf32> to vector<16x64xf32>
    %sub3A_15 = arith.subf %sub3A_13, %sub3A_14 : vector<16x64xf32>
    %get3A_16 = arith.constant 0 : index
    %get3A_17 = arith.constant 0 : index
    %get3A_18 = vector.load %arg1[%get3A_16, %get3A_17] : memref<16x64xf32, #tpu.memory_space<vmem>>, vector<16x64xf32>
    %jit3A_19 = arith.constant -1.000000e+30 : f32
    %broadcast_in_dim3A_20 = vector.broadcast %jit3A_19 : f32 to vector<16x64xf32>
    %select_n3A_21 = arith.select %lt3A_1, %get3A_18, %broadcast_in_dim3A_20 : vector<16x64xi1>, vector<16x64xf32>
    %reduce_max3A_22 = arith.constant dense<0xFF800000> : vector<16xf32>
    %reduce_max3A_23 = vector.multi_reduction <maximumf>, %select_n3A_21, %reduce_max3A_22 [1] : vector<16x64xf32> to vector<16xf32>
    %broadcast_in_dim3A_24 = vector.shape_cast %reduce_max3A_23 : vector<16xf32> to vector<16x1xf32>
    %sub3A_25 = vector.broadcast %broadcast_in_dim3A_24 : vector<16x1xf32> to vector<16x64xf32>
    %sub3A_26 = arith.subf %select_n3A_21, %sub3A_25 : vector<16x64xf32>
    %exp3A_27 = math.exp %sub3A_26 : vector<16x64xf32>
    %jit3A_28 = arith.constant 0.000000e+00 : f32
    %broadcast_in_dim3A_29 = vector.broadcast %jit3A_28 : f32 to vector<16x64xf32>
    %select_n3A_30 = arith.select %lt3A_1, %exp3A_27, %broadcast_in_dim3A_29 : vector<16x64xi1>, vector<16x64xf32>
    %reduce_sum3A_31 = arith.constant dense<0.000000e+00> : vector<16xf32>
    %reduce_sum3A_32 = vector.multi_reduction <add>, %select_n3A_30, %reduce_sum3A_31 [1] : vector<16x64xf32> to vector<16xf32>
    %broadcast_in_dim3A_33 = vector.shape_cast %reduce_sum3A_32 : vector<16xf32> to vector<16x1xf32>
    %sub3A_34 = vector.broadcast %broadcast_in_dim3A_24 : vector<16x1xf32> to vector<16x64xf32>
    %sub3A_35 = arith.subf %select_n3A_21, %sub3A_34 : vector<16x64xf32>
    %log3A_36 = math.log %broadcast_in_dim3A_33 : vector<16x1xf32>
    %sub3A_37 = vector.broadcast %log3A_36 : vector<16x1xf32> to vector<16x64xf32>
    %sub3A_38 = arith.subf %sub3A_35, %sub3A_37 : vector<16x64xf32>
    %get3A_39 = arith.constant 0 : index
    %get3A_40 = arith.constant 0 : index
    %get3A_41 = vector.load %arg2[%get3A_39, %get3A_40] : memref<16x64xf32, #tpu.memory_space<vmem>>, vector<16x64xf32>
    %jit3A_42 = arith.constant -1.000000e+30 : f32
    %broadcast_in_dim3A_43 = vector.broadcast %jit3A_42 : f32 to vector<16x64xf32>
    %select_n3A_44 = arith.select %lt3A_1, %get3A_41, %broadcast_in_dim3A_43 : vector<16x64xi1>, vector<16x64xf32>
    %reduce_max3A_45 = arith.constant dense<0xFF800000> : vector<16xf32>
    %reduce_max3A_46 = vector.multi_reduction <maximumf>, %select_n3A_44, %reduce_max3A_45 [1] : vector<16x64xf32> to vector<16xf32>
    %broadcast_in_dim3A_47 = vector.shape_cast %reduce_max3A_46 : vector<16xf32> to vector<16x1xf32>
    %sub3A_48 = vector.broadcast %broadcast_in_dim3A_47 : vector<16x1xf32> to vector<16x64xf32>
    %sub3A_49 = arith.subf %select_n3A_44, %sub3A_48 : vector<16x64xf32>
    %exp3A_50 = math.exp %sub3A_49 : vector<16x64xf32>
    %jit3A_51 = arith.constant 0.000000e+00 : f32
    %broadcast_in_dim3A_52 = vector.broadcast %jit3A_51 : f32 to vector<16x64xf32>
    %select_n3A_53 = arith.select %lt3A_1, %exp3A_50, %broadcast_in_dim3A_52 : vector<16x64xi1>, vector<16x64xf32>
    %reduce_sum3A_54 = arith.constant dense<0.000000e+00> : vector<16xf32>
    %reduce_sum3A_55 = vector.multi_reduction <add>, %select_n3A_53, %reduce_sum3A_54 [1] : vector<16x64xf32> to vector<16xf32>
    %broadcast_in_dim3A_56 = vector.shape_cast %reduce_sum3A_55 : vector<16xf32> to vector<16x1xf32>
    %sub3A_57 = vector.broadcast %broadcast_in_dim3A_47 : vector<16x1xf32> to vector<16x64xf32>
    %sub3A_58 = arith.subf %select_n3A_44, %sub3A_57 : vector<16x64xf32>
    %log3A_59 = math.log %broadcast_in_dim3A_56 : vector<16x1xf32>
    %sub3A_60 = vector.broadcast %log3A_59 : vector<16x1xf32> to vector<16x64xf32>
    %sub3A_61 = arith.subf %sub3A_58, %sub3A_60 : vector<16x64xf32>
    %jit3A_62 = arith.constant 0xFF800000 : f32
    %broadcast_in_dim3A_63 = vector.broadcast %jit3A_62 : f32 to vector<16x64xf32>
    %select_n3A_64 = arith.select %lt3A_1, %sub3A_15, %broadcast_in_dim3A_63 : vector<16x64xi1>, vector<16x64xf32>
    %reduce_max3A_65 = arith.constant dense<0xFF800000> : vector<16xf32>
    %reduce_max3A_66 = vector.multi_reduction <maximumf>, %select_n3A_64, %reduce_max3A_65 [1] : vector<16x64xf32> to vector<16xf32>
    %broadcast_in_dim3A_67 = vector.shape_cast %reduce_max3A_66 : vector<16xf32> to vector<16x1xf32>
    %eq3A = vector.broadcast %broadcast_in_dim3A_67 : vector<16x1xf32> to vector<16x64xf32>
    %eq3A_68 = arith.cmpf oeq, %sub3A_15, %eq3A : vector<16x64xf32>
    %and3A = arith.andi %eq3A_68, %lt3A_1 : vector<16x64xi1>
    %jit3A_69 = arith.constant 9999 : i32
    %broadcast_in_dim3A_70 = vector.broadcast %jit3A_69 : i32 to vector<16x64xi32>
    %select_n3A_71 = arith.select %and3A, %iota3A, %broadcast_in_dim3A_70 : vector<16x64xi1>, vector<16x64xi32>
    %reduce_min3A = arith.constant dense<2147483647> : vector<16xi32>
    %reduce_min3A_72 = vector.multi_reduction <minsi>, %select_n3A_71, %reduce_min3A [1] : vector<16x64xi32> to vector<16xi32>
    %broadcast_in_dim3A_73 = vector.shape_cast %reduce_min3A_72 : vector<16xi32> to vector<16x1xi32>
    %swap3A = arith.constant 0 : index
    %swap3A_74 = arith.constant 0 : index
    %swap3A_75 = vector.load %arg5[%swap3A, %swap3A_74] : memref<16x1xi32, #tpu.memory_space<vmem>>, vector<16x1xi32>
    tpu.vector_store %arg5[%swap3A, %swap3A_74], %broadcast_in_dim3A_73 {strides = array<i32>} : memref<16x1xi32, #tpu.memory_space<vmem>>, vector<16x1xi32>,
    %jit3A_76 = arith.constant 0xFF800000 : f32
    %broadcast_in_dim3A_77 = vector.broadcast %jit3A_76 : f32 to vector<16x64xf32>
    %select_n3A_78 = arith.select %lt3A_1, %sub3A_38, %broadcast_in_dim3A_77 : vector<16x64xi1>, vector<16x64xf32>
    %reduce_max3A_79 = arith.constant dense<0xFF800000> : vector<16xf32>
    %reduce_max3A_80 = vector.multi_reduction <maximumf>, %select_n3A_78, %reduce_max3A_79 [1] : vector<16x64xf32> to vector<16xf32>
    %broadcast_in_dim3A_81 = vector.shape_cast %reduce_max3A_80 : vector<16xf32> to vector<16x1xf32>
    %eq3A_82 = vector.broadcast %broadcast_in_dim3A_81 : vector<16x1xf32> to vector<16x64xf32>
    %eq3A_83 = arith.cmpf oeq, %sub3A_38, %eq3A_82 : vector<16x64xf32>
    %and3A_84 = arith.andi %eq3A_83, %lt3A_1 : vector<16x64xi1>
    %jit3A_85 = arith.constant 9999 : i32
    %broadcast_in_dim3A_86 = vector.broadcast %jit3A_85 : i32 to vector<16x64xi32>
    %select_n3A_87 = arith.select %and3A_84, %iota3A, %broadcast_in_dim3A_86 : vector<16x64xi1>, vector<16x64xi32>
    %reduce_min3A_88 = arith.constant dense<2147483647> : vector<16xi32>
    %reduce_min3A_89 = vector.multi_reduction <minsi>, %select_n3A_87, %reduce_min3A_88 [1] : vector<16x64xi32> to vector<16xi32>
    %broadcast_in_dim3A_90 = vector.shape_cast %reduce_min3A_89 : vector<16xi32> to vector<16x1xi32>
    %jit3A_91 = arith.constant 0xFF800000 : f32
    %broadcast_in_dim3A_92 = vector.broadcast %jit3A_91 : f32 to vector<16x64xf32>
    %select_n3A_93 = arith.select %lt3A_1, %sub3A_61, %broadcast_in_dim3A_92 : vector<16x64xi1>, vector<16x64xf32>
    %reduce_max3A_94 = arith.constant dense<0xFF800000> : vector<16xf32>
    %reduce_max3A_95 = vector.multi_reduction <maximumf>, %select_n3A_93, %reduce_max3A_94 [1] : vector<16x64xf32> to vector<16xf32>
    %broadcast_in_dim3A_96 = vector.shape_cast %reduce_max3A_95 : vector<16xf32> to vector<16x1xf32>
    %eq3A_97 = vector.broadcast %broadcast_in_dim3A_96 : vector<16x1xf32> to vector<16x64xf32>
    %eq3A_98 = arith.cmpf oeq, %sub3A_61, %eq3A_97 : vector<16x64xf32>
    %and3A_99 = arith.andi %eq3A_98, %lt3A_1 : vector<16x64xi1>
    %jit3A_100 = arith.constant 9999 : i32
    %broadcast_in_dim3A_101 = vector.broadcast %jit3A_100 : i32 to vector<16x64xi32>
    %select_n3A_102 = arith.select %and3A_99, %iota3A, %broadcast_in_dim3A_101 : vector<16x64xi1>, vector<16x64xi32>
    %reduce_min3A_103 = arith.constant dense<2147483647> : vector<16xi32>
    %reduce_min3A_104 = vector.multi_reduction <minsi>, %select_n3A_102, %reduce_min3A_103 [1] : vector<16x64xi32> to vector<16xi32>
    %broadcast_in_dim3A_105 = vector.shape_cast %reduce_min3A_104 : vector<16xi32> to vector<16x1xi32>
    %swap3A_106 = arith.constant 0 : index
    %swap3A_107 = arith.constant 0 : index
    %swap3A_108 = vector.load %arg6[%swap3A_106, %swap3A_107] : memref<16x1xi32, #tpu.memory_space<vmem>>, vector<16x1xi32>
    tpu.vector_store %arg6[%swap3A_106, %swap3A_107], %broadcast_in_dim3A_90 {strides = array<i32>} : memref<16x1xi32, #tpu.memory_space<vmem>>, vector<16x1xi32>,
    %swap3A_109 = arith.constant 0 : index
    %swap3A_110 = arith.constant 0 : index
    %swap3A_111 = vector.load %arg7[%swap3A_109, %swap3A_110] : memref<16x1xi32, #tpu.memory_space<vmem>>, vector<16x1xi32>
    tpu.vector_store %arg7[%swap3A_109, %swap3A_110], %broadcast_in_dim3A_105 {strides = array<i32>} : memref<16x1xi32, #tpu.memory_space<vmem>>, vector<16x1xi32>,
    %get3A_112 = arith.constant 0 : index
    %get3A_113 = arith.constant 0 : index
    %get3A_114 = vector.load %arg4[%get3A_112, %get3A_113] : memref<16x1xf32, #tpu.memory_space<vmem>>, vector<16x1xf32>
    %get3A_115 = arith.constant 0 : index
    %get3A_116 = arith.constant 0 : index
    %get3A_117 = vector.load %arg3[%get3A_115, %get3A_116] : memref<16x1xi32, #tpu.memory_space<vmem>>, vector<16x1xi32>
    %eq3A_118 = vector.broadcast %get3A_117 : vector<16x1xi32> to vector<16x64xi32>
    %eq3A_119 = arith.cmpi eq, %iota3A, %eq3A_118 : vector<16x64xi32>
    %jit3A_120 = arith.constant 0.000000e+00 : f32
    %broadcast_in_dim3A_121 = vector.broadcast %jit3A_120 : f32 to vector<16x64xf32>
    %select_n3A_122 = arith.select %eq3A_119, %sub3A_15, %broadcast_in_dim3A_121 : vector<16x64xi1>, vector<16x64xf32>
    %reduce_sum3A_123 = arith.constant dense<0.000000e+00> : vector<16xf32>
    %reduce_sum3A_124 = vector.multi_reduction <add>, %select_n3A_122, %reduce_sum3A_123 [1] : vector<16x64xf32> to vector<16xf32>
    %broadcast_in_dim3A_125 = vector.shape_cast %reduce_sum3A_124 : vector<16xf32> to vector<16x1xf32>
    %gt3A = arith.constant 0.000000e+00 : f32
    %gt3A_126 = vector.broadcast %gt3A : f32 to vector<16x1xf32>
    %gt3A_127 = arith.cmpf ogt, %get3A_114, %gt3A_126 : vector<16x1xf32>
    %jit3A_128 = arith.constant 0.000000e+00 : f32
    %broadcast_in_dim3A_129 = vector.broadcast %jit3A_128 : f32 to vector<16x1xf32>
    %select_n3A_130 = arith.select %gt3A_127, %broadcast_in_dim3A_125, %broadcast_in_dim3A_129 : vector<16x1xi1>, vector<16x1xf32>
    %reduce_sum3A_131 = vector.shape_cast %select_n3A_130 : vector<16x1xf32> to vector<1x16x1xf32>
    %reduce_sum3A_132 = arith.constant dense<0.000000e+00> : vector<1xf32>
    %reduce_sum3A_133 = vector.multi_reduction <add>, %reduce_sum3A_131, %reduce_sum3A_132 [1, 2] : vector<1x16x1xf32> to vector<1xf32>
    %reduce_sum3A_134 = vector.shape_cast %reduce_sum3A_133 : vector<1xf32> to vector<1x1x1xf32>
    %reduce_sum3A_135 = vector.extract %reduce_sum3A_134[0, 0, 0] : f32 from vector<1x1x1xf32>
    %broadcast_in_dim3A_136 = vector.broadcast %reduce_sum3A_135 : f32 to vector<1x1xf32>
    %neg3A = arith.constant 0.000000e+00 : f32
    %neg3A_137 = vector.broadcast %neg3A : f32 to vector<1x1xf32>
    %neg3A_138 = arith.subf %neg3A_137, %broadcast_in_dim3A_136 : vector<1x1xf32>
    %reduce_sum3A_139 = vector.shape_cast %get3A_114 : vector<16x1xf32> to vector<1x16x1xf32>
    %reduce_sum3A_140 = arith.constant dense<0.000000e+00> : vector<1xf32>
    %reduce_sum3A_141 = vector.multi_reduction <add>, %reduce_sum3A_139, %reduce_sum3A_140 [1, 2] : vector<1x16x1xf32> to vector<1xf32>
    %reduce_sum3A_142 = vector.shape_cast %reduce_sum3A_141 : vector<1xf32> to vector<1x1x1xf32>
    %reduce_sum3A_143 = vector.extract %reduce_sum3A_142[0, 0, 0] : f32 from vector<1x1x1xf32>
    %broadcast_in_dim3A_144 = vector.broadcast %reduce_sum3A_143 : f32 to vector<1x1xf32>
    %div3A = arith.divf %neg3A_138, %broadcast_in_dim3A_144 : vector<1x1xf32>
    %swap3A_145 = arith.constant 0 : index
    %swap3A_146 = arith.constant 0 : index
    %swap3A_147 = vector.load %arg8[%swap3A_145, %swap3A_146] : memref<1x1xf32, #tpu.memory_space<vmem>>, vector<1x1xf32>
    tpu.vector_store %arg8[%swap3A_145, %swap3A_146], %div3A {strides = array<i32>} : memref<1x1xf32, #tpu.memory_space<vmem>>, vector<1x1xf32>,
    %eq3A_148 = vector.broadcast %broadcast_in_dim3A_105 : vector<16x1xi32> to vector<16x64xi32>
    %eq3A_149 = arith.cmpi eq, %iota3A, %eq3A_148 : vector<16x64xi32>
    %jit3A_150 = arith.constant 0.000000e+00 : f32
    %broadcast_in_dim3A_151 = vector.broadcast %jit3A_150 : f32 to vector<16x64xf32>
    %select_n3A_152 = arith.select %eq3A_149, %sub3A_38, %broadcast_in_dim3A_151 : vector<16x64xi1>, vector<16x64xf32>
    %reduce_sum3A_153 = arith.constant dense<0.000000e+00> : vector<16xf32>
    %reduce_sum3A_154 = vector.multi_reduction <add>, %select_n3A_152, %reduce_sum3A_153 [1] : vector<16x64xf32> to vector<16xf32>
    %broadcast_in_dim3A_155 = vector.shape_cast %reduce_sum3A_154 : vector<16xf32> to vector<16x1xf32>
    %reduce_sum3A_156 = vector.shape_cast %broadcast_in_dim3A_155 : vector<16x1xf32> to vector<1x16x1xf32>
    %reduce_sum3A_157 = arith.constant dense<0.000000e+00> : vector<1xf32>
    %reduce_sum3A_158 = vector.multi_reduction <add>, %reduce_sum3A_156, %reduce_sum3A_157 [1, 2] : vector<1x16x1xf32> to vector<1xf32>
    %reduce_sum3A_159 = vector.shape_cast %reduce_sum3A_158 : vector<1xf32> to vector<1x1x1xf32>
    %reduce_sum3A_160 = vector.extract %reduce_sum3A_159[0, 0, 0] : f32 from vector<1x1x1xf32>
    %broadcast_in_dim3A_161 = vector.broadcast %reduce_sum3A_160 : f32 to vector<1x1xf32>
    %div3A_162 = arith.constant 1.600000e+01 : f32
    %div3A_163 = vector.broadcast %div3A_162 : f32 to vector<1x1xf32>
    %div3A_164 = arith.divf %broadcast_in_dim3A_161, %div3A_163 : vector<1x1xf32>
    %neg3A_165 = arith.constant 0.000000e+00 : f32
    %neg3A_166 = vector.broadcast %neg3A_165 : f32 to vector<1x1xf32>
    %neg3A_167 = arith.subf %neg3A_166, %div3A_164 : vector<1x1xf32>
    %swap3A_168 = arith.constant 0 : index
    %swap3A_169 = arith.constant 0 : index
    %swap3A_170 = vector.load %arg9[%swap3A_168, %swap3A_169] : memref<1x1xf32, #tpu.memory_space<vmem>>, vector<1x1xf32>
    tpu.vector_store %arg9[%swap3A_168, %swap3A_169], %neg3A_167 {strides = array<i32>} : memref<1x1xf32, #tpu.memory_space<vmem>>, vector<1x1xf32>,
    %eq3A_171 = vector.broadcast %broadcast_in_dim3A_90 : vector<16x1xi32> to vector<16x64xi32>
    %eq3A_172 = arith.cmpi eq, %iota3A, %eq3A_171 : vector<16x64xi32>
    %jit3A_173 = arith.constant 0.000000e+00 : f32
    %broadcast_in_dim3A_174 = vector.broadcast %jit3A_173 : f32 to vector<16x64xf32>
    %select_n3A_175 = arith.select %eq3A_172, %sub3A_61, %broadcast_in_dim3A_174 : vector<16x64xi1>, vector<16x64xf32>
    %reduce_sum3A_176 = arith.constant dense<0.000000e+00> : vector<16xf32>
    %reduce_sum3A_177 = vector.multi_reduction <add>, %select_n3A_175, %reduce_sum3A_176 [1] : vector<16x64xf32> to vector<16xf32>
    %broadcast_in_dim3A_178 = vector.shape_cast %reduce_sum3A_177 : vector<16xf32> to vector<16x1xf32>
    %reduce_sum3A_179 = vector.shape_cast %broadcast_in_dim3A_178 : vector<16x1xf32> to vector<1x16x1xf32>
    %reduce_sum3A_180 = arith.constant dense<0.000000e+00> : vector<1xf32>
    %reduce_sum3A_181 = vector.multi_reduction <add>, %reduce_sum3A_179, %reduce_sum3A_180 [1, 2] : vector<1x16x1xf32> to vector<1xf32>
    %reduce_sum3A_182 = vector.shape_cast %reduce_sum3A_181 : vector<1xf32> to vector<1x1x1xf32>
    %reduce_sum3A_183 = vector.extract %reduce_sum3A_182[0, 0, 0] : f32 from vector<1x1x1xf32>
    %broadcast_in_dim3A_184 = vector.broadcast %reduce_sum3A_183 : f32 to vector<1x1xf32>
    %div3A_185 = arith.constant 1.600000e+01 : f32
    %div3A_186 = vector.broadcast %div3A_185 : f32 to vector<1x1xf32>
    %div3A_187 = arith.divf %broadcast_in_dim3A_184, %div3A_186 : vector<1x1xf32>
    %neg3A_188 = arith.constant 0.000000e+00 : f32
    %neg3A_189 = vector.broadcast %neg3A_188 : f32 to vector<1x1xf32>
    %neg3A_190 = arith.subf %neg3A_189, %div3A_187 : vector<1x1xf32>
    %swap3A_191 = arith.constant 0 : index
    %swap3A_192 = arith.constant 0 : index
    %swap3A_193 = vector.load %arg10[%swap3A_191, %swap3A_192] : memref<1x1xf32, #tpu.memory_space<vmem>>, vector<1x1xf32>
    tpu.vector_store %arg10[%swap3A_191, %swap3A_192], %neg3A_190 {strides = array<i32>} : memref<1x1xf32, #tpu.memory_space<vmem>>, vector<1x1xf32>,
    return
  }
}

</mosaic_0001>

<sc_bundles>
// kernel: gather_offload_async_start
scs
__scs_entry_jumppad:
0x0: {  	(pc) =	sbr.rel $0x88, $3  }
0x1: {  	(tag) =	ssettag $0x0;
	lr =	simm.s32 $0x1  }
0x2: {  	[smem:$0x3F6F] =	sst lr;
	_ =	strace $0xD0000000  }
0x3: {  	_ = 	snop  }
0x4: {  	_ = 	snop  }
0x5: {  	_ = 	snop  }
0x6: {  	_ = 	snop  }
0x7: {  	_ = 	snop  }
__scs_overlays_trampoline_lowered:
0x8: {  	[smem:$0x3F7E] =	sst s0  }
0x9: {  	[smem:$0x3F7F] =	sst s1  }
0xa: {  	[smem:$0x3F80] =	sst s2  }
0xb: {  	[smem:$0x3F81] =	sst s3  }
0xc: {  	[smem:$0x3F82] =	sst s4  }
0xd: {  	[smem:$0x3F83] =	sst s5  }
0xe: {  	[smem:$0x3F84] =	sst s6  }
0xf: {  	[smem:$0x3F85] =	sst s7  }
0x10: {  	[smem:$0x3F86] =	sst s8  }
0x11: {  	[smem:$0x3F87] =	sst s9;
	s0 =	simm.s32 @!p0 $0x0  }
0x12: {  	s1 =	sld [smem:$0x3F6D];
	s0 =	simm.s32 @p0 $0x1  }
0x13: {  	[smem:$0x3F88] =	sst s0;
	s0 =	simm.s32 @!p1 $0x0  }
0x14: {  	s2 =	sld [smem:$0x3F6C];
	s0 =	simm.s32 @p1 $0x1  }
0x15: {  	[smem:$0x3F89] =	sst s0;
	s0 =	simm.s32 @!p2 $0x0  }
0x16: {  	s3 =	sld [smem:$0x3FDB];
	s0 =	simm.s32 @p2 $0x1  }
0x17: {  	s4 =	simm.s32 $0x1BF5;
	[smem:$0x3F8B] =	sst s0  }
0x18: {  	s0 =	sld [smem:$0x3F6E];
	_ =	swait.ge [sflag:s4], $0x0  }
0x19: {  	s7 =	sld [smem:$0x3F6F]  }
0x1a: {  	s8 =	sadd.s32 $0xFFFFE003, lr  }
0x1b: {  	s9 =	sadd.s32 $0xFFFFFEF7, lr;
	s5 =	simm.s32 $0xFFFFFFFF;
	p2 =	slt.u32 s8, $0xFFFFF086  }
0x1c: {  	p1 =	slt.u32 s9, $0xF7A;
	s5 =	simm.s32 @!p2 $0x0  }
0x1d: {  	s5 =	simm.s32 @p1 $0x1;
	p0 =	seq.s32 s7, s2  }
0x1e: {  	s7 =	smul.u32 @!p0 $0xF7A, s2;
	p2 =	seq.s32 @!p0 s5, $0x0  }
0x1f: {  	s9 =	smul.u32 $0xF7A, s1;
	s8 =	simm.s32 @!p0 $0x1BF5;
	p2 =	por !p2, p0  }
0x20: {  	[sflag:s8] =	ssyncset.s32 @!p0 $0xFFFFF086;
	s6 =	sadd.s32 @!p0 s3, s7;
	s7 =	simm.s32 @!p0 $0x108  }
0x21: {  	s3 =	sadd.s32 s3, s9;
	s6 =	sadd.s32 @!p0 $0x88, s6;
	s7 =	simm.s32 @p2 $0x1082  }
0x22: {  	[simem:s7], [sflag:s8] =	dma.local @!p0 [hbm:s6], $0xF7A  }
0x23: {  	s9 =	sor.u32 $0xD0000000, s2;
	s6 =	simm.s32 $0x108;
	_ =	swait.ge @!p0 [sflag:s8], $0x0  }
0x24: {  	s3 =	sadd.s32 $0x88, s3;
	s6 =	simm.s32 @!p1 $0x1082;
	[sflag:s4] =	ssyncset.s32 $0xFFFFF086  }
0x25: {  	[simem:s6], [sflag:s4] =	dma.local [hbm:s3], $0xF7A  }
0x26: {  	[smem:$0x3F6F] =	sst s1;
	(tag) =	ssettag s2;
	_ =	strace s9  }
0x27: {  	s1 =	sld [smem:$0x3F7F]  }
0x28: {  	s2 =	sld [smem:$0x3F80]  }
0x29: {  	s4 =	sld [smem:$0x3F82]  }
0x2a: {  	p0 =	seq.s32 s5, $0x0;
	s5 =	sld [smem:$0x3F83]  }
0x2b: {  	s6 =	sld [smem:$0x3F84]  }
0x2c: {  	s7 =	sld [smem:$0x3F85]  }
0x2d: {  	s3 =	simm.s32 $0x108;
	s8 =	sld [smem:$0x3F86]  }
0x2e: {  	s3 =	simm.s32 @!p0 $0x1082;
	s9 =	sld [smem:$0x3F87]  }
0x2f: {  	lr =	sadd.s32 s0, s3;
	s0 =	sld [smem:$0x3F7E]  }
0x30: {  	s3 =	sld [smem:$0x3F81]  }
0x31: {  	[smem:$0x3F8A] =	sst s10  }
0x32: {  	s10 =	sld [smem:$0x3F88];
	_ =	sdelay $0x3  }
0x33: {  	p0 =	seq.s32 s10, $0x1;
	s10 =	sld [smem:$0x3F8A];
	_ =	sdelay $0x3  }
0x34: {  	[smem:$0x3F8A] =	sst s10  }
0x35: {  	s10 =	sld [smem:$0x3F89];
	_ =	sdelay $0x3  }
0x36: {  	p1 =	seq.s32 s10, $0x1;
	s10 =	sld [smem:$0x3F8A];
	_ =	sdelay $0x3  }
0x37: {  	[smem:$0x3F8A] =	sst s10  }
0x38: {  	s10 =	sld [smem:$0x3F8B]  }
0x39: {  	_ = 	snop;
	(pc) =	sbr.ind lr, $3  }
0x3a: {  	_ = 	snop  }
0x3b: {  	_ = 	snop  }
0x3c: {  	p2 =	seq.s32 s10, $0x1;
	s10 =	sld [smem:$0x3F8A]  }
0x3d: {  	_ =	shalt  }
0x3e: {  	_ =	shalt  }
0x3f: {  	_ =	shalt  }
0x40: {  	_ =	shalt  }
0x41: {  	_ =	shalt  }
0x42: {  	_ =	shalt  }
0x43: {  	_ =	shalt  }
0x44: {  	_ =	shalt  }
0x45: {  	_ =	shalt  }
0x46: {  	_ =	shalt  }
0x47: {  	_ =	shalt  }
0x48: {  	_ =	shalt  }
0x49: {  	_ =	shalt  }
0x4a: {  	_ =	shalt  }
0x4b: {  	_ =	shalt  }
0x4c: {  	_ =	shalt  }
0x4d: {  	_ =	shalt  }
0x4e: {  	_ =	shalt  }
0x4f: {  	_ =	shalt  }
0x50: {  	_ =	shalt  }
0x51: {  	_ =	shalt  }
0x52: {  	_ =	shalt  }
0x53: {  	_ =	shalt  }
0x54: {  	_ =	shalt  }
0x55: {  	_ =	shalt  }
0x56: {  	_ =	shalt  }
0x57: {  	_ =	shalt  }
0x58: {  	_ =	shalt  }
0x59: {  	_ =	shalt  }
0x5a: {  	_ =	shalt  }
0x5b: {  	_ =	shalt  }
0x5c: {  	_ =	shalt  }
0x5d: {  	_ =	shalt  }
0x5e: {  	_ =	shalt  }
0x5f: {  	_ =	shalt  }
0x60: {  	_ =	shalt  }
0x61: {  	_ =	shalt  }
0x62: {  	_ =	shalt  }
0x63: {  	_ =	shalt  }
0x64: {  	_ =	shalt  }
0x65: {  	_ =	shalt  }
0x66: {  	_ =	shalt  }
0x67: {  	_ =	shalt  }
0x68: {  	_ =	shalt  }
0x69: {  	_ =	shalt  }
0x6a: {  	_ =	shalt  }
0x6b: {  	_ =	shalt  }
0x6c: {  	_ =	shalt  }
0x6d: {  	_ =	shalt  }
0x6e: {  	_ =	shalt  }
0x6f: {  	_ =	shalt  }
0x70: {  	_ =	shalt  }
0x71: {  	_ =	shalt  }
0x72: {  	_ =	shalt  }
0x73: {  	_ =	shalt  }
0x74: {  	_ =	shalt  }
0x75: {  	_ =	shalt  }
0x76: {  	_ =	shalt  }
0x77: {  	_ =	shalt  }
0x78: {  	_ =	shalt  }
0x79: {  	_ =	shalt  }
0x7a: {  	_ =	shalt  }
0x7b: {  	_ =	shalt  }
0x7c: {  	_ =	shalt  }
0x7d: {  	_ =	shalt  }
0x7e: {  	_ =	shalt  }
0x7f: {  	_ =	shalt  }
0x80: {  	_ =	shalt  }
0x81: {  	_ =	shalt  }
0x82: {  	_ =	shalt  }
0x83: {  	_ =	shalt  }
0x84: {  	_ =	shalt  }
0x85: {  	_ =	shalt  }
0x86: {  	_ =	shalt  }
0x87: {  	_ =	shalt  }
.Lfunc_end0:
.L_simem_size_0:
called_computation_lowered:
.L_overlay_start_0:
0x88: {  	s2 =	sld [smem:$0x3FD9]  }
0x89: {  	s3 =	sld [smem:$0x3FFE];
	_ =	sdelay $0x1  }
0x8a: {  	s1 =	srdreg.scid  }
0x8b: {  	s0 =	sand.u32 $0x1, s1  }
0x8c: {  	s16 =	sshll.u32 s0, $0xA;
	s2 =	sadd.s32 s3, s2  }
0x8d: {  	s2 =	sadd.s32 s2, s16  }
0x8e: {  	[smem:$0x3F96] =	sst s2  }
0x8f: {  	_ = 	snop  }
0x90: {  	(tm) =	ssettm $0x1  }
0x91: {  	s17 =	sld [smem:$0x3FFB];
	_ =	sdelay $0x3  }
0x92: {  	_ =	strace s17  }
0x93: {  	s2 =	sld [smem:$0x3FFC];
	_ =	sdelay $0x3  }
0x94: {  	_ =	strace s2  }
0x95: {  	s2 =	sld [smem:$0x3FFD];
	_ =	sdelay $0x3  }
0x96: {  	_ =	strace s2  }
0x97: {  	_ =	strace $0x8FFFFFFF  }
0x98: {  	s18 =	sld [smem:$0x3FDB];
	_ =	sdelay $0x1  }
0x99: {  	s19 =	simm.s32 $_scs_section_size  }
0x9a: {  	s4 =	simm.s32 $_size__tile_overlayer_lowered;
	s5 =	simm.s32 $_tile_overlayer_lowered  }
0x9b: {  	s22 =	simm.s32 $0x1BFF;
	s21 =	sshll.u32 s5, $0x1;
	s2 =	sadd.s32 s19, s18  }
0x9c: {  	s6 =	simm.s32 $0x0;
	s20 =	sshll.u32 s4, $0x1;
	s4 =	sadd.s32 s21, s2  }
0x9d: {  	[timem:s6], [sflag:s22] =	dma.local [hbm:s4], s20  }
0x9e: {  	_ =	swait.ge [sflag:s22], s20  }
0x9f: {  	s3 =	ssub.s32 $0x0, s20;
	[sflag:s22] =	ssyncset.done $0x0  }
0xa0: {  	[sflag:s22] =	ssyncadd.s32 s3;
	_ =	sdelay $0x1  }
0xa1: {  	s23 =	simm.s32 $0x1B8B  }
0xa2: {  	_ =	swait.ge [sflag:s23], $0x1  }
0xa3: {  	[sflag:s23] =	ssyncset.done $0x0  }
0xa4: {  	s25 =	simm.s32 $0x1B8E;
	s24 =	sld [smem:$0x3FFE];
	[sflag:s23] =	ssyncadd.s32 $0xFFFFFFFF  }
0xa5: {  	s26 =	simm.s32 $execute0_lowered;
	[smem:$0x3FD2] =	sst s25  }
0xa6: {  	s4 =	sshll.u32 s26, $0x1;
	_ =	strace $0x80000046;
	[dreg:$0x1] =	wrdreg $0xFFFFFFFF  }
0xa7: {  	s28 =	simm.s32 $_size_execute0_lowered;
	s2 =	sadd.s32 s2, s4;
	[dreg:$0x0] =	wrdreg $0x0  }
0xa8: {  	s4 =	sshll.u32 s28, $0x1;
	[dreg:$0x2] =	wrdreg s2  }
0xa9: {  	[dreg:$0x3] =	wrdreg s4  }
0xaa: {  	[dreg:$0x4] =	wrdreg $0xC0  }
0xab: {  	_ =	task [dreg:s6], $0x5FFFF  }
0xac: {  	[dreg:$0x1] =	wrdreg $0xFFFFFFFF  }
0xad: {  	[dreg:$0x0] =	wrdreg $0x60  }
0xae: {  	[dreg:$0x2] =	wrdreg s24  }
0xaf: {  	[dreg:$0x3] =	wrdreg $0x9  }
0xb0: {  	_ =	task.clear_ibuf [dreg:s6], $0x4FFFF;
	_ =	strace $0x90000046  }
0xb1: {  	s29 =	simm.s32 $0x9;
	_ =	strace $0x80000048  }
0xb2: {  	_ =	swait.ge [sflag:s29], $0x1  }
0xb3: {  	[sflag:s29] =	ssyncadd.s32 $0xFFFFFFFF  }
0xb4: {  	_ =	strace $0x90000048  }
0xb5: {  	_ =	sfence  }
0xb6: {  	s30 =	sld [smem:$0x0];
	_ =	sdelay $0x2  }
0xb7: {  	s31 =	sshll.u32 s1, $0xD;
	s1 =	sshrl.u32 s1, $0x2  }
0xb8: {  	s3 =	sand.u32 $0x4000, s31;
	s1 =	sadd.s32 s1, s30  }
0xb9: {  	s0 =	sor.u32 s3, s0;
	s1 =	sshll.u32 s1, $0x11  }
0xba: {  	s0 =	sor.u32 s1, s0  }
0xbb: {  	s0 =	sadd.s32 $0x8F2B, s0  }
0xbc: {  	[sflag:s0] =	ssyncadd.remote.s32 $0x1  }
0xbd: {  	_ =	sfence.sel $0xFFFF  }
0xbe: {  	[dreg:$0x0] =	wrdreg $0xFFFFFFFF;
	(pc) =	sbr.abs _section_cstart, $3  }
0xbf: {  	[dreg:$0x1] =	wrdreg $0xFFFFFFFF  }
0xc0: {  	_ =	task.clear_ibuf [dreg:s6], $0x2FFFF;
	_ =	strace $0x9FFFFFFF  }
0xc1: {  	(tm) =	ssettm $0x7FFFFFFF  }
tec
execute0_lowered:
.L_overlay_start_1:
0x0: {  	(tag) =	ssettag $0x1  }
0x1: {  	s0 =	srdreg.scid  }
0x2: {  	s1 =	sshll.u32 s0, $0x4  }
0x3: {  	s0 =	stileid.u32;
	s1 =	sand.u32 $0x10, s1  }
0x4: {  	s1 =	sor.u32 s0, s1  }
0x5: {  	s2 =	smul.u32 $0x3, s1  }
0x6: {  	s9 =	rddreg [dreg:$0x0];
	s6 =	simm.s32 $0x1;
	s3 =	smin.u32 s1, $0x8  }
0x7: {  	p0 =	slt.u32 s1, $0x8;
	s1 =	simm.s32 $0x40;
	s2 =	sadd.s32 s3, s2  }
0x8: {  	s7 =	simm.s32 $0x2;
	s1 =	simm.s32 @!p0 $0x30;
	s2 =	sshll.u32 s2, $0x4  }
0x9: {  	s10 =	simm.s32 $0x3;
	s13 =	simm.s32 $0x0;
	s31 =	sadd.s32 s1, s2  }
0xa: {  	s12 =	simm.s32 $0x0;
	s4 =	sadd.s32 $0x7C00, s9;
	s3 =	smin.u32 s31, $0x680  }
.Ltmp0:
0xb: {  	s5 =	sadd.s32 $0xA7C00, s9;
	s8 =	ssub.s32 s3, s2;
	(pc) =	sbr.rel .LBB2_1-.Ltmp0, $4  }
0xc: {  	s1 =	rddreg [dreg:$0x1];
	_ =	strace $0x80000047;
	p0 =	sgt.s32 s8, $0x0  }
0xd: {  	s9 =	sadd.s32 $0xA8000, s9;
	[sflag:s6] =	ssyncpa.u1 $0x0;
	s8 =	simm.s32 @!p0 $0x0  }
0xe: {  	s11 =	smov.u32 s2;
	[sflag:s7] =	ssyncpa.u1 $0x0;
	s8 =	sshrl.u32 s8, $0x4  }
0xf: {  	vm0 =	vmmov $0xffff;
	[sflag:s10] =	ssyncpa.u1 $0x0;
	p0 =	por $0x0, $0x0;
	s10 =	sadd.s32 $0x1, s8  }
.LBB2_6:
0x10: {  	s13 =	sadd.s32 $0x10, s11  }
0x11: {  	s15 =	smov.u32 s2;
	p2 =	slt.s32 s13, s3  }
0x12: {  	s15 =	smov.u32 @p2 s13;
	p2 =	sne.s32 s12, s10  }
.Ltmp1:
0x13: {  	p1 =	slt.u32 s12, $0x2;
	(pc) =	sbr.rel @!p2 .LBB2_7-.Ltmp1, $4  }
0x14: {  	s14 =	simm.s32 @!p1 $0x3  }
0x15: {  	s16 =	sadd.s32 $0x1, s12;
	_ =	swait.ge @!p1 [sflag:s14], $0x8000  }
0x16: {  	p0 =	por !p0, !p0;
	s13 =	smov.u32 s11;
	[sflag:s14] =	ssyncset.done @!p1 $0x0  }
0x17: {  	s12 =	smov.u32 s16;
	s11 =	smov.u32 s15;
	[sflag:s14] =	ssyncadd.s32 @!p1 $0xFFFF8000  }
.LBB2_1:
0x18: {  	p1 =	sge.u32 s12, s8  }
0x19: {  	s14 =	sxor.u32 @!p1 $0xFFFFFFFF, s12  }
0x1a: {  	s31 =	sadd.s32 $0xFFFFFFFF, s12;
	s15 =	sshrl.u32 @!p1 s11, $0x3;
	s14 =	sshll.u32 @!p1 s14, $0x4  }
0x1b: {  	s16 =	sand.u32 @!p1 $0x7, s11;
	s15 =	sadd.s32 @!p1 s5, s15;
	s14 =	sand.u32 @!p1 $0x10, s14  }
0x1c: {  	[tilespmem:s14], [sflag:$0x2] =	stream.linear.gather @!p1 [hbm4b:s15+s16], $0x10, $0x38;
	[tilespmem:$0x10020] =	vst v63  }
0x1d: {  	p1 =	sge.u32 s31, s8  }
.Ltmp2:
0x1e: {  	_ = 	snop;
	(pc) =	sbr.rel @p1 .LBB2_6-.Ltmp2, $1  }
0x1f: {  	_ =	sdelay $0x3  }
0x20: {  	_ =	swait.ge [sflag:s7], $0x10  }
0x21: {  	s14 =	sand.u32 $0x1, s12;
	[sflag:s7] =	ssyncset.done $0x0  }
0x22: {  	s15 =	sshll.u32 s14, $0x4;
	[sflag:s7] =	ssyncadd.s32 $0xFFFFFFF0  }
0x23: {  	v0 =	vld.msk [tilespmem:s15+$0x0 ss:$0x1], $0xffff;
	_ =	sdelay $0x4  }
0x24: {  	vm1 =	vgt.s32 v0, $0x0  }
0x25: {  	v0 =	vnsel vm1, $0x0, v0  }
0x26: {  	v0 =	vmin.u32 v0, $0x9FF  }
0x27: {  	v0 =	vshll.u32 v0, $0x8;
	_ =	sdelay $0x1  }
0x28: {  	v1 =	vor.u32 $0x80, v0  }
0x29: {  	s14 =	sshll.u32 s14, $0xF  }
0x2a: {  	s30 =	sor.u32 $0x20, s14;
	s15 =	simm.s32 $0x1  }
0x2b: {  	[tilespmem:s30], [sflag:$0x1] =	stream.indirect_vreg.gather [hbm:s4], $0x400, v0, vm0, $0x38;
	[tilespmem:$0x10020] =	vst v63  }
0x2c: {  	s13 =	sshll.u32 s13, $0x8;
	s14 =	sor.u32 $0x4020, s14;
	s15 =	simm.s32 @!p0 $0x0  }
0x2d: {  	[tilespmem:s14], [sflag:$0x1] =	stream.indirect_vreg.gather [hbm:s4], $0x400, v1, vm0, $0x38;
	[tilespmem:$0x10020] =	vst v63  }
0x2e: {  	p2 =	por $0x1, $0x1;
	s31 =	sshll.u32 s15, $0x11;
	_ =	swait.ge [sflag:s6], $0x8000  }
0x2f: {  	s13 =	sadd.s32 s13, s9;
	s14 =	sshrl.u32 s31, $0x2;
	[sflag:s6] =	ssyncset.done $0x0  }
0x30: {  	s15 =	simm.s32 $0x0;
	s14 =	sadd.s32 $0x20, s14;
	[sflag:s6] =	ssyncadd.s32 $0xFFFF8000  }
.LBB2_3:
0x31: {  	s16 =	sshll.u32 s15, $0x10  }
0x32: {  	s17 =	sshll.u32 s15, $0x7;
	s31 =	sshra.s32 s16, $0x2  }
0x33: {  	p1 =	por p2, p2;
	s16 =	sadd.s32 s17, s13;
	s15 =	sadd.s32 s31, s14  }
0x34: {  	s17 =	simm.s32 $0x100;
	s19 =	sadd.s32 $0x0, s16;
	s18 =	sadd.s32 $0x400, s15  }
.LBB2_4:
0x35: {  	[hbm:s19] =	stream.linear.scatter [tilespmem:s15], [sflag:$0x3], $0x400, $0x38;
	[tilespmem:$0x10020] =	vst v63  }
0x36: {  	s19 =	smov.u32 s17;
	s15 =	smov.u32 s18;
	p2 =	sne.s32 s17, $0xF00  }
.Ltmp3:
0x37: {  	s17 =	sadd.s32 $0x100, s17;
	(pc) =	sbr.rel @p2 .LBB2_4-.Ltmp3, $2  }
0x38: {  	_ =	sdelay $0x2  }
0x39: {  	s18 =	sadd.s32 $0x400, s18;
	s19 =	sadd.s32 s19, s16  }
.Ltmp4:
0x3a: {  	(pc) =	sbr.rel @p1 .LBB2_3-.Ltmp4, $4  }
.Ltmp5:
0x3b: {  	(pc) =	sbr.rel @!p1 .LBB2_6-.Ltmp5, $4  }
0x3c: {  	_ = 	snop  }
0x3d: {  	[hbm:s19] =	stream.linear.scatter [tilespmem:s15], [sflag:$0x3], $0x400, $0x38;
	[tilespmem:$0x10020] =	vst v63  }
0x3e: {  	s15 =	simm.s32 $0x1;
	p2 =	por $0x0, $0x0  }
0x3f: {  	_ = 	snop  }
.LBB2_7:
0x40: {  	_ =	sfence.sel $0x180000  }
0x41: {  	s2 =	simm.s32 $0x2;
	[bflag:$0x0] =	sbarrier.arrive $0xFFFF  }
0x42: {  	s30 =	simm.s32 $0x3;
	[sflag:s2] =	ssyncpa.u1 $0x1  }
0x43: {  	s31 =	simm.s32 $0x1;
	[sflag:s30] =	ssyncpa.u1 $0x1  }
0x44: {  	[sflag:s31] =	ssyncpa.u1 $0x1  }
0x45: {  	p0 =	sne.s32 s0, $0x0;
	_ =	strace $0x90000047  }
0x46: {  	s0 =	sadd.s32 @!p0 $0x100000, s1;
	[bflag:$0x2] =	sbarrier.arrive $0xFFFF  }
0x47: {  	[sflag:s0] =	ssyncadd.tile.s32 @!p0 $0x1;
	_ =	shalt  }
.Lfunc_end2:
_tile_overlayer_lowered:
.L_overlay_start_2:
0x48: {  	(tag) =	ssettag $0x2  }
0x49: {  	s0 =	rddreg [dreg:$0x0];
	s2 =	stileid.u32  }
0x4a: {  	s1 =	rddreg [dreg:$0x1];
	p0 =	sne.s32 s2, $0x0  }
0x4b: {  	s3 =	rddreg [dreg:$0x2];
	[bflag:$0x3] =	sbarrier.arrive $0xFFFF;
	s2 =	simm.s32 @!p0 $0x1C01  }
0x4c: {  	[timem:s3], [sflag:s2] =	dma.local @!p0 [hbm:s0], s1  }
0x4d: {  	s0 =	simm.s32 @!p0 $0x1  }
0x4e: {  	_ =	swait.ge @!p0 [sflag:s0], s1  }
0x4f: {  	s1 =	ssub.s32 @!p0 $0x0, s1;
	[sflag:s0] =	ssyncset.done @!p0 $0x0  }
0x50: {  	[sflag:s0] =	ssyncadd.s32 @!p0 s1  }
0x51: {  	[bflag:$0x3] =	sbarrier.arrive $0xFFFF  }
0x52: {  	_ =	shalt  }

// kernel: kernel.31.cloned.1.call-start
scs
__scs_entry_jumppad:
0x0: {  	(pc) =	sbr.rel $0x88, $3  }
0x1: {  	(tag) =	ssettag $0x0;
	lr =	simm.s32 $0x1  }
0x2: {  	[smem:$0x3F6F] =	sst lr;
	_ =	strace $0xD0000000  }
0x3: {  	_ = 	snop  }
0x4: {  	_ = 	snop  }
0x5: {  	_ = 	snop  }
0x6: {  	_ = 	snop  }
0x7: {  	_ = 	snop  }
__scs_overlays_trampoline_lowered:
0x8: {  	[smem:$0x3F7E] =	sst s0  }
0x9: {  	[smem:$0x3F7F] =	sst s1  }
0xa: {  	[smem:$0x3F80] =	sst s2  }
0xb: {  	[smem:$0x3F81] =	sst s3  }
0xc: {  	[smem:$0x3F82] =	sst s4  }
0xd: {  	[smem:$0x3F83] =	sst s5  }
0xe: {  	[smem:$0x3F84] =	sst s6  }
0xf: {  	[smem:$0x3F85] =	sst s7  }
0x10: {  	[smem:$0x3F86] =	sst s8  }
0x11: {  	[smem:$0x3F87] =	sst s9;
	s0 =	simm.s32 @!p0 $0x0  }
0x12: {  	s1 =	sld [smem:$0x3F6D];
	s0 =	simm.s32 @p0 $0x1  }
0x13: {  	[smem:$0x3F88] =	sst s0;
	s0 =	simm.s32 @!p1 $0x0  }
0x14: {  	s2 =	sld [smem:$0x3F6C];
	s0 =	simm.s32 @p1 $0x1  }
0x15: {  	[smem:$0x3F89] =	sst s0;
	s0 =	simm.s32 @!p2 $0x0  }
0x16: {  	s3 =	sld [smem:$0x3FDB];
	s0 =	simm.s32 @p2 $0x1  }
0x17: {  	s4 =	simm.s32 $0x1BF5;
	[smem:$0x3F8B] =	sst s0  }
0x18: {  	s0 =	sld [smem:$0x3F6E];
	_ =	swait.ge [sflag:s4], $0x0  }
0x19: {  	s7 =	sld [smem:$0x3F6F]  }
0x1a: {  	s8 =	sadd.s32 $0xFFFFE003, lr  }
0x1b: {  	s9 =	sadd.s32 $0xFFFFFEF7, lr;
	s5 =	simm.s32 $0xFFFFFFFF;
	p2 =	slt.u32 s8, $0xFFFFF086  }
0x1c: {  	p1 =	slt.u32 s9, $0xF7A;
	s5 =	simm.s32 @!p2 $0x0  }
0x1d: {  	s5 =	simm.s32 @p1 $0x1;
	p0 =	seq.s32 s7, s2  }
0x1e: {  	s7 =	smul.u32 @!p0 $0xF7A, s2;
	p2 =	seq.s32 @!p0 s5, $0x0  }
0x1f: {  	s9 =	smul.u32 $0xF7A, s1;
	s8 =	simm.s32 @!p0 $0x1BF5;
	p2 =	por !p2, p0  }
0x20: {  	[sflag:s8] =	ssyncset.s32 @!p0 $0xFFFFF086;
	s6 =	sadd.s32 @!p0 s3, s7;
	s7 =	simm.s32 @!p0 $0x108  }
0x21: {  	s3 =	sadd.s32 s3, s9;
	s6 =	sadd.s32 @!p0 $0x88, s6;
	s7 =	simm.s32 @p2 $0x1082  }
0x22: {  	[simem:s7], [sflag:s8] =	dma.local @!p0 [hbm:s6], $0xF7A  }
0x23: {  	s9 =	sor.u32 $0xD0000000, s2;
	s6 =	simm.s32 $0x108;
	_ =	swait.ge @!p0 [sflag:s8], $0x0  }
0x24: {  	s3 =	sadd.s32 $0x88, s3;
	s6 =	simm.s32 @!p1 $0x1082;
	[sflag:s4] =	ssyncset.s32 $0xFFFFF086  }
0x25: {  	[simem:s6], [sflag:s4] =	dma.local [hbm:s3], $0xF7A  }
0x26: {  	[smem:$0x3F6F] =	sst s1;
	(tag) =	ssettag s2;
	_ =	strace s9  }
0x27: {  	s1 =	sld [smem:$0x3F7F]  }
0x28: {  	s2 =	sld [smem:$0x3F80]  }
0x29: {  	s4 =	sld [smem:$0x3F82]  }
0x2a: {  	p0 =	seq.s32 s5, $0x0;
	s5 =	sld [smem:$0x3F83]  }
0x2b: {  	s6 =	sld [smem:$0x3F84]  }
0x2c: {  	s7 =	sld [smem:$0x3F85]  }
0x2d: {  	s3 =	simm.s32 $0x108;
	s8 =	sld [smem:$0x3F86]  }
0x2e: {  	s3 =	simm.s32 @!p0 $0x1082;
	s9 =	sld [smem:$0x3F87]  }
0x2f: {  	lr =	sadd.s32 s0, s3;
	s0 =	sld [smem:$0x3F7E]  }
0x30: {  	s3 =	sld [smem:$0x3F81]  }
0x31: {  	[smem:$0x3F8A] =	sst s10  }
0x32: {  	s10 =	sld [smem:$0x3F88];
	_ =	sdelay $0x3  }
0x33: {  	p0 =	seq.s32 s10, $0x1;
	s10 =	sld [smem:$0x3F8A];
	_ =	sdelay $0x3  }
0x34: {  	[smem:$0x3F8A] =	sst s10  }
0x35: {  	s10 =	sld [smem:$0x3F89];
	_ =	sdelay $0x3  }
0x36: {  	p1 =	seq.s32 s10, $0x1;
	s10 =	sld [smem:$0x3F8A];
	_ =	sdelay $0x3  }
0x37: {  	[smem:$0x3F8A] =	sst s10  }
0x38: {  	s10 =	sld [smem:$0x3F8B]  }
0x39: {  	_ = 	snop;
	(pc) =	sbr.ind lr, $3  }
0x3a: {  	_ = 	snop  }
0x3b: {  	_ = 	snop  }
0x3c: {  	p2 =	seq.s32 s10, $0x1;
	s10 =	sld [smem:$0x3F8A]  }
0x3d: {  	_ =	shalt  }
0x3e: {  	_ =	shalt  }
0x3f: {  	_ =	shalt  }
0x40: {  	_ =	shalt  }
0x41: {  	_ =	shalt  }
0x42: {  	_ =	shalt  }
0x43: {  	_ =	shalt  }
0x44: {  	_ =	shalt  }
0x45: {  	_ =	shalt  }
0x46: {  	_ =	shalt  }
0x47: {  	_ =	shalt  }
0x48: {  	_ =	shalt  }
0x49: {  	_ =	shalt  }
0x4a: {  	_ =	shalt  }
0x4b: {  	_ =	shalt  }
0x4c: {  	_ =	shalt  }
0x4d: {  	_ =	shalt  }
0x4e: {  	_ =	shalt  }
0x4f: {  	_ =	shalt  }
0x50: {  	_ =	shalt  }
0x51: {  	_ =	shalt  }
0x52: {  	_ =	shalt  }
0x53: {  	_ =	shalt  }
0x54: {  	_ =	shalt  }
0x55: {  	_ =	shalt  }
0x56: {  	_ =	shalt  }
0x57: {  	_ =	shalt  }
0x58: {  	_ =	shalt  }
0x59: {  	_ =	shalt  }
0x5a: {  	_ =	shalt  }
0x5b: {  	_ =	shalt  }
0x5c: {  	_ =	shalt  }
0x5d: {  	_ =	shalt  }
0x5e: {  	_ =	shalt  }
0x5f: {  	_ =	shalt  }
0x60: {  	_ =	shalt  }
0x61: {  	_ =	shalt  }
0x62: {  	_ =	shalt  }
0x63: {  	_ =	shalt  }
0x64: {  	_ =	shalt  }
0x65: {  	_ =	shalt  }
0x66: {  	_ =	shalt  }
0x67: {  	_ =	shalt  }
0x68: {  	_ =	shalt  }
0x69: {  	_ =	shalt  }
0x6a: {  	_ =	shalt  }
0x6b: {  	_ =	shalt  }
0x6c: {  	_ =	shalt  }
0x6d: {  	_ =	shalt  }
0x6e: {  	_ =	shalt  }
0x6f: {  	_ =	shalt  }
0x70: {  	_ =	shalt  }
0x71: {  	_ =	shalt  }
0x72: {  	_ =	shalt  }
0x73: {  	_ =	shalt  }
0x74: {  	_ =	shalt  }
0x75: {  	_ =	shalt  }
0x76: {  	_ =	shalt  }
0x77: {  	_ =	shalt  }
0x78: {  	_ =	shalt  }
0x79: {  	_ =	shalt  }
0x7a: {  	_ =	shalt  }
0x7b: {  	_ =	shalt  }
0x7c: {  	_ =	shalt  }
0x7d: {  	_ =	shalt  }
0x7e: {  	_ =	shalt  }
0x7f: {  	_ =	shalt  }
0x80: {  	_ =	shalt  }
0x81: {  	_ =	shalt  }
0x82: {  	_ =	shalt  }
0x83: {  	_ =	shalt  }
0x84: {  	_ =	shalt  }
0x85: {  	_ =	shalt  }
0x86: {  	_ =	shalt  }
0x87: {  	_ =	shalt  }
.Lfunc_end0:
.L_simem_size_0:
called_computation.1_lowered:
.L_overlay_start_0:
0x88: {  	s2 =	sld [smem:$0x3FD9]  }
0x89: {  	s3 =	sld [smem:$0x3FFE];
	_ =	sdelay $0x1  }
0x8a: {  	s1 =	srdreg.scid  }
0x8b: {  	s0 =	sand.u32 $0x1, s1  }
0x8c: {  	s17 =	sshll.u32 s0, $0xA;
	s2 =	sadd.s32 s3, s2  }
0x8d: {  	s2 =	sadd.s32 s2, s17  }
0x8e: {  	[smem:$0x3F96] =	sst s2  }
0x8f: {  	_ = 	snop  }
0x90: {  	(tm) =	ssettm $0x1  }
0x91: {  	s18 =	sld [smem:$0x3FFB];
	_ =	sdelay $0x3  }
0x92: {  	_ =	strace s18  }
0x93: {  	s2 =	sld [smem:$0x3FFC];
	_ =	sdelay $0x3  }
0x94: {  	_ =	strace s2  }
0x95: {  	s2 =	sld [smem:$0x3FFD];
	_ =	sdelay $0x3  }
0x96: {  	_ =	strace s2  }
0x97: {  	_ =	strace $0x8FFFFFFF  }
0x98: {  	s19 =	sld [smem:$0x3FDB];
	_ =	sdelay $0x1  }
0x99: {  	s20 =	simm.s32 $_scs_section_size  }
0x9a: {  	s4 =	simm.s32 $_size__tile_overlayer_lowered;
	s5 =	simm.s32 $_tile_overlayer_lowered  }
0x9b: {  	s6 =	simm.s32 $0x1BFF;
	s21 =	sshll.u32 s5, $0x1;
	s3 =	sadd.s32 s20, s19  }
0x9c: {  	s22 =	simm.s32 $0x0;
	s4 =	sshll.u32 s4, $0x1;
	s5 =	sadd.s32 s21, s3  }
0x9d: {  	[timem:s22], [sflag:s6] =	dma.local [hbm:s5], s4  }
0x9e: {  	_ =	swait.ge [sflag:s6], s4  }
0x9f: {  	s4 =	ssub.s32 $0x0, s4;
	[sflag:s6] =	ssyncset.done $0x0  }
0xa0: {  	[sflag:s6] =	ssyncadd.s32 s4;
	_ =	sdelay $0x1  }
0xa1: {  	s23 =	simm.s32 $0x1B8B  }
0xa2: {  	_ =	swait.ge [sflag:s23], $0x1  }
0xa3: {  	[sflag:s23] =	ssyncset.done $0x0  }
0xa4: {  	[sflag:s23] =	ssyncadd.s32 $0xFFFFFFFF  }
0xa5: {  	s4 =	sld [smem:$0x0]  }
0xa6: {  	s5 =	sand.u32 $0xFFFFFFFE, s1  }
0xa7: {  	p0 =	sne.s32 s1, s5  }
0xa8: {  	s5 =	sshll.u32 @p0 s5, $0xE  }
0xa9: {  	s5 =	sadd.s32 @p0 $0x11B8D, s5;
	s6 =	sshll.u32 @p0 s4, $0x11  }
0xaa: {  	s5 =	sor.u32 @p0 s6, s5  }
0xab: {  	[sflag:s5] =	ssyncadd.remote.s32 @p0 $0x1;
	_ =	sdelay $0x1  }
0xac: {  	s5 =	simm.s32 @p0 $0x1B8D  }
0xad: {  	_ =	swait.eq @p0 [sflag:s5], $0x1  }
0xae: {  	[sflag:s5] =	ssyncadd.s32 @p0 $0xFFFFFFFF  }
0xaf: {  	s6 =	sshll.u32 @!p0 s1, $0xE  }
0xb0: {  	s6 =	sor.u32 @!p0 $0x4000, s6;
	s5 =	simm.s32 @!p0 $0x1B8D  }
0xb1: {  	s4 =	sshll.u32 @!p0 s4, $0x11;
	s6 =	sadd.s32 @!p0 $0x11B8D, s6;
	_ =	swait.eq @!p0 [sflag:s5], $0x1  }
0xb2: {  	s4 =	sor.u32 @!p0 s4, s6;
	[sflag:s5] =	ssyncadd.s32 @!p0 $0xFFFFFFFF  }
0xb3: {  	s25 =	simm.s32 $0x1B8E;
	s24 =	sld [smem:$0x3FFE];
	[sflag:s4] =	ssyncadd.remote.s32 @!p0 $0x1  }
0xb4: {  	s26 =	simm.s32 $execute0_lowered;
	[smem:$0x3FD2] =	sst s25  }
0xb5: {  	s5 =	sshll.u32 s26, $0x1;
	_ =	strace $0x8000004F;
	[dreg:$0x1] =	wrdreg $0xFFFFFFFF  }
0xb6: {  	s28 =	simm.s32 $_size_execute0_lowered;
	s3 =	sadd.s32 s3, s5;
	[dreg:$0x0] =	wrdreg $0x0  }
0xb7: {  	s5 =	sshll.u32 s28, $0x1;
	[dreg:$0x2] =	wrdreg s3  }
0xb8: {  	[dreg:$0x3] =	wrdreg s5  }
0xb9: {  	[dreg:$0x4] =	wrdreg $0xC0  }
0xba: {  	_ =	task [dreg:s22], $0x5FFFF  }
0xbb: {  	[dreg:$0x1] =	wrdreg $0xFFFFFFFF  }
0xbc: {  	[dreg:$0x0] =	wrdreg $0x60  }
0xbd: {  	[dreg:$0x2] =	wrdreg s24  }
0xbe: {  	[dreg:$0x3] =	wrdreg $0xA  }
0xbf: {  	_ =	task.clear_ibuf [dreg:s22], $0x4FFFF;
	_ =	strace $0x9000004F  }
0xc0: {  	s29 =	simm.s32 $0xA;
	_ =	strace $0x80000051  }
0xc1: {  	_ =	swait.ge [sflag:s29], $0x1  }
0xc2: {  	[sflag:s29] =	ssyncadd.s32 $0xFFFFFFFF  }
0xc3: {  	_ =	strace $0x90000051  }
0xc4: {  	_ =	sfence  }
0xc5: {  	s30 =	sld [smem:$0x0];
	_ =	sdelay $0x2  }
0xc6: {  	s31 =	sshll.u32 s1, $0xD;
	s1 =	sshrl.u32 s1, $0x2  }
0xc7: {  	s4 =	sand.u32 $0x4000, s31;
	s1 =	sadd.s32 s1, s30  }
0xc8: {  	s0 =	sor.u32 s4, s0;
	s1 =	sshll.u32 s1, $0x11  }
0xc9: {  	s0 =	sor.u32 s1, s0  }
0xca: {  	s0 =	sadd.s32 $0x8F2B, s0  }
0xcb: {  	[sflag:s0] =	ssyncadd.remote.s32 $0x1  }
0xcc: {  	_ =	sfence.sel $0xFFFF  }
0xcd: {  	[dreg:$0x0] =	wrdreg $0xFFFFFFFF;
	(pc) =	sbr.abs _section_cstart, $3  }
0xce: {  	[dreg:$0x1] =	wrdreg $0xFFFFFFFF  }
0xcf: {  	_ =	task.clear_ibuf [dreg:s22], $0x2FFFF;
	_ =	strace $0x9FFFFFFF  }
0xd0: {  	(tm) =	ssettm $0x7FFFFFFF  }
0xd1: {  	_ =	shalt  }
tec
execute0_lowered:
.L_overlay_start_1:
0x0: {  	(tag) =	ssettag $0x1  }
0x1: {  	s1 =	srdreg.scid;
	s0 =	stileid.u32;
	v1 =	vlaneseq.u32;
	vm0 =	vmmov $0xf;
	v7 =	vimm.s32 $0x0  }
0x2: {  	v8 =	vimm.s32 $0x0;
	v12 =	vimm.s32 $0x0;
	v13 =	vimm.s32 $0x0;
	s6 =	sand.u32 $0x1, s1;
	s30 =	sshll.u32 s0, $0x1  }
0x3: {  	v18 =	vimm.s32 $0x0;
	v24 =	vimm.f32 $0.0e+00;
	vm11 =	vmmov $0x1;
	s5 =	sor.u32 s6, s30  }
0x4: {  	vm14 =	vcmask $0xB08;
	vm15 =	vcmask $0xF0C;
	v19 =	vmul.u32 $0xA01, v1;
	s1 =	smul.u32 $0x50, s5  }
0x5: {  	v25 =	vimm.s32 $0x0;
	v17 =	vor.u32 $0x10, v1;
	v23 =	vadd.s32 $0x1D3C, v1  }
0x6: {  	v25 =	vsel vm11, $0xFFFFFFFF, v25;
	v21 =	vadd.s32 $0xA010, v19;
	v0 =	vmov s1  }
0x7: {  	s2 =	sadd.s32 $0x50, s1;
	s7 =	sadd.s32 $0x14, s1;
	v4 =	vor.u32 s1, v1;
	v5 =	vadd.s32 s1, v19;
	v6 =	vadd.s32 s1, v17  }
0x8: {  	v2 =	vmov s2;
	v3 =	vmov s7;
	vm2 =	vlt.u32 v4, $0x9C4  }
0x9: {  	s31 =	sadd.s32 $0x28, s1;
	vm1 =	vlt.u32 v6, $0x9C4;
	v9 =	vadd.s32 s7, v1;
	v11 =	vadd.s32 s7, v17  }
0xa: {  	s4 =	sadd.s32 $0x3C, s1;
	v10 =	vadd.s32 s7, v19;
	v16 =	vadd.s32 s31, v17;
	v14 =	vadd.s32 s31, v1  }
0xb: {  	v15 =	vadd.s32 s31, v19;
	v20 =	vadd.s32 s4, v1;
	v22 =	vadd.s32 s4, v17  }
0xc: {  	v17 =	vimm.s32 $0x0;
	v19 =	vadd.s32 s4, v19;
	v4 =	vnsel vm2, $0x0, v4  }
0xd: {  	v7 =	vsel vm2, $0xFFFFFFFF, v7;
	v5 =	vnsel vm2, $0x0, v5;
	vm1 =	vmand vm1, vm0  }
0xe: {  	vm5 =	vlt.u32 v9, $0x9C4;
	vm6 =	vlt.u32 v11, $0x9C4;
	vm7 =	vlt.u32 v16, $0x9C4  }
0xf: {  	vm8 =	vlt.u32 v14, $0x9C4;
	vm9 =	vlt.u32 v20, $0x9C4;
	vm10 =	vlt.u32 v22, $0x9C4  }
0x10: {  	[tilespmem:$0x1FF70] =	vst v7;
	v7 =	vadd.s32 s1, v21;
	v6 =	vnsel vm1, $0x0, v6;
	v8 =	vsel vm1, $0xFFFFFFFF, v8  }
0x11: {  	v9 =	vnsel vm5, $0x0, v9;
	v12 =	vsel vm5, $0xFFFFFFFF, v12;
	v10 =	vnsel vm5, $0x0, v10  }
0x12: {  	s8 =	rddreg [dreg:$0x0];
	s11 =	simm.s32 $0x1;
	v14 =	vnsel vm8, $0x0, v14;
	v7 =	vnsel vm1, $0x0, v7;
	vm1 =	vmand vm6, vm0  }
0x13: {  	s12 =	simm.s32 $0x3B00;
	s13 =	simm.s32 $0x4500;
	s14 =	simm.s32 $0x1D80;
	v18 =	vsel vm8, $0xFFFFFFFF, v18;
	[tilespmem:$0x1FF90] =	vst v12;
	v12 =	vadd.s32 s7, v21;
	v11 =	vnsel vm1, $0x0, v11  }
0x14: {  	s15 =	simm.s32 $0x6280;
	s3 =	sadd.s32 $0x184E00, s8;
	s6 =	ssub.s32 $0x2, s6;
	[tilespmem:$0x1FF80] =	vst v8;
	v13 =	vsel vm1, $0xFFFFFFFF, v13;
	v12 =	vnsel vm1, $0x0, v12;
	vm1 =	vmand vm7, vm0  }
0x15: {  	s9 =	smul.u32 $0x6400, s5;
	s5 =	sadd.s32 $0x185600, s8;
	s10 =	sshrl.u32 s6, $0x1;
	[tilespmem:$0x1FFB0] =	vst v18;
	v18 =	vadd.s32 s31, v21;
	v21 =	vadd.s32 s4, v21;
	v17 =	vsel vm1, $0xFFFFFFFF, v17  }
.Ltmp0:
0x16: {  	s10 =	ssub.s32 s6, s10;
	s2 =	simm.s32 $0x0;
	[tilespmem:$0x1FFC0] =	vst v17;
	v17 =	vnsel vm1, $0x0, v18;
	v18 =	vnsel vm9, $0x0, v20;
	v20 =	vimm.s32 $0x0;
	(pc) =	sbr.rel .LBB2_1-.Ltmp0, $4  }
0x17: {  	[smem:$0x7FF] =	sst s2;
	s7 =	smul.u32 $0x140, s7;
	vm0 =	vmand vm10, vm0;
	[tilespmem:$0x1FFA0] =	vst v13;
	v13 =	vmov s4;
	s4 =	sadd.s32 $0x185200, s8;
	v20 =	vsel vm9, $0xFFFFFFFF, v20  }
0x18: {  	v15 =	vnsel vm8, $0x0, v15;
	s1 =	rddreg [dreg:$0x1];
	s8 =	sadd.s32 $0x185800, s8;
	_ =	strace $0x80000050;
	[tilespmem:$0x1FFD0] =	vst v20;
	v20 =	vnsel vm0, $0x0, v22;
	v22 =	vimm.s32 $0x0  }
0x19: {  	s16 =	simm.s32 $0x0;
	s10 =	smax.u32 s10, $0x1;
	v19 =	vnsel vm9, $0x0, v19;
	v8 =	vmov s31;
	s6 =	sadd.s32 s8, s9;
	[tilespmem:$0x1FFF0] =	vst v25;
	v22 =	vsel vm0, $0xFFFFFFFF, v22  }
0x1a: {  	v16 =	vnsel vm1, $0x0, v16;
	v21 =	vnsel vm0, $0x0, v21;
	s7 =	sadd.s32 s8, s7;
	s8 =	sadd.s32 $0x3200, s6;
	s9 =	sadd.s32 $0x4B00, s6;
	[tilespmem:$0x1FFE0] =	vst v22;
	v22 =	vimm.s32 $0x0  }
.LBB2_23:
0x1b: {  	v26 =	vld [tilespmem:$0x1FFD0];
	_ =	sdelay $0x3  }
0x1c: {  	v25 =	vld.idx.msk [tilespmem:v18+s12+$0x0], $0xffff  }
0x1d: {  	vm8 =	vnez.u8 v26;
	_ =	sdelay $0x2  }
0x1e: {  	v26 =	vld [tilespmem:$0x1FFE0]  }
0x1f: {  	v25 =	vmul.f32 v25, v25;
	_ =	sdelay $0x1  }
0x20: {  	[tilespmem:v19+s15+$0x0] =	vst.idx.add.f32.msk vm8, v25  }
0x21: {  	v25 =	vld.idx.msk [tilespmem:v20+s12+$0x0], $0xffff  }
0x22: {  	vm5 =	vnez.u8 v26;
	_ =	sdelay $0x3  }
0x23: {  	s16 =	sadd.s32 $0x1, s16;
	v25 =	vmul.f32 v25, v25  }
0x24: {  	p0 =	sne.s32 s16, s10  }
.Ltmp1:
0x25: {  	[tilespmem:v21+s15+$0x0] =	vst.idx.add.f32.msk vm5, v25;
	(pc) =	sbr.rel @!p0 .LBB2_24-.Ltmp1, $4  }
0x26: {  	[hbm4b:s9+s2] =	stream.linear.scatter [tilespmem:s15], [sflag:$0x1], $0xC800, $0x38;
	[tilespmem:$0x12A80] =	vst v63  }
0x27: {  	_ =	swait.ge [sflag:s11], $0xC800  }
0x28: {  	[sflag:s11] =	ssyncset.done $0x0  }
0x29: {  	[sflag:s11] =	ssyncadd.s32 $0xFFFF3800  }
.LBB2_1:
0x2a: {  	[tilespmem:s2], [sflag:$0x1] =	stream.linear.gather [hbm4b:s3+s2], $0x1D80, $0x38;
	[tilespmem:$0x12A80] =	vst v63  }
0x2b: {  	_ =	swait.ge [sflag:s11], $0x1D80  }
0x2c: {  	[sflag:s11] =	ssyncset.done $0x0  }
0x2d: {  	[sflag:s11] =	ssyncadd.s32 $0xFFFFE280  }
0x2e: {  	[tilespmem:s14], [sflag:$0x1] =	stream.linear.gather [hbm4b:s4+s2], $0x1D80, $0x38;
	[tilespmem:$0x12A80] =	vst v63  }
0x2f: {  	_ =	swait.ge [sflag:s11], $0x1D80  }
0x30: {  	[sflag:s11] =	ssyncset.done $0x0  }
0x31: {  	[sflag:s11] =	ssyncadd.s32 $0xFFFFE280  }
0x32: {  	[tilespmem:s12], [sflag:$0x1] =	stream.linear.gather [hbm4b:s5+s2], $0xA00, $0x38;
	[tilespmem:$0x12A80] =	vst v63  }
0x33: {  	_ =	swait.ge [sflag:s11], $0xA00  }
0x34: {  	[sflag:s11] =	ssyncset.done $0x0  }
0x35: {  	[sflag:s11] =	ssyncadd.s32 $0xFFFFF600  }
0x36: {  	v25 =	vld [tilespmem:s14+$0x0];
	_ =	sdelay $0x4  }
0x37: {  	vm10 =	vge.s32 v25, v0;
	vm11 =	vlt.s32 v25, v2  }
0x38: {  	vm10 =	vmand vm10, vm11  }
0x39: {  	v25 =	vsel vm10, $0x1, v22  }
0x3a: {  	(xrf0) =	vadd.scan.msk.s32 $0xffff, v25;
	_ =	sdelay $0x2  }
0x3b: {  	v25 =	vmov s2  }
0x3c: {  	v25 =	vadd.s32 $0xFFFFFFFF, v25  }
0x3d: {  	v25 =	vbroadcast v25, $0x0  }
0x3e: {  	v26, _, _ =	vpop (xrf0)  }
0x3f: {  	v25 =	vadd.s32 v26, v25;
	(v2sf) =	vpush v26, $0xF;
	_ =	sdelay $0x3  }
0x40: {  	v27 =	vor.u32 s2, v1  }
0x41: {  	s19 =	simm.s32 $0x1D90;
	[tilespmem:v25+s13+$0x0] =	vst.idx.msk vm10, v27  }
0x42: {  	s17 =	simm.s32 $0x10;
	s20 =	simm.s32 $0x20;
	s18 =	simm.s32 $0x0;
	v25 =	vld [tilespmem:s19+$0x0]  }
.LBB2_2:
0x43: {  	p0 =	sne.s32 s20, $0x1D30;
	_ =	sdelay $0x3  }
0x44: {  	vm10 =	vge.s32 v25, v0;
	vm11 =	vlt.s32 v25, v2  }
0x45: {  	vm10 =	vmand vm10, vm11  }
0x46: {  	v25 =	vsel vm10, $0x1, v22  }
0x47: {  	(xrf0) =	vadd.scan.msk.s32 $0xffff, v25  }
0x48: {  	s21 =	spop (v2sf)  }
0x49: {  	s18 =	sadd.s32 s18, s21  }
0x4a: {  	v25 =	vmov s18  }
0x4b: {  	v25 =	vadd.s32 $0xFFFFFFFF, v25  }
0x4c: {  	v25 =	vbroadcast v25, $0x0  }
0x4d: {  	v26, _, _ =	vpop (xrf0)  }
0x4e: {  	v25 =	vadd.s32 v26, v25;
	(v2sf) =	vpush v26, $0xF;
	_ =	sdelay $0x1  }
.Ltmp2:
0x4f: {  	(pc) =	sbr.rel @p0 .LBB2_2-.Ltmp2, $4  }
0x50: {  	_ = 	snop  }
0x51: {  	v26 =	vor.u32 s17, v1;
	s17 =	smov.u32 s20  }
0x52: {  	s19 =	sadd.s32 $0x10, s19;
	[tilespmem:v25+s13+$0x0] =	vst.idx.msk vm10, v26  }
0x53: {  	s20 =	sadd.s32 $0x10, s20;
	v25 =	vld [tilespmem:s19+$0x0]  }
0x54: {  	_ =	sdelay $0x3  }
0x55: {  	vm10 =	vge.s32 v25, v0;
	vm11 =	vlt.s32 v25, v2  }
0x56: {  	vm10 =	vmand vm10, vm11  }
0x57: {  	v25 =	vsel vm10, $0x1, v22  }
0x58: {  	(xrf0) =	vadd.scan.msk.s32 $0xffff, v25  }
0x59: {  	s19 =	spop (v2sf)  }
0x5a: {  	s18 =	sadd.s32 s18, s19  }
0x5b: {  	v25 =	vmov s18  }
0x5c: {  	v25 =	vadd.s32 $0xFFFFFFFF, v25  }
0x5d: {  	v25 =	vbroadcast v25, $0x0  }
0x5e: {  	v26, _, _ =	vpop (xrf0)  }
0x5f: {  	v25 =	vadd.s32 v26, v25;
	(v2sf) =	vpush v26, $0xF;
	_ =	sdelay $0x3  }
0x60: {  	v26 =	vor.u32 s17, v1  }
0x61: {  	[tilespmem:v25+s13+$0x0] =	vst.idx.msk vm10, v26  }
0x62: {  	v25 =	vld [tilespmem:$0x3ABC];
	_ =	sdelay $0x4  }
0x63: {  	vm6 =	vge.s32 v25, v0;
	vm7 =	vlt.s32 v25, v2  }
0x64: {  	vm8 =	vcmask $0x3F10;
	vm10 =	vmand vm6, vm7  }
0x65: {  	vm10 =	vmand vm10, vm8  }
0x66: {  	v25 =	vsel vm10, $0x1, v22  }
0x67: {  	(xrf0) =	vadd.scan.msk.s32 $0xffff, v25;
	s31 =	spop (v2sf)  }
0x68: {  	s17 =	sadd.s32 s18, s31  }
0x69: {  	v25 =	vmov s17  }
0x6a: {  	v25 =	vadd.s32 $0xFFFFFFFF, v25;
	_ =	sdelay $0x1  }
0x6b: {  	v26 =	vbroadcast v25, $0x0  }
0x6c: {  	v25, _, _ =	vpop (xrf0)  }
0x6d: {  	v26 =	vadd.s32 v25, v26;
	_ =	sdelay $0x4  }
0x6e: {  	s19 =	simm.s32 $0x40;
	s18 =	simm.s32 $0x0;
	[tilespmem:v26+s13+$0x0] =	vst.idx.msk vm10, v23  }
.LBB2_4:
0x6f: {  	p0 =	sne.s32 s19, $0x31FC0;
	[tilespmem:s18+$0x6280] =	vst v24;
	s18 =	smov.u32 s19;
	s19 =	sadd.s32 $0x40, s19  }
.Ltmp3:
0x70: {  	(pc) =	sbr.rel @p0 .LBB2_4-.Ltmp3, $2  }
0x71: {  	_ =	sdelay $0x2  }
0x72: {  	s18 =	sshra.s32 s18, $0x2  }
0x73: {  	(v2sf) =	vpush v25, $0xF;
	_ =	sdelay $0xe  }
0x74: {  	s19 =	spop (v2sf)  }
0x75: {  	s19 =	sadd.s32 s17, s19  }
0x76: {  	s17 =	sadd.s32 $0xF, s19  }
0x77: {  	s20 =	sand.u32 $0xF, s17  }
0x78: {  	s31 =	sshra.s32 s17, $0x1F;
	p1 =	slt.s32 s17, $0x1;
	p0 =	sne.s32 s20, $0x0  }
0x79: {  	s20 =	sshrl.u32 s31, $0x1C;
	p0 =	por !p1, !p0  }
0x7a: {  	s17 =	sadd.s32 s20, s17;
	s20 =	simm.s32 $0x1;
	p0 =	por !p0, !p0  }
0x7b: {  	s17 =	sshra.s32 s17, $0x4;
	s20 =	simm.s32 @!p0 $0x0  }
0x7c: {  	s17 =	ssub.s32 s17, s20  }
0x7d: {  	v26 =	vld [tilespmem:$0x1FFF0];
	p0 =	slt.s32 s17, $0x1  }
.Ltmp4:
0x7e: {  	_ = 	snop;
	(pc) =	sbr.rel @p0 .LBB2_8-.Ltmp4, $4  }
0x7f: {  	vm8 =	vcmask $0x1310  }
0x80: {  	vm0 =	vcmask $0x2724;
	vm1 =	vcmask $0x2B28;
	vm2 =	vcmask $0x2F2C  }
0x81: {  	vm9 =	vcmask $0x3330;
	vm4 =	vcmask $0x3734;
	vm5 =	vcmask $0x3B38  }
0x82: {  	[tilespmem:s18+$0x6280] =	vst v24;
	vm6 =	vcmask $0x3F3C;
	vm3 =	vnez.u8 v26;
	v25 =	vmov s19  }
0x83: {  	s18 =	simm.s32 $0x4500;
	s19 =	simm.s32 $0x0;
	s20 =	smov.u32 s17  }
.LBB2_7:
0x84: {  	v26 =	vld [tilespmem:s18+$0x0];
	_ =	sdelay $0x2  }
0x85: {  	v27 =	vor.u32 s19, v1  }
0x86: {  	vm10 =	vlt.s32 v27, v25  }
0x87: {  	v26 =	vnsel vm10, $0x0, v26;
	_ =	sdelay $0x4  }
0x88: {  	v27 =	vld.idx.msk [tilespmem:v26+s14+$0x0], $0xffff;
	_ =	sdelay $0x4  }
0x89: {  	vm11 =	vlt.s32 v27, v3  }
0x8a: {  	vm12 =	vge.s32 v27, v0;
	vm10 =	vmand vm11, vm10  }
0x8b: {  	vm10 =	vmand vm10, vm12;
	_ =	sdelay $0x5  }
0x8c: {  	v26 =	vld.idx.msk [tilespmem:v26+s2+$0x0], vm10;
	_ =	sdelay $0x4  }
0x8d: {  	v28 =	vnsel vm10, $0x0, v26;
	_ =	sdelay $0x2  }
0x8e: {  	v29 =	vsub.s32 v27, v0  }
0x8f: {  	v29 =	vmul.u32 $0xA00, v29;
	v27 =	vld.idx.msk [tilespmem:v27+s12+$0x0], $0xffff  }
0x90: {  	v28 =	vld.idx.msk [tilespmem:v28+s12+$0x0], $0xffff  }
0x91: {  	vm7 =	vcmask $0x704;
	vm11 =	vmand vm10, vm3;
	v26 =	vadd.s32 v26, v29  }
0x92: {  	vm12 =	vmand vm10, vm7;
	v26 =	vnsel vm10, $0x0, v26  }
0x93: {  	vm13 =	vmand vm10, vm14;
	_ =	sdelay $0x1  }
0x94: {  	vm14 =	vmand vm10, vm15;
	v27 =	vmul.f32 v27, v28  }
0x95: {  	vm15 =	vmand vm10, vm8;
	vm7 =	vmmov vm8;
	vm8 =	vcmask $0x1714  }
0x96: {  	vm8 =	vmand vm10, vm8;
	[tilespmem:v26+s15+$0x0] =	vst.idx.add.f32.msk vm11, v27;
	vm11 =	vcmask $0x1B18  }
0x97: {  	vm11 =	vmand vm10, vm11;
	[tilespmem:v26+s15+$0x0] =	vst.idx.add.f32.msk vm12, v27;
	vm12 =	vcmask $0x1F1C  }
0x98: {  	vm12 =	vmand vm10, vm12;
	[tilespmem:v26+s15+$0x0] =	vst.idx.add.f32.msk vm13, v27;
	vm13 =	vcmask $0x2320  }
0x99: {  	vm13 =	vmand vm10, vm13  }
0x9a: {  	[tilespmem:v26+s15+$0x0] =	vst.idx.add.f32.msk vm14, v27;
	vm14 =	vmand vm10, vm0  }
0x9b: {  	[tilespmem:v26+s15+$0x0] =	vst.idx.add.f32.msk vm15, v27;
	vm15 =	vmand vm10, vm1  }
0x9c: {  	[tilespmem:v26+s15+$0x0] =	vst.idx.add.f32.msk vm8, v27;
	vm8 =	vmand vm10, vm2  }
0x9d: {  	[tilespmem:v26+s15+$0x0] =	vst.idx.add.f32.msk vm11, v27;
	vm11 =	vmand vm10, vm9  }
0x9e: {  	[tilespmem:v26+s15+$0x0] =	vst.idx.add.f32.msk vm12, v27;
	vm12 =	vmand vm10, vm4  }
0x9f: {  	[tilespmem:v26+s15+$0x0] =	vst.idx.add.f32.msk vm13, v27;
	vm13 =	vmand vm10, vm5  }
0xa0: {  	vm10 =	vmand vm10, vm6;
	[tilespmem:v26+s15+$0x0] =	vst.idx.add.f32.msk vm14, v27  }
0xa1: {  	p1 =	sne.s32 s20, $0x1;
	[tilespmem:v26+s15+$0x0] =	vst.idx.add.f32.msk vm15, v27  }
.Ltmp5:
0xa2: {  	[tilespmem:v26+s15+$0x0] =	vst.idx.add.f32.msk vm8, v27;
	(pc) =	sbr.rel @p1 .LBB2_7-.Ltmp5, $4  }
0xa3: {  	[tilespmem:v26+s15+$0x0] =	vst.idx.add.f32.msk vm11, v27  }
0xa4: {  	[tilespmem:v26+s15+$0x0] =	vst.idx.add.f32.msk vm12, v27  }
0xa5: {  	[tilespmem:v26+s15+$0x0] =	vst.idx.add.f32.msk vm13, v27  }
0xa6: {  	s18 =	sadd.s32 $0x10, s18;
	s19 =	sadd.s32 $0x10, s19;
	s20 =	sadd.s32 $0xFFFFFFFF, s20;
	vm14 =	vcmask $0xB08;
	vm15 =	vcmask $0xF0C;
	vm8 =	vmmov vm7;
	[tilespmem:v26+s15+$0x0] =	vst.idx.add.f32.msk vm10, v27  }
.LBB2_8:
0xa7: {  	v27 =	vld [tilespmem:$0x1FF70];
	_ =	sdelay $0x3  }
0xa8: {  	v26 =	vld.idx.msk [tilespmem:v4+s12+$0x0], $0xffff  }
0xa9: {  	vm8 =	vnez.u8 v27;
	_ =	sdelay $0x2  }
0xaa: {  	v27 =	vld [tilespmem:$0x1FF80]  }
0xab: {  	v26 =	vmul.f32 v26, v26;
	_ =	sdelay $0x1  }
0xac: {  	[tilespmem:v5+s15+$0x0] =	vst.idx.add.f32.msk vm8, v26  }
0xad: {  	v26 =	vld.idx.msk [tilespmem:v6+s12+$0x0], $0xffff  }
0xae: {  	vm5 =	vnez.u8 v27;
	_ =	sdelay $0x3  }
0xaf: {  	v26 =	vmul.f32 v26, v26;
	_ =	sdelay $0x1  }
0xb0: {  	s18 =	simm.s32 $0x0;
	[tilespmem:v7+s15+$0x0] =	vst.idx.add.f32.msk vm5, v26  }
0xb1: {  	[hbm4b:s6+s18] =	stream.linear.scatter [tilespmem:s15], [sflag:$0x1], $0xC800, $0x38;
	[tilespmem:$0x12A80] =	vst v63  }
0xb2: {  	_ =	swait.ge [sflag:s11], $0xC800  }
0xb3: {  	[sflag:s11] =	ssyncset.done $0x0  }
0xb4: {  	s19 =	simm.s32 $0x0;
	s18 =	simm.s32 $0x40;
	[sflag:s11] =	ssyncadd.s32 $0xFFFF3800  }
.LBB2_9:
0xb5: {  	p1 =	seq.s32 s18, $0x31FC0;
	[tilespmem:s19+$0x6280] =	vst v24;
	s19 =	smov.u32 s18;
	s18 =	sadd.s32 $0x40, s18  }
.Ltmp6:
0xb6: {  	(pc) =	sbr.rel @!p1 .LBB2_9-.Ltmp6, $2  }
0xb7: {  	_ =	sdelay $0x2  }
0xb8: {  	s19 =	sshra.s32 s19, $0x2  }
0xb9: {  	v26 =	vld [tilespmem:$0x1FFF0]  }
.Ltmp7:
0xba: {  	_ = 	snop;
	(pc) =	sbr.rel @p0 .LBB2_13-.Ltmp7, $4  }
0xbb: {  	_ = 	snop  }
0xbc: {  	vm7 =	vcmask $0x2320;
	vm0 =	vcmask $0x2724;
	vm1 =	vcmask $0x2B28  }
0xbd: {  	vm2 =	vcmask $0x2F2C;
	vm9 =	vcmask $0x3330;
	vm4 =	vcmask $0x3734  }
0xbe: {  	[tilespmem:s19+$0x6280] =	vst v24;
	vm5 =	vcmask $0x3B38;
	vm6 =	vcmask $0x3F3C;
	vm3 =	vnez.u8 v26  }
0xbf: {  	s18 =	simm.s32 $0x4500;
	s19 =	simm.s32 $0x0;
	s20 =	smov.u32 s17  }
.LBB2_12:
0xc0: {  	v26 =	vld [tilespmem:s18+$0x0];
	_ =	sdelay $0x2  }
0xc1: {  	v27 =	vor.u32 s19, v1  }
0xc2: {  	vm8 =	vlt.s32 v27, v25  }
0xc3: {  	v26 =	vnsel vm8, $0x0, v26;
	_ =	sdelay $0x4  }
0xc4: {  	v27 =	vld.idx.msk [tilespmem:v26+s14+$0x0], $0xffff;
	_ =	sdelay $0x4  }
0xc5: {  	vm10 =	vlt.s32 v27, v8  }
0xc6: {  	vm11 =	vge.s32 v27, v3;
	vm8 =	vmand vm10, vm8  }
0xc7: {  	vm10 =	vmand vm8, vm11;
	_ =	sdelay $0x5  }
0xc8: {  	v26 =	vld.idx.msk [tilespmem:v26+s2+$0x0], vm10;
	_ =	sdelay $0x4  }
0xc9: {  	v28 =	vnsel vm10, $0x0, v26;
	_ =	sdelay $0x2  }
0xca: {  	v29 =	vsub.s32 v27, v3  }
0xcb: {  	v29 =	vmul.u32 $0xA00, v29;
	v27 =	vld.idx.msk [tilespmem:v27+s12+$0x0], $0xffff  }
0xcc: {  	v28 =	vld.idx.msk [tilespmem:v28+s12+$0x0], $0xffff  }
0xcd: {  	vm11 =	vcmask $0x704;
	vm8 =	vmand vm10, vm3;
	v26 =	vadd.s32 v26, v29  }
0xce: {  	vm11 =	vmand vm10, vm11;
	v26 =	vnsel vm10, $0x0, v26;
	_ =	sdelay $0x1  }
0xcf: {  	vm12 =	vmand vm10, vm14  }
0xd0: {  	vm13 =	vmand vm10, vm15;
	vm14 =	vcmask $0x1310;
	v27 =	vmul.f32 v27, v28  }
0xd1: {  	vm15 =	vcmask $0x1714;
	vm14 =	vmand vm10, vm14  }
0xd2: {  	vm15 =	vmand vm10, vm15;
	[tilespmem:v26+s15+$0x0] =	vst.idx.add.f32.msk vm8, v27;
	vm8 =	vcmask $0x1B18  }
0xd3: {  	vm8 =	vmand vm10, vm8;
	[tilespmem:v26+s15+$0x0] =	vst.idx.add.f32.msk vm11, v27;
	vm11 =	vcmask $0x1F1C  }
0xd4: {  	vm11 =	vmand vm10, vm11  }
0xd5: {  	[tilespmem:v26+s15+$0x0] =	vst.idx.add.f32.msk vm12, v27;
	vm12 =	vmand vm10, vm7  }
0xd6: {  	[tilespmem:v26+s15+$0x0] =	vst.idx.add.f32.msk vm13, v27;
	vm13 =	vmand vm10, vm0  }
0xd7: {  	[tilespmem:v26+s15+$0x0] =	vst.idx.add.f32.msk vm14, v27;
	vm14 =	vmand vm10, vm1  }
0xd8: {  	[tilespmem:v26+s15+$0x0] =	vst.idx.add.f32.msk vm15, v27;
	vm15 =	vmand vm10, vm2  }
0xd9: {  	[tilespmem:v26+s15+$0x0] =	vst.idx.add.f32.msk vm8, v27;
	vm8 =	vmand vm10, vm9  }
0xda: {  	[tilespmem:v26+s15+$0x0] =	vst.idx.add.f32.msk vm11, v27;
	vm11 =	vmand vm10, vm4  }
0xdb: {  	[tilespmem:v26+s15+$0x0] =	vst.idx.add.f32.msk vm12, v27;
	vm12 =	vmand vm10, vm5  }
0xdc: {  	vm10 =	vmand vm10, vm6;
	[tilespmem:v26+s15+$0x0] =	vst.idx.add.f32.msk vm13, v27  }
0xdd: {  	p1 =	sne.s32 s20, $0x1;
	[tilespmem:v26+s15+$0x0] =	vst.idx.add.f32.msk vm14, v27  }
.Ltmp8:
0xde: {  	[tilespmem:v26+s15+$0x0] =	vst.idx.add.f32.msk vm15, v27;
	(pc) =	sbr.rel @p1 .LBB2_12-.Ltmp8, $4  }
0xdf: {  	[tilespmem:v26+s15+$0x0] =	vst.idx.add.f32.msk vm8, v27  }
0xe0: {  	[tilespmem:v26+s15+$0x0] =	vst.idx.add.f32.msk vm11, v27  }
0xe1: {  	[tilespmem:v26+s15+$0x0] =	vst.idx.add.f32.msk vm12, v27  }
0xe2: {  	s18 =	sadd.s32 $0x10, s18;
	s19 =	sadd.s32 $0x10, s19;
	s20 =	sadd.s32 $0xFFFFFFFF, s20;
	vm14 =	vcmask $0xB08;
	vm15 =	vcmask $0xF0C;
	[tilespmem:v26+s15+$0x0] =	vst.idx.add.f32.msk vm10, v27  }
.LBB2_13:
0xe3: {  	v27 =	vld [tilespmem:$0x1FF90];
	_ =	sdelay $0x3  }
0xe4: {  	v26 =	vld.idx.msk [tilespmem:v9+s12+$0x0], $0xffff  }
0xe5: {  	vm8 =	vnez.u8 v27;
	_ =	sdelay $0x2  }
0xe6: {  	v27 =	vld [tilespmem:$0x1FFA0]  }
0xe7: {  	v26 =	vmul.f32 v26, v26;
	_ =	sdelay $0x1  }
0xe8: {  	[tilespmem:v10+s15+$0x0] =	vst.idx.add.f32.msk vm8, v26  }
0xe9: {  	v26 =	vld.idx.msk [tilespmem:v11+s12+$0x0], $0xffff  }
0xea: {  	vm5 =	vnez.u8 v27;
	_ =	sdelay $0x3  }
0xeb: {  	v26 =	vmul.f32 v26, v26;
	_ =	sdelay $0x1  }
0xec: {  	s18 =	simm.s32 $0x0;
	[tilespmem:v12+s15+$0x0] =	vst.idx.add.f32.msk vm5, v26  }
0xed: {  	[hbm4b:s7+s18] =	stream.linear.scatter [tilespmem:s15], [sflag:$0x1], $0xC800, $0x38;
	[tilespmem:$0x12A80] =	vst v63  }
0xee: {  	_ =	swait.ge [sflag:s11], $0xC800  }
0xef: {  	[sflag:s11] =	ssyncset.done $0x0  }
0xf0: {  	s19 =	simm.s32 $0x0;
	s18 =	simm.s32 $0x40;
	[sflag:s11] =	ssyncadd.s32 $0xFFFF3800  }
.LBB2_14:
0xf1: {  	p1 =	seq.s32 s18, $0x31FC0;
	[tilespmem:s19+$0x6280] =	vst v24;
	s19 =	smov.u32 s18;
	s18 =	sadd.s32 $0x40, s18  }
.Ltmp9:
0xf2: {  	(pc) =	sbr.rel @!p1 .LBB2_14-.Ltmp9, $2  }
0xf3: {  	_ =	sdelay $0x2  }
0xf4: {  	s19 =	sshra.s32 s19, $0x2  }
0xf5: {  	v26 =	vld [tilespmem:$0x1FFF0]  }
.Ltmp10:
0xf6: {  	_ = 	snop;
	(pc) =	sbr.rel @p0 .LBB2_18-.Ltmp10, $4  }
0xf7: {  	_ = 	snop  }
0xf8: {  	vm7 =	vcmask $0x2320;
	vm0 =	vcmask $0x2724;
	vm1 =	vcmask $0x2B28  }
0xf9: {  	vm2 =	vcmask $0x2F2C;
	vm9 =	vcmask $0x3330;
	vm4 =	vcmask $0x3734  }
0xfa: {  	[tilespmem:s19+$0x6280] =	vst v24;
	vm5 =	vcmask $0x3B38;
	vm6 =	vcmask $0x3F3C;
	vm3 =	vnez.u8 v26  }
0xfb: {  	s18 =	simm.s32 $0x4500;
	s19 =	simm.s32 $0x0;
	s20 =	smov.u32 s17  }
.LBB2_17:
0xfc: {  	v26 =	vld [tilespmem:s18+$0x0];
	_ =	sdelay $0x2  }
0xfd: {  	v27 =	vor.u32 s19, v1  }
0xfe: {  	vm8 =	vlt.s32 v27, v25  }
0xff: {  	v26 =	vnsel vm8, $0x0, v26;
	_ =	sdelay $0x4  }
0x100: {  	v27 =	vld.idx.msk [tilespmem:v26+s14+$0x0], $0xffff;
	_ =	sdelay $0x4  }
0x101: {  	vm10 =	vlt.s32 v27, v13  }
0x102: {  	vm11 =	vge.s32 v27, v8;
	vm8 =	vmand vm10, vm8  }
0x103: {  	vm10 =	vmand vm8, vm11;
	_ =	sdelay $0x5  }
0x104: {  	v26 =	vld.idx.msk [tilespmem:v26+s2+$0x0], vm10;
	_ =	sdelay $0x4  }
0x105: {  	v28 =	vnsel vm10, $0x0, v26;
	_ =	sdelay $0x2  }
0x106: {  	v29 =	vsub.s32 v27, v8  }
0x107: {  	v29 =	vmul.u32 $0xA00, v29;
	v27 =	vld.idx.msk [tilespmem:v27+s12+$0x0], $0xffff  }
0x108: {  	v28 =	vld.idx.msk [tilespmem:v28+s12+$0x0], $0xffff  }
0x109: {  	vm11 =	vcmask $0x704;
	vm8 =	vmand vm10, vm3;
	v26 =	vadd.s32 v26, v29  }
0x10a: {  	vm11 =	vmand vm10, vm11;
	v26 =	vnsel vm10, $0x0, v26;
	_ =	sdelay $0x1  }
0x10b: {  	vm12 =	vmand vm10, vm14  }
0x10c: {  	vm13 =	vmand vm10, vm15;
	vm14 =	vcmask $0x1310;
	v27 =	vmul.f32 v27, v28  }
0x10d: {  	vm15 =	vcmask $0x1714;
	vm14 =	vmand vm10, vm14  }
0x10e: {  	vm15 =	vmand vm10, vm15;
	[tilespmem:v26+s15+$0x0] =	vst.idx.add.f32.msk vm8, v27;
	vm8 =	vcmask $0x1B18  }
0x10f: {  	vm8 =	vmand vm10, vm8;
	[tilespmem:v26+s15+$0x0] =	vst.idx.add.f32.msk vm11, v27;
	vm11 =	vcmask $0x1F1C  }
0x110: {  	vm11 =	vmand vm10, vm11  }
0x111: {  	[tilespmem:v26+s15+$0x0] =	vst.idx.add.f32.msk vm12, v27;
	vm12 =	vmand vm10, vm7  }
0x112: {  	[tilespmem:v26+s15+$0x0] =	vst.idx.add.f32.msk vm13, v27;
	vm13 =	vmand vm10, vm0  }
0x113: {  	[tilespmem:v26+s15+$0x0] =	vst.idx.add.f32.msk vm14, v27;
	vm14 =	vmand vm10, vm1  }
0x114: {  	[tilespmem:v26+s15+$0x0] =	vst.idx.add.f32.msk vm15, v27;
	vm15 =	vmand vm10, vm2  }
0x115: {  	[tilespmem:v26+s15+$0x0] =	vst.idx.add.f32.msk vm8, v27;
	vm8 =	vmand vm10, vm9  }
0x116: {  	[tilespmem:v26+s15+$0x0] =	vst.idx.add.f32.msk vm11, v27;
	vm11 =	vmand vm10, vm4  }
0x117: {  	[tilespmem:v26+s15+$0x0] =	vst.idx.add.f32.msk vm12, v27;
	vm12 =	vmand vm10, vm5  }
0x118: {  	vm10 =	vmand vm10, vm6;
	[tilespmem:v26+s15+$0x0] =	vst.idx.add.f32.msk vm13, v27  }
0x119: {  	p1 =	sne.s32 s20, $0x1;
	[tilespmem:v26+s15+$0x0] =	vst.idx.add.f32.msk vm14, v27  }
.Ltmp11:
0x11a: {  	[tilespmem:v26+s15+$0x0] =	vst.idx.add.f32.msk vm15, v27;
	(pc) =	sbr.rel @p1 .LBB2_17-.Ltmp11, $4  }
0x11b: {  	[tilespmem:v26+s15+$0x0] =	vst.idx.add.f32.msk vm8, v27  }
0x11c: {  	[tilespmem:v26+s15+$0x0] =	vst.idx.add.f32.msk vm11, v27  }
0x11d: {  	[tilespmem:v26+s15+$0x0] =	vst.idx.add.f32.msk vm12, v27  }
0x11e: {  	s18 =	sadd.s32 $0x10, s18;
	s19 =	sadd.s32 $0x10, s19;
	s20 =	sadd.s32 $0xFFFFFFFF, s20;
	vm14 =	vcmask $0xB08;
	vm15 =	vcmask $0xF0C;
	[tilespmem:v26+s15+$0x0] =	vst.idx.add.f32.msk vm10, v27  }
.LBB2_18:
0x11f: {  	v27 =	vld [tilespmem:$0x1FFB0];
	_ =	sdelay $0x3  }
0x120: {  	v26 =	vld.idx.msk [tilespmem:v14+s12+$0x0], $0xffff  }
0x121: {  	vm8 =	vnez.u8 v27;
	_ =	sdelay $0x2  }
0x122: {  	v27 =	vld [tilespmem:$0x1FFC0]  }
0x123: {  	v26 =	vmul.f32 v26, v26;
	_ =	sdelay $0x1  }
0x124: {  	[tilespmem:v15+s15+$0x0] =	vst.idx.add.f32.msk vm8, v26  }
0x125: {  	v26 =	vld.idx.msk [tilespmem:v16+s12+$0x0], $0xffff  }
0x126: {  	vm5 =	vnez.u8 v27;
	_ =	sdelay $0x3  }
0x127: {  	v26 =	vmul.f32 v26, v26;
	_ =	sdelay $0x1  }
0x128: {  	s18 =	simm.s32 $0x0;
	[tilespmem:v17+s15+$0x0] =	vst.idx.add.f32.msk vm5, v26  }
0x129: {  	[hbm4b:s8+s18] =	stream.linear.scatter [tilespmem:s15], [sflag:$0x1], $0xC800, $0x38;
	[tilespmem:$0x12A80] =	vst v63  }
0x12a: {  	_ =	swait.ge [sflag:s11], $0xC800  }
0x12b: {  	[sflag:s11] =	ssyncset.done $0x0  }
0x12c: {  	s19 =	simm.s32 $0x0;
	s18 =	simm.s32 $0x40;
	[sflag:s11] =	ssyncadd.s32 $0xFFFF3800  }
.LBB2_19:
0x12d: {  	p1 =	seq.s32 s18, $0x31FC0;
	[tilespmem:s19+$0x6280] =	vst v24;
	s19 =	smov.u32 s18;
	s18 =	sadd.s32 $0x40, s18  }
.Ltmp12:
0x12e: {  	(pc) =	sbr.rel @!p1 .LBB2_19-.Ltmp12, $2  }
0x12f: {  	_ =	sdelay $0x2  }
0x130: {  	s19 =	sshra.s32 s19, $0x2  }
0x131: {  	v26 =	vld [tilespmem:$0x1FFF0]  }
.Ltmp13:
0x132: {  	_ = 	snop;
	(pc) =	sbr.rel @p0 .LBB2_23-.Ltmp13, $4  }
0x133: {  	_ = 	snop  }
0x134: {  	vm4 =	vcmask $0x1714;
	vm5 =	vcmask $0x1B18;
	vm6 =	vcmask $0x1F1C  }
0x135: {  	vm7 =	vcmask $0x2320;
	vm0 =	vcmask $0x2724;
	vm1 =	vcmask $0x2B28  }
0x136: {  	[tilespmem:s19+$0x6280] =	vst v24;
	vm2 =	vcmask $0x2F2C;
	vm9 =	vcmask $0x3330;
	vm12 =	vnez.u8 v26  }
0x137: {  	s18 =	simm.s32 $0x4500;
	s19 =	simm.s32 $0x0  }
.LBB2_22:
0x138: {  	v26 =	vld [tilespmem:s18+$0x0];
	_ =	sdelay $0x2  }
0x139: {  	v27 =	vor.u32 s19, v1  }
0x13a: {  	vm8 =	vlt.s32 v27, v25  }
0x13b: {  	v26 =	vnsel vm8, $0x0, v26;
	_ =	sdelay $0x4  }
0x13c: {  	v27 =	vld.idx.msk [tilespmem:v26+s14+$0x0], $0xffff;
	_ =	sdelay $0x4  }
0x13d: {  	vm10 =	vlt.s32 v27, v2  }
0x13e: {  	vm11 =	vge.s32 v27, v13;
	vm8 =	vmand vm10, vm8  }
0x13f: {  	vm10 =	vmand vm8, vm11;
	_ =	sdelay $0x5  }
0x140: {  	v26 =	vld.idx.msk [tilespmem:v26+s2+$0x0], vm10;
	_ =	sdelay $0x4  }
0x141: {  	v28 =	vnsel vm10, $0x0, v26;
	_ =	sdelay $0x2  }
0x142: {  	v29 =	vsub.s32 v27, v13  }
0x143: {  	v29 =	vmul.u32 $0xA00, v29;
	v27 =	vld.idx.msk [tilespmem:v27+s12+$0x0], $0xffff  }
0x144: {  	v28 =	vld.idx.msk [tilespmem:v28+s12+$0x0], $0xffff  }
0x145: {  	vm3 =	vcmask $0x704;
	vm8 =	vmand vm10, vm12;
	v26 =	vadd.s32 v26, v29  }
0x146: {  	vm11 =	vmand vm10, vm3;
	v26 =	vnsel vm10, $0x0, v26  }
0x147: {  	vm3 =	vmmov vm12;
	vm12 =	vmand vm10, vm14  }
0x148: {  	vm13 =	vmand vm10, vm15;
	vm14 =	vcmask $0x1310  }
0x149: {  	vm14 =	vmand vm10, vm14;
	v27 =	vmul.f32 v27, v28  }
0x14a: {  	vm15 =	vmand vm10, vm4  }
0x14b: {  	[tilespmem:v26+s15+$0x0] =	vst.idx.add.f32.msk vm8, v27;
	vm8 =	vmand vm10, vm5  }
0x14c: {  	[tilespmem:v26+s15+$0x0] =	vst.idx.add.f32.msk vm11, v27;
	vm11 =	vmand vm10, vm6  }
0x14d: {  	[tilespmem:v26+s15+$0x0] =	vst.idx.add.f32.msk vm12, v27;
	vm12 =	vmand vm10, vm7  }
0x14e: {  	[tilespmem:v26+s15+$0x0] =	vst.idx.add.f32.msk vm13, v27  }
0x14f: {  	vm13 =	vmand vm10, vm0;
	[tilespmem:v26+s15+$0x0] =	vst.idx.add.f32.msk vm14, v27  }
0x150: {  	[tilespmem:v26+s15+$0x0] =	vst.idx.add.f32.msk vm15, v27  }
0x151: {  	[tilespmem:v26+s15+$0x0] =	vst.idx.add.f32.msk vm8, v27  }
0x152: {  	vm14 =	vmand vm10, vm1;
	[tilespmem:v26+s15+$0x0] =	vst.idx.add.f32.msk vm11, v27  }
0x153: {  	vm15 =	vmand vm10, vm2;
	vm11 =	vcmask $0x3734;
	[tilespmem:v26+s15+$0x0] =	vst.idx.add.f32.msk vm12, v27;
	vm12 =	vcmask $0x3B38  }
0x154: {  	vm8 =	vmand vm10, vm9;
	vm11 =	vmand vm10, vm11;
	vm12 =	vmand vm10, vm12  }
0x155: {  	[tilespmem:v26+s15+$0x0] =	vst.idx.add.f32.msk vm13, v27;
	vm13 =	vmmov vm7;
	vm7 =	vmmov vm0;
	vm0 =	vmmov vm6  }
0x156: {  	vm6 =	vmmov vm1;
	vm1 =	vmmov vm2;
	vm2 =	vmmov vm5  }
0x157: {  	vm5 =	vmmov vm9;
	vm9 =	vmmov vm4;
	vm4 =	vcmask $0x3F3C  }
0x158: {  	vm10 =	vmand vm10, vm4  }
0x159: {  	p0 =	sne.s32 s17, $0x1;
	[tilespmem:v26+s15+$0x0] =	vst.idx.add.f32.msk vm14, v27  }
.Ltmp14:
0x15a: {  	[tilespmem:v26+s15+$0x0] =	vst.idx.add.f32.msk vm15, v27;
	(pc) =	sbr.rel @p0 .LBB2_22-.Ltmp14, $4  }
0x15b: {  	vm4 =	vmmov vm9;
	vm9 =	vmmov vm5;
	[tilespmem:v26+s15+$0x0] =	vst.idx.add.f32.msk vm8, v27  }
0x15c: {  	vm5 =	vmmov vm2;
	vm2 =	vmmov vm1;
	vm1 =	vmmov vm6;
	[tilespmem:v26+s15+$0x0] =	vst.idx.add.f32.msk vm11, v27  }
0x15d: {  	vm6 =	vmmov vm0;
	vm0 =	vmmov vm7;
	vm7 =	vmmov vm13;
	[tilespmem:v26+s15+$0x0] =	vst.idx.add.f32.msk vm12, v27  }
0x15e: {  	s18 =	sadd.s32 $0x10, s18;
	s19 =	sadd.s32 $0x10, s19;
	s17 =	sadd.s32 $0xFFFFFFFF, s17;
	vm14 =	vcmask $0xB08;
	vm15 =	vcmask $0xF0C;
	vm12 =	vmmov vm3;
	[tilespmem:v26+s15+$0x0] =	vst.idx.add.f32.msk vm10, v27  }
.Ltmp15:
0x15f: {  	_ = 	snop;
	(pc) =	sbr.rel .LBB2_23-.Ltmp15, $1  }
0x160: {  	_ =	sdelay $0x3  }
.LBB2_24:
0x161: {  	_ =	sfence.sel $0x180000  }
0x162: {  	[bflag:$0x0] =	sbarrier.arrive $0xFFFF  }
0x163: {  	p0 =	sne.s32 s0, $0x0;
	_ =	strace $0x90000050  }
0x164: {  	s0 =	sadd.s32 @!p0 $0x100000, s1;
	[bflag:$0x2] =	sbarrier.arrive $0xFFFF  }
0x165: {  	[sflag:s0] =	ssyncadd.tile.s32 @!p0 $0x1;
	_ =	shalt  }
.Lfunc_end2:
_tile_overlayer_lowered:
.L_overlay_start_2:
0x166: {  	(tag) =	ssettag $0x2  }
0x167: {  	s0 =	rddreg [dreg:$0x0];
	s2 =	stileid.u32  }
0x168: {  	s1 =	rddreg [dreg:$0x1];
	p0 =	sne.s32 s2, $0x0  }
0x169: {  	s3 =	rddreg [dreg:$0x2];
	[bflag:$0x3] =	sbarrier.arrive $0xFFFF;
	s2 =	simm.s32 @!p0 $0x1C01  }
0x16a: {  	[timem:s3], [sflag:s2] =	dma.local @!p0 [hbm:s0], s1  }
0x16b: {  	s0 =	simm.s32 @!p0 $0x1  }
0x16c: {  	_ =	swait.ge @!p0 [sflag:s0], s1  }
0x16d: {  	s1 =	ssub.s32 @!p0 $0x0, s1;
	[sflag:s0] =	ssyncset.done @!p0 $0x0  }
0x16e: {  	[sflag:s0] =	ssyncadd.s32 @!p0 s1  }
0x16f: {  	[bflag:$0x3] =	sbarrier.arrive $0xFFFF  }
0x170: {  	_ =	shalt  }

// kernel: kernel.34.cloned.1.call-start
scs
__scs_entry_jumppad:
0x0: {  	(pc) =	sbr.rel $0x88, $3  }
0x1: {  	(tag) =	ssettag $0x0;
	lr =	simm.s32 $0x1  }
0x2: {  	[smem:$0x3F6F] =	sst lr;
	_ =	strace $0xD0000000  }
0x3: {  	_ = 	snop  }
0x4: {  	_ = 	snop  }
0x5: {  	_ = 	snop  }
0x6: {  	_ = 	snop  }
0x7: {  	_ = 	snop  }
__scs_overlays_trampoline_lowered:
0x8: {  	[smem:$0x3F7E] =	sst s0  }
0x9: {  	[smem:$0x3F7F] =	sst s1  }
0xa: {  	[smem:$0x3F80] =	sst s2  }
0xb: {  	[smem:$0x3F81] =	sst s3  }
0xc: {  	[smem:$0x3F82] =	sst s4  }
0xd: {  	[smem:$0x3F83] =	sst s5  }
0xe: {  	[smem:$0x3F84] =	sst s6  }
0xf: {  	[smem:$0x3F85] =	sst s7  }
0x10: {  	[smem:$0x3F86] =	sst s8  }
0x11: {  	[smem:$0x3F87] =	sst s9;
	s0 =	simm.s32 @!p0 $0x0  }
0x12: {  	s1 =	sld [smem:$0x3F6D];
	s0 =	simm.s32 @p0 $0x1  }
0x13: {  	[smem:$0x3F88] =	sst s0;
	s0 =	simm.s32 @!p1 $0x0  }
0x14: {  	s2 =	sld [smem:$0x3F6C];
	s0 =	simm.s32 @p1 $0x1  }
0x15: {  	[smem:$0x3F89] =	sst s0;
	s0 =	simm.s32 @!p2 $0x0  }
0x16: {  	s3 =	sld [smem:$0x3FDB];
	s0 =	simm.s32 @p2 $0x1  }
0x17: {  	s4 =	simm.s32 $0x1BF5;
	[smem:$0x3F8B] =	sst s0  }
0x18: {  	s0 =	sld [smem:$0x3F6E];
	_ =	swait.ge [sflag:s4], $0x0  }
0x19: {  	s7 =	sld [smem:$0x3F6F]  }
0x1a: {  	s8 =	sadd.s32 $0xFFFFE003, lr  }
0x1b: {  	s9 =	sadd.s32 $0xFFFFFEF7, lr;
	s5 =	simm.s32 $0xFFFFFFFF;
	p2 =	slt.u32 s8, $0xFFFFF086  }
0x1c: {  	p1 =	slt.u32 s9, $0xF7A;
	s5 =	simm.s32 @!p2 $0x0  }
0x1d: {  	s5 =	simm.s32 @p1 $0x1;
	p0 =	seq.s32 s7, s2  }
0x1e: {  	s7 =	smul.u32 @!p0 $0xF7A, s2;
	p2 =	seq.s32 @!p0 s5, $0x0  }
0x1f: {  	s9 =	smul.u32 $0xF7A, s1;
	s8 =	simm.s32 @!p0 $0x1BF5;
	p2 =	por !p2, p0  }
0x20: {  	[sflag:s8] =	ssyncset.s32 @!p0 $0xFFFFF086;
	s6 =	sadd.s32 @!p0 s3, s7;
	s7 =	simm.s32 @!p0 $0x108  }
0x21: {  	s3 =	sadd.s32 s3, s9;
	s6 =	sadd.s32 @!p0 $0x88, s6;
	s7 =	simm.s32 @p2 $0x1082  }
0x22: {  	[simem:s7], [sflag:s8] =	dma.local @!p0 [hbm:s6], $0xF7A  }
0x23: {  	s9 =	sor.u32 $0xD0000000, s2;
	s6 =	simm.s32 $0x108;
	_ =	swait.ge @!p0 [sflag:s8], $0x0  }
0x24: {  	s3 =	sadd.s32 $0x88, s3;
	s6 =	simm.s32 @!p1 $0x1082;
	[sflag:s4] =	ssyncset.s32 $0xFFFFF086  }
0x25: {  	[simem:s6], [sflag:s4] =	dma.local [hbm:s3], $0xF7A  }
0x26: {  	[smem:$0x3F6F] =	sst s1;
	(tag) =	ssettag s2;
	_ =	strace s9  }
0x27: {  	s1 =	sld [smem:$0x3F7F]  }
0x28: {  	s2 =	sld [smem:$0x3F80]  }
0x29: {  	s4 =	sld [smem:$0x3F82]  }
0x2a: {  	p0 =	seq.s32 s5, $0x0;
	s5 =	sld [smem:$0x3F83]  }
0x2b: {  	s6 =	sld [smem:$0x3F84]  }
0x2c: {  	s7 =	sld [smem:$0x3F85]  }
0x2d: {  	s3 =	simm.s32 $0x108;
	s8 =	sld [smem:$0x3F86]  }
0x2e: {  	s3 =	simm.s32 @!p0 $0x1082;
	s9 =	sld [smem:$0x3F87]  }
0x2f: {  	lr =	sadd.s32 s0, s3;
	s0 =	sld [smem:$0x3F7E]  }
0x30: {  	s3 =	sld [smem:$0x3F81]  }
0x31: {  	[smem:$0x3F8A] =	sst s10  }
0x32: {  	s10 =	sld [smem:$0x3F88];
	_ =	sdelay $0x3  }
0x33: {  	p0 =	seq.s32 s10, $0x1;
	s10 =	sld [smem:$0x3F8A];
	_ =	sdelay $0x3  }
0x34: {  	[smem:$0x3F8A] =	sst s10  }
0x35: {  	s10 =	sld [smem:$0x3F89];
	_ =	sdelay $0x3  }
0x36: {  	p1 =	seq.s32 s10, $0x1;
	s10 =	sld [smem:$0x3F8A];
	_ =	sdelay $0x3  }
0x37: {  	[smem:$0x3F8A] =	sst s10  }
0x38: {  	s10 =	sld [smem:$0x3F8B]  }
0x39: {  	_ = 	snop;
	(pc) =	sbr.ind lr, $3  }
0x3a: {  	_ = 	snop  }
0x3b: {  	_ = 	snop  }
0x3c: {  	p2 =	seq.s32 s10, $0x1;
	s10 =	sld [smem:$0x3F8A]  }
0x3d: {  	_ =	shalt  }
0x3e: {  	_ =	shalt  }
0x3f: {  	_ =	shalt  }
0x40: {  	_ =	shalt  }
0x41: {  	_ =	shalt  }
0x42: {  	_ =	shalt  }
0x43: {  	_ =	shalt  }
0x44: {  	_ =	shalt  }
0x45: {  	_ =	shalt  }
0x46: {  	_ =	shalt  }
0x47: {  	_ =	shalt  }
0x48: {  	_ =	shalt  }
0x49: {  	_ =	shalt  }
0x4a: {  	_ =	shalt  }
0x4b: {  	_ =	shalt  }
0x4c: {  	_ =	shalt  }
0x4d: {  	_ =	shalt  }
0x4e: {  	_ =	shalt  }
0x4f: {  	_ =	shalt  }
0x50: {  	_ =	shalt  }
0x51: {  	_ =	shalt  }
0x52: {  	_ =	shalt  }
0x53: {  	_ =	shalt  }
0x54: {  	_ =	shalt  }
0x55: {  	_ =	shalt  }
0x56: {  	_ =	shalt  }
0x57: {  	_ =	shalt  }
0x58: {  	_ =	shalt  }
0x59: {  	_ =	shalt  }
0x5a: {  	_ =	shalt  }
0x5b: {  	_ =	shalt  }
0x5c: {  	_ =	shalt  }
0x5d: {  	_ =	shalt  }
0x5e: {  	_ =	shalt  }
0x5f: {  	_ =	shalt  }
0x60: {  	_ =	shalt  }
0x61: {  	_ =	shalt  }
0x62: {  	_ =	shalt  }
0x63: {  	_ =	shalt  }
0x64: {  	_ =	shalt  }
0x65: {  	_ =	shalt  }
0x66: {  	_ =	shalt  }
0x67: {  	_ =	shalt  }
0x68: {  	_ =	shalt  }
0x69: {  	_ =	shalt  }
0x6a: {  	_ =	shalt  }
0x6b: {  	_ =	shalt  }
0x6c: {  	_ =	shalt  }
0x6d: {  	_ =	shalt  }
0x6e: {  	_ =	shalt  }
0x6f: {  	_ =	shalt  }
0x70: {  	_ =	shalt  }
0x71: {  	_ =	shalt  }
0x72: {  	_ =	shalt  }
0x73: {  	_ =	shalt  }
0x74: {  	_ =	shalt  }
0x75: {  	_ =	shalt  }
0x76: {  	_ =	shalt  }
0x77: {  	_ =	shalt  }
0x78: {  	_ =	shalt  }
0x79: {  	_ =	shalt  }
0x7a: {  	_ =	shalt  }
0x7b: {  	_ =	shalt  }
0x7c: {  	_ =	shalt  }
0x7d: {  	_ =	shalt  }
0x7e: {  	_ =	shalt  }
0x7f: {  	_ =	shalt  }
0x80: {  	_ =	shalt  }
0x81: {  	_ =	shalt  }
0x82: {  	_ =	shalt  }
0x83: {  	_ =	shalt  }
0x84: {  	_ =	shalt  }
0x85: {  	_ =	shalt  }
0x86: {  	_ =	shalt  }
0x87: {  	_ =	shalt  }
.Lfunc_end0:
.L_simem_size_0:
called_computation.2_lowered:
.L_overlay_start_0:
0x88: {  	s2 =	sld [smem:$0x3FD9]  }
0x89: {  	s3 =	sld [smem:$0x3FFE];
	_ =	sdelay $0x1  }
0x8a: {  	s1 =	srdreg.scid  }
0x8b: {  	s0 =	sand.u32 $0x1, s1  }
0x8c: {  	s17 =	sshll.u32 s0, $0xA;
	s2 =	sadd.s32 s3, s2  }
0x8d: {  	s2 =	sadd.s32 s2, s17  }
0x8e: {  	[smem:$0x3F96] =	sst s2  }
0x8f: {  	_ = 	snop  }
0x90: {  	(tm) =	ssettm $0x1  }
0x91: {  	s18 =	sld [smem:$0x3FFB];
	_ =	sdelay $0x3  }
0x92: {  	_ =	strace s18  }
0x93: {  	s2 =	sld [smem:$0x3FFC];
	_ =	sdelay $0x3  }
0x94: {  	_ =	strace s2  }
0x95: {  	s2 =	sld [smem:$0x3FFD];
	_ =	sdelay $0x3  }
0x96: {  	_ =	strace s2  }
0x97: {  	_ =	strace $0x8FFFFFFF  }
0x98: {  	s19 =	sld [smem:$0x3FDB];
	_ =	sdelay $0x1  }
0x99: {  	s20 =	simm.s32 $_scs_section_size  }
0x9a: {  	s4 =	simm.s32 $_size__tile_overlayer_lowered;
	s5 =	simm.s32 $_tile_overlayer_lowered  }
0x9b: {  	s6 =	simm.s32 $0x1BFF;
	s21 =	sshll.u32 s5, $0x1;
	s3 =	sadd.s32 s20, s19  }
0x9c: {  	s22 =	simm.s32 $0x0;
	s4 =	sshll.u32 s4, $0x1;
	s5 =	sadd.s32 s21, s3  }
0x9d: {  	[timem:s22], [sflag:s6] =	dma.local [hbm:s5], s4  }
0x9e: {  	_ =	swait.ge [sflag:s6], s4  }
0x9f: {  	s4 =	ssub.s32 $0x0, s4;
	[sflag:s6] =	ssyncset.done $0x0  }
0xa0: {  	[sflag:s6] =	ssyncadd.s32 s4;
	_ =	sdelay $0x1  }
0xa1: {  	s23 =	simm.s32 $0x1B8B  }
0xa2: {  	_ =	swait.ge [sflag:s23], $0x1  }
0xa3: {  	[sflag:s23] =	ssyncset.done $0x0  }
0xa4: {  	[sflag:s23] =	ssyncadd.s32 $0xFFFFFFFF  }
0xa5: {  	s4 =	sld [smem:$0x0]  }
0xa6: {  	s5 =	sand.u32 $0xFFFFFFFE, s1  }
0xa7: {  	p0 =	sne.s32 s1, s5  }
0xa8: {  	s5 =	sshll.u32 @p0 s5, $0xE  }
0xa9: {  	s5 =	sadd.s32 @p0 $0x11B8D, s5;
	s6 =	sshll.u32 @p0 s4, $0x11  }
0xaa: {  	s5 =	sor.u32 @p0 s6, s5  }
0xab: {  	[sflag:s5] =	ssyncadd.remote.s32 @p0 $0x1;
	_ =	sdelay $0x1  }
0xac: {  	s5 =	simm.s32 @p0 $0x1B8D  }
0xad: {  	_ =	swait.eq @p0 [sflag:s5], $0x1  }
0xae: {  	[sflag:s5] =	ssyncadd.s32 @p0 $0xFFFFFFFF  }
0xaf: {  	s6 =	sshll.u32 @!p0 s1, $0xE  }
0xb0: {  	s6 =	sor.u32 @!p0 $0x4000, s6;
	s5 =	simm.s32 @!p0 $0x1B8D  }
0xb1: {  	s4 =	sshll.u32 @!p0 s4, $0x11;
	s6 =	sadd.s32 @!p0 $0x11B8D, s6;
	_ =	swait.eq @!p0 [sflag:s5], $0x1  }
0xb2: {  	s4 =	sor.u32 @!p0 s4, s6;
	[sflag:s5] =	ssyncadd.s32 @!p0 $0xFFFFFFFF  }
0xb3: {  	s25 =	simm.s32 $0x1B8E;
	s24 =	sld [smem:$0x3FFE];
	[sflag:s4] =	ssyncadd.remote.s32 @!p0 $0x1  }
0xb4: {  	s26 =	simm.s32 $execute0_lowered;
	[smem:$0x3FD2] =	sst s25  }
0xb5: {  	s5 =	sshll.u32 s26, $0x1;
	_ =	strace $0x8000004C;
	[dreg:$0x1] =	wrdreg $0xFFFFFFFF  }
0xb6: {  	s28 =	simm.s32 $_size_execute0_lowered;
	s3 =	sadd.s32 s3, s5;
	[dreg:$0x0] =	wrdreg $0x0  }
0xb7: {  	s5 =	sshll.u32 s28, $0x1;
	[dreg:$0x2] =	wrdreg s3  }
0xb8: {  	[dreg:$0x3] =	wrdreg s5  }
0xb9: {  	[dreg:$0x4] =	wrdreg $0xC0  }
0xba: {  	_ =	task [dreg:s22], $0x5FFFF  }
0xbb: {  	[dreg:$0x1] =	wrdreg $0xFFFFFFFF  }
0xbc: {  	[dreg:$0x0] =	wrdreg $0x60  }
0xbd: {  	[dreg:$0x2] =	wrdreg s24  }
0xbe: {  	[dreg:$0x3] =	wrdreg $0xB  }
0xbf: {  	_ =	task.clear_ibuf [dreg:s22], $0x4FFFF;
	_ =	strace $0x9000004C  }
0xc0: {  	s29 =	simm.s32 $0xB;
	_ =	strace $0x8000004E  }
0xc1: {  	_ =	swait.ge [sflag:s29], $0x1  }
0xc2: {  	[sflag:s29] =	ssyncadd.s32 $0xFFFFFFFF  }
0xc3: {  	_ =	strace $0x9000004E  }
0xc4: {  	_ =	sfence  }
0xc5: {  	s30 =	sld [smem:$0x0];
	_ =	sdelay $0x2  }
0xc6: {  	s31 =	sshll.u32 s1, $0xD;
	s1 =	sshrl.u32 s1, $0x2  }
0xc7: {  	s4 =	sand.u32 $0x4000, s31;
	s1 =	sadd.s32 s1, s30  }
0xc8: {  	s0 =	sor.u32 s4, s0;
	s1 =	sshll.u32 s1, $0x11  }
0xc9: {  	s0 =	sor.u32 s1, s0  }
0xca: {  	s0 =	sadd.s32 $0x8F2B, s0  }
0xcb: {  	[sflag:s0] =	ssyncadd.remote.s32 $0x1  }
0xcc: {  	_ =	sfence.sel $0xFFFF  }
0xcd: {  	[dreg:$0x0] =	wrdreg $0xFFFFFFFF;
	(pc) =	sbr.abs _section_cstart, $3  }
0xce: {  	[dreg:$0x1] =	wrdreg $0xFFFFFFFF  }
0xcf: {  	_ =	task.clear_ibuf [dreg:s22], $0x2FFFF;
	_ =	strace $0x9FFFFFFF  }
0xd0: {  	(tm) =	ssettm $0x7FFFFFFF  }
0xd1: {  	_ =	shalt  }
tec
execute0_lowered:
.L_overlay_start_1:
0x0: {  	(tag) =	ssettag $0x1  }
0x1: {  	s1 =	srdreg.scid;
	s0 =	stileid.u32;
	v0 =	vlaneseq.u32  }
0x2: {  	v9 =	vimm.f32 $0.0e+00;
	vm12 =	vmmov $0x1;
	vm11 =	vcmask $0x704;
	s4 =	sand.u32 $0x1, s1;
	s30 =	sshll.u32 s0, $0x1  }
0x3: {  	vm8 =	vcmask $0xB08;
	vm13 =	vcmask $0xF0C;
	v4 =	vmul.u32 $0x401, v0;
	s5 =	sor.u32 s4, s30  }
0x4: {  	s6 =	rddreg [dreg:$0x0];
	s2 =	simm.s32 $0x0;
	vm10 =	vcmask $0x1310;
	vm3 =	vcmask $0x2724;
	v5 =	vor.u32 $0x10, v0;
	s3 =	sshll.u32 s5, $0x5  }
0x5: {  	s10 =	simm.s32 $0x1A00;
	s11 =	simm.s32 $0xB00;
	s1 =	rddreg [dreg:$0x1];
	v7 =	vadd.s32 $0x4010, v4;
	v3 =	vor.u32 s3, v0;
	v5 =	vor.u32 s3, v5  }
0x6: {  	s12 =	simm.s32 $0x2500;
	s13 =	simm.s32 $0x0;
	[smem:$0x7FF] =	sst s2;
	v6 =	vor.u32 s3, v4;
	v4 =	vimm.s32 $0x0;
	vm0 =	vlt.u32 v3, $0x384  }
.Ltmp0:
0x7: {  	vm15 =	vcmask $0x3734;
	s7 =	ssub.s32 $0x2, s4;
	s4 =	sadd.s32 $0x164A00, s6;
	vm1 =	vlt.u32 v5, $0x384;
	v4 =	vsel vm0, $0xFFFFFFFF, v4;
	(pc) =	sbr.rel .LBB2_1-.Ltmp0, $4  }
0x8: {  	s8 =	sshll.u32 s5, $0xC;
	s9 =	sshrl.u32 s7, $0x1;
	s5 =	sadd.s32 $0x164C00, s6;
	[tilespmem:$0x1FFE0] =	vst v4;
	v4 =	vnsel vm0, $0x0, v6;
	v6 =	vor.u32 s3, v7;
	v7 =	vimm.s32 $0x0  }
0x9: {  	v8 =	vadd.s32 $0xA7C, v0;
	v1 =	vmov s3;
	s31 =	sadd.s32 $0x20, s3;
	s7 =	ssub.s32 s7, s9;
	s9 =	simm.s32 $0x1600;
	v7 =	vsel vm1, $0xFFFFFFFF, v7  }
0xa: {  	v2 =	vmov s31;
	s7 =	smax.u32 s7, $0x1;
	v3 =	vnsel vm0, $0x0, v3;
	v5 =	vnsel vm1, $0x0, v5;
	s3 =	sadd.s32 $0x164800, s6;
	s6 =	sadd.s32 s8, s6;
	[tilespmem:$0x1FFF0] =	vst v7  }
0xb: {  	vm0 =	vcmask $0x2320;
	s8 =	simm.s32 $0x1;
	v6 =	vnsel vm1, $0x0, v6;
	s6 =	sadd.s32 $0x164E00, s6;
	v7 =	vimm.s32 $0x0;
	_ =	strace $0x8000004D  }
.LBB2_8:
0xc: {  	v11 =	vld [tilespmem:$0x1FFE0];
	_ =	sdelay $0x3  }
0xd: {  	v10 =	vld.idx.msk [tilespmem:v3+s9+$0x0], $0xffff  }
0xe: {  	vm4 =	vnez.u8 v11;
	_ =	sdelay $0x2  }
0xf: {  	v11 =	vld [tilespmem:$0x1FFF0]  }
0x10: {  	v10 =	vmul.f32 v10, v10;
	_ =	sdelay $0x1  }
0x11: {  	[tilespmem:v4+s12+$0x0] =	vst.idx.add.f32.msk vm4, v10  }
0x12: {  	v10 =	vld.idx.msk [tilespmem:v5+s9+$0x0], $0xffff  }
0x13: {  	vm4 =	vnez.u8 v11;
	_ =	sdelay $0x3  }
0x14: {  	s13 =	sadd.s32 $0x1, s13;
	v10 =	vmul.f32 v10, v10  }
0x15: {  	p0 =	sne.s32 s13, s7  }
.Ltmp1:
0x16: {  	[tilespmem:v6+s12+$0x0] =	vst.idx.add.f32.msk vm4, v10;
	(pc) =	sbr.rel @!p0 .LBB2_9-.Ltmp1, $4  }
0x17: {  	[hbm4b:s6+s2] =	stream.linear.scatter [tilespmem:s12], [sflag:$0x1], $0x8000, $0x38;
	[tilespmem:$0xA500] =	vst v63  }
0x18: {  	_ =	swait.ge [sflag:s8], $0x8000  }
0x19: {  	[sflag:s8] =	ssyncset.done $0x0  }
0x1a: {  	vm0 =	vmmov vm1;
	[sflag:s8] =	ssyncadd.s32 $0xFFFF8000  }
.LBB2_1:
0x1b: {  	[tilespmem:s2], [sflag:$0x1] =	stream.linear.gather [hbm4b:s3+s2], $0xB00, $0x38;
	[tilespmem:$0xA500] =	vst v63  }
0x1c: {  	_ =	swait.ge [sflag:s8], $0xB00  }
0x1d: {  	[sflag:s8] =	ssyncset.done $0x0  }
0x1e: {  	[sflag:s8] =	ssyncadd.s32 $0xFFFFF500  }
0x1f: {  	[tilespmem:s11], [sflag:$0x1] =	stream.linear.gather [hbm4b:s4+s2], $0xB00, $0x38;
	[tilespmem:$0xA500] =	vst v63  }
0x20: {  	_ =	swait.ge [sflag:s8], $0xB00  }
0x21: {  	[sflag:s8] =	ssyncset.done $0x0  }
0x22: {  	[sflag:s8] =	ssyncadd.s32 $0xFFFFF500  }
0x23: {  	[tilespmem:s9], [sflag:$0x1] =	stream.linear.gather [hbm4b:s5+s2], $0x400, $0x38;
	[tilespmem:$0xA500] =	vst v63  }
0x24: {  	_ =	swait.ge [sflag:s8], $0x400  }
0x25: {  	[sflag:s8] =	ssyncset.done $0x0  }
0x26: {  	[sflag:s8] =	ssyncadd.s32 $0xFFFFFC00  }
0x27: {  	v10 =	vld [tilespmem:s11+$0x0];
	_ =	sdelay $0x4  }
0x28: {  	vm4 =	vge.s32 v10, v1;
	vm5 =	vlt.s32 v10, v2  }
0x29: {  	vm4 =	vmand vm4, vm5  }
0x2a: {  	v10 =	vsel vm4, $0x1, v7  }
0x2b: {  	(xrf0) =	vadd.scan.msk.s32 $0xffff, v10;
	_ =	sdelay $0x2  }
0x2c: {  	v10 =	vmov s2  }
0x2d: {  	v10 =	vadd.s32 $0xFFFFFFFF, v10  }
0x2e: {  	v10 =	vbroadcast v10, $0x0  }
0x2f: {  	v11, _, _ =	vpop (xrf0)  }
0x30: {  	v10 =	vadd.s32 v11, v10;
	(v2sf) =	vpush v11, $0xF;
	_ =	sdelay $0x3  }
0x31: {  	v12 =	vor.u32 s2, v0  }
0x32: {  	s16 =	simm.s32 $0xB10;
	[tilespmem:v10+s10+$0x0] =	vst.idx.msk vm4, v12  }
0x33: {  	s14 =	simm.s32 $0x10;
	s17 =	simm.s32 $0x20;
	s15 =	simm.s32 $0x0;
	v10 =	vld [tilespmem:s16+$0x0]  }
.LBB2_2:
0x34: {  	p0 =	sne.s32 s17, $0xA70;
	_ =	sdelay $0x3  }
0x35: {  	vm4 =	vge.s32 v10, v1;
	vm5 =	vlt.s32 v10, v2  }
0x36: {  	vm4 =	vmand vm4, vm5  }
0x37: {  	v10 =	vsel vm4, $0x1, v7  }
0x38: {  	(xrf0) =	vadd.scan.msk.s32 $0xffff, v10  }
0x39: {  	s18 =	spop (v2sf)  }
0x3a: {  	s15 =	sadd.s32 s15, s18  }
0x3b: {  	v10 =	vmov s15  }
0x3c: {  	v10 =	vadd.s32 $0xFFFFFFFF, v10  }
0x3d: {  	v10 =	vbroadcast v10, $0x0  }
0x3e: {  	v11, _, _ =	vpop (xrf0)  }
0x3f: {  	v10 =	vadd.s32 v11, v10;
	(v2sf) =	vpush v11, $0xF;
	_ =	sdelay $0x1  }
.Ltmp2:
0x40: {  	(pc) =	sbr.rel @p0 .LBB2_2-.Ltmp2, $4  }
0x41: {  	_ = 	snop  }
0x42: {  	v11 =	vor.u32 s14, v0;
	s14 =	smov.u32 s17  }
0x43: {  	s16 =	sadd.s32 $0x10, s16;
	[tilespmem:v10+s10+$0x0] =	vst.idx.msk vm4, v11  }
0x44: {  	s17 =	sadd.s32 $0x10, s17;
	v10 =	vld [tilespmem:s16+$0x0]  }
0x45: {  	_ =	sdelay $0x3  }
0x46: {  	vm4 =	vge.s32 v10, v1;
	vm5 =	vlt.s32 v10, v2  }
0x47: {  	vm4 =	vmand vm4, vm5  }
0x48: {  	v10 =	vsel vm4, $0x1, v7  }
0x49: {  	(xrf0) =	vadd.scan.msk.s32 $0xffff, v10  }
0x4a: {  	s16 =	spop (v2sf)  }
0x4b: {  	s15 =	sadd.s32 s15, s16  }
0x4c: {  	v10 =	vmov s15  }
0x4d: {  	v10 =	vadd.s32 $0xFFFFFFFF, v10  }
0x4e: {  	v10 =	vbroadcast v10, $0x0  }
0x4f: {  	v11, _, _ =	vpop (xrf0)  }
0x50: {  	v10 =	vadd.s32 v11, v10;
	(v2sf) =	vpush v11, $0xF;
	_ =	sdelay $0x3  }
0x51: {  	v11 =	vor.u32 s14, v0  }
0x52: {  	[tilespmem:v10+s10+$0x0] =	vst.idx.msk vm4, v11  }
0x53: {  	v10 =	vld [tilespmem:$0x157C];
	_ =	sdelay $0x4  }
0x54: {  	vm4 =	vge.s32 v10, v1;
	vm5 =	vlt.s32 v10, v2  }
0x55: {  	vm4 =	vmand vm4, vm5;
	vm5 =	vcmask $0x3F10  }
0x56: {  	vm4 =	vmand vm4, vm5  }
0x57: {  	v10 =	vsel vm4, $0x1, v7  }
0x58: {  	(xrf0) =	vadd.scan.msk.s32 $0xffff, v10;
	s31 =	spop (v2sf)  }
0x59: {  	s14 =	sadd.s32 s15, s31  }
0x5a: {  	v10 =	vmov s14  }
0x5b: {  	v10 =	vadd.s32 $0xFFFFFFFF, v10;
	_ =	sdelay $0x1  }
0x5c: {  	v11 =	vbroadcast v10, $0x0  }
0x5d: {  	v10, _, _ =	vpop (xrf0)  }
0x5e: {  	v11 =	vadd.s32 v10, v11;
	_ =	sdelay $0x4  }
0x5f: {  	vm1 =	vmmov vm0;
	s16 =	simm.s32 $0x40;
	s15 =	simm.s32 $0x0;
	[tilespmem:v11+s10+$0x0] =	vst.idx.msk vm4, v8  }
.LBB2_4:
0x60: {  	p0 =	sne.s32 s16, $0x1FFC0;
	[tilespmem:s15+$0x2500] =	vst v9;
	s15 =	smov.u32 s16;
	s16 =	sadd.s32 $0x40, s16  }
.Ltmp3:
0x61: {  	(pc) =	sbr.rel @p0 .LBB2_4-.Ltmp3, $2  }
0x62: {  	_ =	sdelay $0x2  }
0x63: {  	s15 =	sshra.s32 s15, $0x2  }
0x64: {  	(v2sf) =	vpush v10, $0xF;
	_ =	sdelay $0xe  }
0x65: {  	s16 =	spop (v2sf)  }
0x66: {  	s16 =	sadd.s32 s14, s16  }
0x67: {  	s14 =	sadd.s32 $0xF, s16  }
0x68: {  	s17 =	sand.u32 $0xF, s14  }
0x69: {  	s31 =	sshra.s32 s14, $0x1F;
	p1 =	slt.s32 s14, $0x1;
	p0 =	sne.s32 s17, $0x0  }
0x6a: {  	s17 =	sshrl.u32 s31, $0x1C;
	p0 =	por !p1, !p0  }
0x6b: {  	s14 =	sadd.s32 s17, s14;
	s17 =	simm.s32 $0x1;
	p0 =	por !p0, !p0  }
0x6c: {  	s14 =	sshra.s32 s14, $0x4;
	s17 =	simm.s32 @!p0 $0x0  }
0x6d: {  	s14 =	ssub.s32 s14, s17  }
0x6e: {  	p0 =	slt.s32 s14, $0x1  }
.Ltmp4:
0x6f: {  	_ = 	snop;
	(pc) =	sbr.rel @p0 .LBB2_8-.Ltmp4, $2  }
0x70: {  	_ =	sdelay $0x2  }
0x71: {  	[tilespmem:s15+$0x2500] =	vst v9;
	vm0 =	vcmask $0x3F3C  }
0x72: {  	v10 =	vmov s16;
	s15 =	simm.s32 $0x1A00;
	s16 =	simm.s32 $0x0  }
.LBB2_7:
0x73: {  	v11 =	vld [tilespmem:s15+$0x0];
	_ =	sdelay $0x2  }
0x74: {  	v12 =	vor.u32 s16, v0  }
0x75: {  	vm4 =	vlt.s32 v12, v10  }
0x76: {  	v11 =	vnsel vm4, $0x0, v11;
	_ =	sdelay $0x4  }
0x77: {  	v63 =	vld.idx.msk [tilespmem:v11+s11+$0x0], $0xffff;
	_ =	sdelay $0x4  }
0x78: {  	vm5 =	vlt.s32 v63, v2  }
0x79: {  	vm6 =	vge.s32 v63, v1;
	vm4 =	vmand vm5, vm4  }
0x7a: {  	vm4 =	vmand vm4, vm6;
	_ =	sdelay $0x5  }
0x7b: {  	v11 =	vld.idx.msk [tilespmem:v11+s2+$0x0], vm4;
	_ =	sdelay $0x4  }
0x7c: {  	v13 =	vnsel vm4, $0x0, v11;
	_ =	sdelay $0x3  }
0x7d: {  	v14 =	vsub.s32 v63, v1;
	v12 =	vld.idx.msk [tilespmem:v63+s9+$0x0], $0xffff  }
0x7e: {  	v14 =	vshll.u32 v14, $0xA;
	v13 =	vld.idx.msk [tilespmem:v13+s9+$0x0], $0xffff  }
0x7f: {  	vm5 =	vmand vm4, vm12;
	v11 =	vadd.s32 v11, v14  }
0x80: {  	vm6 =	vmand vm4, vm11;
	v11 =	vnsel vm4, $0x0, v11;
	_ =	sdelay $0x1  }
0x81: {  	vm2 =	vmmov vm12;
	vm7 =	vmand vm4, vm8  }
0x82: {  	vm12 =	vmmov vm8;
	vm8 =	vmand vm4, vm13;
	v12 =	vmul.f32 v12, v13  }
0x83: {  	vm14 =	vmmov vm10;
	vm9 =	vmand vm4, vm10;
	vm10 =	vcmask $0x1714  }
0x84: {  	vm10 =	vmand vm4, vm10;
	[tilespmem:v11+s12+$0x0] =	vst.idx.add.f32.msk vm5, v12;
	vm5 =	vcmask $0x1B18  }
0x85: {  	vm5 =	vmand vm4, vm5;
	[tilespmem:v11+s12+$0x0] =	vst.idx.add.f32.msk vm6, v12;
	vm6 =	vcmask $0x1F1C  }
0x86: {  	vm6 =	vmand vm4, vm6  }
0x87: {  	[tilespmem:v11+s12+$0x0] =	vst.idx.add.f32.msk vm7, v12;
	vm7 =	vmand vm4, vm1  }
0x88: {  	[tilespmem:v11+s12+$0x0] =	vst.idx.add.f32.msk vm8, v12  }
0x89: {  	vm8 =	vmand vm4, vm3;
	[tilespmem:v11+s12+$0x0] =	vst.idx.add.f32.msk vm9, v12;
	vm9 =	vcmask $0x2B28  }
0x8a: {  	vm9 =	vmand vm4, vm9;
	[tilespmem:v11+s12+$0x0] =	vst.idx.add.f32.msk vm10, v12;
	vm10 =	vcmask $0x2F2C  }
0x8b: {  	vm10 =	vmand vm4, vm10;
	[tilespmem:v11+s12+$0x0] =	vst.idx.add.f32.msk vm5, v12;
	vm5 =	vcmask $0x3330  }
0x8c: {  	vm5 =	vmand vm4, vm5;
	[tilespmem:v11+s12+$0x0] =	vst.idx.add.f32.msk vm6, v12  }
0x8d: {  	vm6 =	vmand vm4, vm15;
	[tilespmem:v11+s12+$0x0] =	vst.idx.add.f32.msk vm7, v12;
	vm7 =	vcmask $0x3B38  }
0x8e: {  	vm7 =	vmand vm4, vm7  }
0x8f: {  	[tilespmem:v11+s12+$0x0] =	vst.idx.add.f32.msk vm8, v12;
	vm4 =	vmand vm4, vm0  }
0x90: {  	p0 =	sne.s32 s14, $0x1;
	[tilespmem:v11+s12+$0x0] =	vst.idx.add.f32.msk vm9, v12  }
.Ltmp5:
0x91: {  	[tilespmem:v11+s12+$0x0] =	vst.idx.add.f32.msk vm10, v12;
	(pc) =	sbr.rel @p0 .LBB2_7-.Ltmp5, $4  }
0x92: {  	[tilespmem:v11+s12+$0x0] =	vst.idx.add.f32.msk vm5, v12  }
0x93: {  	[tilespmem:v11+s12+$0x0] =	vst.idx.add.f32.msk vm6, v12  }
0x94: {  	[tilespmem:v11+s12+$0x0] =	vst.idx.add.f32.msk vm7, v12  }
0x95: {  	s15 =	sadd.s32 $0x10, s15;
	s16 =	sadd.s32 $0x10, s16;
	s14 =	sadd.s32 $0xFFFFFFFF, s14;
	vm8 =	vmmov vm12;
	vm12 =	vmmov vm2;
	vm10 =	vmmov vm14;
	[tilespmem:v11+s12+$0x0] =	vst.idx.add.f32.msk vm4, v12  }
.Ltmp6:
0x96: {  	_ = 	snop;
	(pc) =	sbr.rel .LBB2_8-.Ltmp6, $1  }
0x97: {  	_ =	sdelay $0x3  }
.LBB2_9:
0x98: {  	_ =	sfence.sel $0x180000  }
0x99: {  	[bflag:$0x0] =	sbarrier.arrive $0xFFFF  }
0x9a: {  	p0 =	sne.s32 s0, $0x0;
	_ =	strace $0x9000004D  }
0x9b: {  	s0 =	sadd.s32 @!p0 $0x100000, s1;
	[bflag:$0x2] =	sbarrier.arrive $0xFFFF  }
0x9c: {  	[sflag:s0] =	ssyncadd.tile.s32 @!p0 $0x1;
	_ =	shalt  }
.Lfunc_end2:
_tile_overlayer_lowered:
.L_overlay_start_2:
0x9d: {  	(tag) =	ssettag $0x2  }
0x9e: {  	s0 =	rddreg [dreg:$0x0];
	s2 =	stileid.u32  }
0x9f: {  	s1 =	rddreg [dreg:$0x1];
	p0 =	sne.s32 s2, $0x0  }
0xa0: {  	s3 =	rddreg [dreg:$0x2];
	[bflag:$0x3] =	sbarrier.arrive $0xFFFF;
	s2 =	simm.s32 @!p0 $0x1C01  }
0xa1: {  	[timem:s3], [sflag:s2] =	dma.local @!p0 [hbm:s0], s1  }
0xa2: {  	s0 =	simm.s32 @!p0 $0x1  }
0xa3: {  	_ =	swait.ge @!p0 [sflag:s0], s1  }
0xa4: {  	s1 =	ssub.s32 @!p0 $0x0, s1;
	[sflag:s0] =	ssyncset.done @!p0 $0x0  }
0xa5: {  	[sflag:s0] =	ssyncadd.s32 @!p0 s1  }
0xa6: {  	[bflag:$0x3] =	sbarrier.arrive $0xFFFF  }
0xa7: {  	_ =	shalt  }

// kernel: kernel.37.cloned.1.call-start
scs
__scs_entry_jumppad:
0x0: {  	(pc) =	sbr.rel $0x88, $3  }
0x1: {  	(tag) =	ssettag $0x0;
	lr =	simm.s32 $0x1  }
0x2: {  	[smem:$0x3F6F] =	sst lr;
	_ =	strace $0xD0000000  }
0x3: {  	_ = 	snop  }
0x4: {  	_ = 	snop  }
0x5: {  	_ = 	snop  }
0x6: {  	_ = 	snop  }
0x7: {  	_ = 	snop  }
__scs_overlays_trampoline_lowered:
0x8: {  	[smem:$0x3F7E] =	sst s0  }
0x9: {  	[smem:$0x3F7F] =	sst s1  }
0xa: {  	[smem:$0x3F80] =	sst s2  }
0xb: {  	[smem:$0x3F81] =	sst s3  }
0xc: {  	[smem:$0x3F82] =	sst s4  }
0xd: {  	[smem:$0x3F83] =	sst s5  }
0xe: {  	[smem:$0x3F84] =	sst s6  }
0xf: {  	[smem:$0x3F85] =	sst s7  }
0x10: {  	[smem:$0x3F86] =	sst s8  }
0x11: {  	[smem:$0x3F87] =	sst s9;
	s0 =	simm.s32 @!p0 $0x0  }
0x12: {  	s1 =	sld [smem:$0x3F6D];
	s0 =	simm.s32 @p0 $0x1  }
0x13: {  	[smem:$0x3F88] =	sst s0;
	s0 =	simm.s32 @!p1 $0x0  }
0x14: {  	s2 =	sld [smem:$0x3F6C];
	s0 =	simm.s32 @p1 $0x1  }
0x15: {  	[smem:$0x3F89] =	sst s0;
	s0 =	simm.s32 @!p2 $0x0  }
0x16: {  	s3 =	sld [smem:$0x3FDB];
	s0 =	simm.s32 @p2 $0x1  }
0x17: {  	s4 =	simm.s32 $0x1BF5;
	[smem:$0x3F8B] =	sst s0  }
0x18: {  	s0 =	sld [smem:$0x3F6E];
	_ =	swait.ge [sflag:s4], $0x0  }
0x19: {  	s7 =	sld [smem:$0x3F6F]  }
0x1a: {  	s8 =	sadd.s32 $0xFFFFE003, lr  }
0x1b: {  	s9 =	sadd.s32 $0xFFFFFEF7, lr;
	s5 =	simm.s32 $0xFFFFFFFF;
	p2 =	slt.u32 s8, $0xFFFFF086  }
0x1c: {  	p1 =	slt.u32 s9, $0xF7A;
	s5 =	simm.s32 @!p2 $0x0  }
0x1d: {  	s5 =	simm.s32 @p1 $0x1;
	p0 =	seq.s32 s7, s2  }
0x1e: {  	s7 =	smul.u32 @!p0 $0xF7A, s2;
	p2 =	seq.s32 @!p0 s5, $0x0  }
0x1f: {  	s9 =	smul.u32 $0xF7A, s1;
	s8 =	simm.s32 @!p0 $0x1BF5;
	p2 =	por !p2, p0  }
0x20: {  	[sflag:s8] =	ssyncset.s32 @!p0 $0xFFFFF086;
	s6 =	sadd.s32 @!p0 s3, s7;
	s7 =	simm.s32 @!p0 $0x108  }
0x21: {  	s3 =	sadd.s32 s3, s9;
	s6 =	sadd.s32 @!p0 $0x88, s6;
	s7 =	simm.s32 @p2 $0x1082  }
0x22: {  	[simem:s7], [sflag:s8] =	dma.local @!p0 [hbm:s6], $0xF7A  }
0x23: {  	s9 =	sor.u32 $0xD0000000, s2;
	s6 =	simm.s32 $0x108;
	_ =	swait.ge @!p0 [sflag:s8], $0x0  }
0x24: {  	s3 =	sadd.s32 $0x88, s3;
	s6 =	simm.s32 @!p1 $0x1082;
	[sflag:s4] =	ssyncset.s32 $0xFFFFF086  }
0x25: {  	[simem:s6], [sflag:s4] =	dma.local [hbm:s3], $0xF7A  }
0x26: {  	[smem:$0x3F6F] =	sst s1;
	(tag) =	ssettag s2;
	_ =	strace s9  }
0x27: {  	s1 =	sld [smem:$0x3F7F]  }
0x28: {  	s2 =	sld [smem:$0x3F80]  }
0x29: {  	s4 =	sld [smem:$0x3F82]  }
0x2a: {  	p0 =	seq.s32 s5, $0x0;
	s5 =	sld [smem:$0x3F83]  }
0x2b: {  	s6 =	sld [smem:$0x3F84]  }
0x2c: {  	s7 =	sld [smem:$0x3F85]  }
0x2d: {  	s3 =	simm.s32 $0x108;
	s8 =	sld [smem:$0x3F86]  }
0x2e: {  	s3 =	simm.s32 @!p0 $0x1082;
	s9 =	sld [smem:$0x3F87]  }
0x2f: {  	lr =	sadd.s32 s0, s3;
	s0 =	sld [smem:$0x3F7E]  }
0x30: {  	s3 =	sld [smem:$0x3F81]  }
0x31: {  	[smem:$0x3F8A] =	sst s10  }
0x32: {  	s10 =	sld [smem:$0x3F88];
	_ =	sdelay $0x3  }
0x33: {  	p0 =	seq.s32 s10, $0x1;
	s10 =	sld [smem:$0x3F8A];
	_ =	sdelay $0x3  }
0x34: {  	[smem:$0x3F8A] =	sst s10  }
0x35: {  	s10 =	sld [smem:$0x3F89];
	_ =	sdelay $0x3  }
0x36: {  	p1 =	seq.s32 s10, $0x1;
	s10 =	sld [smem:$0x3F8A];
	_ =	sdelay $0x3  }
0x37: {  	[smem:$0x3F8A] =	sst s10  }
0x38: {  	s10 =	sld [smem:$0x3F8B]  }
0x39: {  	_ = 	snop;
	(pc) =	sbr.ind lr, $3  }
0x3a: {  	_ = 	snop  }
0x3b: {  	_ = 	snop  }
0x3c: {  	p2 =	seq.s32 s10, $0x1;
	s10 =	sld [smem:$0x3F8A]  }
0x3d: {  	_ =	shalt  }
0x3e: {  	_ =	shalt  }
0x3f: {  	_ =	shalt  }
0x40: {  	_ =	shalt  }
0x41: {  	_ =	shalt  }
0x42: {  	_ =	shalt  }
0x43: {  	_ =	shalt  }
0x44: {  	_ =	shalt  }
0x45: {  	_ =	shalt  }
0x46: {  	_ =	shalt  }
0x47: {  	_ =	shalt  }
0x48: {  	_ =	shalt  }
0x49: {  	_ =	shalt  }
0x4a: {  	_ =	shalt  }
0x4b: {  	_ =	shalt  }
0x4c: {  	_ =	shalt  }
0x4d: {  	_ =	shalt  }
0x4e: {  	_ =	shalt  }
0x4f: {  	_ =	shalt  }
0x50: {  	_ =	shalt  }
0x51: {  	_ =	shalt  }
0x52: {  	_ =	shalt  }
0x53: {  	_ =	shalt  }
0x54: {  	_ =	shalt  }
0x55: {  	_ =	shalt  }
0x56: {  	_ =	shalt  }
0x57: {  	_ =	shalt  }
0x58: {  	_ =	shalt  }
0x59: {  	_ =	shalt  }
0x5a: {  	_ =	shalt  }
0x5b: {  	_ =	shalt  }
0x5c: {  	_ =	shalt  }
0x5d: {  	_ =	shalt  }
0x5e: {  	_ =	shalt  }
0x5f: {  	_ =	shalt  }
0x60: {  	_ =	shalt  }
0x61: {  	_ =	shalt  }
0x62: {  	_ =	shalt  }
0x63: {  	_ =	shalt  }
0x64: {  	_ =	shalt  }
0x65: {  	_ =	shalt  }
0x66: {  	_ =	shalt  }
0x67: {  	_ =	shalt  }
0x68: {  	_ =	shalt  }
0x69: {  	_ =	shalt  }
0x6a: {  	_ =	shalt  }
0x6b: {  	_ =	shalt  }
0x6c: {  	_ =	shalt  }
0x6d: {  	_ =	shalt  }
0x6e: {  	_ =	shalt  }
0x6f: {  	_ =	shalt  }
0x70: {  	_ =	shalt  }
0x71: {  	_ =	shalt  }
0x72: {  	_ =	shalt  }
0x73: {  	_ =	shalt  }
0x74: {  	_ =	shalt  }
0x75: {  	_ =	shalt  }
0x76: {  	_ =	shalt  }
0x77: {  	_ =	shalt  }
0x78: {  	_ =	shalt  }
0x79: {  	_ =	shalt  }
0x7a: {  	_ =	shalt  }
0x7b: {  	_ =	shalt  }
0x7c: {  	_ =	shalt  }
0x7d: {  	_ =	shalt  }
0x7e: {  	_ =	shalt  }
0x7f: {  	_ =	shalt  }
0x80: {  	_ =	shalt  }
0x81: {  	_ =	shalt  }
0x82: {  	_ =	shalt  }
0x83: {  	_ =	shalt  }
0x84: {  	_ =	shalt  }
0x85: {  	_ =	shalt  }
0x86: {  	_ =	shalt  }
0x87: {  	_ =	shalt  }
.Lfunc_end0:
.L_simem_size_0:
called_computation.3_lowered:
.L_overlay_start_0:
0x88: {  	s2 =	sld [smem:$0x3FD9]  }
0x89: {  	s3 =	sld [smem:$0x3FFE];
	_ =	sdelay $0x1  }
0x8a: {  	s1 =	srdreg.scid  }
0x8b: {  	s0 =	sand.u32 $0x1, s1  }
0x8c: {  	s17 =	sshll.u32 s0, $0xA;
	s2 =	sadd.s32 s3, s2  }
0x8d: {  	s2 =	sadd.s32 s2, s17  }
0x8e: {  	[smem:$0x3F96] =	sst s2  }
0x8f: {  	_ = 	snop  }
0x90: {  	(tm) =	ssettm $0x1  }
0x91: {  	s18 =	sld [smem:$0x3FFB];
	_ =	sdelay $0x3  }
0x92: {  	_ =	strace s18  }
0x93: {  	s2 =	sld [smem:$0x3FFC];
	_ =	sdelay $0x3  }
0x94: {  	_ =	strace s2  }
0x95: {  	s2 =	sld [smem:$0x3FFD];
	_ =	sdelay $0x3  }
0x96: {  	_ =	strace s2  }
0x97: {  	_ =	strace $0x8FFFFFFF  }
0x98: {  	s19 =	sld [smem:$0x3FDB];
	_ =	sdelay $0x1  }
0x99: {  	s20 =	simm.s32 $_scs_section_size  }
0x9a: {  	s4 =	simm.s32 $_size__tile_overlayer_lowered;
	s5 =	simm.s32 $_tile_overlayer_lowered  }
0x9b: {  	s6 =	simm.s32 $0x1BFF;
	s21 =	sshll.u32 s5, $0x1;
	s3 =	sadd.s32 s20, s19  }
0x9c: {  	s22 =	simm.s32 $0x0;
	s4 =	sshll.u32 s4, $0x1;
	s5 =	sadd.s32 s21, s3  }
0x9d: {  	[timem:s22], [sflag:s6] =	dma.local [hbm:s5], s4  }
0x9e: {  	_ =	swait.ge [sflag:s6], s4  }
0x9f: {  	s4 =	ssub.s32 $0x0, s4;
	[sflag:s6] =	ssyncset.done $0x0  }
0xa0: {  	[sflag:s6] =	ssyncadd.s32 s4;
	_ =	sdelay $0x1  }
0xa1: {  	s23 =	simm.s32 $0x1B8B  }
0xa2: {  	_ =	swait.ge [sflag:s23], $0x1  }
0xa3: {  	[sflag:s23] =	ssyncset.done $0x0  }
0xa4: {  	[sflag:s23] =	ssyncadd.s32 $0xFFFFFFFF  }
0xa5: {  	s4 =	sld [smem:$0x0]  }
0xa6: {  	s5 =	sand.u32 $0xFFFFFFFE, s1  }
0xa7: {  	p0 =	sne.s32 s1, s5  }
0xa8: {  	s5 =	sshll.u32 @p0 s5, $0xE  }
0xa9: {  	s5 =	sadd.s32 @p0 $0x11B8D, s5;
	s6 =	sshll.u32 @p0 s4, $0x11  }
0xaa: {  	s5 =	sor.u32 @p0 s6, s5  }
0xab: {  	[sflag:s5] =	ssyncadd.remote.s32 @p0 $0x1;
	_ =	sdelay $0x1  }
0xac: {  	s5 =	simm.s32 @p0 $0x1B8D  }
0xad: {  	_ =	swait.eq @p0 [sflag:s5], $0x1  }
0xae: {  	[sflag:s5] =	ssyncadd.s32 @p0 $0xFFFFFFFF  }
0xaf: {  	s6 =	sshll.u32 @!p0 s1, $0xE  }
0xb0: {  	s6 =	sor.u32 @!p0 $0x4000, s6;
	s5 =	simm.s32 @!p0 $0x1B8D  }
0xb1: {  	s4 =	sshll.u32 @!p0 s4, $0x11;
	s6 =	sadd.s32 @!p0 $0x11B8D, s6;
	_ =	swait.eq @!p0 [sflag:s5], $0x1  }
0xb2: {  	s4 =	sor.u32 @!p0 s4, s6;
	[sflag:s5] =	ssyncadd.s32 @!p0 $0xFFFFFFFF  }
0xb3: {  	s25 =	simm.s32 $0x1B8E;
	s24 =	sld [smem:$0x3FFE];
	[sflag:s4] =	ssyncadd.remote.s32 @!p0 $0x1  }
0xb4: {  	s26 =	simm.s32 $execute0_lowered;
	[smem:$0x3FD2] =	sst s25  }
0xb5: {  	s5 =	sshll.u32 s26, $0x1;
	_ =	strace $0x80000049;
	[dreg:$0x1] =	wrdreg $0xFFFFFFFF  }
0xb6: {  	s28 =	simm.s32 $_size_execute0_lowered;
	s3 =	sadd.s32 s3, s5;
	[dreg:$0x0] =	wrdreg $0x0  }
0xb7: {  	s5 =	sshll.u32 s28, $0x1;
	[dreg:$0x2] =	wrdreg s3  }
0xb8: {  	[dreg:$0x3] =	wrdreg s5  }
0xb9: {  	[dreg:$0x4] =	wrdreg $0xC0  }
0xba: {  	_ =	task [dreg:s22], $0x5FFFF  }
0xbb: {  	[dreg:$0x1] =	wrdreg $0xFFFFFFFF  }
0xbc: {  	[dreg:$0x0] =	wrdreg $0x60  }
0xbd: {  	[dreg:$0x2] =	wrdreg s24  }
0xbe: {  	[dreg:$0x3] =	wrdreg $0xC  }
0xbf: {  	_ =	task.clear_ibuf [dreg:s22], $0x4FFFF;
	_ =	strace $0x90000049  }
0xc0: {  	s29 =	simm.s32 $0xC;
	_ =	strace $0x8000004B  }
0xc1: {  	_ =	swait.ge [sflag:s29], $0x1  }
0xc2: {  	[sflag:s29] =	ssyncadd.s32 $0xFFFFFFFF  }
0xc3: {  	_ =	strace $0x9000004B  }
0xc4: {  	_ =	sfence  }
0xc5: {  	s30 =	sld [smem:$0x0];
	_ =	sdelay $0x2  }
0xc6: {  	s31 =	sshll.u32 s1, $0xD;
	s1 =	sshrl.u32 s1, $0x2  }
0xc7: {  	s4 =	sand.u32 $0x4000, s31;
	s1 =	sadd.s32 s1, s30  }
0xc8: {  	s0 =	sor.u32 s4, s0;
	s1 =	sshll.u32 s1, $0x11  }
0xc9: {  	s0 =	sor.u32 s1, s0  }
0xca: {  	s0 =	sadd.s32 $0x8F2B, s0  }
0xcb: {  	[sflag:s0] =	ssyncadd.remote.s32 $0x1  }
0xcc: {  	_ =	sfence.sel $0xFFFF  }
0xcd: {  	[dreg:$0x0] =	wrdreg $0xFFFFFFFF;
	(pc) =	sbr.abs _section_cstart, $3  }
0xce: {  	[dreg:$0x1] =	wrdreg $0xFFFFFFFF  }
0xcf: {  	_ =	task.clear_ibuf [dreg:s22], $0x2FFFF;
	_ =	strace $0x9FFFFFFF  }
0xd0: {  	(tm) =	ssettm $0x7FFFFFFF  }
0xd1: {  	_ =	shalt  }
tec
execute0_lowered:
.L_overlay_start_1:
0x0: {  	(tag) =	ssettag $0x1  }
0x1: {  	s1 =	srdreg.scid;
	s0 =	stileid.u32;
	v0 =	vlaneseq.u32;
	v6 =	vimm.s32 $0x0;
	v9 =	vimm.s32 $0x0  }
0x2: {  	vm1 =	vmmov $0xf;
	v12 =	vimm.f32 $0.0e+00;
	vm12 =	vmmov $0x1;
	s3 =	sand.u32 $0x1, s1;
	s31 =	sshll.u32 s0, $0x1  }
0x3: {  	vm8 =	vcmask $0x704;
	vm9 =	vcmask $0xB08;
	v8 =	vmul.u32 $0x681, v0;
	s4 =	sor.u32 s3, s31  }
0x4: {  	vm14 =	vcmask $0xF0C;
	vm15 =	vcmask $0x1310;
	vm4 =	vcmask $0x2724;
	s1 =	smul.u32 $0x34, s4  }
0x5: {  	v5 =	vor.u32 $0x10, v0;
	v7 =	vor.u32 $0x20, v0;
	v10 =	vadd.s32 $0xD020, v8  }
0x6: {  	v1 =	vmov s1;
	v3 =	vadd.s32 s1, v0;
	v4 =	vadd.s32 s1, v8  }
0x7: {  	v5 =	vadd.s32 s1, v5;
	v7 =	vadd.s32 s1, v7;
	vm0 =	vlt.u32 v3, $0x640  }
0x8: {  	v10 =	vadd.s32 s1, v10;
	vm2 =	vlt.u32 v7, $0x640;
	v3 =	vnsel vm0, $0x0, v3  }
0x9: {  	v6 =	vsel vm0, $0xFFFFFFFF, v6;
	v4 =	vnsel vm0, $0x0, v4;
	vm0 =	vlt.u32 v5, $0x640  }
0xa: {  	s5 =	rddreg [dreg:$0x0];
	s9 =	simm.s32 $0x2600;
	[tilespmem:$0x1FFC0] =	vst v6;
	v6 =	vadd.s32 $0x6810, v8;
	v5 =	vnsel vm0, $0x0, v5;
	v9 =	vsel vm0, $0xFFFFFFFF, v9  }
0xb: {  	s10 =	simm.s32 $0x2C80;
	s11 =	simm.s32 $0x1300;
	s12 =	simm.s32 $0x3F80;
	v8 =	vadd.s32 $0x13830, v8;
	v6 =	vadd.s32 s1, v6;
	[tilespmem:$0x1FFD0] =	vst v9;
	v9 =	vor.u32 $0x30, v0  }
0xc: {  	s13 =	simm.s32 $0x0;
	s7 =	ssub.s32 $0x2, s3;
	s6 =	smul.u32 $0x2A40, s4;
	v11 =	vadd.s32 s1, v8;
	v8 =	vimm.s32 $0x0;
	v9 =	vadd.s32 s1, v9  }
.Ltmp0:
0xd: {  	s3 =	sadd.s32 $0x7400, s5;
	s8 =	sshrl.u32 s7, $0x1;
	v6 =	vnsel vm0, $0x0, v6;
	v8 =	vsel vm2, $0xFFFFFFFF, v8;
	vm0 =	vlt.u32 v9, $0x640;
	(pc) =	sbr.rel .LBB2_1-.Ltmp0, $4  }
0xe: {  	s4 =	sadd.s32 $0x7800, s5;
	s7 =	ssub.s32 s7, s8;
	s2 =	sadd.s32 $0x34, s1;
	[tilespmem:$0x1FFE0] =	vst v8;
	v8 =	vnsel vm2, $0x0, v10;
	v10 =	vimm.s32 $0x0;
	vm0 =	vmand vm0, vm1  }
0xf: {  	s8 =	simm.s32 $0x1;
	s6 =	sadd.s32 s6, s5;
	v2 =	vmov s2;
	s2 =	simm.s32 $0x0;
	v7 =	vnsel vm2, $0x0, v7;
	v10 =	vsel vm0, $0xFFFFFFFF, v10  }
0x10: {  	s5 =	sadd.s32 $0xA7E00, s5;
	s7 =	smax.u32 s7, $0x1;
	[smem:$0x7FF] =	sst s2;
	vm2 =	vcmask $0x2320;
	vm1 =	vcmask $0x1F1C;
	v9 =	vnsel vm0, $0x0, v9;
	[tilespmem:$0x1FFF0] =	vst v10  }
0x11: {  	s6 =	sadd.s32 $0x110000, s6;
	s1 =	rddreg [dreg:$0x1];
	v10 =	vnsel vm0, $0x0, v11;
	v11 =	vimm.s32 $0x0;
	vm0 =	vcmask $0x3F3C;
	_ =	strace $0x8000004A  }
.LBB2_8:
0x12: {  	v14 =	vld [tilespmem:$0x1FFC0];
	_ =	sdelay $0x3  }
0x13: {  	v13 =	vld.idx.msk [tilespmem:v3+s9+$0x0], $0xffff  }
0x14: {  	vm5 =	vnez.u8 v14;
	_ =	sdelay $0x2  }
0x15: {  	v14 =	vld [tilespmem:$0x1FFD0]  }
0x16: {  	v13 =	vmul.f32 v13, v13;
	_ =	sdelay $0x1  }
0x17: {  	[tilespmem:v4+s12+$0x0] =	vst.idx.add.f32.msk vm5, v13  }
0x18: {  	v13 =	vld.idx.msk [tilespmem:v5+s9+$0x0], $0xffff  }
0x19: {  	vm5 =	vnez.u8 v14;
	_ =	sdelay $0x2  }
0x1a: {  	v14 =	vld [tilespmem:$0x1FFE0]  }
0x1b: {  	v13 =	vmul.f32 v13, v13;
	_ =	sdelay $0x1  }
0x1c: {  	[tilespmem:v6+s12+$0x0] =	vst.idx.add.f32.msk vm5, v13  }
0x1d: {  	v13 =	vld.idx.msk [tilespmem:v7+s9+$0x0], $0xffff  }
0x1e: {  	vm5 =	vnez.u8 v14;
	_ =	sdelay $0x2  }
0x1f: {  	v14 =	vld [tilespmem:$0x1FFF0]  }
0x20: {  	v13 =	vmul.f32 v13, v13;
	_ =	sdelay $0x1  }
0x21: {  	[tilespmem:v8+s12+$0x0] =	vst.idx.add.f32.msk vm5, v13  }
0x22: {  	v13 =	vld.idx.msk [tilespmem:v9+s9+$0x0], $0xffff  }
0x23: {  	vm5 =	vnez.u8 v14;
	_ =	sdelay $0x3  }
0x24: {  	s13 =	sadd.s32 $0x1, s13;
	v13 =	vmul.f32 v13, v13  }
0x25: {  	p0 =	sne.s32 s13, s7  }
.Ltmp1:
0x26: {  	[tilespmem:v10+s12+$0x0] =	vst.idx.add.f32.msk vm5, v13;
	(pc) =	sbr.rel @!p0 .LBB2_9-.Ltmp1, $4  }
0x27: {  	[hbm4b:s6+s2] =	stream.linear.scatter [tilespmem:s12], [sflag:$0x1], $0x15200, $0x38;
	[tilespmem:$0x19180] =	vst v63  }
0x28: {  	_ =	swait.ge [sflag:s8], $0x15200  }
0x29: {  	[sflag:s8] =	ssyncset.done $0x0  }
0x2a: {  	vm1 =	vmmov vm2;
	vm2 =	vmmov vm3;
	[sflag:s8] =	ssyncadd.s32 $0xFFFEAE00  }
.LBB2_1:
0x2b: {  	[tilespmem:s2], [sflag:$0x1] =	stream.linear.gather [hbm4b:s3+s2], $0x1300, $0x38;
	[tilespmem:$0x19180] =	vst v63  }
0x2c: {  	_ =	swait.ge [sflag:s8], $0x1300  }
0x2d: {  	[sflag:s8] =	ssyncset.done $0x0  }
0x2e: {  	[sflag:s8] =	ssyncadd.s32 $0xFFFFED00  }
0x2f: {  	[tilespmem:s11], [sflag:$0x1] =	stream.linear.gather [hbm4b:s4+s2], $0x1300, $0x38;
	[tilespmem:$0x19180] =	vst v63  }
0x30: {  	_ =	swait.ge [sflag:s8], $0x1300  }
0x31: {  	[sflag:s8] =	ssyncset.done $0x0  }
0x32: {  	[sflag:s8] =	ssyncadd.s32 $0xFFFFED00  }
0x33: {  	[tilespmem:s9], [sflag:$0x1] =	stream.linear.gather [hbm4b:s5+s2], $0x680, $0x38;
	[tilespmem:$0x19180] =	vst v63  }
0x34: {  	_ =	swait.ge [sflag:s8], $0x680  }
0x35: {  	[sflag:s8] =	ssyncset.done $0x0  }
0x36: {  	[sflag:s8] =	ssyncadd.s32 $0xFFFFF980  }
0x37: {  	v13 =	vld [tilespmem:s11+$0x0];
	_ =	sdelay $0x4  }
0x38: {  	vm5 =	vge.s32 v13, v1;
	vm6 =	vlt.s32 v13, v2  }
0x39: {  	vm5 =	vmand vm5, vm6  }
0x3a: {  	v13 =	vsel vm5, $0x1, v11  }
0x3b: {  	(xrf0) =	vadd.scan.msk.s32 $0xffff, v13;
	_ =	sdelay $0x2  }
0x3c: {  	v13 =	vmov s2  }
0x3d: {  	v13 =	vadd.s32 $0xFFFFFFFF, v13  }
0x3e: {  	v13 =	vbroadcast v13, $0x0  }
0x3f: {  	v14, _, _ =	vpop (xrf0)  }
0x40: {  	v13 =	vadd.s32 v14, v13;
	(v2sf) =	vpush v14, $0xF;
	_ =	sdelay $0x3  }
0x41: {  	v15 =	vor.u32 s2, v0  }
0x42: {  	s16 =	simm.s32 $0x1310;
	[tilespmem:v13+s10+$0x0] =	vst.idx.msk vm5, v15  }
0x43: {  	s14 =	simm.s32 $0x10;
	s17 =	simm.s32 $0x20;
	s15 =	simm.s32 $0x0;
	v13 =	vld [tilespmem:s16+$0x0]  }
.LBB2_2:
0x44: {  	p0 =	sne.s32 s17, $0x12B0;
	_ =	sdelay $0x3  }
0x45: {  	vm5 =	vge.s32 v13, v1;
	vm6 =	vlt.s32 v13, v2  }
0x46: {  	vm5 =	vmand vm5, vm6  }
0x47: {  	v13 =	vsel vm5, $0x1, v11  }
0x48: {  	(xrf0) =	vadd.scan.msk.s32 $0xffff, v13  }
0x49: {  	s18 =	spop (v2sf)  }
0x4a: {  	s15 =	sadd.s32 s15, s18  }
0x4b: {  	v13 =	vmov s15  }
0x4c: {  	v13 =	vadd.s32 $0xFFFFFFFF, v13  }
0x4d: {  	v13 =	vbroadcast v13, $0x0  }
0x4e: {  	v14, _, _ =	vpop (xrf0)  }
0x4f: {  	v13 =	vadd.s32 v14, v13;
	(v2sf) =	vpush v14, $0xF;
	_ =	sdelay $0x1  }
.Ltmp2:
0x50: {  	(pc) =	sbr.rel @p0 .LBB2_2-.Ltmp2, $4  }
0x51: {  	_ = 	snop  }
0x52: {  	v14 =	vor.u32 s14, v0;
	s14 =	smov.u32 s17  }
0x53: {  	s16 =	sadd.s32 $0x10, s16;
	[tilespmem:v13+s10+$0x0] =	vst.idx.msk vm5, v14  }
0x54: {  	s17 =	sadd.s32 $0x10, s17;
	v13 =	vld [tilespmem:s16+$0x0]  }
0x55: {  	_ =	sdelay $0x3  }
0x56: {  	vm5 =	vge.s32 v13, v1;
	vm6 =	vlt.s32 v13, v2  }
0x57: {  	vm5 =	vmand vm5, vm6  }
0x58: {  	v13 =	vsel vm5, $0x1, v11  }
0x59: {  	(xrf0) =	vadd.scan.msk.s32 $0xffff, v13;
	_ =	sdelay $0x5  }
0x5a: {  	v13, _, _ =	vpop (xrf0)  }
0x5b: {  	(v2sf) =	vpush v13, $0xF;
	_ =	sdelay $0x4  }
0x5c: {  	s16 =	spop (v2sf)  }
0x5d: {  	s15 =	sadd.s32 s15, s16  }
0x5e: {  	v14 =	vmov s15  }
0x5f: {  	v14 =	vadd.s32 $0xFFFFFFFF, v14  }
0x60: {  	v14 =	vbroadcast v14, $0x0;
	_ =	sdelay $0x1  }
0x61: {  	v13 =	vadd.s32 v13, v14;
	_ =	sdelay $0x3  }
0x62: {  	v14 =	vor.u32 s14, v0;
	s31 =	spop (v2sf)  }
0x63: {  	vm3 =	vmmov vm2;
	vm2 =	vmmov vm1;
	s16 =	simm.s32 $0x0;
	s14 =	simm.s32 $0x40;
	[tilespmem:v13+s10+$0x0] =	vst.idx.msk vm5, v14;
	s15 =	sadd.s32 s15, s31  }
.LBB2_4:
0x64: {  	p0 =	sne.s32 s14, $0x547C0;
	[tilespmem:s16+$0x3F80] =	vst v12;
	s16 =	smov.u32 s14;
	s14 =	sadd.s32 $0x40, s14  }
.Ltmp3:
0x65: {  	(pc) =	sbr.rel @p0 .LBB2_4-.Ltmp3, $2  }
0x66: {  	_ =	sdelay $0x2  }
0x67: {  	s16 =	sshra.s32 s16, $0x2  }
0x68: {  	s14 =	sadd.s32 $0xF, s15  }
0x69: {  	s17 =	sand.u32 $0xF, s14  }
0x6a: {  	s18 =	sshra.s32 s14, $0x1F;
	p0 =	slt.s32 s14, $0x1;
	p1 =	sne.s32 s17, $0x0  }
0x6b: {  	s31 =	sshrl.u32 s18, $0x1C;
	p0 =	por !p0, !p1  }
0x6c: {  	s17 =	simm.s32 $0x1;
	s14 =	sadd.s32 s31, s14;
	p0 =	por !p0, !p0  }
0x6d: {  	s14 =	sshra.s32 s14, $0x4;
	s17 =	simm.s32 @!p0 $0x0  }
0x6e: {  	s14 =	ssub.s32 s14, s17  }
0x6f: {  	p0 =	slt.s32 s14, $0x1  }
.Ltmp4:
0x70: {  	_ = 	snop;
	(pc) =	sbr.rel @p0 .LBB2_8-.Ltmp4, $2  }
0x71: {  	_ =	sdelay $0x2  }
0x72: {  	[tilespmem:s16+$0x3F80] =	vst v12  }
0x73: {  	v13 =	vmov s15;
	s15 =	simm.s32 $0x2C80;
	s16 =	simm.s32 $0x0  }
.LBB2_7:
0x74: {  	v14 =	vld [tilespmem:s15+$0x0];
	_ =	sdelay $0x2  }
0x75: {  	v15 =	vor.u32 s16, v0  }
0x76: {  	vm5 =	vlt.s32 v15, v13  }
0x77: {  	v14 =	vnsel vm5, $0x0, v14;
	_ =	sdelay $0x4  }
0x78: {  	v15 =	vld.idx.msk [tilespmem:v14+s11+$0x0], $0xffff;
	_ =	sdelay $0x4  }
0x79: {  	vm6 =	vlt.s32 v15, v2  }
0x7a: {  	vm7 =	vge.s32 v15, v1;
	vm5 =	vmand vm6, vm5  }
0x7b: {  	vm5 =	vmand vm5, vm7;
	_ =	sdelay $0x5  }
0x7c: {  	v14 =	vld.idx.msk [tilespmem:v14+s2+$0x0], vm5;
	_ =	sdelay $0x4  }
0x7d: {  	v16 =	vnsel vm5, $0x0, v14;
	_ =	sdelay $0x2  }
0x7e: {  	v17 =	vsub.s32 v15, v1  }
0x7f: {  	v17 =	vmul.u32 $0x680, v17;
	v15 =	vld.idx.msk [tilespmem:v15+s9+$0x0], $0xffff  }
0x80: {  	v16 =	vld.idx.msk [tilespmem:v16+s9+$0x0], $0xffff  }
0x81: {  	vm6 =	vmand vm5, vm12;
	v14 =	vadd.s32 v14, v17  }
0x82: {  	v14 =	vnsel vm5, $0x0, v14  }
0x83: {  	vm7 =	vmand vm5, vm8  }
0x84: {  	vm1 =	vmmov vm12;
	vm12 =	vmmov vm8;
	vm8 =	vmand vm5, vm9  }
0x85: {  	vm13 =	vmmov vm9;
	vm9 =	vmand vm5, vm14;
	v15 =	vmul.f32 v15, v16  }
0x86: {  	vm11 =	vcmask $0x1714;
	vm10 =	vmand vm5, vm15  }
0x87: {  	vm11 =	vmand vm5, vm11;
	[tilespmem:v14+s12+$0x0] =	vst.idx.add.f32.msk vm6, v15;
	vm6 =	vcmask $0x1B18  }
0x88: {  	vm6 =	vmand vm5, vm6  }
0x89: {  	[tilespmem:v14+s12+$0x0] =	vst.idx.add.f32.msk vm7, v15;
	vm7 =	vmand vm5, vm2  }
0x8a: {  	[tilespmem:v14+s12+$0x0] =	vst.idx.add.f32.msk vm8, v15;
	vm8 =	vmand vm5, vm3  }
0x8b: {  	[tilespmem:v14+s12+$0x0] =	vst.idx.add.f32.msk vm9, v15  }
0x8c: {  	vm9 =	vmand vm5, vm4;
	[tilespmem:v14+s12+$0x0] =	vst.idx.add.f32.msk vm10, v15;
	vm10 =	vcmask $0x2B28  }
0x8d: {  	vm10 =	vmand vm5, vm10;
	[tilespmem:v14+s12+$0x0] =	vst.idx.add.f32.msk vm11, v15;
	vm11 =	vcmask $0x2F2C  }
0x8e: {  	vm11 =	vmand vm5, vm11;
	[tilespmem:v14+s12+$0x0] =	vst.idx.add.f32.msk vm6, v15;
	vm6 =	vcmask $0x3330  }
0x8f: {  	vm6 =	vmand vm5, vm6;
	[tilespmem:v14+s12+$0x0] =	vst.idx.add.f32.msk vm7, v15;
	vm7 =	vcmask $0x3734  }
0x90: {  	vm7 =	vmand vm5, vm7;
	[tilespmem:v14+s12+$0x0] =	vst.idx.add.f32.msk vm8, v15;
	vm8 =	vcmask $0x3B38  }
0x91: {  	vm8 =	vmand vm5, vm8  }
0x92: {  	[tilespmem:v14+s12+$0x0] =	vst.idx.add.f32.msk vm9, v15;
	vm5 =	vmand vm5, vm0  }
0x93: {  	p0 =	sne.s32 s14, $0x1;
	[tilespmem:v14+s12+$0x0] =	vst.idx.add.f32.msk vm10, v15  }
.Ltmp5:
0x94: {  	[tilespmem:v14+s12+$0x0] =	vst.idx.add.f32.msk vm11, v15;
	(pc) =	sbr.rel @p0 .LBB2_7-.Ltmp5, $4  }
0x95: {  	[tilespmem:v14+s12+$0x0] =	vst.idx.add.f32.msk vm6, v15  }
0x96: {  	[tilespmem:v14+s12+$0x0] =	vst.idx.add.f32.msk vm7, v15  }
0x97: {  	[tilespmem:v14+s12+$0x0] =	vst.idx.add.f32.msk vm8, v15  }
0x98: {  	s15 =	sadd.s32 $0x10, s15;
	s16 =	sadd.s32 $0x10, s16;
	s14 =	sadd.s32 $0xFFFFFFFF, s14;
	vm9 =	vmmov vm13;
	vm8 =	vmmov vm12;
	vm12 =	vmmov vm1;
	[tilespmem:v14+s12+$0x0] =	vst.idx.add.f32.msk vm5, v15  }
.Ltmp6:
0x99: {  	_ = 	snop;
	(pc) =	sbr.rel .LBB2_8-.Ltmp6, $1  }
0x9a: {  	_ =	sdelay $0x3  }
.LBB2_9:
0x9b: {  	_ =	sfence.sel $0x180000  }
0x9c: {  	[bflag:$0x0] =	sbarrier.arrive $0xFFFF  }
0x9d: {  	p0 =	sne.s32 s0, $0x0;
	_ =	strace $0x9000004A  }
0x9e: {  	s0 =	sadd.s32 @!p0 $0x100000, s1;
	[bflag:$0x2] =	sbarrier.arrive $0xFFFF  }
0x9f: {  	[sflag:s0] =	ssyncadd.tile.s32 @!p0 $0x1;
	_ =	shalt  }
.Lfunc_end2:
_tile_overlayer_lowered:
.L_overlay_start_2:
0xa0: {  	(tag) =	ssettag $0x2  }
0xa1: {  	s0 =	rddreg [dreg:$0x0];
	s2 =	stileid.u32  }
0xa2: {  	s1 =	rddreg [dreg:$0x1];
	p0 =	sne.s32 s2, $0x0  }
0xa3: {  	s3 =	rddreg [dreg:$0x2];
	[bflag:$0x3] =	sbarrier.arrive $0xFFFF;
	s2 =	simm.s32 @!p0 $0x1C01  }
0xa4: {  	[timem:s3], [sflag:s2] =	dma.local @!p0 [hbm:s0], s1  }
0xa5: {  	s0 =	simm.s32 @!p0 $0x1  }
0xa6: {  	_ =	swait.ge @!p0 [sflag:s0], s1  }
0xa7: {  	s1 =	ssub.s32 @!p0 $0x0, s1;
	[sflag:s0] =	ssyncset.done @!p0 $0x0  }
0xa8: {  	[sflag:s0] =	ssyncadd.s32 @!p0 s1  }
0xa9: {  	[bflag:$0x3] =	sbarrier.arrive $0xFFFF  }
0xaa: {  	_ =	shalt  }

</sc_bundles>
